<compile_context>
chip_gen: v7x
topology: tpu7x:2x2x1
jax: 0.10.2.dev20260603
libtpu: 0.0.44.dev20260713+nightly
codegen_flags: <defaults>
</compile_context>

<pallas_src>
import functools

import jax
import jax.numpy as jnp
from jax import lax
from jax.experimental import pallas as pl
from jax.experimental.pallas import tpu as pltpu
from jax.experimental.pallas import tpu_sc as plsc

_CTHR = 0.01
_K = 5


_QT = 256


def _top5_body(cenq_ref, cenk_ref, out_ref):
    qt = cenq_ref.shape[0]
    m = cenk_ref.shape[1]
    qx = cenq_ref[:, 0:1]
    qy = cenq_ref[:, 1:2]
    qz = cenq_ref[:, 2:3]
    kx = cenk_ref[0:1, :]
    ky = cenk_ref[1:2, :]
    kz = cenk_ref[2:3, :]
    sqq = qx * qx + qy * qy + qz * qz
    sqk = kx * kx + ky * ky + kz * kz
    dot = jax.lax.dot_general(
        cenq_ref[...], cenk_ref[...],
        dimension_numbers=(((1,), (0,)), ((), ())),
        precision=lax.Precision.DEFAULT,
        preferred_element_type=jnp.float32)
    d2 = jnp.maximum((sqq + sqk) - 2.0 * dot, 0.0)
    kiota = lax.broadcasted_iota(jnp.int32, (qt, m), 1)
    big = jnp.int32(2**30)
    inf = jnp.float32(jnp.inf)
    for j in range(_K):
        mn = jnp.min(d2, axis=1, keepdims=True)
        idxj = jnp.min(jnp.where(d2 == mn, kiota, big), axis=1)
        out_ref[0, :, j] = idxj
        if j + 1 < _K:
            d2 = jnp.where(kiota == idxj[:, None], inf, d2)
    zero = jnp.zeros((qt,), jnp.int32)
    for j in range(_K, 8):
        out_ref[0, :, j] = zero


def _top5(cenq, cenk):
    m = cenq.shape[0]
    grid = m // _QT
    out = pl.pallas_call(
        _top5_body,
        grid=(grid,),
        in_specs=[
            pl.BlockSpec((_QT, 8), lambda i: (i, 0)),
            pl.BlockSpec((8, m), lambda i: (0, 0)),
        ],
        out_specs=pl.BlockSpec((1, _QT, 8), lambda i: (i, 0, 0)),
        out_shape=jax.ShapeDtypeStruct((grid, _QT, 8), jnp.int32),
    )(cenq, cenk)
    return out.reshape(m, 8)



_PC = 64


def _rsqrt_nr(x):
    i = plsc.bitcast(x, jnp.int32)
    i = jnp.int32(0x5F3759DF) - (i >> 1)
    y = plsc.bitcast(i, jnp.float32)
    for _ in range(3):
        y = y * (1.5 - 0.5 * x * y * y)
    return y


def _sc_agg_make(m, c, nw):
    pw = m // nw
    nch = pw // _PC
    lanes = 16
    nk = c // lanes
    mesh = plsc.VectorSubcoreMesh(core_axis_name="c", subcore_axis_name="s",
                                  num_cores=2, num_subcores=16)

    @functools.partial(
        pl.kernel,
        out_type=jax.ShapeDtypeStruct((m, 3 * c), jnp.float32),
        mesh=mesh,
        compiler_params=pltpu.CompilerParams(needs_layout_passes=False),
        scratch_types=[
            pltpu.VMEM((_PC * _K,), jnp.int32),
            pltpu.VMEM((_PC,), jnp.float32),
            pltpu.VMEM((_PC * _K, c), jnp.float32),
            pltpu.VMEM((_PC, 3 * c), jnp.float32),
            pltpu.VMEM((3 * c,), jnp.float32),
            pltpu.SemaphoreType.DMA,
        ],
    )
    def sc_agg(f0, f1, f2, idx_hbm, curv_hbm, out_hbm,
               idx_v, curv_v, rows_v, out_v, flat_v, sem):
        wid = lax.axis_index("s") * 2 + lax.axis_index("c")
        lane = lax.iota(jnp.int32, lanes)
        pool = [[3 * (lanes * k + lane) + t for t in range(3)]
                for k in range(nk)]
        third = jnp.full((lanes,), 1.0 / 3.0, jnp.float32)

        def chunk_body(ch, carry):
            base = wid * pw + ch * _PC
            pltpu.sync_copy(idx_hbm.at[pl.ds(pl.multiple_of(base * _K, 8),
                                             _PC * _K)], idx_v)
            pltpu.sync_copy(curv_hbm.at[pl.ds(pl.multiple_of(base, 8), _PC)],
                            curv_v)
            for l, tbl in enumerate((f0, f1, f2)):
                cops = []
                for off in range(0, _PC * _K, 128):
                    sz = min(128, _PC * _K - off)
                    cops.append(pltpu.async_copy(
                        tbl.at[idx_v.at[pl.ds(off, sz)]],
                        rows_v.at[pl.ds(off, sz)], sem))
                for cp in cops:
                    cp.wait()

                def point_body(p, pcarry, l=l):
                    cv = plsc.load_gather(
                        curv_v, [jnp.full((lanes,), p, jnp.int32)])
                    masked = cv[0] < _CTHR

                    @pl.when(jnp.logical_not(masked))
                    def _light():
                        for k in range(nk):
                            out_v[p, pl.ds(l * c + lanes * k, lanes)] = (
                                rows_v[_K * p, pl.ds(lanes * k, lanes)])

                    @pl.when(masked)
                    def _heavy():
                        r0 = [rows_v[_K * p, pl.ds(lanes * k, lanes)]
                              for k in range(nk)]
                        acc = list(r0)
                        wsum = jnp.full((lanes,), 1.0, jnp.float32)
                        out3 = None
                        for j in range(1, _K):
                            rj = [rows_v[_K * p + j, pl.ds(lanes * k, lanes)]
                                  for k in range(nk)]
                            sq = jnp.zeros((lanes,), jnp.float32)
                            for k in range(nk):
                                d = rj[k] - r0[k]
                                sq = sq + d * d
                            sqn_v = sq
                            for s in (8, 4, 2, 1):
                                flat_v[pl.ds(0, lanes)] = sqn_v
                                sqn_v = sqn_v + plsc.load_gather(
                                    flat_v, [lane ^ s])
                            dist = jnp.where(sqn_v > 0.0,
                                             sqn_v * _rsqrt_nr(sqn_v), 0.0)
                            w = jnp.exp(-dist)
                            for k in range(nk):
                                acc[k] = acc[k] + w * rj[k]
                            wsum = wsum + w
                            if j == 2:
                                out3 = [acc[k] / wsum for k in range(nk)]
                        out5 = [acc[k] / wsum for k in range(nk)]
                        for k in range(nk):
                            flat_v[pl.ds(lanes * k, lanes)] = r0[k]
                            flat_v[pl.ds(c + lanes * k, lanes)] = out3[k]
                            flat_v[pl.ds(2 * c + lanes * k, lanes)] = out5[k]
                        for k in range(nk):
                            g = plsc.load_gather(flat_v, [pool[k][0]])
                            g = g + plsc.load_gather(flat_v, [pool[k][1]])
                            g = g + plsc.load_gather(flat_v, [pool[k][2]])
                            out_v[p, pl.ds(l * c + lanes * k, lanes)] = (
                                g * third)

                    return pcarry

                lax.fori_loop(0, _PC, point_body, 0)
            pltpu.sync_copy(out_v,
                            out_hbm.at[pl.ds(pl.multiple_of(base, 8), _PC)])
            return carry

        lax.fori_loop(0, nch, chunk_body, 0)

    return sc_agg



def kernel(features, center, curvatures):
    l, b, n, c = features.shape
    m = b * n
    feats = features.reshape(l, m, c)
    cen = jnp.transpose(center, (1, 0, 2)).reshape(3, m)
    cenk = jnp.concatenate([cen, jnp.zeros((5, m), jnp.float32)], axis=0)
    cenq = cenk.T
    idx8 = _top5(cenq, cenk)
    idxflat = idx8[:, :_K].reshape(m * _K)
    nw = 32
    out = _sc_agg_make(m, c, nw)(feats[0], feats[1], feats[2],
                                 idxflat, curvatures)
    return out.reshape(b, n, l, c).astype(jnp.float16)

# --- scband reference (transcript-rebuilt; emitter-appended) ---
"""Pipeline reference for scband-snamd-39273180954722 (READ-ONLY COPY).

The authoritative reference and input builder live on the scoring server;
editing this copy changes nothing except your own understanding.
"""

import jax, jax.numpy as jnp
import numpy as np

R_LIST = [1, 3, 5]
R_MAX = 5
CTHR = 0.01


def setup_inputs(seed: int = 0):
    key = jax.random.key(seed)
    k1, k2, k3 = jax.random.split(key, 3)
    features = jax.random.normal(k1, (3, 4, 2048, 128), dtype=jnp.float32)
    center = jax.random.normal(k2, (4, 3, 2048), dtype=jnp.float32)
    curvatures = jax.random.uniform(k3, (4 * 2048,), dtype=jnp.float32)
    return {"features": features, "center": center, "curvatures": curvatures}


def _embed_3d(features, center, curvatures):
    # features: [L, B, N, C] stacked layer features (list-of-tensors in torch)
    L, B, N, C = features.shape
    M = B * N
    feats = features.reshape(L, M, C)
    cen = jnp.transpose(center, (0, 2, 1)).reshape(-1, 3)  # [M, 3]
    # torch.cdist(center, center) via the matmul identity
    sq = jnp.sum(cen * cen, axis=-1)
    d2 = jnp.maximum(sq[:, None] + sq[None, :] - 2.0 * (cen @ cen.T), 0.0)
    dist = jnp.sqrt(d2)
    # torch.topk(..., largest=False, sorted=True) -> k smallest, ascending
    _, idx = jax.lax.top_k(-dist, R_MAX)  # idx: [M, R_MAX]
    outs_layers = []
    for i in range(L):
        fl = feats[i]  # [M, C]
        nb = fl[idx.reshape(-1)].reshape(M, R_MAX, C)  # neighbor gather
        nb = jnp.transpose(nb, (0, 2, 1))  # [M, C, R_MAX]
        center_feature = nb[:, :, 0:1]  # [M, C, 1]
        diff = nb - center_feature
        sqn = jnp.sum(diff * diff, axis=1, keepdims=True)  # [M, 1, R_MAX]
        safe = jnp.where(sqn > 0, sqn, 1.0)
        dist_m = jnp.where(sqn > 0, jnp.sqrt(safe), 0.0)  # safe ||.||, like torch norm
        w = jnp.exp(-dist_m)  # [M, 1, R_MAX]
        per_r = []
        for r in R_LIST:
            f_r = nb[:, :, :r]
            w_r = w[:, :, :r]
            fw = f_r * w_r
            wsum = jnp.sum(w_r.reshape(M, -1), axis=-1)[:, None, None]  # [M,1,1]
            s = jnp.sum(fw.reshape(M, C, -1), axis=-1, keepdims=True)  # [M,C,1]
            per_r.append((s / wsum).astype(jnp.float16))
        fcat = jnp.concatenate(per_r, axis=-1)  # [M, C, len(R_LIST)]
        agg = fcat.shape[-1]
        high = center_feature[:, :, 0].astype(jnp.float16)  # [M, C]
        low_flat = jnp.transpose(fcat, (0, 2, 1)).reshape(M, -1)  # [M, agg*C]
        # F.adaptive_avg_pool1d to length (agg*C)//agg == contiguous groups of agg
        low = low_flat.reshape(M, low_flat.shape[-1] // agg, agg).mean(axis=-1).astype(jnp.float16)
        mask = curvatures < CTHR  # [M]
        out_i = jnp.where(mask[:, None], low, high).astype(jnp.float16)
        outs_layers.append(out_i[:, :, None])
    res = jnp.concatenate(outs_layers, axis=-1)  # [M, C, L]
    res = res.reshape(B, -1, C, L)
    res = jnp.transpose(res, (0, 1, 3, 2))  # [B, N, L, C]
    return res


def reference(features, center, curvatures):
    return _embed_3d(features, center, curvatures)

if __name__ == "__main__":
    import jax
    _d = setup_inputs()
    print(jax.jit(kernel)(*tuple(_d.values())))

</pallas_src>

<mosaic_0001>
#map = affine_map<(d0, d1) -> (0, 0)>
#map1 = affine_map<(d0, d1) -> (0)>
module attributes {stable_mosaic.version = 14 : i64} {
  func.func @sc_agg(%arg0: i32, %arg1: i32, %arg2: memref<8192x128xf32, #tpu.memory_space<hbm>>, %arg3: memref<8192x128xf32, #tpu.memory_space<hbm>>, %arg4: memref<8192x128xf32, #tpu.memory_space<hbm>>, %arg5: memref<40960xi32, #tpu.memory_space<hbm>>, %arg6: memref<8192xf32, #tpu.memory_space<hbm>>, %arg7: memref<8192x384xf32, #tpu.memory_space<hbm>>, %arg8: memref<320xi32, #tpu.memory_space<vmem>>, %arg9: memref<64xf32, #tpu.memory_space<vmem>>, %arg10: memref<320x128xf32, #tpu.memory_space<vmem>>, %arg11: memref<64x384xf32, #tpu.memory_space<vmem>>, %arg12: memref<384xf32, #tpu.memory_space<vmem>>, %arg13: memref<!tpu.dma_semaphore, #tpu.memory_space<semaphore_mem>>) attributes {dimension_semantics = [#tpu.dimension_semantics<core_parallel>, #tpu.dimension_semantics<subcore_parallel>], iteration_bounds = array<i64: 2, 16>, scalar_prefetch = 0 : i64, scratch_operands = 6 : i64, tpu.core_type = #tpu.core_type<sc_vector_subcore>, window_params = [{transform_indices = #map}, {transform_indices = #map}, {transform_indices = #map}, {transform_indices = #map1}, {transform_indices = #map1}, {transform_indices = #map}]} {
    %mul3A = arith.constant 2 : i32
    %mul3A_0 = arith.muli %arg1, %mul3A : i32
    %add3A = arith.addi %mul3A_0, %arg0 : i32
    %iota3A = tpu.iota {dimensions = array<i32: 0>} : vector<16xi32>
    %add3A_1 = arith.constant 0 : i32
    %add3A_2 = vector.broadcast %add3A_1 : i32 to vector<16xi32>
    %add3A_3 = arith.addi %add3A_2, %iota3A : vector<16xi32>
    %mul3A_4 = arith.constant 3 : i32
    %mul3A_5 = vector.broadcast %mul3A_4 : i32 to vector<16xi32>
    %mul3A_6 = arith.muli %mul3A_5, %add3A_3 : vector<16xi32>
    %add3A_7 = arith.constant 0 : i32
    %add3A_8 = vector.broadcast %add3A_7 : i32 to vector<16xi32>
    %add3A_9 = arith.addi %mul3A_6, %add3A_8 : vector<16xi32>
    %add3A_10 = arith.constant 0 : i32
    %add3A_11 = vector.broadcast %add3A_10 : i32 to vector<16xi32>
    %add3A_12 = arith.addi %add3A_11, %iota3A : vector<16xi32>
    %mul3A_13 = arith.constant 3 : i32
    %mul3A_14 = vector.broadcast %mul3A_13 : i32 to vector<16xi32>
    %mul3A_15 = arith.muli %mul3A_14, %add3A_12 : vector<16xi32>
    %add3A_16 = arith.constant 1 : i32
    %add3A_17 = vector.broadcast %add3A_16 : i32 to vector<16xi32>
    %add3A_18 = arith.addi %mul3A_15, %add3A_17 : vector<16xi32>
    %add3A_19 = arith.constant 0 : i32
    %add3A_20 = vector.broadcast %add3A_19 : i32 to vector<16xi32>
    %add3A_21 = arith.addi %add3A_20, %iota3A : vector<16xi32>
    %mul3A_22 = arith.constant 3 : i32
    %mul3A_23 = vector.broadcast %mul3A_22 : i32 to vector<16xi32>
    %mul3A_24 = arith.muli %mul3A_23, %add3A_21 : vector<16xi32>
    %add3A_25 = arith.constant 2 : i32
    %add3A_26 = vector.broadcast %add3A_25 : i32 to vector<16xi32>
    %add3A_27 = arith.addi %mul3A_24, %add3A_26 : vector<16xi32>
    %add3A_28 = arith.constant 16 : i32
    %add3A_29 = vector.broadcast %add3A_28 : i32 to vector<16xi32>
    %add3A_30 = arith.addi %add3A_29, %iota3A : vector<16xi32>
    %mul3A_31 = arith.constant 3 : i32
    %mul3A_32 = vector.broadcast %mul3A_31 : i32 to vector<16xi32>
    %mul3A_33 = arith.muli %mul3A_32, %add3A_30 : vector<16xi32>
    %add3A_34 = arith.constant 0 : i32
    %add3A_35 = vector.broadcast %add3A_34 : i32 to vector<16xi32>
    %add3A_36 = arith.addi %mul3A_33, %add3A_35 : vector<16xi32>
    %add3A_37 = arith.constant 16 : i32
    %add3A_38 = vector.broadcast %add3A_37 : i32 to vector<16xi32>
    %add3A_39 = arith.addi %add3A_38, %iota3A : vector<16xi32>
    %mul3A_40 = arith.constant 3 : i32
    %mul3A_41 = vector.broadcast %mul3A_40 : i32 to vector<16xi32>
    %mul3A_42 = arith.muli %mul3A_41, %add3A_39 : vector<16xi32>
    %add3A_43 = arith.constant 1 : i32
    %add3A_44 = vector.broadcast %add3A_43 : i32 to vector<16xi32>
    %add3A_45 = arith.addi %mul3A_42, %add3A_44 : vector<16xi32>
    %add3A_46 = arith.constant 16 : i32
    %add3A_47 = vector.broadcast %add3A_46 : i32 to vector<16xi32>
    %add3A_48 = arith.addi %add3A_47, %iota3A : vector<16xi32>
    %mul3A_49 = arith.constant 3 : i32
    %mul3A_50 = vector.broadcast %mul3A_49 : i32 to vector<16xi32>
    %mul3A_51 = arith.muli %mul3A_50, %add3A_48 : vector<16xi32>
    %add3A_52 = arith.constant 2 : i32
    %add3A_53 = vector.broadcast %add3A_52 : i32 to vector<16xi32>
    %add3A_54 = arith.addi %mul3A_51, %add3A_53 : vector<16xi32>
    %add3A_55 = arith.constant 32 : i32
    %add3A_56 = vector.broadcast %add3A_55 : i32 to vector<16xi32>
    %add3A_57 = arith.addi %add3A_56, %iota3A : vector<16xi32>
    %mul3A_58 = arith.constant 3 : i32
    %mul3A_59 = vector.broadcast %mul3A_58 : i32 to vector<16xi32>
    %mul3A_60 = arith.muli %mul3A_59, %add3A_57 : vector<16xi32>
    %add3A_61 = arith.constant 0 : i32
    %add3A_62 = vector.broadcast %add3A_61 : i32 to vector<16xi32>
    %add3A_63 = arith.addi %mul3A_60, %add3A_62 : vector<16xi32>
    %add3A_64 = arith.constant 32 : i32
    %add3A_65 = vector.broadcast %add3A_64 : i32 to vector<16xi32>
    %add3A_66 = arith.addi %add3A_65, %iota3A : vector<16xi32>
    %mul3A_67 = arith.constant 3 : i32
    %mul3A_68 = vector.broadcast %mul3A_67 : i32 to vector<16xi32>
    %mul3A_69 = arith.muli %mul3A_68, %add3A_66 : vector<16xi32>
    %add3A_70 = arith.constant 1 : i32
    %add3A_71 = vector.broadcast %add3A_70 : i32 to vector<16xi32>
    %add3A_72 = arith.addi %mul3A_69, %add3A_71 : vector<16xi32>
    %add3A_73 = arith.constant 32 : i32
    %add3A_74 = vector.broadcast %add3A_73 : i32 to vector<16xi32>
    %add3A_75 = arith.addi %add3A_74, %iota3A : vector<16xi32>
    %mul3A_76 = arith.constant 3 : i32
    %mul3A_77 = vector.broadcast %mul3A_76 : i32 to vector<16xi32>
    %mul3A_78 = arith.muli %mul3A_77, %add3A_75 : vector<16xi32>
    %add3A_79 = arith.constant 2 : i32
    %add3A_80 = vector.broadcast %add3A_79 : i32 to vector<16xi32>
    %add3A_81 = arith.addi %mul3A_78, %add3A_80 : vector<16xi32>
    %add3A_82 = arith.constant 48 : i32
    %add3A_83 = vector.broadcast %add3A_82 : i32 to vector<16xi32>
    %add3A_84 = arith.addi %add3A_83, %iota3A : vector<16xi32>
    %mul3A_85 = arith.constant 3 : i32
    %mul3A_86 = vector.broadcast %mul3A_85 : i32 to vector<16xi32>
    %mul3A_87 = arith.muli %mul3A_86, %add3A_84 : vector<16xi32>
    %add3A_88 = arith.constant 0 : i32
    %add3A_89 = vector.broadcast %add3A_88 : i32 to vector<16xi32>
    %add3A_90 = arith.addi %mul3A_87, %add3A_89 : vector<16xi32>
    %add3A_91 = arith.constant 48 : i32
    %add3A_92 = vector.broadcast %add3A_91 : i32 to vector<16xi32>
    %add3A_93 = arith.addi %add3A_92, %iota3A : vector<16xi32>
    %mul3A_94 = arith.constant 3 : i32
    %mul3A_95 = vector.broadcast %mul3A_94 : i32 to vector<16xi32>
    %mul3A_96 = arith.muli %mul3A_95, %add3A_93 : vector<16xi32>
    %add3A_97 = arith.constant 1 : i32
    %add3A_98 = vector.broadcast %add3A_97 : i32 to vector<16xi32>
    %add3A_99 = arith.addi %mul3A_96, %add3A_98 : vector<16xi32>
    %add3A_100 = arith.constant 48 : i32
    %add3A_101 = vector.broadcast %add3A_100 : i32 to vector<16xi32>
    %add3A_102 = arith.addi %add3A_101, %iota3A : vector<16xi32>
    %mul3A_103 = arith.constant 3 : i32
    %mul3A_104 = vector.broadcast %mul3A_103 : i32 to vector<16xi32>
    %mul3A_105 = arith.muli %mul3A_104, %add3A_102 : vector<16xi32>
    %add3A_106 = arith.constant 2 : i32
    %add3A_107 = vector.broadcast %add3A_106 : i32 to vector<16xi32>
    %add3A_108 = arith.addi %mul3A_105, %add3A_107 : vector<16xi32>
    %add3A_109 = arith.constant 64 : i32
    %add3A_110 = vector.broadcast %add3A_109 : i32 to vector<16xi32>
    %add3A_111 = arith.addi %add3A_110, %iota3A : vector<16xi32>
    %mul3A_112 = arith.constant 3 : i32
    %mul3A_113 = vector.broadcast %mul3A_112 : i32 to vector<16xi32>
    %mul3A_114 = arith.muli %mul3A_113, %add3A_111 : vector<16xi32>
    %add3A_115 = arith.constant 0 : i32
    %add3A_116 = vector.broadcast %add3A_115 : i32 to vector<16xi32>
    %add3A_117 = arith.addi %mul3A_114, %add3A_116 : vector<16xi32>
    %add3A_118 = arith.constant 64 : i32
    %add3A_119 = vector.broadcast %add3A_118 : i32 to vector<16xi32>
    %add3A_120 = arith.addi %add3A_119, %iota3A : vector<16xi32>
    %mul3A_121 = arith.constant 3 : i32
    %mul3A_122 = vector.broadcast %mul3A_121 : i32 to vector<16xi32>
    %mul3A_123 = arith.muli %mul3A_122, %add3A_120 : vector<16xi32>
    %add3A_124 = arith.constant 1 : i32
    %add3A_125 = vector.broadcast %add3A_124 : i32 to vector<16xi32>
    %add3A_126 = arith.addi %mul3A_123, %add3A_125 : vector<16xi32>
    %add3A_127 = arith.constant 64 : i32
    %add3A_128 = vector.broadcast %add3A_127 : i32 to vector<16xi32>
    %add3A_129 = arith.addi %add3A_128, %iota3A : vector<16xi32>
    %mul3A_130 = arith.constant 3 : i32
    %mul3A_131 = vector.broadcast %mul3A_130 : i32 to vector<16xi32>
    %mul3A_132 = arith.muli %mul3A_131, %add3A_129 : vector<16xi32>
    %add3A_133 = arith.constant 2 : i32
    %add3A_134 = vector.broadcast %add3A_133 : i32 to vector<16xi32>
    %add3A_135 = arith.addi %mul3A_132, %add3A_134 : vector<16xi32>
    %add3A_136 = arith.constant 80 : i32
    %add3A_137 = vector.broadcast %add3A_136 : i32 to vector<16xi32>
    %add3A_138 = arith.addi %add3A_137, %iota3A : vector<16xi32>
    %mul3A_139 = arith.constant 3 : i32
    %mul3A_140 = vector.broadcast %mul3A_139 : i32 to vector<16xi32>
    %mul3A_141 = arith.muli %mul3A_140, %add3A_138 : vector<16xi32>
    %add3A_142 = arith.constant 0 : i32
    %add3A_143 = vector.broadcast %add3A_142 : i32 to vector<16xi32>
    %add3A_144 = arith.addi %mul3A_141, %add3A_143 : vector<16xi32>
    %add3A_145 = arith.constant 80 : i32
    %add3A_146 = vector.broadcast %add3A_145 : i32 to vector<16xi32>
    %add3A_147 = arith.addi %add3A_146, %iota3A : vector<16xi32>
    %mul3A_148 = arith.constant 3 : i32
    %mul3A_149 = vector.broadcast %mul3A_148 : i32 to vector<16xi32>
    %mul3A_150 = arith.muli %mul3A_149, %add3A_147 : vector<16xi32>
    %add3A_151 = arith.constant 1 : i32
    %add3A_152 = vector.broadcast %add3A_151 : i32 to vector<16xi32>
    %add3A_153 = arith.addi %mul3A_150, %add3A_152 : vector<16xi32>
    %add3A_154 = arith.constant 80 : i32
    %add3A_155 = vector.broadcast %add3A_154 : i32 to vector<16xi32>
    %add3A_156 = arith.addi %add3A_155, %iota3A : vector<16xi32>
    %mul3A_157 = arith.constant 3 : i32
    %mul3A_158 = vector.broadcast %mul3A_157 : i32 to vector<16xi32>
    %mul3A_159 = arith.muli %mul3A_158, %add3A_156 : vector<16xi32>
    %add3A_160 = arith.constant 2 : i32
    %add3A_161 = vector.broadcast %add3A_160 : i32 to vector<16xi32>
    %add3A_162 = arith.addi %mul3A_159, %add3A_161 : vector<16xi32>
    %add3A_163 = arith.constant 96 : i32
    %add3A_164 = vector.broadcast %add3A_163 : i32 to vector<16xi32>
    %add3A_165 = arith.addi %add3A_164, %iota3A : vector<16xi32>
    %mul3A_166 = arith.constant 3 : i32
    %mul3A_167 = vector.broadcast %mul3A_166 : i32 to vector<16xi32>
    %mul3A_168 = arith.muli %mul3A_167, %add3A_165 : vector<16xi32>
    %add3A_169 = arith.constant 0 : i32
    %add3A_170 = vector.broadcast %add3A_169 : i32 to vector<16xi32>
    %add3A_171 = arith.addi %mul3A_168, %add3A_170 : vector<16xi32>
    %add3A_172 = arith.constant 96 : i32
    %add3A_173 = vector.broadcast %add3A_172 : i32 to vector<16xi32>
    %add3A_174 = arith.addi %add3A_173, %iota3A : vector<16xi32>
    %mul3A_175 = arith.constant 3 : i32
    %mul3A_176 = vector.broadcast %mul3A_175 : i32 to vector<16xi32>
    %mul3A_177 = arith.muli %mul3A_176, %add3A_174 : vector<16xi32>
    %add3A_178 = arith.constant 1 : i32
    %add3A_179 = vector.broadcast %add3A_178 : i32 to vector<16xi32>
    %add3A_180 = arith.addi %mul3A_177, %add3A_179 : vector<16xi32>
    %add3A_181 = arith.constant 96 : i32
    %add3A_182 = vector.broadcast %add3A_181 : i32 to vector<16xi32>
    %add3A_183 = arith.addi %add3A_182, %iota3A : vector<16xi32>
    %mul3A_184 = arith.constant 3 : i32
    %mul3A_185 = vector.broadcast %mul3A_184 : i32 to vector<16xi32>
    %mul3A_186 = arith.muli %mul3A_185, %add3A_183 : vector<16xi32>
    %add3A_187 = arith.constant 2 : i32
    %add3A_188 = vector.broadcast %add3A_187 : i32 to vector<16xi32>
    %add3A_189 = arith.addi %mul3A_186, %add3A_188 : vector<16xi32>
    %add3A_190 = arith.constant 112 : i32
    %add3A_191 = vector.broadcast %add3A_190 : i32 to vector<16xi32>
    %add3A_192 = arith.addi %add3A_191, %iota3A : vector<16xi32>
    %mul3A_193 = arith.constant 3 : i32
    %mul3A_194 = vector.broadcast %mul3A_193 : i32 to vector<16xi32>
    %mul3A_195 = arith.muli %mul3A_194, %add3A_192 : vector<16xi32>
    %add3A_196 = arith.constant 0 : i32
    %add3A_197 = vector.broadcast %add3A_196 : i32 to vector<16xi32>
    %add3A_198 = arith.addi %mul3A_195, %add3A_197 : vector<16xi32>
    %add3A_199 = arith.constant 112 : i32
    %add3A_200 = vector.broadcast %add3A_199 : i32 to vector<16xi32>
    %add3A_201 = arith.addi %add3A_200, %iota3A : vector<16xi32>
    %mul3A_202 = arith.constant 3 : i32
    %mul3A_203 = vector.broadcast %mul3A_202 : i32 to vector<16xi32>
    %mul3A_204 = arith.muli %mul3A_203, %add3A_201 : vector<16xi32>
    %add3A_205 = arith.constant 1 : i32
    %add3A_206 = vector.broadcast %add3A_205 : i32 to vector<16xi32>
    %add3A_207 = arith.addi %mul3A_204, %add3A_206 : vector<16xi32>
    %add3A_208 = arith.constant 112 : i32
    %add3A_209 = vector.broadcast %add3A_208 : i32 to vector<16xi32>
    %add3A_210 = arith.addi %add3A_209, %iota3A : vector<16xi32>
    %mul3A_211 = arith.constant 3 : i32
    %mul3A_212 = vector.broadcast %mul3A_211 : i32 to vector<16xi32>
    %mul3A_213 = arith.muli %mul3A_212, %add3A_210 : vector<16xi32>
    %add3A_214 = arith.constant 2 : i32
    %add3A_215 = vector.broadcast %add3A_214 : i32 to vector<16xi32>
    %add3A_216 = arith.addi %mul3A_213, %add3A_215 : vector<16xi32>
    %broadcast_in_dim3A = arith.constant 0.333333343 : f32
    %broadcast_in_dim3A_217 = vector.broadcast %broadcast_in_dim3A : f32 to vector<16xf32>
    %scan3A = arith.constant 0 : i32
    %scan3A_218 = arith.constant 0 : i32
    %scan3A_219 = arith.constant 4 : i32
    %scan3A_220 = arith.addi %scan3A_218, %scan3A_219 : i32
    %scan3A_221 = arith.constant 1 : i32
    scf.for %scan3A_223 = %scan3A_218 to %scan3A_220 step %scan3A_221  : i32 {
      %mul3A_224 = arith.constant 256 : i32
      %mul3A_225 = arith.muli %add3A, %mul3A_224 : i32
      %mul3A_226 = arith.constant 64 : i32
      %mul3A_227 = arith.muli %scan3A_223, %mul3A_226 : i32
      %add3A_228 = arith.addi %mul3A_225, %mul3A_227 : i32
      %mul3A_229 = arith.constant 5 : i32
      %mul3A_230 = arith.muli %add3A_228, %mul3A_229 : i32
      %multiple_of3A = tpu.assume_multiple %mul3A_230, 8 : i32
      "tpu.region"() ({
        %run_scoped3A = tpu.sem_alloc : memref<!tpu.dma_semaphore, #tpu.memory_space<semaphore_mem>>
        %dma_start3A_393 = tpu.memref_slice %arg5[%multiple_of3A] : memref<40960xi32, #tpu.memory_space<hbm>> -> memref<320xi32, #tpu.memory_space<hbm>>
        %dma_start3A_394 = tpu.memref_slice %arg5[%multiple_of3A] : memref<40960xi32, #tpu.memory_space<hbm>> -> memref<320xi32, #tpu.memory_space<hbm>>
        tpu.enqueue_dma source(%dma_start3A_394 : memref<320xi32, #tpu.memory_space<hbm>>) target(%arg8 : memref<320xi32, #tpu.memory_space<vmem>>) target_semaphore(%run_scoped3A : memref<!tpu.dma_semaphore, #tpu.memory_space<semaphore_mem>>)
        %dma_wait3A_395 = tpu.memref_slice %arg5[%multiple_of3A] : memref<40960xi32, #tpu.memory_space<hbm>> -> memref<320xi32, #tpu.memory_space<hbm>>
        %dma_wait3A_396 = tpu.memref_slice %arg5[%multiple_of3A] : memref<40960xi32, #tpu.memory_space<hbm>> -> memref<320xi32, #tpu.memory_space<hbm>>
        tpu.wait_dma2 semaphore(%run_scoped3A : memref<!tpu.dma_semaphore, #tpu.memory_space<semaphore_mem>>) src(%dma_wait3A_396 : memref<320xi32, #tpu.memory_space<hbm>>) dst(%arg8 : memref<320xi32, #tpu.memory_space<vmem>>)
        tpu.yield
      }) : () -> ()
      %multiple_of3A_231 = tpu.assume_multiple %add3A_228, 8 : i32
      "tpu.region"() ({
        %run_scoped3A = tpu.sem_alloc : memref<!tpu.dma_semaphore, #tpu.memory_space<semaphore_mem>>
        %dma_start3A_393 = tpu.memref_slice %arg6[%multiple_of3A_231] : memref<8192xf32, #tpu.memory_space<hbm>> -> memref<64xf32, #tpu.memory_space<hbm>>
        %dma_start3A_394 = tpu.memref_slice %arg6[%multiple_of3A_231] : memref<8192xf32, #tpu.memory_space<hbm>> -> memref<64xf32, #tpu.memory_space<hbm>>
        tpu.enqueue_dma source(%dma_start3A_394 : memref<64xf32, #tpu.memory_space<hbm>>) target(%arg9 : memref<64xf32, #tpu.memory_space<vmem>>) target_semaphore(%run_scoped3A : memref<!tpu.dma_semaphore, #tpu.memory_space<semaphore_mem>>)
        %dma_wait3A_395 = tpu.memref_slice %arg6[%multiple_of3A_231] : memref<8192xf32, #tpu.memory_space<hbm>> -> memref<64xf32, #tpu.memory_space<hbm>>
        %dma_wait3A_396 = tpu.memref_slice %arg6[%multiple_of3A_231] : memref<8192xf32, #tpu.memory_space<hbm>> -> memref<64xf32, #tpu.memory_space<hbm>>
        tpu.wait_dma2 semaphore(%run_scoped3A : memref<!tpu.dma_semaphore, #tpu.memory_space<semaphore_mem>>) src(%dma_wait3A_396 : memref<64xf32, #tpu.memory_space<hbm>>) dst(%arg9 : memref<64xf32, #tpu.memory_space<vmem>>)
        tpu.yield
      }) : () -> ()
      %dma_start3A = arith.constant 0 : i32
      %dma_start3A_232 = arith.constant 0 : i32
      %dma_start3A_233 = tpu.memref_slice %arg10[%dma_start3A, %dma_start3A_232] : memref<320x128xf32, #tpu.memory_space<vmem>> -> memref<128x128xf32, #tpu.memory_space<vmem>>
      %dma_start3A_234 = arith.constant 0 : i32
      %dma_start3A_235 = tpu.memref_slice %arg8[%dma_start3A_234] : memref<320xi32, #tpu.memory_space<vmem>> -> memref<128xi32, #tpu.memory_space<vmem>>
      %dma_start3A_236 = arith.constant 0 : i32
      %dma_start3A_237 = arith.constant 0 : i32
      %dma_start3A_238 = tpu.memref_slice %arg2[%dma_start3A_236, %dma_start3A_237] : memref<8192x128xf32, #tpu.memory_space<hbm>> -> memref<8192x128xf32, #tpu.memory_space<hbm>>
      tpu.enqueue_indirect_dma source(%dma_start3A_238 : memref<8192x128xf32, #tpu.memory_space<hbm>>) target(%dma_start3A_233 : memref<128x128xf32, #tpu.memory_space<vmem>>) offsets(%dma_start3A_235 : memref<128xi32, #tpu.memory_space<vmem>>) semaphore(%arg13 : memref<!tpu.dma_semaphore, #tpu.memory_space<semaphore_mem>>)
      %dma_start3A_239 = arith.constant 128 : i32
      %dma_start3A_240 = arith.constant 0 : i32
      %dma_start3A_241 = tpu.memref_slice %arg10[%dma_start3A_239, %dma_start3A_240] : memref<320x128xf32, #tpu.memory_space<vmem>> -> memref<128x128xf32, #tpu.memory_space<vmem>>
      %dma_start3A_242 = arith.constant 128 : i32
      %dma_start3A_243 = tpu.memref_slice %arg8[%dma_start3A_242] : memref<320xi32, #tpu.memory_space<vmem>> -> memref<128xi32, #tpu.memory_space<vmem>>
      %dma_start3A_244 = arith.constant 0 : i32
      %dma_start3A_245 = arith.constant 0 : i32
      %dma_start3A_246 = tpu.memref_slice %arg2[%dma_start3A_244, %dma_start3A_245] : memref<8192x128xf32, #tpu.memory_space<hbm>> -> memref<8192x128xf32, #tpu.memory_space<hbm>>
      tpu.enqueue_indirect_dma source(%dma_start3A_246 : memref<8192x128xf32, #tpu.memory_space<hbm>>) target(%dma_start3A_241 : memref<128x128xf32, #tpu.memory_space<vmem>>) offsets(%dma_start3A_243 : memref<128xi32, #tpu.memory_space<vmem>>) semaphore(%arg13 : memref<!tpu.dma_semaphore, #tpu.memory_space<semaphore_mem>>)
      %dma_start3A_247 = arith.constant 256 : i32
      %dma_start3A_248 = arith.constant 0 : i32
      %dma_start3A_249 = tpu.memref_slice %arg10[%dma_start3A_247, %dma_start3A_248] : memref<320x128xf32, #tpu.memory_space<vmem>> -> memref<64x128xf32, #tpu.memory_space<vmem>>
      %dma_start3A_250 = arith.constant 256 : i32
      %dma_start3A_251 = tpu.memref_slice %arg8[%dma_start3A_250] : memref<320xi32, #tpu.memory_space<vmem>> -> memref<64xi32, #tpu.memory_space<vmem>>
      %dma_start3A_252 = arith.constant 0 : i32
      %dma_start3A_253 = arith.constant 0 : i32
      %dma_start3A_254 = tpu.memref_slice %arg2[%dma_start3A_252, %dma_start3A_253] : memref<8192x128xf32, #tpu.memory_space<hbm>> -> memref<8192x128xf32, #tpu.memory_space<hbm>>
      tpu.enqueue_indirect_dma source(%dma_start3A_254 : memref<8192x128xf32, #tpu.memory_space<hbm>>) target(%dma_start3A_249 : memref<64x128xf32, #tpu.memory_space<vmem>>) offsets(%dma_start3A_251 : memref<64xi32, #tpu.memory_space<vmem>>) semaphore(%arg13 : memref<!tpu.dma_semaphore, #tpu.memory_space<semaphore_mem>>)
      %dma_wait3A = arith.constant 0 : i32
      %dma_wait3A_255 = arith.constant 0 : i32
      %dma_wait3A_256 = tpu.memref_slice %arg10[%dma_wait3A, %dma_wait3A_255] : memref<320x128xf32, #tpu.memory_space<vmem>> -> memref<128x128xf32, #tpu.memory_space<vmem>>
      %dma_wait3A_257 = arith.constant 0 : i32
      %dma_wait3A_258 = tpu.memref_slice %arg8[%dma_wait3A_257] : memref<320xi32, #tpu.memory_space<vmem>> -> memref<128xi32, #tpu.memory_space<vmem>>
      %dma_wait3A_259 = arith.constant 0 : i32
      %dma_wait3A_260 = arith.constant 0 : i32
      %dma_wait3A_261 = tpu.memref_slice %arg2[%dma_wait3A_259, %dma_wait3A_260] : memref<8192x128xf32, #tpu.memory_space<hbm>> -> memref<8192x128xf32, #tpu.memory_space<hbm>>
      tpu.wait_indirect_dma semaphore(%arg13 : memref<!tpu.dma_semaphore, #tpu.memory_space<semaphore_mem>>) src(%dma_wait3A_261 : memref<8192x128xf32, #tpu.memory_space<hbm>>) dst(%dma_wait3A_256 : memref<128x128xf32, #tpu.memory_space<vmem>>)
      %dma_wait3A_262 = arith.constant 128 : i32
      %dma_wait3A_263 = arith.constant 0 : i32
      %dma_wait3A_264 = tpu.memref_slice %arg10[%dma_wait3A_262, %dma_wait3A_263] : memref<320x128xf32, #tpu.memory_space<vmem>> -> memref<128x128xf32, #tpu.memory_space<vmem>>
      %dma_wait3A_265 = arith.constant 128 : i32
      %dma_wait3A_266 = tpu.memref_slice %arg8[%dma_wait3A_265] : memref<320xi32, #tpu.memory_space<vmem>> -> memref<128xi32, #tpu.memory_space<vmem>>
      %dma_wait3A_267 = arith.constant 0 : i32
      %dma_wait3A_268 = arith.constant 0 : i32
      %dma_wait3A_269 = tpu.memref_slice %arg2[%dma_wait3A_267, %dma_wait3A_268] : memref<8192x128xf32, #tpu.memory_space<hbm>> -> memref<8192x128xf32, #tpu.memory_space<hbm>>
      tpu.wait_indirect_dma semaphore(%arg13 : memref<!tpu.dma_semaphore, #tpu.memory_space<semaphore_mem>>) src(%dma_wait3A_269 : memref<8192x128xf32, #tpu.memory_space<hbm>>) dst(%dma_wait3A_264 : memref<128x128xf32, #tpu.memory_space<vmem>>)
      %dma_wait3A_270 = arith.constant 256 : i32
      %dma_wait3A_271 = arith.constant 0 : i32
      %dma_wait3A_272 = tpu.memref_slice %arg10[%dma_wait3A_270, %dma_wait3A_271] : memref<320x128xf32, #tpu.memory_space<vmem>> -> memref<64x128xf32, #tpu.memory_space<vmem>>
      %dma_wait3A_273 = arith.constant 256 : i32
      %dma_wait3A_274 = tpu.memref_slice %arg8[%dma_wait3A_273] : memref<320xi32, #tpu.memory_space<vmem>> -> memref<64xi32, #tpu.memory_space<vmem>>
      %dma_wait3A_275 = arith.constant 0 : i32
      %dma_wait3A_276 = arith.constant 0 : i32
      %dma_wait3A_277 = tpu.memref_slice %arg2[%dma_wait3A_275, %dma_wait3A_276] : memref<8192x128xf32, #tpu.memory_space<hbm>> -> memref<8192x128xf32, #tpu.memory_space<hbm>>
      tpu.wait_indirect_dma semaphore(%arg13 : memref<!tpu.dma_semaphore, #tpu.memory_space<semaphore_mem>>) src(%dma_wait3A_277 : memref<8192x128xf32, #tpu.memory_space<hbm>>) dst(%dma_wait3A_272 : memref<64x128xf32, #tpu.memory_space<vmem>>)
      %scan3A_278 = arith.constant 0 : i32
      %scan3A_279 = arith.constant 0 : i32
      %scan3A_280 = arith.constant 64 : i32
      %scan3A_281 = arith.addi %scan3A_279, %scan3A_280 : i32
      %scan3A_282 = arith.constant 1 : i32
      scf.for %scan3A_393 = %scan3A_279 to %scan3A_281 step %scan3A_282  : i32 {
        %broadcast_in_dim3A_394 = vector.broadcast %scan3A_393 : i32 to vector<16xi32>
        %gather3A = tpu.vector_load_idx %arg9[%broadcast_in_dim3A_394] : memref<64xf32, #tpu.memory_space<vmem>>[vector<16xi32>], vector<16xf32>,
        %slice3A = vector.extract_strided_slice %gather3A {offsets = [0], sizes = [1], strides = [1]} : vector<16xf32> to vector<1xf32>
        %squeeze3A = vector.extract %slice3A[0] : f32 from vector<1xf32>
        %lt3A = arith.constant 0.00999999977 : f32
        %lt3A_395 = arith.cmpf olt, %squeeze3A, %lt3A : f32
        %not3A = arith.constant true
        %not3A_396 = arith.xori %lt3A_395, %not3A : i1
        %convert_element_type3A = arith.extui %not3A_396 : i1 to i32
        %cond3A = arith.constant 0 : i32
        %cond3A_397 = arith.cmpi ne, %convert_element_type3A, %cond3A : i32
        scf.if %cond3A_397 {
          %mul3A_401 = arith.constant 5 : i32
          %mul3A_402 = arith.muli %mul3A_401, %scan3A_393 : i32
          %get3A = arith.index_cast %mul3A_402 : i32 to index
          %get3A_403 = arith.constant 0 : index
          %get3A_404 = tpu.vector_load %arg10[%get3A, %get3A_403] {strides = array<i32>} : memref<320x128xf32, #tpu.memory_space<vmem>>, vector<16xf32>,
          %swap3A = arith.index_cast %scan3A_393 : i32 to index
          %swap3A_405 = arith.constant 0 : index
          %swap3A_406 = tpu.vector_load %arg11[%swap3A, %swap3A_405] {strides = array<i32>} : memref<64x384xf32, #tpu.memory_space<vmem>>, vector<16xf32>,
          tpu.vector_store %arg11[%swap3A, %swap3A_405], %get3A_404 {strides = array<i32>} : memref<64x384xf32, #tpu.memory_space<vmem>>, vector<16xf32>,
          %mul3A_407 = arith.constant 5 : i32
          %mul3A_408 = arith.muli %mul3A_407, %scan3A_393 : i32
          %get3A_409 = arith.index_cast %mul3A_408 : i32 to index
          %get3A_410 = arith.constant 16 : index
          %get3A_411 = tpu.vector_load %arg10[%get3A_409, %get3A_410] {strides = array<i32>} : memref<320x128xf32, #tpu.memory_space<vmem>>, vector<16xf32>,
          %swap3A_412 = arith.index_cast %scan3A_393 : i32 to index
          %swap3A_413 = arith.constant 16 : index
          %swap3A_414 = tpu.vector_load %arg11[%swap3A_412, %swap3A_413] {strides = array<i32>} : memref<64x384xf32, #tpu.memory_space<vmem>>, vector<16xf32>,
          tpu.vector_store %arg11[%swap3A_412, %swap3A_413], %get3A_411 {strides = array<i32>} : memref<64x384xf32, #tpu.memory_space<vmem>>, vector<16xf32>,
          %mul3A_415 = arith.constant 5 : i32
          %mul3A_416 = arith.muli %mul3A_415, %scan3A_393 : i32
          %get3A_417 = arith.index_cast %mul3A_416 : i32 to index
          %get3A_418 = arith.constant 32 : index
          %get3A_419 = tpu.vector_load %arg10[%get3A_417, %get3A_418] {strides = array<i32>} : memref<320x128xf32, #tpu.memory_space<vmem>>, vector<16xf32>,
          %swap3A_420 = arith.index_cast %scan3A_393 : i32 to index
          %swap3A_421 = arith.constant 32 : index
          %swap3A_422 = tpu.vector_load %arg11[%swap3A_420, %swap3A_421] {strides = array<i32>} : memref<64x384xf32, #tpu.memory_space<vmem>>, vector<16xf32>,
          tpu.vector_store %arg11[%swap3A_420, %swap3A_421], %get3A_419 {strides = array<i32>} : memref<64x384xf32, #tpu.memory_space<vmem>>, vector<16xf32>,
          %mul3A_423 = arith.constant 5 : i32
          %mul3A_424 = arith.muli %mul3A_423, %scan3A_393 : i32
          %get3A_425 = arith.index_cast %mul3A_424 : i32 to index
          %get3A_426 = arith.constant 48 : index
          %get3A_427 = tpu.vector_load %arg10[%get3A_425, %get3A_426] {strides = array<i32>} : memref<320x128xf32, #tpu.memory_space<vmem>>, vector<16xf32>,
          %swap3A_428 = arith.index_cast %scan3A_393 : i32 to index
          %swap3A_429 = arith.constant 48 : index
          %swap3A_430 = tpu.vector_load %arg11[%swap3A_428, %swap3A_429] {strides = array<i32>} : memref<64x384xf32, #tpu.memory_space<vmem>>, vector<16xf32>,
          tpu.vector_store %arg11[%swap3A_428, %swap3A_429], %get3A_427 {strides = array<i32>} : memref<64x384xf32, #tpu.memory_space<vmem>>, vector<16xf32>,
          %mul3A_431 = arith.constant 5 : i32
          %mul3A_432 = arith.muli %mul3A_431, %scan3A_393 : i32
          %get3A_433 = arith.index_cast %mul3A_432 : i32 to index
          %get3A_434 = arith.constant 64 : index
          %get3A_435 = tpu.vector_load %arg10[%get3A_433, %get3A_434] {strides = array<i32>} : memref<320x128xf32, #tpu.memory_space<vmem>>, vector<16xf32>,
          %swap3A_436 = arith.index_cast %scan3A_393 : i32 to index
          %swap3A_437 = arith.constant 64 : index
          %swap3A_438 = tpu.vector_load %arg11[%swap3A_436, %swap3A_437] {strides = array<i32>} : memref<64x384xf32, #tpu.memory_space<vmem>>, vector<16xf32>,
          tpu.vector_store %arg11[%swap3A_436, %swap3A_437], %get3A_435 {strides = array<i32>} : memref<64x384xf32, #tpu.memory_space<vmem>>, vector<16xf32>,
          %mul3A_439 = arith.constant 5 : i32
          %mul3A_440 = arith.muli %mul3A_439, %scan3A_393 : i32
          %get3A_441 = arith.index_cast %mul3A_440 : i32 to index
          %get3A_442 = arith.constant 80 : index
          %get3A_443 = tpu.vector_load %arg10[%get3A_441, %get3A_442] {strides = array<i32>} : memref<320x128xf32, #tpu.memory_space<vmem>>, vector<16xf32>,
          %swap3A_444 = arith.index_cast %scan3A_393 : i32 to index
          %swap3A_445 = arith.constant 80 : index
          %swap3A_446 = tpu.vector_load %arg11[%swap3A_444, %swap3A_445] {strides = array<i32>} : memref<64x384xf32, #tpu.memory_space<vmem>>, vector<16xf32>,
          tpu.vector_store %arg11[%swap3A_444, %swap3A_445], %get3A_443 {strides = array<i32>} : memref<64x384xf32, #tpu.memory_space<vmem>>, vector<16xf32>,
          %mul3A_447 = arith.constant 5 : i32
          %mul3A_448 = arith.muli %mul3A_447, %scan3A_393 : i32
          %get3A_449 = arith.index_cast %mul3A_448 : i32 to index
          %get3A_450 = arith.constant 96 : index
          %get3A_451 = tpu.vector_load %arg10[%get3A_449, %get3A_450] {strides = array<i32>} : memref<320x128xf32, #tpu.memory_space<vmem>>, vector<16xf32>,
          %swap3A_452 = arith.index_cast %scan3A_393 : i32 to index
          %swap3A_453 = arith.constant 96 : index
          %swap3A_454 = tpu.vector_load %arg11[%swap3A_452, %swap3A_453] {strides = array<i32>} : memref<64x384xf32, #tpu.memory_space<vmem>>, vector<16xf32>,
          tpu.vector_store %arg11[%swap3A_452, %swap3A_453], %get3A_451 {strides = array<i32>} : memref<64x384xf32, #tpu.memory_space<vmem>>, vector<16xf32>,
          %mul3A_455 = arith.constant 5 : i32
          %mul3A_456 = arith.muli %mul3A_455, %scan3A_393 : i32
          %get3A_457 = arith.index_cast %mul3A_456 : i32 to index
          %get3A_458 = arith.constant 112 : index
          %get3A_459 = tpu.vector_load %arg10[%get3A_457, %get3A_458] {strides = array<i32>} : memref<320x128xf32, #tpu.memory_space<vmem>>, vector<16xf32>,
          %swap3A_460 = arith.index_cast %scan3A_393 : i32 to index
          %swap3A_461 = arith.constant 112 : index
          %swap3A_462 = tpu.vector_load %arg11[%swap3A_460, %swap3A_461] {strides = array<i32>} : memref<64x384xf32, #tpu.memory_space<vmem>>, vector<16xf32>,
          tpu.vector_store %arg11[%swap3A_460, %swap3A_461], %get3A_459 {strides = array<i32>} : memref<64x384xf32, #tpu.memory_space<vmem>>, vector<16xf32>,
        } else {
        }
        %convert_element_type3A_398 = arith.extui %lt3A_395 : i1 to i32
        %cond3A_399 = arith.constant 0 : i32
        %cond3A_400 = arith.cmpi ne, %convert_element_type3A_398, %cond3A_399 : i32
        scf.if %cond3A_400 {
          %mul3A_401 = arith.constant 5 : i32
          %mul3A_402 = arith.muli %mul3A_401, %scan3A_393 : i32
          %get3A = arith.index_cast %mul3A_402 : i32 to index
          %get3A_403 = arith.constant 0 : index
          %get3A_404 = tpu.vector_load %arg10[%get3A, %get3A_403] {strides = array<i32>} : memref<320x128xf32, #tpu.memory_space<vmem>>, vector<16xf32>,
          %mul3A_405 = arith.constant 5 : i32
          %mul3A_406 = arith.muli %mul3A_405, %scan3A_393 : i32
          %get3A_407 = arith.index_cast %mul3A_406 : i32 to index
          %get3A_408 = arith.constant 16 : index
          %get3A_409 = tpu.vector_load %arg10[%get3A_407, %get3A_408] {strides = array<i32>} : memref<320x128xf32, #tpu.memory_space<vmem>>, vector<16xf32>,
          %mul3A_410 = arith.constant 5 : i32
          %mul3A_411 = arith.muli %mul3A_410, %scan3A_393 : i32
          %get3A_412 = arith.index_cast %mul3A_411 : i32 to index
          %get3A_413 = arith.constant 32 : index
          %get3A_414 = tpu.vector_load %arg10[%get3A_412, %get3A_413] {strides = array<i32>} : memref<320x128xf32, #tpu.memory_space<vmem>>, vector<16xf32>,
          %mul3A_415 = arith.constant 5 : i32
          %mul3A_416 = arith.muli %mul3A_415, %scan3A_393 : i32
          %get3A_417 = arith.index_cast %mul3A_416 : i32 to index
          %get3A_418 = arith.constant 48 : index
          %get3A_419 = tpu.vector_load %arg10[%get3A_417, %get3A_418] {strides = array<i32>} : memref<320x128xf32, #tpu.memory_space<vmem>>, vector<16xf32>,
          %mul3A_420 = arith.constant 5 : i32
          %mul3A_421 = arith.muli %mul3A_420, %scan3A_393 : i32
          %get3A_422 = arith.index_cast %mul3A_421 : i32 to index
          %get3A_423 = arith.constant 64 : index
          %get3A_424 = tpu.vector_load %arg10[%get3A_422, %get3A_423] {strides = array<i32>} : memref<320x128xf32, #tpu.memory_space<vmem>>, vector<16xf32>,
          %mul3A_425 = arith.constant 5 : i32
          %mul3A_426 = arith.muli %mul3A_425, %scan3A_393 : i32
          %get3A_427 = arith.index_cast %mul3A_426 : i32 to index
          %get3A_428 = arith.constant 80 : index
          %get3A_429 = tpu.vector_load %arg10[%get3A_427, %get3A_428] {strides = array<i32>} : memref<320x128xf32, #tpu.memory_space<vmem>>, vector<16xf32>,
          %mul3A_430 = arith.constant 5 : i32
          %mul3A_431 = arith.muli %mul3A_430, %scan3A_393 : i32
          %get3A_432 = arith.index_cast %mul3A_431 : i32 to index
          %get3A_433 = arith.constant 96 : index
          %get3A_434 = tpu.vector_load %arg10[%get3A_432, %get3A_433] {strides = array<i32>} : memref<320x128xf32, #tpu.memory_space<vmem>>, vector<16xf32>,
          %mul3A_435 = arith.constant 5 : i32
          %mul3A_436 = arith.muli %mul3A_435, %scan3A_393 : i32
          %get3A_437 = arith.index_cast %mul3A_436 : i32 to index
          %get3A_438 = arith.constant 112 : index
          %get3A_439 = tpu.vector_load %arg10[%get3A_437, %get3A_438] {strides = array<i32>} : memref<320x128xf32, #tpu.memory_space<vmem>>, vector<16xf32>,
          %broadcast_in_dim3A_440 = arith.constant 1.000000e+00 : f32
          %broadcast_in_dim3A_441 = vector.broadcast %broadcast_in_dim3A_440 : f32 to vector<16xf32>
          %mul3A_442 = arith.constant 5 : i32
          %mul3A_443 = arith.muli %mul3A_442, %scan3A_393 : i32
          %add3A_444 = arith.constant 1 : i32
          %add3A_445 = arith.addi %mul3A_443, %add3A_444 : i32
          %get3A_446 = arith.index_cast %add3A_445 : i32 to index
          %get3A_447 = arith.constant 0 : index
          %get3A_448 = tpu.vector_load %arg10[%get3A_446, %get3A_447] {strides = array<i32>} : memref<320x128xf32, #tpu.memory_space<vmem>>, vector<16xf32>,
          %mul3A_449 = arith.constant 5 : i32
          %mul3A_450 = arith.muli %mul3A_449, %scan3A_393 : i32
          %add3A_451 = arith.constant 1 : i32
          %add3A_452 = arith.addi %mul3A_450, %add3A_451 : i32
          %get3A_453 = arith.index_cast %add3A_452 : i32 to index
          %get3A_454 = arith.constant 16 : index
          %get3A_455 = tpu.vector_load %arg10[%get3A_453, %get3A_454] {strides = array<i32>} : memref<320x128xf32, #tpu.memory_space<vmem>>, vector<16xf32>,
          %mul3A_456 = arith.constant 5 : i32
          %mul3A_457 = arith.muli %mul3A_456, %scan3A_393 : i32
          %add3A_458 = arith.constant 1 : i32
          %add3A_459 = arith.addi %mul3A_457, %add3A_458 : i32
          %get3A_460 = arith.index_cast %add3A_459 : i32 to index
          %get3A_461 = arith.constant 32 : index
          %get3A_462 = tpu.vector_load %arg10[%get3A_460, %get3A_461] {strides = array<i32>} : memref<320x128xf32, #tpu.memory_space<vmem>>, vector<16xf32>,
          %mul3A_463 = arith.constant 5 : i32
          %mul3A_464 = arith.muli %mul3A_463, %scan3A_393 : i32
          %add3A_465 = arith.constant 1 : i32
          %add3A_466 = arith.addi %mul3A_464, %add3A_465 : i32
          %get3A_467 = arith.index_cast %add3A_466 : i32 to index
          %get3A_468 = arith.constant 48 : index
          %get3A_469 = tpu.vector_load %arg10[%get3A_467, %get3A_468] {strides = array<i32>} : memref<320x128xf32, #tpu.memory_space<vmem>>, vector<16xf32>,
          %mul3A_470 = arith.constant 5 : i32
          %mul3A_471 = arith.muli %mul3A_470, %scan3A_393 : i32
          %add3A_472 = arith.constant 1 : i32
          %add3A_473 = arith.addi %mul3A_471, %add3A_472 : i32
          %get3A_474 = arith.index_cast %add3A_473 : i32 to index
          %get3A_475 = arith.constant 64 : index
          %get3A_476 = tpu.vector_load %arg10[%get3A_474, %get3A_475] {strides = array<i32>} : memref<320x128xf32, #tpu.memory_space<vmem>>, vector<16xf32>,
          %mul3A_477 = arith.constant 5 : i32
          %mul3A_478 = arith.muli %mul3A_477, %scan3A_393 : i32
          %add3A_479 = arith.constant 1 : i32
          %add3A_480 = arith.addi %mul3A_478, %add3A_479 : i32
          %get3A_481 = arith.index_cast %add3A_480 : i32 to index
          %get3A_482 = arith.constant 80 : index
          %get3A_483 = tpu.vector_load %arg10[%get3A_481, %get3A_482] {strides = array<i32>} : memref<320x128xf32, #tpu.memory_space<vmem>>, vector<16xf32>,
          %mul3A_484 = arith.constant 5 : i32
          %mul3A_485 = arith.muli %mul3A_484, %scan3A_393 : i32
          %add3A_486 = arith.constant 1 : i32
          %add3A_487 = arith.addi %mul3A_485, %add3A_486 : i32
          %get3A_488 = arith.index_cast %add3A_487 : i32 to index
          %get3A_489 = arith.constant 96 : index
          %get3A_490 = tpu.vector_load %arg10[%get3A_488, %get3A_489] {strides = array<i32>} : memref<320x128xf32, #tpu.memory_space<vmem>>, vector<16xf32>,
          %mul3A_491 = arith.constant 5 : i32
          %mul3A_492 = arith.muli %mul3A_491, %scan3A_393 : i32
          %add3A_493 = arith.constant 1 : i32
          %add3A_494 = arith.addi %mul3A_492, %add3A_493 : i32
          %get3A_495 = arith.index_cast %add3A_494 : i32 to index
          %get3A_496 = arith.constant 112 : index
          %get3A_497 = tpu.vector_load %arg10[%get3A_495, %get3A_496] {strides = array<i32>} : memref<320x128xf32, #tpu.memory_space<vmem>>, vector<16xf32>,
          %broadcast_in_dim3A_498 = arith.constant 0.000000e+00 : f32
          %broadcast_in_dim3A_499 = vector.broadcast %broadcast_in_dim3A_498 : f32 to vector<16xf32>
          %sub3A = arith.subf %get3A_448, %get3A_404 : vector<16xf32>
          %mul3A_500 = arith.mulf %sub3A, %sub3A : vector<16xf32>
          %add3A_501 = arith.addf %broadcast_in_dim3A_499, %mul3A_500 : vector<16xf32>
          %sub3A_502 = arith.subf %get3A_455, %get3A_409 : vector<16xf32>
          %mul3A_503 = arith.mulf %sub3A_502, %sub3A_502 : vector<16xf32>
          %add3A_504 = arith.addf %add3A_501, %mul3A_503 : vector<16xf32>
          %sub3A_505 = arith.subf %get3A_462, %get3A_414 : vector<16xf32>
          %mul3A_506 = arith.mulf %sub3A_505, %sub3A_505 : vector<16xf32>
          %add3A_507 = arith.addf %add3A_504, %mul3A_506 : vector<16xf32>
          %sub3A_508 = arith.subf %get3A_469, %get3A_419 : vector<16xf32>
          %mul3A_509 = arith.mulf %sub3A_508, %sub3A_508 : vector<16xf32>
          %add3A_510 = arith.addf %add3A_507, %mul3A_509 : vector<16xf32>
          %sub3A_511 = arith.subf %get3A_476, %get3A_424 : vector<16xf32>
          %mul3A_512 = arith.mulf %sub3A_511, %sub3A_511 : vector<16xf32>
          %add3A_513 = arith.addf %add3A_510, %mul3A_512 : vector<16xf32>
          %sub3A_514 = arith.subf %get3A_483, %get3A_429 : vector<16xf32>
          %mul3A_515 = arith.mulf %sub3A_514, %sub3A_514 : vector<16xf32>
          %add3A_516 = arith.addf %add3A_513, %mul3A_515 : vector<16xf32>
          %sub3A_517 = arith.subf %get3A_490, %get3A_434 : vector<16xf32>
          %mul3A_518 = arith.mulf %sub3A_517, %sub3A_517 : vector<16xf32>
          %add3A_519 = arith.addf %add3A_516, %mul3A_518 : vector<16xf32>
          %sub3A_520 = arith.subf %get3A_497, %get3A_439 : vector<16xf32>
          %mul3A_521 = arith.mulf %sub3A_520, %sub3A_520 : vector<16xf32>
          %add3A_522 = arith.addf %add3A_519, %mul3A_521 : vector<16xf32>
          %swap3A = arith.constant 0 : index
          %swap3A_523 = tpu.vector_load %arg12[%swap3A] {strides = array<i32>} : memref<384xf32, #tpu.memory_space<vmem>>, vector<16xf32>,
          tpu.vector_store %arg12[%swap3A], %add3A_522 {strides = array<i32>} : memref<384xf32, #tpu.memory_space<vmem>>, vector<16xf32>,
          %xor3A = arith.constant 8 : i32
          %xor3A_524 = vector.broadcast %xor3A : i32 to vector<16xi32>
          %xor3A_525 = arith.xori %iota3A, %xor3A_524 : vector<16xi32>
          %gather3A_526 = tpu.vector_load_idx %arg12[%xor3A_525] : memref<384xf32, #tpu.memory_space<vmem>>[vector<16xi32>], vector<16xf32>,
          %add3A_527 = arith.addf %add3A_522, %gather3A_526 : vector<16xf32>
          %swap3A_528 = arith.constant 0 : index
          %swap3A_529 = tpu.vector_load %arg12[%swap3A_528] {strides = array<i32>} : memref<384xf32, #tpu.memory_space<vmem>>, vector<16xf32>,
          tpu.vector_store %arg12[%swap3A_528], %add3A_527 {strides = array<i32>} : memref<384xf32, #tpu.memory_space<vmem>>, vector<16xf32>,
          %xor3A_530 = arith.constant 4 : i32
          %xor3A_531 = vector.broadcast %xor3A_530 : i32 to vector<16xi32>
          %xor3A_532 = arith.xori %iota3A, %xor3A_531 : vector<16xi32>
          %gather3A_533 = tpu.vector_load_idx %arg12[%xor3A_532] : memref<384xf32, #tpu.memory_space<vmem>>[vector<16xi32>], vector<16xf32>,
          %add3A_534 = arith.addf %add3A_527, %gather3A_533 : vector<16xf32>
          %swap3A_535 = arith.constant 0 : index
          %swap3A_536 = tpu.vector_load %arg12[%swap3A_535] {strides = array<i32>} : memref<384xf32, #tpu.memory_space<vmem>>, vector<16xf32>,
          tpu.vector_store %arg12[%swap3A_535], %add3A_534 {strides = array<i32>} : memref<384xf32, #tpu.memory_space<vmem>>, vector<16xf32>,
          %xor3A_537 = arith.constant 2 : i32
          %xor3A_538 = vector.broadcast %xor3A_537 : i32 to vector<16xi32>
          %xor3A_539 = arith.xori %iota3A, %xor3A_538 : vector<16xi32>
          %gather3A_540 = tpu.vector_load_idx %arg12[%xor3A_539] : memref<384xf32, #tpu.memory_space<vmem>>[vector<16xi32>], vector<16xf32>,
          %add3A_541 = arith.addf %add3A_534, %gather3A_540 : vector<16xf32>
          %swap3A_542 = arith.constant 0 : index
          %swap3A_543 = tpu.vector_load %arg12[%swap3A_542] {strides = array<i32>} : memref<384xf32, #tpu.memory_space<vmem>>, vector<16xf32>,
          tpu.vector_store %arg12[%swap3A_542], %add3A_541 {strides = array<i32>} : memref<384xf32, #tpu.memory_space<vmem>>, vector<16xf32>,
          %xor3A_544 = arith.constant 1 : i32
          %xor3A_545 = vector.broadcast %xor3A_544 : i32 to vector<16xi32>
          %xor3A_546 = arith.xori %iota3A, %xor3A_545 : vector<16xi32>
          %gather3A_547 = tpu.vector_load_idx %arg12[%xor3A_546] : memref<384xf32, #tpu.memory_space<vmem>>[vector<16xi32>], vector<16xf32>,
          %add3A_548 = arith.addf %add3A_541, %gather3A_547 : vector<16xf32>
          %gt3A = arith.constant 0.000000e+00 : f32
          %gt3A_549 = vector.broadcast %gt3A : f32 to vector<16xf32>
          %gt3A_550 = arith.cmpf ogt, %add3A_548, %gt3A_549 : vector<16xf32>
          %bitcast3A = vector.bitcast %add3A_548 : vector<16xf32> to vector<16xi32>
          %shift_right_arithmetic3A = arith.constant 1 : i32
          %shift_right_arithmetic3A_551 = vector.broadcast %shift_right_arithmetic3A : i32 to vector<16xi32>
          %shift_right_arithmetic3A_552 = arith.shrsi %bitcast3A, %shift_right_arithmetic3A_551 : vector<16xi32>
          %sub3A_553 = arith.constant 1597463007 : i32
          %sub3A_554 = vector.broadcast %sub3A_553 : i32 to vector<16xi32>
          %sub3A_555 = arith.subi %sub3A_554, %shift_right_arithmetic3A_552 : vector<16xi32>
          %bitcast3A_556 = vector.bitcast %sub3A_555 : vector<16xi32> to vector<16xf32>
          %mul3A_557 = arith.constant 5.000000e-01 : f32
          %mul3A_558 = vector.broadcast %mul3A_557 : f32 to vector<16xf32>
          %mul3A_559 = arith.mulf %mul3A_558, %add3A_548 : vector<16xf32>
          %mul3A_560 = arith.mulf %mul3A_559, %bitcast3A_556 : vector<16xf32>
          %mul3A_561 = arith.mulf %mul3A_560, %bitcast3A_556 : vector<16xf32>
          %sub3A_562 = arith.constant 1.500000e+00 : f32
          %sub3A_563 = vector.broadcast %sub3A_562 : f32 to vector<16xf32>
          %sub3A_564 = arith.subf %sub3A_563, %mul3A_561 : vector<16xf32>
          %mul3A_565 = arith.mulf %bitcast3A_556, %sub3A_564 : vector<16xf32>
          %mul3A_566 = arith.constant 5.000000e-01 : f32
          %mul3A_567 = vector.broadcast %mul3A_566 : f32 to vector<16xf32>
          %mul3A_568 = arith.mulf %mul3A_567, %add3A_548 : vector<16xf32>
          %mul3A_569 = arith.mulf %mul3A_568, %mul3A_565 : vector<16xf32>
          %mul3A_570 = arith.mulf %mul3A_569, %mul3A_565 : vector<16xf32>
          %sub3A_571 = arith.constant 1.500000e+00 : f32
          %sub3A_572 = vector.broadcast %sub3A_571 : f32 to vector<16xf32>
          %sub3A_573 = arith.subf %sub3A_572, %mul3A_570 : vector<16xf32>
          %mul3A_574 = arith.mulf %mul3A_565, %sub3A_573 : vector<16xf32>
          %mul3A_575 = arith.constant 5.000000e-01 : f32
          %mul3A_576 = vector.broadcast %mul3A_575 : f32 to vector<16xf32>
          %mul3A_577 = arith.mulf %mul3A_576, %add3A_548 : vector<16xf32>
          %mul3A_578 = arith.mulf %mul3A_577, %mul3A_574 : vector<16xf32>
          %mul3A_579 = arith.mulf %mul3A_578, %mul3A_574 : vector<16xf32>
          %sub3A_580 = arith.constant 1.500000e+00 : f32
          %sub3A_581 = vector.broadcast %sub3A_580 : f32 to vector<16xf32>
          %sub3A_582 = arith.subf %sub3A_581, %mul3A_579 : vector<16xf32>
          %mul3A_583 = arith.mulf %mul3A_574, %sub3A_582 : vector<16xf32>
          %mul3A_584 = arith.mulf %add3A_548, %mul3A_583 : vector<16xf32>
          %jit3A = arith.constant 0.000000e+00 : f32
          %broadcast_in_dim3A_585 = vector.broadcast %jit3A : f32 to vector<16xf32>
          %select_n3A = arith.select %gt3A_550, %mul3A_584, %broadcast_in_dim3A_585 : vector<16xi1>, vector<16xf32>
          %neg3A = arith.constant 0.000000e+00 : f32
          %neg3A_586 = vector.broadcast %neg3A : f32 to vector<16xf32>
          %neg3A_587 = arith.subf %neg3A_586, %select_n3A : vector<16xf32>
          %exp3A = math.exp %neg3A_587 : vector<16xf32>
          %mul3A_588 = arith.mulf %exp3A, %get3A_448 : vector<16xf32>
          %add3A_589 = arith.addf %get3A_404, %mul3A_588 : vector<16xf32>
          %mul3A_590 = arith.mulf %exp3A, %get3A_455 : vector<16xf32>
          %add3A_591 = arith.addf %get3A_409, %mul3A_590 : vector<16xf32>
          %mul3A_592 = arith.mulf %exp3A, %get3A_462 : vector<16xf32>
          %add3A_593 = arith.addf %get3A_414, %mul3A_592 : vector<16xf32>
          %mul3A_594 = arith.mulf %exp3A, %get3A_469 : vector<16xf32>
          %add3A_595 = arith.addf %get3A_419, %mul3A_594 : vector<16xf32>
          %mul3A_596 = arith.mulf %exp3A, %get3A_476 : vector<16xf32>
          %add3A_597 = arith.addf %get3A_424, %mul3A_596 : vector<16xf32>
          %mul3A_598 = arith.mulf %exp3A, %get3A_483 : vector<16xf32>
          %add3A_599 = arith.addf %get3A_429, %mul3A_598 : vector<16xf32>
          %mul3A_600 = arith.mulf %exp3A, %get3A_490 : vector<16xf32>
          %add3A_601 = arith.addf %get3A_434, %mul3A_600 : vector<16xf32>
          %mul3A_602 = arith.mulf %exp3A, %get3A_497 : vector<16xf32>
          %add3A_603 = arith.addf %get3A_439, %mul3A_602 : vector<16xf32>
          %add3A_604 = arith.addf %broadcast_in_dim3A_441, %exp3A : vector<16xf32>
          %mul3A_605 = arith.constant 5 : i32
          %mul3A_606 = arith.muli %mul3A_605, %scan3A_393 : i32
          %add3A_607 = arith.constant 2 : i32
          %add3A_608 = arith.addi %mul3A_606, %add3A_607 : i32
          %get3A_609 = arith.index_cast %add3A_608 : i32 to index
          %get3A_610 = arith.constant 0 : index
          %get3A_611 = tpu.vector_load %arg10[%get3A_609, %get3A_610] {strides = array<i32>} : memref<320x128xf32, #tpu.memory_space<vmem>>, vector<16xf32>,
          %mul3A_612 = arith.constant 5 : i32
          %mul3A_613 = arith.muli %mul3A_612, %scan3A_393 : i32
          %add3A_614 = arith.constant 2 : i32
          %add3A_615 = arith.addi %mul3A_613, %add3A_614 : i32
          %get3A_616 = arith.index_cast %add3A_615 : i32 to index
          %get3A_617 = arith.constant 16 : index
          %get3A_618 = tpu.vector_load %arg10[%get3A_616, %get3A_617] {strides = array<i32>} : memref<320x128xf32, #tpu.memory_space<vmem>>, vector<16xf32>,
          %mul3A_619 = arith.constant 5 : i32
          %mul3A_620 = arith.muli %mul3A_619, %scan3A_393 : i32
          %add3A_621 = arith.constant 2 : i32
          %add3A_622 = arith.addi %mul3A_620, %add3A_621 : i32
          %get3A_623 = arith.index_cast %add3A_622 : i32 to index
          %get3A_624 = arith.constant 32 : index
          %get3A_625 = tpu.vector_load %arg10[%get3A_623, %get3A_624] {strides = array<i32>} : memref<320x128xf32, #tpu.memory_space<vmem>>, vector<16xf32>,
          %mul3A_626 = arith.constant 5 : i32
          %mul3A_627 = arith.muli %mul3A_626, %scan3A_393 : i32
          %add3A_628 = arith.constant 2 : i32
          %add3A_629 = arith.addi %mul3A_627, %add3A_628 : i32
          %get3A_630 = arith.index_cast %add3A_629 : i32 to index
          %get3A_631 = arith.constant 48 : index
          %get3A_632 = tpu.vector_load %arg10[%get3A_630, %get3A_631] {strides = array<i32>} : memref<320x128xf32, #tpu.memory_space<vmem>>, vector<16xf32>,
          %mul3A_633 = arith.constant 5 : i32
          %mul3A_634 = arith.muli %mul3A_633, %scan3A_393 : i32
          %add3A_635 = arith.constant 2 : i32
          %add3A_636 = arith.addi %mul3A_634, %add3A_635 : i32
          %get3A_637 = arith.index_cast %add3A_636 : i32 to index
          %get3A_638 = arith.constant 64 : index
          %get3A_639 = tpu.vector_load %arg10[%get3A_637, %get3A_638] {strides = array<i32>} : memref<320x128xf32, #tpu.memory_space<vmem>>, vector<16xf32>,
          %mul3A_640 = arith.constant 5 : i32
          %mul3A_641 = arith.muli %mul3A_640, %scan3A_393 : i32
          %add3A_642 = arith.constant 2 : i32
          %add3A_643 = arith.addi %mul3A_641, %add3A_642 : i32
          %get3A_644 = arith.index_cast %add3A_643 : i32 to index
          %get3A_645 = arith.constant 80 : index
          %get3A_646 = tpu.vector_load %arg10[%get3A_644, %get3A_645] {strides = array<i32>} : memref<320x128xf32, #tpu.memory_space<vmem>>, vector<16xf32>,
          %mul3A_647 = arith.constant 5 : i32
          %mul3A_648 = arith.muli %mul3A_647, %scan3A_393 : i32
          %add3A_649 = arith.constant 2 : i32
          %add3A_650 = arith.addi %mul3A_648, %add3A_649 : i32
          %get3A_651 = arith.index_cast %add3A_650 : i32 to index
          %get3A_652 = arith.constant 96 : index
          %get3A_653 = tpu.vector_load %arg10[%get3A_651, %get3A_652] {strides = array<i32>} : memref<320x128xf32, #tpu.memory_space<vmem>>, vector<16xf32>,
          %mul3A_654 = arith.constant 5 : i32
          %mul3A_655 = arith.muli %mul3A_654, %scan3A_393 : i32
          %add3A_656 = arith.constant 2 : i32
          %add3A_657 = arith.addi %mul3A_655, %add3A_656 : i32
          %get3A_658 = arith.index_cast %add3A_657 : i32 to index
          %get3A_659 = arith.constant 112 : index
          %get3A_660 = tpu.vector_load %arg10[%get3A_658, %get3A_659] {strides = array<i32>} : memref<320x128xf32, #tpu.memory_space<vmem>>, vector<16xf32>,
          %broadcast_in_dim3A_661 = arith.constant 0.000000e+00 : f32
          %broadcast_in_dim3A_662 = vector.broadcast %broadcast_in_dim3A_661 : f32 to vector<16xf32>
          %sub3A_663 = arith.subf %get3A_611, %get3A_404 : vector<16xf32>
          %mul3A_664 = arith.mulf %sub3A_663, %sub3A_663 : vector<16xf32>
          %add3A_665 = arith.addf %broadcast_in_dim3A_662, %mul3A_664 : vector<16xf32>
          %sub3A_666 = arith.subf %get3A_618, %get3A_409 : vector<16xf32>
          %mul3A_667 = arith.mulf %sub3A_666, %sub3A_666 : vector<16xf32>
          %add3A_668 = arith.addf %add3A_665, %mul3A_667 : vector<16xf32>
          %sub3A_669 = arith.subf %get3A_625, %get3A_414 : vector<16xf32>
          %mul3A_670 = arith.mulf %sub3A_669, %sub3A_669 : vector<16xf32>
          %add3A_671 = arith.addf %add3A_668, %mul3A_670 : vector<16xf32>
          %sub3A_672 = arith.subf %get3A_632, %get3A_419 : vector<16xf32>
          %mul3A_673 = arith.mulf %sub3A_672, %sub3A_672 : vector<16xf32>
          %add3A_674 = arith.addf %add3A_671, %mul3A_673 : vector<16xf32>
          %sub3A_675 = arith.subf %get3A_639, %get3A_424 : vector<16xf32>
          %mul3A_676 = arith.mulf %sub3A_675, %sub3A_675 : vector<16xf32>
          %add3A_677 = arith.addf %add3A_674, %mul3A_676 : vector<16xf32>
          %sub3A_678 = arith.subf %get3A_646, %get3A_429 : vector<16xf32>
          %mul3A_679 = arith.mulf %sub3A_678, %sub3A_678 : vector<16xf32>
          %add3A_680 = arith.addf %add3A_677, %mul3A_679 : vector<16xf32>
          %sub3A_681 = arith.subf %get3A_653, %get3A_434 : vector<16xf32>
          %mul3A_682 = arith.mulf %sub3A_681, %sub3A_681 : vector<16xf32>
          %add3A_683 = arith.addf %add3A_680, %mul3A_682 : vector<16xf32>
          %sub3A_684 = arith.subf %get3A_660, %get3A_439 : vector<16xf32>
          %mul3A_685 = arith.mulf %sub3A_684, %sub3A_684 : vector<16xf32>
          %add3A_686 = arith.addf %add3A_683, %mul3A_685 : vector<16xf32>
          %swap3A_687 = arith.constant 0 : index
          %swap3A_688 = tpu.vector_load %arg12[%swap3A_687] {strides = array<i32>} : memref<384xf32, #tpu.memory_space<vmem>>, vector<16xf32>,
          tpu.vector_store %arg12[%swap3A_687], %add3A_686 {strides = array<i32>} : memref<384xf32, #tpu.memory_space<vmem>>, vector<16xf32>,
          %xor3A_689 = arith.constant 8 : i32
          %xor3A_690 = vector.broadcast %xor3A_689 : i32 to vector<16xi32>
          %xor3A_691 = arith.xori %iota3A, %xor3A_690 : vector<16xi32>
          %gather3A_692 = tpu.vector_load_idx %arg12[%xor3A_691] : memref<384xf32, #tpu.memory_space<vmem>>[vector<16xi32>], vector<16xf32>,
          %add3A_693 = arith.addf %add3A_686, %gather3A_692 : vector<16xf32>
          %swap3A_694 = arith.constant 0 : index
          %swap3A_695 = tpu.vector_load %arg12[%swap3A_694] {strides = array<i32>} : memref<384xf32, #tpu.memory_space<vmem>>, vector<16xf32>,
          tpu.vector_store %arg12[%swap3A_694], %add3A_693 {strides = array<i32>} : memref<384xf32, #tpu.memory_space<vmem>>, vector<16xf32>,
          %xor3A_696 = arith.constant 4 : i32
          %xor3A_697 = vector.broadcast %xor3A_696 : i32 to vector<16xi32>
          %xor3A_698 = arith.xori %iota3A, %xor3A_697 : vector<16xi32>
          %gather3A_699 = tpu.vector_load_idx %arg12[%xor3A_698] : memref<384xf32, #tpu.memory_space<vmem>>[vector<16xi32>], vector<16xf32>,
          %add3A_700 = arith.addf %add3A_693, %gather3A_699 : vector<16xf32>
          %swap3A_701 = arith.constant 0 : index
          %swap3A_702 = tpu.vector_load %arg12[%swap3A_701] {strides = array<i32>} : memref<384xf32, #tpu.memory_space<vmem>>, vector<16xf32>,
          tpu.vector_store %arg12[%swap3A_701], %add3A_700 {strides = array<i32>} : memref<384xf32, #tpu.memory_space<vmem>>, vector<16xf32>,
          %xor3A_703 = arith.constant 2 : i32
          %xor3A_704 = vector.broadcast %xor3A_703 : i32 to vector<16xi32>
          %xor3A_705 = arith.xori %iota3A, %xor3A_704 : vector<16xi32>
          %gather3A_706 = tpu.vector_load_idx %arg12[%xor3A_705] : memref<384xf32, #tpu.memory_space<vmem>>[vector<16xi32>], vector<16xf32>,
          %add3A_707 = arith.addf %add3A_700, %gather3A_706 : vector<16xf32>
          %swap3A_708 = arith.constant 0 : index
          %swap3A_709 = tpu.vector_load %arg12[%swap3A_708] {strides = array<i32>} : memref<384xf32, #tpu.memory_space<vmem>>, vector<16xf32>,
          tpu.vector_store %arg12[%swap3A_708], %add3A_707 {strides = array<i32>} : memref<384xf32, #tpu.memory_space<vmem>>, vector<16xf32>,
          %xor3A_710 = arith.constant 1 : i32
          %xor3A_711 = vector.broadcast %xor3A_710 : i32 to vector<16xi32>
          %xor3A_712 = arith.xori %iota3A, %xor3A_711 : vector<16xi32>
          %gather3A_713 = tpu.vector_load_idx %arg12[%xor3A_712] : memref<384xf32, #tpu.memory_space<vmem>>[vector<16xi32>], vector<16xf32>,
          %add3A_714 = arith.addf %add3A_707, %gather3A_713 : vector<16xf32>
          %gt3A_715 = arith.constant 0.000000e+00 : f32
          %gt3A_716 = vector.broadcast %gt3A_715 : f32 to vector<16xf32>
          %gt3A_717 = arith.cmpf ogt, %add3A_714, %gt3A_716 : vector<16xf32>
          %bitcast3A_718 = vector.bitcast %add3A_714 : vector<16xf32> to vector<16xi32>
          %shift_right_arithmetic3A_719 = arith.constant 1 : i32
          %shift_right_arithmetic3A_720 = vector.broadcast %shift_right_arithmetic3A_719 : i32 to vector<16xi32>
          %shift_right_arithmetic3A_721 = arith.shrsi %bitcast3A_718, %shift_right_arithmetic3A_720 : vector<16xi32>
          %sub3A_722 = arith.constant 1597463007 : i32
          %sub3A_723 = vector.broadcast %sub3A_722 : i32 to vector<16xi32>
          %sub3A_724 = arith.subi %sub3A_723, %shift_right_arithmetic3A_721 : vector<16xi32>
          %bitcast3A_725 = vector.bitcast %sub3A_724 : vector<16xi32> to vector<16xf32>
          %mul3A_726 = arith.constant 5.000000e-01 : f32
          %mul3A_727 = vector.broadcast %mul3A_726 : f32 to vector<16xf32>
          %mul3A_728 = arith.mulf %mul3A_727, %add3A_714 : vector<16xf32>
          %mul3A_729 = arith.mulf %mul3A_728, %bitcast3A_725 : vector<16xf32>
          %mul3A_730 = arith.mulf %mul3A_729, %bitcast3A_725 : vector<16xf32>
          %sub3A_731 = arith.constant 1.500000e+00 : f32
          %sub3A_732 = vector.broadcast %sub3A_731 : f32 to vector<16xf32>
          %sub3A_733 = arith.subf %sub3A_732, %mul3A_730 : vector<16xf32>
          %mul3A_734 = arith.mulf %bitcast3A_725, %sub3A_733 : vector<16xf32>
          %mul3A_735 = arith.constant 5.000000e-01 : f32
          %mul3A_736 = vector.broadcast %mul3A_735 : f32 to vector<16xf32>
          %mul3A_737 = arith.mulf %mul3A_736, %add3A_714 : vector<16xf32>
          %mul3A_738 = arith.mulf %mul3A_737, %mul3A_734 : vector<16xf32>
          %mul3A_739 = arith.mulf %mul3A_738, %mul3A_734 : vector<16xf32>
          %sub3A_740 = arith.constant 1.500000e+00 : f32
          %sub3A_741 = vector.broadcast %sub3A_740 : f32 to vector<16xf32>
          %sub3A_742 = arith.subf %sub3A_741, %mul3A_739 : vector<16xf32>
          %mul3A_743 = arith.mulf %mul3A_734, %sub3A_742 : vector<16xf32>
          %mul3A_744 = arith.constant 5.000000e-01 : f32
          %mul3A_745 = vector.broadcast %mul3A_744 : f32 to vector<16xf32>
          %mul3A_746 = arith.mulf %mul3A_745, %add3A_714 : vector<16xf32>
          %mul3A_747 = arith.mulf %mul3A_746, %mul3A_743 : vector<16xf32>
          %mul3A_748 = arith.mulf %mul3A_747, %mul3A_743 : vector<16xf32>
          %sub3A_749 = arith.constant 1.500000e+00 : f32
          %sub3A_750 = vector.broadcast %sub3A_749 : f32 to vector<16xf32>
          %sub3A_751 = arith.subf %sub3A_750, %mul3A_748 : vector<16xf32>
          %mul3A_752 = arith.mulf %mul3A_743, %sub3A_751 : vector<16xf32>
          %mul3A_753 = arith.mulf %add3A_714, %mul3A_752 : vector<16xf32>
          %jit3A_754 = arith.constant 0.000000e+00 : f32
          %broadcast_in_dim3A_755 = vector.broadcast %jit3A_754 : f32 to vector<16xf32>
          %select_n3A_756 = arith.select %gt3A_717, %mul3A_753, %broadcast_in_dim3A_755 : vector<16xi1>, vector<16xf32>
          %neg3A_757 = arith.constant 0.000000e+00 : f32
          %neg3A_758 = vector.broadcast %neg3A_757 : f32 to vector<16xf32>
          %neg3A_759 = arith.subf %neg3A_758, %select_n3A_756 : vector<16xf32>
          %exp3A_760 = math.exp %neg3A_759 : vector<16xf32>
          %mul3A_761 = arith.mulf %exp3A_760, %get3A_611 : vector<16xf32>
          %add3A_762 = arith.addf %add3A_589, %mul3A_761 : vector<16xf32>
          %mul3A_763 = arith.mulf %exp3A_760, %get3A_618 : vector<16xf32>
          %add3A_764 = arith.addf %add3A_591, %mul3A_763 : vector<16xf32>
          %mul3A_765 = arith.mulf %exp3A_760, %get3A_625 : vector<16xf32>
          %add3A_766 = arith.addf %add3A_593, %mul3A_765 : vector<16xf32>
          %mul3A_767 = arith.mulf %exp3A_760, %get3A_632 : vector<16xf32>
          %add3A_768 = arith.addf %add3A_595, %mul3A_767 : vector<16xf32>
          %mul3A_769 = arith.mulf %exp3A_760, %get3A_639 : vector<16xf32>
          %add3A_770 = arith.addf %add3A_597, %mul3A_769 : vector<16xf32>
          %mul3A_771 = arith.mulf %exp3A_760, %get3A_646 : vector<16xf32>
          %add3A_772 = arith.addf %add3A_599, %mul3A_771 : vector<16xf32>
          %mul3A_773 = arith.mulf %exp3A_760, %get3A_653 : vector<16xf32>
          %add3A_774 = arith.addf %add3A_601, %mul3A_773 : vector<16xf32>
          %mul3A_775 = arith.mulf %exp3A_760, %get3A_660 : vector<16xf32>
          %add3A_776 = arith.addf %add3A_603, %mul3A_775 : vector<16xf32>
          %add3A_777 = arith.addf %add3A_604, %exp3A_760 : vector<16xf32>
          %div3A = arith.divf %add3A_762, %add3A_777 : vector<16xf32>
          %div3A_778 = arith.divf %add3A_764, %add3A_777 : vector<16xf32>
          %div3A_779 = arith.divf %add3A_766, %add3A_777 : vector<16xf32>
          %div3A_780 = arith.divf %add3A_768, %add3A_777 : vector<16xf32>
          %div3A_781 = arith.divf %add3A_770, %add3A_777 : vector<16xf32>
          %div3A_782 = arith.divf %add3A_772, %add3A_777 : vector<16xf32>
          %div3A_783 = arith.divf %add3A_774, %add3A_777 : vector<16xf32>
          %div3A_784 = arith.divf %add3A_776, %add3A_777 : vector<16xf32>
          %mul3A_785 = arith.constant 5 : i32
          %mul3A_786 = arith.muli %mul3A_785, %scan3A_393 : i32
          %add3A_787 = arith.constant 3 : i32
          %add3A_788 = arith.addi %mul3A_786, %add3A_787 : i32
          %get3A_789 = arith.index_cast %add3A_788 : i32 to index
          %get3A_790 = arith.constant 0 : index
          %get3A_791 = tpu.vector_load %arg10[%get3A_789, %get3A_790] {strides = array<i32>} : memref<320x128xf32, #tpu.memory_space<vmem>>, vector<16xf32>,
          %mul3A_792 = arith.constant 5 : i32
          %mul3A_793 = arith.muli %mul3A_792, %scan3A_393 : i32
          %add3A_794 = arith.constant 3 : i32
          %add3A_795 = arith.addi %mul3A_793, %add3A_794 : i32
          %get3A_796 = arith.index_cast %add3A_795 : i32 to index
          %get3A_797 = arith.constant 16 : index
          %get3A_798 = tpu.vector_load %arg10[%get3A_796, %get3A_797] {strides = array<i32>} : memref<320x128xf32, #tpu.memory_space<vmem>>, vector<16xf32>,
          %mul3A_799 = arith.constant 5 : i32
          %mul3A_800 = arith.muli %mul3A_799, %scan3A_393 : i32
          %add3A_801 = arith.constant 3 : i32
          %add3A_802 = arith.addi %mul3A_800, %add3A_801 : i32
          %get3A_803 = arith.index_cast %add3A_802 : i32 to index
          %get3A_804 = arith.constant 32 : index
          %get3A_805 = tpu.vector_load %arg10[%get3A_803, %get3A_804] {strides = array<i32>} : memref<320x128xf32, #tpu.memory_space<vmem>>, vector<16xf32>,
          %mul3A_806 = arith.constant 5 : i32
          %mul3A_807 = arith.muli %mul3A_806, %scan3A_393 : i32
          %add3A_808 = arith.constant 3 : i32
          %add3A_809 = arith.addi %mul3A_807, %add3A_808 : i32
          %get3A_810 = arith.index_cast %add3A_809 : i32 to index
          %get3A_811 = arith.constant 48 : index
          %get3A_812 = tpu.vector_load %arg10[%get3A_810, %get3A_811] {strides = array<i32>} : memref<320x128xf32, #tpu.memory_space<vmem>>, vector<16xf32>,
          %mul3A_813 = arith.constant 5 : i32
          %mul3A_814 = arith.muli %mul3A_813, %scan3A_393 : i32
          %add3A_815 = arith.constant 3 : i32
          %add3A_816 = arith.addi %mul3A_814, %add3A_815 : i32
          %get3A_817 = arith.index_cast %add3A_816 : i32 to index
          %get3A_818 = arith.constant 64 : index
          %get3A_819 = tpu.vector_load %arg10[%get3A_817, %get3A_818] {strides = array<i32>} : memref<320x128xf32, #tpu.memory_space<vmem>>, vector<16xf32>,
          %mul3A_820 = arith.constant 5 : i32
          %mul3A_821 = arith.muli %mul3A_820, %scan3A_393 : i32
          %add3A_822 = arith.constant 3 : i32
          %add3A_823 = arith.addi %mul3A_821, %add3A_822 : i32
          %get3A_824 = arith.index_cast %add3A_823 : i32 to index
          %get3A_825 = arith.constant 80 : index
          %get3A_826 = tpu.vector_load %arg10[%get3A_824, %get3A_825] {strides = array<i32>} : memref<320x128xf32, #tpu.memory_space<vmem>>, vector<16xf32>,
          %mul3A_827 = arith.constant 5 : i32
          %mul3A_828 = arith.muli %mul3A_827, %scan3A_393 : i32
          %add3A_829 = arith.constant 3 : i32
          %add3A_830 = arith.addi %mul3A_828, %add3A_829 : i32
          %get3A_831 = arith.index_cast %add3A_830 : i32 to index
          %get3A_832 = arith.constant 96 : index
          %get3A_833 = tpu.vector_load %arg10[%get3A_831, %get3A_832] {strides = array<i32>} : memref<320x128xf32, #tpu.memory_space<vmem>>, vector<16xf32>,
          %mul3A_834 = arith.constant 5 : i32
          %mul3A_835 = arith.muli %mul3A_834, %scan3A_393 : i32
          %add3A_836 = arith.constant 3 : i32
          %add3A_837 = arith.addi %mul3A_835, %add3A_836 : i32
          %get3A_838 = arith.index_cast %add3A_837 : i32 to index
          %get3A_839 = arith.constant 112 : index
          %get3A_840 = tpu.vector_load %arg10[%get3A_838, %get3A_839] {strides = array<i32>} : memref<320x128xf32, #tpu.memory_space<vmem>>, vector<16xf32>,
          %broadcast_in_dim3A_841 = arith.constant 0.000000e+00 : f32
          %broadcast_in_dim3A_842 = vector.broadcast %broadcast_in_dim3A_841 : f32 to vector<16xf32>
          %sub3A_843 = arith.subf %get3A_791, %get3A_404 : vector<16xf32>
          %mul3A_844 = arith.mulf %sub3A_843, %sub3A_843 : vector<16xf32>
          %add3A_845 = arith.addf %broadcast_in_dim3A_842, %mul3A_844 : vector<16xf32>
          %sub3A_846 = arith.subf %get3A_798, %get3A_409 : vector<16xf32>
          %mul3A_847 = arith.mulf %sub3A_846, %sub3A_846 : vector<16xf32>
          %add3A_848 = arith.addf %add3A_845, %mul3A_847 : vector<16xf32>
          %sub3A_849 = arith.subf %get3A_805, %get3A_414 : vector<16xf32>
          %mul3A_850 = arith.mulf %sub3A_849, %sub3A_849 : vector<16xf32>
          %add3A_851 = arith.addf %add3A_848, %mul3A_850 : vector<16xf32>
          %sub3A_852 = arith.subf %get3A_812, %get3A_419 : vector<16xf32>
          %mul3A_853 = arith.mulf %sub3A_852, %sub3A_852 : vector<16xf32>
          %add3A_854 = arith.addf %add3A_851, %mul3A_853 : vector<16xf32>
          %sub3A_855 = arith.subf %get3A_819, %get3A_424 : vector<16xf32>
          %mul3A_856 = arith.mulf %sub3A_855, %sub3A_855 : vector<16xf32>
          %add3A_857 = arith.addf %add3A_854, %mul3A_856 : vector<16xf32>
          %sub3A_858 = arith.subf %get3A_826, %get3A_429 : vector<16xf32>
          %mul3A_859 = arith.mulf %sub3A_858, %sub3A_858 : vector<16xf32>
          %add3A_860 = arith.addf %add3A_857, %mul3A_859 : vector<16xf32>
          %sub3A_861 = arith.subf %get3A_833, %get3A_434 : vector<16xf32>
          %mul3A_862 = arith.mulf %sub3A_861, %sub3A_861 : vector<16xf32>
          %add3A_863 = arith.addf %add3A_860, %mul3A_862 : vector<16xf32>
          %sub3A_864 = arith.subf %get3A_840, %get3A_439 : vector<16xf32>
          %mul3A_865 = arith.mulf %sub3A_864, %sub3A_864 : vector<16xf32>
          %add3A_866 = arith.addf %add3A_863, %mul3A_865 : vector<16xf32>
          %swap3A_867 = arith.constant 0 : index
          %swap3A_868 = tpu.vector_load %arg12[%swap3A_867] {strides = array<i32>} : memref<384xf32, #tpu.memory_space<vmem>>, vector<16xf32>,
          tpu.vector_store %arg12[%swap3A_867], %add3A_866 {strides = array<i32>} : memref<384xf32, #tpu.memory_space<vmem>>, vector<16xf32>,
          %xor3A_869 = arith.constant 8 : i32
          %xor3A_870 = vector.broadcast %xor3A_869 : i32 to vector<16xi32>
          %xor3A_871 = arith.xori %iota3A, %xor3A_870 : vector<16xi32>
          %gather3A_872 = tpu.vector_load_idx %arg12[%xor3A_871] : memref<384xf32, #tpu.memory_space<vmem>>[vector<16xi32>], vector<16xf32>,
          %add3A_873 = arith.addf %add3A_866, %gather3A_872 : vector<16xf32>
          %swap3A_874 = arith.constant 0 : index
          %swap3A_875 = tpu.vector_load %arg12[%swap3A_874] {strides = array<i32>} : memref<384xf32, #tpu.memory_space<vmem>>, vector<16xf32>,
          tpu.vector_store %arg12[%swap3A_874], %add3A_873 {strides = array<i32>} : memref<384xf32, #tpu.memory_space<vmem>>, vector<16xf32>,
          %xor3A_876 = arith.constant 4 : i32
          %xor3A_877 = vector.broadcast %xor3A_876 : i32 to vector<16xi32>
          %xor3A_878 = arith.xori %iota3A, %xor3A_877 : vector<16xi32>
          %gather3A_879 = tpu.vector_load_idx %arg12[%xor3A_878] : memref<384xf32, #tpu.memory_space<vmem>>[vector<16xi32>], vector<16xf32>,
          %add3A_880 = arith.addf %add3A_873, %gather3A_879 : vector<16xf32>
          %swap3A_881 = arith.constant 0 : index
          %swap3A_882 = tpu.vector_load %arg12[%swap3A_881] {strides = array<i32>} : memref<384xf32, #tpu.memory_space<vmem>>, vector<16xf32>,
          tpu.vector_store %arg12[%swap3A_881], %add3A_880 {strides = array<i32>} : memref<384xf32, #tpu.memory_space<vmem>>, vector<16xf32>,
          %xor3A_883 = arith.constant 2 : i32
          %xor3A_884 = vector.broadcast %xor3A_883 : i32 to vector<16xi32>
          %xor3A_885 = arith.xori %iota3A, %xor3A_884 : vector<16xi32>
          %gather3A_886 = tpu.vector_load_idx %arg12[%xor3A_885] : memref<384xf32, #tpu.memory_space<vmem>>[vector<16xi32>], vector<16xf32>,
          %add3A_887 = arith.addf %add3A_880, %gather3A_886 : vector<16xf32>
          %swap3A_888 = arith.constant 0 : index
          %swap3A_889 = tpu.vector_load %arg12[%swap3A_888] {strides = array<i32>} : memref<384xf32, #tpu.memory_space<vmem>>, vector<16xf32>,
          tpu.vector_store %arg12[%swap3A_888], %add3A_887 {strides = array<i32>} : memref<384xf32, #tpu.memory_space<vmem>>, vector<16xf32>,
          %xor3A_890 = arith.constant 1 : i32
          %xor3A_891 = vector.broadcast %xor3A_890 : i32 to vector<16xi32>
          %xor3A_892 = arith.xori %iota3A, %xor3A_891 : vector<16xi32>
          %gather3A_893 = tpu.vector_load_idx %arg12[%xor3A_892] : memref<384xf32, #tpu.memory_space<vmem>>[vector<16xi32>], vector<16xf32>,
          %add3A_894 = arith.addf %add3A_887, %gather3A_893 : vector<16xf32>
          %gt3A_895 = arith.constant 0.000000e+00 : f32
          %gt3A_896 = vector.broadcast %gt3A_895 : f32 to vector<16xf32>
          %gt3A_897 = arith.cmpf ogt, %add3A_894, %gt3A_896 : vector<16xf32>
          %bitcast3A_898 = vector.bitcast %add3A_894 : vector<16xf32> to vector<16xi32>
          %shift_right_arithmetic3A_899 = arith.constant 1 : i32
          %shift_right_arithmetic3A_900 = vector.broadcast %shift_right_arithmetic3A_899 : i32 to vector<16xi32>
          %shift_right_arithmetic3A_901 = arith.shrsi %bitcast3A_898, %shift_right_arithmetic3A_900 : vector<16xi32>
          %sub3A_902 = arith.constant 1597463007 : i32
          %sub3A_903 = vector.broadcast %sub3A_902 : i32 to vector<16xi32>
          %sub3A_904 = arith.subi %sub3A_903, %shift_right_arithmetic3A_901 : vector<16xi32>
          %bitcast3A_905 = vector.bitcast %sub3A_904 : vector<16xi32> to vector<16xf32>
          %mul3A_906 = arith.constant 5.000000e-01 : f32
          %mul3A_907 = vector.broadcast %mul3A_906 : f32 to vector<16xf32>
          %mul3A_908 = arith.mulf %mul3A_907, %add3A_894 : vector<16xf32>
          %mul3A_909 = arith.mulf %mul3A_908, %bitcast3A_905 : vector<16xf32>
          %mul3A_910 = arith.mulf %mul3A_909, %bitcast3A_905 : vector<16xf32>
          %sub3A_911 = arith.constant 1.500000e+00 : f32
          %sub3A_912 = vector.broadcast %sub3A_911 : f32 to vector<16xf32>
          %sub3A_913 = arith.subf %sub3A_912, %mul3A_910 : vector<16xf32>
          %mul3A_914 = arith.mulf %bitcast3A_905, %sub3A_913 : vector<16xf32>
          %mul3A_915 = arith.constant 5.000000e-01 : f32
          %mul3A_916 = vector.broadcast %mul3A_915 : f32 to vector<16xf32>
          %mul3A_917 = arith.mulf %mul3A_916, %add3A_894 : vector<16xf32>
          %mul3A_918 = arith.mulf %mul3A_917, %mul3A_914 : vector<16xf32>
          %mul3A_919 = arith.mulf %mul3A_918, %mul3A_914 : vector<16xf32>
          %sub3A_920 = arith.constant 1.500000e+00 : f32
          %sub3A_921 = vector.broadcast %sub3A_920 : f32 to vector<16xf32>
          %sub3A_922 = arith.subf %sub3A_921, %mul3A_919 : vector<16xf32>
          %mul3A_923 = arith.mulf %mul3A_914, %sub3A_922 : vector<16xf32>
          %mul3A_924 = arith.constant 5.000000e-01 : f32
          %mul3A_925 = vector.broadcast %mul3A_924 : f32 to vector<16xf32>
          %mul3A_926 = arith.mulf %mul3A_925, %add3A_894 : vector<16xf32>
          %mul3A_927 = arith.mulf %mul3A_926, %mul3A_923 : vector<16xf32>
          %mul3A_928 = arith.mulf %mul3A_927, %mul3A_923 : vector<16xf32>
          %sub3A_929 = arith.constant 1.500000e+00 : f32
          %sub3A_930 = vector.broadcast %sub3A_929 : f32 to vector<16xf32>
          %sub3A_931 = arith.subf %sub3A_930, %mul3A_928 : vector<16xf32>
          %mul3A_932 = arith.mulf %mul3A_923, %sub3A_931 : vector<16xf32>
          %mul3A_933 = arith.mulf %add3A_894, %mul3A_932 : vector<16xf32>
          %jit3A_934 = arith.constant 0.000000e+00 : f32
          %broadcast_in_dim3A_935 = vector.broadcast %jit3A_934 : f32 to vector<16xf32>
          %select_n3A_936 = arith.select %gt3A_897, %mul3A_933, %broadcast_in_dim3A_935 : vector<16xi1>, vector<16xf32>
          %neg3A_937 = arith.constant 0.000000e+00 : f32
          %neg3A_938 = vector.broadcast %neg3A_937 : f32 to vector<16xf32>
          %neg3A_939 = arith.subf %neg3A_938, %select_n3A_936 : vector<16xf32>
          %exp3A_940 = math.exp %neg3A_939 : vector<16xf32>
          %mul3A_941 = arith.mulf %exp3A_940, %get3A_791 : vector<16xf32>
          %add3A_942 = arith.addf %add3A_762, %mul3A_941 : vector<16xf32>
          %mul3A_943 = arith.mulf %exp3A_940, %get3A_798 : vector<16xf32>
          %add3A_944 = arith.addf %add3A_764, %mul3A_943 : vector<16xf32>
          %mul3A_945 = arith.mulf %exp3A_940, %get3A_805 : vector<16xf32>
          %add3A_946 = arith.addf %add3A_766, %mul3A_945 : vector<16xf32>
          %mul3A_947 = arith.mulf %exp3A_940, %get3A_812 : vector<16xf32>
          %add3A_948 = arith.addf %add3A_768, %mul3A_947 : vector<16xf32>
          %mul3A_949 = arith.mulf %exp3A_940, %get3A_819 : vector<16xf32>
          %add3A_950 = arith.addf %add3A_770, %mul3A_949 : vector<16xf32>
          %mul3A_951 = arith.mulf %exp3A_940, %get3A_826 : vector<16xf32>
          %add3A_952 = arith.addf %add3A_772, %mul3A_951 : vector<16xf32>
          %mul3A_953 = arith.mulf %exp3A_940, %get3A_833 : vector<16xf32>
          %add3A_954 = arith.addf %add3A_774, %mul3A_953 : vector<16xf32>
          %mul3A_955 = arith.mulf %exp3A_940, %get3A_840 : vector<16xf32>
          %add3A_956 = arith.addf %add3A_776, %mul3A_955 : vector<16xf32>
          %add3A_957 = arith.addf %add3A_777, %exp3A_940 : vector<16xf32>
          %mul3A_958 = arith.constant 5 : i32
          %mul3A_959 = arith.muli %mul3A_958, %scan3A_393 : i32
          %add3A_960 = arith.constant 4 : i32
          %add3A_961 = arith.addi %mul3A_959, %add3A_960 : i32
          %get3A_962 = arith.index_cast %add3A_961 : i32 to index
          %get3A_963 = arith.constant 0 : index
          %get3A_964 = tpu.vector_load %arg10[%get3A_962, %get3A_963] {strides = array<i32>} : memref<320x128xf32, #tpu.memory_space<vmem>>, vector<16xf32>,
          %mul3A_965 = arith.constant 5 : i32
          %mul3A_966 = arith.muli %mul3A_965, %scan3A_393 : i32
          %add3A_967 = arith.constant 4 : i32
          %add3A_968 = arith.addi %mul3A_966, %add3A_967 : i32
          %get3A_969 = arith.index_cast %add3A_968 : i32 to index
          %get3A_970 = arith.constant 16 : index
          %get3A_971 = tpu.vector_load %arg10[%get3A_969, %get3A_970] {strides = array<i32>} : memref<320x128xf32, #tpu.memory_space<vmem>>, vector<16xf32>,
          %mul3A_972 = arith.constant 5 : i32
          %mul3A_973 = arith.muli %mul3A_972, %scan3A_393 : i32
          %add3A_974 = arith.constant 4 : i32
          %add3A_975 = arith.addi %mul3A_973, %add3A_974 : i32
          %get3A_976 = arith.index_cast %add3A_975 : i32 to index
          %get3A_977 = arith.constant 32 : index
          %get3A_978 = tpu.vector_load %arg10[%get3A_976, %get3A_977] {strides = array<i32>} : memref<320x128xf32, #tpu.memory_space<vmem>>, vector<16xf32>,
          %mul3A_979 = arith.constant 5 : i32
          %mul3A_980 = arith.muli %mul3A_979, %scan3A_393 : i32
          %add3A_981 = arith.constant 4 : i32
          %add3A_982 = arith.addi %mul3A_980, %add3A_981 : i32
          %get3A_983 = arith.index_cast %add3A_982 : i32 to index
          %get3A_984 = arith.constant 48 : index
          %get3A_985 = tpu.vector_load %arg10[%get3A_983, %get3A_984] {strides = array<i32>} : memref<320x128xf32, #tpu.memory_space<vmem>>, vector<16xf32>,
          %mul3A_986 = arith.constant 5 : i32
          %mul3A_987 = arith.muli %mul3A_986, %scan3A_393 : i32
          %add3A_988 = arith.constant 4 : i32
          %add3A_989 = arith.addi %mul3A_987, %add3A_988 : i32
          %get3A_990 = arith.index_cast %add3A_989 : i32 to index
          %get3A_991 = arith.constant 64 : index
          %get3A_992 = tpu.vector_load %arg10[%get3A_990, %get3A_991] {strides = array<i32>} : memref<320x128xf32, #tpu.memory_space<vmem>>, vector<16xf32>,
          %mul3A_993 = arith.constant 5 : i32
          %mul3A_994 = arith.muli %mul3A_993, %scan3A_393 : i32
          %add3A_995 = arith.constant 4 : i32
          %add3A_996 = arith.addi %mul3A_994, %add3A_995 : i32
          %get3A_997 = arith.index_cast %add3A_996 : i32 to index
          %get3A_998 = arith.constant 80 : index
          %get3A_999 = tpu.vector_load %arg10[%get3A_997, %get3A_998] {strides = array<i32>} : memref<320x128xf32, #tpu.memory_space<vmem>>, vector<16xf32>,
          %mul3A_1000 = arith.constant 5 : i32
          %mul3A_1001 = arith.muli %mul3A_1000, %scan3A_393 : i32
          %add3A_1002 = arith.constant 4 : i32
          %add3A_1003 = arith.addi %mul3A_1001, %add3A_1002 : i32
          %get3A_1004 = arith.index_cast %add3A_1003 : i32 to index
          %get3A_1005 = arith.constant 96 : index
          %get3A_1006 = tpu.vector_load %arg10[%get3A_1004, %get3A_1005] {strides = array<i32>} : memref<320x128xf32, #tpu.memory_space<vmem>>, vector<16xf32>,
          %mul3A_1007 = arith.constant 5 : i32
          %mul3A_1008 = arith.muli %mul3A_1007, %scan3A_393 : i32
          %add3A_1009 = arith.constant 4 : i32
          %add3A_1010 = arith.addi %mul3A_1008, %add3A_1009 : i32
          %get3A_1011 = arith.index_cast %add3A_1010 : i32 to index
          %get3A_1012 = arith.constant 112 : index
          %get3A_1013 = tpu.vector_load %arg10[%get3A_1011, %get3A_1012] {strides = array<i32>} : memref<320x128xf32, #tpu.memory_space<vmem>>, vector<16xf32>,
          %broadcast_in_dim3A_1014 = arith.constant 0.000000e+00 : f32
          %broadcast_in_dim3A_1015 = vector.broadcast %broadcast_in_dim3A_1014 : f32 to vector<16xf32>
          %sub3A_1016 = arith.subf %get3A_964, %get3A_404 : vector<16xf32>
          %mul3A_1017 = arith.mulf %sub3A_1016, %sub3A_1016 : vector<16xf32>
          %add3A_1018 = arith.addf %broadcast_in_dim3A_1015, %mul3A_1017 : vector<16xf32>
          %sub3A_1019 = arith.subf %get3A_971, %get3A_409 : vector<16xf32>
          %mul3A_1020 = arith.mulf %sub3A_1019, %sub3A_1019 : vector<16xf32>
          %add3A_1021 = arith.addf %add3A_1018, %mul3A_1020 : vector<16xf32>
          %sub3A_1022 = arith.subf %get3A_978, %get3A_414 : vector<16xf32>
          %mul3A_1023 = arith.mulf %sub3A_1022, %sub3A_1022 : vector<16xf32>
          %add3A_1024 = arith.addf %add3A_1021, %mul3A_1023 : vector<16xf32>
          %sub3A_1025 = arith.subf %get3A_985, %get3A_419 : vector<16xf32>
          %mul3A_1026 = arith.mulf %sub3A_1025, %sub3A_1025 : vector<16xf32>
          %add3A_1027 = arith.addf %add3A_1024, %mul3A_1026 : vector<16xf32>
          %sub3A_1028 = arith.subf %get3A_992, %get3A_424 : vector<16xf32>
          %mul3A_1029 = arith.mulf %sub3A_1028, %sub3A_1028 : vector<16xf32>
          %add3A_1030 = arith.addf %add3A_1027, %mul3A_1029 : vector<16xf32>
          %sub3A_1031 = arith.subf %get3A_999, %get3A_429 : vector<16xf32>
          %mul3A_1032 = arith.mulf %sub3A_1031, %sub3A_1031 : vector<16xf32>
          %add3A_1033 = arith.addf %add3A_1030, %mul3A_1032 : vector<16xf32>
          %sub3A_1034 = arith.subf %get3A_1006, %get3A_434 : vector<16xf32>
          %mul3A_1035 = arith.mulf %sub3A_1034, %sub3A_1034 : vector<16xf32>
          %add3A_1036 = arith.addf %add3A_1033, %mul3A_1035 : vector<16xf32>
          %sub3A_1037 = arith.subf %get3A_1013, %get3A_439 : vector<16xf32>
          %mul3A_1038 = arith.mulf %sub3A_1037, %sub3A_1037 : vector<16xf32>
          %add3A_1039 = arith.addf %add3A_1036, %mul3A_1038 : vector<16xf32>
          %swap3A_1040 = arith.constant 0 : index
          %swap3A_1041 = tpu.vector_load %arg12[%swap3A_1040] {strides = array<i32>} : memref<384xf32, #tpu.memory_space<vmem>>, vector<16xf32>,
          tpu.vector_store %arg12[%swap3A_1040], %add3A_1039 {strides = array<i32>} : memref<384xf32, #tpu.memory_space<vmem>>, vector<16xf32>,
          %xor3A_1042 = arith.constant 8 : i32
          %xor3A_1043 = vector.broadcast %xor3A_1042 : i32 to vector<16xi32>
          %xor3A_1044 = arith.xori %iota3A, %xor3A_1043 : vector<16xi32>
          %gather3A_1045 = tpu.vector_load_idx %arg12[%xor3A_1044] : memref<384xf32, #tpu.memory_space<vmem>>[vector<16xi32>], vector<16xf32>,
          %add3A_1046 = arith.addf %add3A_1039, %gather3A_1045 : vector<16xf32>
          %swap3A_1047 = arith.constant 0 : index
          %swap3A_1048 = tpu.vector_load %arg12[%swap3A_1047] {strides = array<i32>} : memref<384xf32, #tpu.memory_space<vmem>>, vector<16xf32>,
          tpu.vector_store %arg12[%swap3A_1047], %add3A_1046 {strides = array<i32>} : memref<384xf32, #tpu.memory_space<vmem>>, vector<16xf32>,
          %xor3A_1049 = arith.constant 4 : i32
          %xor3A_1050 = vector.broadcast %xor3A_1049 : i32 to vector<16xi32>
          %xor3A_1051 = arith.xori %iota3A, %xor3A_1050 : vector<16xi32>
          %gather3A_1052 = tpu.vector_load_idx %arg12[%xor3A_1051] : memref<384xf32, #tpu.memory_space<vmem>>[vector<16xi32>], vector<16xf32>,
          %add3A_1053 = arith.addf %add3A_1046, %gather3A_1052 : vector<16xf32>
          %swap3A_1054 = arith.constant 0 : index
          %swap3A_1055 = tpu.vector_load %arg12[%swap3A_1054] {strides = array<i32>} : memref<384xf32, #tpu.memory_space<vmem>>, vector<16xf32>,
          tpu.vector_store %arg12[%swap3A_1054], %add3A_1053 {strides = array<i32>} : memref<384xf32, #tpu.memory_space<vmem>>, vector<16xf32>,
          %xor3A_1056 = arith.constant 2 : i32
          %xor3A_1057 = vector.broadcast %xor3A_1056 : i32 to vector<16xi32>
          %xor3A_1058 = arith.xori %iota3A, %xor3A_1057 : vector<16xi32>
          %gather3A_1059 = tpu.vector_load_idx %arg12[%xor3A_1058] : memref<384xf32, #tpu.memory_space<vmem>>[vector<16xi32>], vector<16xf32>,
          %add3A_1060 = arith.addf %add3A_1053, %gather3A_1059 : vector<16xf32>
          %swap3A_1061 = arith.constant 0 : index
          %swap3A_1062 = tpu.vector_load %arg12[%swap3A_1061] {strides = array<i32>} : memref<384xf32, #tpu.memory_space<vmem>>, vector<16xf32>,
          tpu.vector_store %arg12[%swap3A_1061], %add3A_1060 {strides = array<i32>} : memref<384xf32, #tpu.memory_space<vmem>>, vector<16xf32>,
          %xor3A_1063 = arith.constant 1 : i32
          %xor3A_1064 = vector.broadcast %xor3A_1063 : i32 to vector<16xi32>
          %xor3A_1065 = arith.xori %iota3A, %xor3A_1064 : vector<16xi32>
          %gather3A_1066 = tpu.vector_load_idx %arg12[%xor3A_1065] : memref<384xf32, #tpu.memory_space<vmem>>[vector<16xi32>], vector<16xf32>,
          %add3A_1067 = arith.addf %add3A_1060, %gather3A_1066 : vector<16xf32>
          %gt3A_1068 = arith.constant 0.000000e+00 : f32
          %gt3A_1069 = vector.broadcast %gt3A_1068 : f32 to vector<16xf32>
          %gt3A_1070 = arith.cmpf ogt, %add3A_1067, %gt3A_1069 : vector<16xf32>
          %bitcast3A_1071 = vector.bitcast %add3A_1067 : vector<16xf32> to vector<16xi32>
          %shift_right_arithmetic3A_1072 = arith.constant 1 : i32
          %shift_right_arithmetic3A_1073 = vector.broadcast %shift_right_arithmetic3A_1072 : i32 to vector<16xi32>
          %shift_right_arithmetic3A_1074 = arith.shrsi %bitcast3A_1071, %shift_right_arithmetic3A_1073 : vector<16xi32>
          %sub3A_1075 = arith.constant 1597463007 : i32
          %sub3A_1076 = vector.broadcast %sub3A_1075 : i32 to vector<16xi32>
          %sub3A_1077 = arith.subi %sub3A_1076, %shift_right_arithmetic3A_1074 : vector<16xi32>
          %bitcast3A_1078 = vector.bitcast %sub3A_1077 : vector<16xi32> to vector<16xf32>
          %mul3A_1079 = arith.constant 5.000000e-01 : f32
          %mul3A_1080 = vector.broadcast %mul3A_1079 : f32 to vector<16xf32>
          %mul3A_1081 = arith.mulf %mul3A_1080, %add3A_1067 : vector<16xf32>
          %mul3A_1082 = arith.mulf %mul3A_1081, %bitcast3A_1078 : vector<16xf32>
          %mul3A_1083 = arith.mulf %mul3A_1082, %bitcast3A_1078 : vector<16xf32>
          %sub3A_1084 = arith.constant 1.500000e+00 : f32
          %sub3A_1085 = vector.broadcast %sub3A_1084 : f32 to vector<16xf32>
          %sub3A_1086 = arith.subf %sub3A_1085, %mul3A_1083 : vector<16xf32>
          %mul3A_1087 = arith.mulf %bitcast3A_1078, %sub3A_1086 : vector<16xf32>
          %mul3A_1088 = arith.constant 5.000000e-01 : f32
          %mul3A_1089 = vector.broadcast %mul3A_1088 : f32 to vector<16xf32>
          %mul3A_1090 = arith.mulf %mul3A_1089, %add3A_1067 : vector<16xf32>
          %mul3A_1091 = arith.mulf %mul3A_1090, %mul3A_1087 : vector<16xf32>
          %mul3A_1092 = arith.mulf %mul3A_1091, %mul3A_1087 : vector<16xf32>
          %sub3A_1093 = arith.constant 1.500000e+00 : f32
          %sub3A_1094 = vector.broadcast %sub3A_1093 : f32 to vector<16xf32>
          %sub3A_1095 = arith.subf %sub3A_1094, %mul3A_1092 : vector<16xf32>
          %mul3A_1096 = arith.mulf %mul3A_1087, %sub3A_1095 : vector<16xf32>
          %mul3A_1097 = arith.constant 5.000000e-01 : f32
          %mul3A_1098 = vector.broadcast %mul3A_1097 : f32 to vector<16xf32>
          %mul3A_1099 = arith.mulf %mul3A_1098, %add3A_1067 : vector<16xf32>
          %mul3A_1100 = arith.mulf %mul3A_1099, %mul3A_1096 : vector<16xf32>
          %mul3A_1101 = arith.mulf %mul3A_1100, %mul3A_1096 : vector<16xf32>
          %sub3A_1102 = arith.constant 1.500000e+00 : f32
          %sub3A_1103 = vector.broadcast %sub3A_1102 : f32 to vector<16xf32>
          %sub3A_1104 = arith.subf %sub3A_1103, %mul3A_1101 : vector<16xf32>
          %mul3A_1105 = arith.mulf %mul3A_1096, %sub3A_1104 : vector<16xf32>
          %mul3A_1106 = arith.mulf %add3A_1067, %mul3A_1105 : vector<16xf32>
          %jit3A_1107 = arith.constant 0.000000e+00 : f32
          %broadcast_in_dim3A_1108 = vector.broadcast %jit3A_1107 : f32 to vector<16xf32>
          %select_n3A_1109 = arith.select %gt3A_1070, %mul3A_1106, %broadcast_in_dim3A_1108 : vector<16xi1>, vector<16xf32>
          %neg3A_1110 = arith.constant 0.000000e+00 : f32
          %neg3A_1111 = vector.broadcast %neg3A_1110 : f32 to vector<16xf32>
          %neg3A_1112 = arith.subf %neg3A_1111, %select_n3A_1109 : vector<16xf32>
          %exp3A_1113 = math.exp %neg3A_1112 : vector<16xf32>
          %mul3A_1114 = arith.mulf %exp3A_1113, %get3A_964 : vector<16xf32>
          %add3A_1115 = arith.addf %add3A_942, %mul3A_1114 : vector<16xf32>
          %mul3A_1116 = arith.mulf %exp3A_1113, %get3A_971 : vector<16xf32>
          %add3A_1117 = arith.addf %add3A_944, %mul3A_1116 : vector<16xf32>
          %mul3A_1118 = arith.mulf %exp3A_1113, %get3A_978 : vector<16xf32>
          %add3A_1119 = arith.addf %add3A_946, %mul3A_1118 : vector<16xf32>
          %mul3A_1120 = arith.mulf %exp3A_1113, %get3A_985 : vector<16xf32>
          %add3A_1121 = arith.addf %add3A_948, %mul3A_1120 : vector<16xf32>
          %mul3A_1122 = arith.mulf %exp3A_1113, %get3A_992 : vector<16xf32>
          %add3A_1123 = arith.addf %add3A_950, %mul3A_1122 : vector<16xf32>
          %mul3A_1124 = arith.mulf %exp3A_1113, %get3A_999 : vector<16xf32>
          %add3A_1125 = arith.addf %add3A_952, %mul3A_1124 : vector<16xf32>
          %mul3A_1126 = arith.mulf %exp3A_1113, %get3A_1006 : vector<16xf32>
          %add3A_1127 = arith.addf %add3A_954, %mul3A_1126 : vector<16xf32>
          %mul3A_1128 = arith.mulf %exp3A_1113, %get3A_1013 : vector<16xf32>
          %add3A_1129 = arith.addf %add3A_956, %mul3A_1128 : vector<16xf32>
          %add3A_1130 = arith.addf %add3A_957, %exp3A_1113 : vector<16xf32>
          %div3A_1131 = arith.divf %add3A_1115, %add3A_1130 : vector<16xf32>
          %div3A_1132 = arith.divf %add3A_1117, %add3A_1130 : vector<16xf32>
          %div3A_1133 = arith.divf %add3A_1119, %add3A_1130 : vector<16xf32>
          %div3A_1134 = arith.divf %add3A_1121, %add3A_1130 : vector<16xf32>
          %div3A_1135 = arith.divf %add3A_1123, %add3A_1130 : vector<16xf32>
          %div3A_1136 = arith.divf %add3A_1125, %add3A_1130 : vector<16xf32>
          %div3A_1137 = arith.divf %add3A_1127, %add3A_1130 : vector<16xf32>
          %div3A_1138 = arith.divf %add3A_1129, %add3A_1130 : vector<16xf32>
          %swap3A_1139 = arith.constant 0 : index
          %swap3A_1140 = tpu.vector_load %arg12[%swap3A_1139] {strides = array<i32>} : memref<384xf32, #tpu.memory_space<vmem>>, vector<16xf32>,
          tpu.vector_store %arg12[%swap3A_1139], %get3A_404 {strides = array<i32>} : memref<384xf32, #tpu.memory_space<vmem>>, vector<16xf32>,
          %swap3A_1141 = arith.constant 128 : index
          %swap3A_1142 = tpu.vector_load %arg12[%swap3A_1141] {strides = array<i32>} : memref<384xf32, #tpu.memory_space<vmem>>, vector<16xf32>,
          tpu.vector_store %arg12[%swap3A_1141], %div3A {strides = array<i32>} : memref<384xf32, #tpu.memory_space<vmem>>, vector<16xf32>,
          %swap3A_1143 = arith.constant 256 : index
          %swap3A_1144 = tpu.vector_load %arg12[%swap3A_1143] {strides = array<i32>} : memref<384xf32, #tpu.memory_space<vmem>>, vector<16xf32>,
          tpu.vector_store %arg12[%swap3A_1143], %div3A_1131 {strides = array<i32>} : memref<384xf32, #tpu.memory_space<vmem>>, vector<16xf32>,
          %swap3A_1145 = arith.constant 16 : index
          %swap3A_1146 = tpu.vector_load %arg12[%swap3A_1145] {strides = array<i32>} : memref<384xf32, #tpu.memory_space<vmem>>, vector<16xf32>,
          tpu.vector_store %arg12[%swap3A_1145], %get3A_409 {strides = array<i32>} : memref<384xf32, #tpu.memory_space<vmem>>, vector<16xf32>,
          %swap3A_1147 = arith.constant 144 : index
          %swap3A_1148 = tpu.vector_load %arg12[%swap3A_1147] {strides = array<i32>} : memref<384xf32, #tpu.memory_space<vmem>>, vector<16xf32>,
          tpu.vector_store %arg12[%swap3A_1147], %div3A_778 {strides = array<i32>} : memref<384xf32, #tpu.memory_space<vmem>>, vector<16xf32>,
          %swap3A_1149 = arith.constant 272 : index
          %swap3A_1150 = tpu.vector_load %arg12[%swap3A_1149] {strides = array<i32>} : memref<384xf32, #tpu.memory_space<vmem>>, vector<16xf32>,
          tpu.vector_store %arg12[%swap3A_1149], %div3A_1132 {strides = array<i32>} : memref<384xf32, #tpu.memory_space<vmem>>, vector<16xf32>,
          %swap3A_1151 = arith.constant 32 : index
          %swap3A_1152 = tpu.vector_load %arg12[%swap3A_1151] {strides = array<i32>} : memref<384xf32, #tpu.memory_space<vmem>>, vector<16xf32>,
          tpu.vector_store %arg12[%swap3A_1151], %get3A_414 {strides = array<i32>} : memref<384xf32, #tpu.memory_space<vmem>>, vector<16xf32>,
          %swap3A_1153 = arith.constant 160 : index
          %swap3A_1154 = tpu.vector_load %arg12[%swap3A_1153] {strides = array<i32>} : memref<384xf32, #tpu.memory_space<vmem>>, vector<16xf32>,
          tpu.vector_store %arg12[%swap3A_1153], %div3A_779 {strides = array<i32>} : memref<384xf32, #tpu.memory_space<vmem>>, vector<16xf32>,
          %swap3A_1155 = arith.constant 288 : index
          %swap3A_1156 = tpu.vector_load %arg12[%swap3A_1155] {strides = array<i32>} : memref<384xf32, #tpu.memory_space<vmem>>, vector<16xf32>,
          tpu.vector_store %arg12[%swap3A_1155], %div3A_1133 {strides = array<i32>} : memref<384xf32, #tpu.memory_space<vmem>>, vector<16xf32>,
          %swap3A_1157 = arith.constant 48 : index
          %swap3A_1158 = tpu.vector_load %arg12[%swap3A_1157] {strides = array<i32>} : memref<384xf32, #tpu.memory_space<vmem>>, vector<16xf32>,
          tpu.vector_store %arg12[%swap3A_1157], %get3A_419 {strides = array<i32>} : memref<384xf32, #tpu.memory_space<vmem>>, vector<16xf32>,
          %swap3A_1159 = arith.constant 176 : index
          %swap3A_1160 = tpu.vector_load %arg12[%swap3A_1159] {strides = array<i32>} : memref<384xf32, #tpu.memory_space<vmem>>, vector<16xf32>,
          tpu.vector_store %arg12[%swap3A_1159], %div3A_780 {strides = array<i32>} : memref<384xf32, #tpu.memory_space<vmem>>, vector<16xf32>,
          %swap3A_1161 = arith.constant 304 : index
          %swap3A_1162 = tpu.vector_load %arg12[%swap3A_1161] {strides = array<i32>} : memref<384xf32, #tpu.memory_space<vmem>>, vector<16xf32>,
          tpu.vector_store %arg12[%swap3A_1161], %div3A_1134 {strides = array<i32>} : memref<384xf32, #tpu.memory_space<vmem>>, vector<16xf32>,
          %swap3A_1163 = arith.constant 64 : index
          %swap3A_1164 = tpu.vector_load %arg12[%swap3A_1163] {strides = array<i32>} : memref<384xf32, #tpu.memory_space<vmem>>, vector<16xf32>,
          tpu.vector_store %arg12[%swap3A_1163], %get3A_424 {strides = array<i32>} : memref<384xf32, #tpu.memory_space<vmem>>, vector<16xf32>,
          %swap3A_1165 = arith.constant 192 : index
          %swap3A_1166 = tpu.vector_load %arg12[%swap3A_1165] {strides = array<i32>} : memref<384xf32, #tpu.memory_space<vmem>>, vector<16xf32>,
          tpu.vector_store %arg12[%swap3A_1165], %div3A_781 {strides = array<i32>} : memref<384xf32, #tpu.memory_space<vmem>>, vector<16xf32>,
          %swap3A_1167 = arith.constant 320 : index
          %swap3A_1168 = tpu.vector_load %arg12[%swap3A_1167] {strides = array<i32>} : memref<384xf32, #tpu.memory_space<vmem>>, vector<16xf32>,
          tpu.vector_store %arg12[%swap3A_1167], %div3A_1135 {strides = array<i32>} : memref<384xf32, #tpu.memory_space<vmem>>, vector<16xf32>,
          %swap3A_1169 = arith.constant 80 : index
          %swap3A_1170 = tpu.vector_load %arg12[%swap3A_1169] {strides = array<i32>} : memref<384xf32, #tpu.memory_space<vmem>>, vector<16xf32>,
          tpu.vector_store %arg12[%swap3A_1169], %get3A_429 {strides = array<i32>} : memref<384xf32, #tpu.memory_space<vmem>>, vector<16xf32>,
          %swap3A_1171 = arith.constant 208 : index
          %swap3A_1172 = tpu.vector_load %arg12[%swap3A_1171] {strides = array<i32>} : memref<384xf32, #tpu.memory_space<vmem>>, vector<16xf32>,
          tpu.vector_store %arg12[%swap3A_1171], %div3A_782 {strides = array<i32>} : memref<384xf32, #tpu.memory_space<vmem>>, vector<16xf32>,
          %swap3A_1173 = arith.constant 336 : index
          %swap3A_1174 = tpu.vector_load %arg12[%swap3A_1173] {strides = array<i32>} : memref<384xf32, #tpu.memory_space<vmem>>, vector<16xf32>,
          tpu.vector_store %arg12[%swap3A_1173], %div3A_1136 {strides = array<i32>} : memref<384xf32, #tpu.memory_space<vmem>>, vector<16xf32>,
          %swap3A_1175 = arith.constant 96 : index
          %swap3A_1176 = tpu.vector_load %arg12[%swap3A_1175] {strides = array<i32>} : memref<384xf32, #tpu.memory_space<vmem>>, vector<16xf32>,
          tpu.vector_store %arg12[%swap3A_1175], %get3A_434 {strides = array<i32>} : memref<384xf32, #tpu.memory_space<vmem>>, vector<16xf32>,
          %swap3A_1177 = arith.constant 224 : index
          %swap3A_1178 = tpu.vector_load %arg12[%swap3A_1177] {strides = array<i32>} : memref<384xf32, #tpu.memory_space<vmem>>, vector<16xf32>,
          tpu.vector_store %arg12[%swap3A_1177], %div3A_783 {strides = array<i32>} : memref<384xf32, #tpu.memory_space<vmem>>, vector<16xf32>,
          %swap3A_1179 = arith.constant 352 : index
          %swap3A_1180 = tpu.vector_load %arg12[%swap3A_1179] {strides = array<i32>} : memref<384xf32, #tpu.memory_space<vmem>>, vector<16xf32>,
          tpu.vector_store %arg12[%swap3A_1179], %div3A_1137 {strides = array<i32>} : memref<384xf32, #tpu.memory_space<vmem>>, vector<16xf32>,
          %swap3A_1181 = arith.constant 112 : index
          %swap3A_1182 = tpu.vector_load %arg12[%swap3A_1181] {strides = array<i32>} : memref<384xf32, #tpu.memory_space<vmem>>, vector<16xf32>,
          tpu.vector_store %arg12[%swap3A_1181], %get3A_439 {strides = array<i32>} : memref<384xf32, #tpu.memory_space<vmem>>, vector<16xf32>,
          %swap3A_1183 = arith.constant 240 : index
          %swap3A_1184 = tpu.vector_load %arg12[%swap3A_1183] {strides = array<i32>} : memref<384xf32, #tpu.memory_space<vmem>>, vector<16xf32>,
          tpu.vector_store %arg12[%swap3A_1183], %div3A_784 {strides = array<i32>} : memref<384xf32, #tpu.memory_space<vmem>>, vector<16xf32>,
          %swap3A_1185 = arith.constant 368 : index
          %swap3A_1186 = tpu.vector_load %arg12[%swap3A_1185] {strides = array<i32>} : memref<384xf32, #tpu.memory_space<vmem>>, vector<16xf32>,
          tpu.vector_store %arg12[%swap3A_1185], %div3A_1138 {strides = array<i32>} : memref<384xf32, #tpu.memory_space<vmem>>, vector<16xf32>,
          %gather3A_1187 = tpu.vector_load_idx %arg12[%add3A_9] : memref<384xf32, #tpu.memory_space<vmem>>[vector<16xi32>], vector<16xf32>,
          %gather3A_1188 = tpu.vector_load_idx %arg12[%add3A_18] : memref<384xf32, #tpu.memory_space<vmem>>[vector<16xi32>], vector<16xf32>,
          %add3A_1189 = arith.addf %gather3A_1187, %gather3A_1188 : vector<16xf32>
          %gather3A_1190 = tpu.vector_load_idx %arg12[%add3A_27] : memref<384xf32, #tpu.memory_space<vmem>>[vector<16xi32>], vector<16xf32>,
          %add3A_1191 = arith.addf %add3A_1189, %gather3A_1190 : vector<16xf32>
          %mul3A_1192 = arith.mulf %add3A_1191, %broadcast_in_dim3A_217 : vector<16xf32>
          %swap3A_1193 = arith.index_cast %scan3A_393 : i32 to index
          %swap3A_1194 = arith.constant 0 : index
          %swap3A_1195 = tpu.vector_load %arg11[%swap3A_1193, %swap3A_1194] {strides = array<i32>} : memref<64x384xf32, #tpu.memory_space<vmem>>, vector<16xf32>,
          tpu.vector_store %arg11[%swap3A_1193, %swap3A_1194], %mul3A_1192 {strides = array<i32>} : memref<64x384xf32, #tpu.memory_space<vmem>>, vector<16xf32>,
          %gather3A_1196 = tpu.vector_load_idx %arg12[%add3A_36] : memref<384xf32, #tpu.memory_space<vmem>>[vector<16xi32>], vector<16xf32>,
          %gather3A_1197 = tpu.vector_load_idx %arg12[%add3A_45] : memref<384xf32, #tpu.memory_space<vmem>>[vector<16xi32>], vector<16xf32>,
          %add3A_1198 = arith.addf %gather3A_1196, %gather3A_1197 : vector<16xf32>
          %gather3A_1199 = tpu.vector_load_idx %arg12[%add3A_54] : memref<384xf32, #tpu.memory_space<vmem>>[vector<16xi32>], vector<16xf32>,
          %add3A_1200 = arith.addf %add3A_1198, %gather3A_1199 : vector<16xf32>
          %mul3A_1201 = arith.mulf %add3A_1200, %broadcast_in_dim3A_217 : vector<16xf32>
          %swap3A_1202 = arith.index_cast %scan3A_393 : i32 to index
          %swap3A_1203 = arith.constant 16 : index
          %swap3A_1204 = tpu.vector_load %arg11[%swap3A_1202, %swap3A_1203] {strides = array<i32>} : memref<64x384xf32, #tpu.memory_space<vmem>>, vector<16xf32>,
          tpu.vector_store %arg11[%swap3A_1202, %swap3A_1203], %mul3A_1201 {strides = array<i32>} : memref<64x384xf32, #tpu.memory_space<vmem>>, vector<16xf32>,
          %gather3A_1205 = tpu.vector_load_idx %arg12[%add3A_63] : memref<384xf32, #tpu.memory_space<vmem>>[vector<16xi32>], vector<16xf32>,
          %gather3A_1206 = tpu.vector_load_idx %arg12[%add3A_72] : memref<384xf32, #tpu.memory_space<vmem>>[vector<16xi32>], vector<16xf32>,
          %add3A_1207 = arith.addf %gather3A_1205, %gather3A_1206 : vector<16xf32>
          %gather3A_1208 = tpu.vector_load_idx %arg12[%add3A_81] : memref<384xf32, #tpu.memory_space<vmem>>[vector<16xi32>], vector<16xf32>,
          %add3A_1209 = arith.addf %add3A_1207, %gather3A_1208 : vector<16xf32>
          %mul3A_1210 = arith.mulf %add3A_1209, %broadcast_in_dim3A_217 : vector<16xf32>
          %swap3A_1211 = arith.index_cast %scan3A_393 : i32 to index
          %swap3A_1212 = arith.constant 32 : index
          %swap3A_1213 = tpu.vector_load %arg11[%swap3A_1211, %swap3A_1212] {strides = array<i32>} : memref<64x384xf32, #tpu.memory_space<vmem>>, vector<16xf32>,
          tpu.vector_store %arg11[%swap3A_1211, %swap3A_1212], %mul3A_1210 {strides = array<i32>} : memref<64x384xf32, #tpu.memory_space<vmem>>, vector<16xf32>,
          %gather3A_1214 = tpu.vector_load_idx %arg12[%add3A_90] : memref<384xf32, #tpu.memory_space<vmem>>[vector<16xi32>], vector<16xf32>,
          %gather3A_1215 = tpu.vector_load_idx %arg12[%add3A_99] : memref<384xf32, #tpu.memory_space<vmem>>[vector<16xi32>], vector<16xf32>,
          %add3A_1216 = arith.addf %gather3A_1214, %gather3A_1215 : vector<16xf32>
          %gather3A_1217 = tpu.vector_load_idx %arg12[%add3A_108] : memref<384xf32, #tpu.memory_space<vmem>>[vector<16xi32>], vector<16xf32>,
          %add3A_1218 = arith.addf %add3A_1216, %gather3A_1217 : vector<16xf32>
          %mul3A_1219 = arith.mulf %add3A_1218, %broadcast_in_dim3A_217 : vector<16xf32>
          %swap3A_1220 = arith.index_cast %scan3A_393 : i32 to index
          %swap3A_1221 = arith.constant 48 : index
          %swap3A_1222 = tpu.vector_load %arg11[%swap3A_1220, %swap3A_1221] {strides = array<i32>} : memref<64x384xf32, #tpu.memory_space<vmem>>, vector<16xf32>,
          tpu.vector_store %arg11[%swap3A_1220, %swap3A_1221], %mul3A_1219 {strides = array<i32>} : memref<64x384xf32, #tpu.memory_space<vmem>>, vector<16xf32>,
          %gather3A_1223 = tpu.vector_load_idx %arg12[%add3A_117] : memref<384xf32, #tpu.memory_space<vmem>>[vector<16xi32>], vector<16xf32>,
          %gather3A_1224 = tpu.vector_load_idx %arg12[%add3A_126] : memref<384xf32, #tpu.memory_space<vmem>>[vector<16xi32>], vector<16xf32>,
          %add3A_1225 = arith.addf %gather3A_1223, %gather3A_1224 : vector<16xf32>
          %gather3A_1226 = tpu.vector_load_idx %arg12[%add3A_135] : memref<384xf32, #tpu.memory_space<vmem>>[vector<16xi32>], vector<16xf32>,
          %add3A_1227 = arith.addf %add3A_1225, %gather3A_1226 : vector<16xf32>
          %mul3A_1228 = arith.mulf %add3A_1227, %broadcast_in_dim3A_217 : vector<16xf32>
          %swap3A_1229 = arith.index_cast %scan3A_393 : i32 to index
          %swap3A_1230 = arith.constant 64 : index
          %swap3A_1231 = tpu.vector_load %arg11[%swap3A_1229, %swap3A_1230] {strides = array<i32>} : memref<64x384xf32, #tpu.memory_space<vmem>>, vector<16xf32>,
          tpu.vector_store %arg11[%swap3A_1229, %swap3A_1230], %mul3A_1228 {strides = array<i32>} : memref<64x384xf32, #tpu.memory_space<vmem>>, vector<16xf32>,
          %gather3A_1232 = tpu.vector_load_idx %arg12[%add3A_144] : memref<384xf32, #tpu.memory_space<vmem>>[vector<16xi32>], vector<16xf32>,
          %gather3A_1233 = tpu.vector_load_idx %arg12[%add3A_153] : memref<384xf32, #tpu.memory_space<vmem>>[vector<16xi32>], vector<16xf32>,
          %add3A_1234 = arith.addf %gather3A_1232, %gather3A_1233 : vector<16xf32>
          %gather3A_1235 = tpu.vector_load_idx %arg12[%add3A_162] : memref<384xf32, #tpu.memory_space<vmem>>[vector<16xi32>], vector<16xf32>,
          %add3A_1236 = arith.addf %add3A_1234, %gather3A_1235 : vector<16xf32>
          %mul3A_1237 = arith.mulf %add3A_1236, %broadcast_in_dim3A_217 : vector<16xf32>
          %swap3A_1238 = arith.index_cast %scan3A_393 : i32 to index
          %swap3A_1239 = arith.constant 80 : index
          %swap3A_1240 = tpu.vector_load %arg11[%swap3A_1238, %swap3A_1239] {strides = array<i32>} : memref<64x384xf32, #tpu.memory_space<vmem>>, vector<16xf32>,
          tpu.vector_store %arg11[%swap3A_1238, %swap3A_1239], %mul3A_1237 {strides = array<i32>} : memref<64x384xf32, #tpu.memory_space<vmem>>, vector<16xf32>,
          %gather3A_1241 = tpu.vector_load_idx %arg12[%add3A_171] : memref<384xf32, #tpu.memory_space<vmem>>[vector<16xi32>], vector<16xf32>,
          %gather3A_1242 = tpu.vector_load_idx %arg12[%add3A_180] : memref<384xf32, #tpu.memory_space<vmem>>[vector<16xi32>], vector<16xf32>,
          %add3A_1243 = arith.addf %gather3A_1241, %gather3A_1242 : vector<16xf32>
          %gather3A_1244 = tpu.vector_load_idx %arg12[%add3A_189] : memref<384xf32, #tpu.memory_space<vmem>>[vector<16xi32>], vector<16xf32>,
          %add3A_1245 = arith.addf %add3A_1243, %gather3A_1244 : vector<16xf32>
          %mul3A_1246 = arith.mulf %add3A_1245, %broadcast_in_dim3A_217 : vector<16xf32>
          %swap3A_1247 = arith.index_cast %scan3A_393 : i32 to index
          %swap3A_1248 = arith.constant 96 : index
          %swap3A_1249 = tpu.vector_load %arg11[%swap3A_1247, %swap3A_1248] {strides = array<i32>} : memref<64x384xf32, #tpu.memory_space<vmem>>, vector<16xf32>,
          tpu.vector_store %arg11[%swap3A_1247, %swap3A_1248], %mul3A_1246 {strides = array<i32>} : memref<64x384xf32, #tpu.memory_space<vmem>>, vector<16xf32>,
          %gather3A_1250 = tpu.vector_load_idx %arg12[%add3A_198] : memref<384xf32, #tpu.memory_space<vmem>>[vector<16xi32>], vector<16xf32>,
          %gather3A_1251 = tpu.vector_load_idx %arg12[%add3A_207] : memref<384xf32, #tpu.memory_space<vmem>>[vector<16xi32>], vector<16xf32>,
          %add3A_1252 = arith.addf %gather3A_1250, %gather3A_1251 : vector<16xf32>
          %gather3A_1253 = tpu.vector_load_idx %arg12[%add3A_216] : memref<384xf32, #tpu.memory_space<vmem>>[vector<16xi32>], vector<16xf32>,
          %add3A_1254 = arith.addf %add3A_1252, %gather3A_1253 : vector<16xf32>
          %mul3A_1255 = arith.mulf %add3A_1254, %broadcast_in_dim3A_217 : vector<16xf32>
          %swap3A_1256 = arith.index_cast %scan3A_393 : i32 to index
          %swap3A_1257 = arith.constant 112 : index
          %swap3A_1258 = tpu.vector_load %arg11[%swap3A_1256, %swap3A_1257] {strides = array<i32>} : memref<64x384xf32, #tpu.memory_space<vmem>>, vector<16xf32>,
          tpu.vector_store %arg11[%swap3A_1256, %swap3A_1257], %mul3A_1255 {strides = array<i32>} : memref<64x384xf32, #tpu.memory_space<vmem>>, vector<16xf32>,
        } else {
        }
      }
      %scan3A_283 = arith.constant 64 : i32
      %dma_start3A_284 = arith.constant 0 : i32
      %dma_start3A_285 = arith.constant 0 : i32
      %dma_start3A_286 = tpu.memref_slice %arg10[%dma_start3A_284, %dma_start3A_285] : memref<320x128xf32, #tpu.memory_space<vmem>> -> memref<128x128xf32, #tpu.memory_space<vmem>>
      %dma_start3A_287 = arith.constant 0 : i32
      %dma_start3A_288 = tpu.memref_slice %arg8[%dma_start3A_287] : memref<320xi32, #tpu.memory_space<vmem>> -> memref<128xi32, #tpu.memory_space<vmem>>
      %dma_start3A_289 = arith.constant 0 : i32
      %dma_start3A_290 = arith.constant 0 : i32
      %dma_start3A_291 = tpu.memref_slice %arg3[%dma_start3A_289, %dma_start3A_290] : memref<8192x128xf32, #tpu.memory_space<hbm>> -> memref<8192x128xf32, #tpu.memory_space<hbm>>
      tpu.enqueue_indirect_dma source(%dma_start3A_291 : memref<8192x128xf32, #tpu.memory_space<hbm>>) target(%dma_start3A_286 : memref<128x128xf32, #tpu.memory_space<vmem>>) offsets(%dma_start3A_288 : memref<128xi32, #tpu.memory_space<vmem>>) semaphore(%arg13 : memref<!tpu.dma_semaphore, #tpu.memory_space<semaphore_mem>>)
      %dma_start3A_292 = arith.constant 128 : i32
      %dma_start3A_293 = arith.constant 0 : i32
      %dma_start3A_294 = tpu.memref_slice %arg10[%dma_start3A_292, %dma_start3A_293] : memref<320x128xf32, #tpu.memory_space<vmem>> -> memref<128x128xf32, #tpu.memory_space<vmem>>
      %dma_start3A_295 = arith.constant 128 : i32
      %dma_start3A_296 = tpu.memref_slice %arg8[%dma_start3A_295] : memref<320xi32, #tpu.memory_space<vmem>> -> memref<128xi32, #tpu.memory_space<vmem>>
      %dma_start3A_297 = arith.constant 0 : i32
      %dma_start3A_298 = arith.constant 0 : i32
      %dma_start3A_299 = tpu.memref_slice %arg3[%dma_start3A_297, %dma_start3A_298] : memref<8192x128xf32, #tpu.memory_space<hbm>> -> memref<8192x128xf32, #tpu.memory_space<hbm>>
      tpu.enqueue_indirect_dma source(%dma_start3A_299 : memref<8192x128xf32, #tpu.memory_space<hbm>>) target(%dma_start3A_294 : memref<128x128xf32, #tpu.memory_space<vmem>>) offsets(%dma_start3A_296 : memref<128xi32, #tpu.memory_space<vmem>>) semaphore(%arg13 : memref<!tpu.dma_semaphore, #tpu.memory_space<semaphore_mem>>)
      %dma_start3A_300 = arith.constant 256 : i32
      %dma_start3A_301 = arith.constant 0 : i32
      %dma_start3A_302 = tpu.memref_slice %arg10[%dma_start3A_300, %dma_start3A_301] : memref<320x128xf32, #tpu.memory_space<vmem>> -> memref<64x128xf32, #tpu.memory_space<vmem>>
      %dma_start3A_303 = arith.constant 256 : i32
      %dma_start3A_304 = tpu.memref_slice %arg8[%dma_start3A_303] : memref<320xi32, #tpu.memory_space<vmem>> -> memref<64xi32, #tpu.memory_space<vmem>>
      %dma_start3A_305 = arith.constant 0 : i32
      %dma_start3A_306 = arith.constant 0 : i32
      %dma_start3A_307 = tpu.memref_slice %arg3[%dma_start3A_305, %dma_start3A_306] : memref<8192x128xf32, #tpu.memory_space<hbm>> -> memref<8192x128xf32, #tpu.memory_space<hbm>>
      tpu.enqueue_indirect_dma source(%dma_start3A_307 : memref<8192x128xf32, #tpu.memory_space<hbm>>) target(%dma_start3A_302 : memref<64x128xf32, #tpu.memory_space<vmem>>) offsets(%dma_start3A_304 : memref<64xi32, #tpu.memory_space<vmem>>) semaphore(%arg13 : memref<!tpu.dma_semaphore, #tpu.memory_space<semaphore_mem>>)
      %dma_wait3A_308 = arith.constant 0 : i32
      %dma_wait3A_309 = arith.constant 0 : i32
      %dma_wait3A_310 = tpu.memref_slice %arg10[%dma_wait3A_308, %dma_wait3A_309] : memref<320x128xf32, #tpu.memory_space<vmem>> -> memref<128x128xf32, #tpu.memory_space<vmem>>
      %dma_wait3A_311 = arith.constant 0 : i32
      %dma_wait3A_312 = tpu.memref_slice %arg8[%dma_wait3A_311] : memref<320xi32, #tpu.memory_space<vmem>> -> memref<128xi32, #tpu.memory_space<vmem>>
      %dma_wait3A_313 = arith.constant 0 : i32
      %dma_wait3A_314 = arith.constant 0 : i32
      %dma_wait3A_315 = tpu.memref_slice %arg3[%dma_wait3A_313, %dma_wait3A_314] : memref<8192x128xf32, #tpu.memory_space<hbm>> -> memref<8192x128xf32, #tpu.memory_space<hbm>>
      tpu.wait_indirect_dma semaphore(%arg13 : memref<!tpu.dma_semaphore, #tpu.memory_space<semaphore_mem>>) src(%dma_wait3A_315 : memref<8192x128xf32, #tpu.memory_space<hbm>>) dst(%dma_wait3A_310 : memref<128x128xf32, #tpu.memory_space<vmem>>)
      %dma_wait3A_316 = arith.constant 128 : i32
      %dma_wait3A_317 = arith.constant 0 : i32
      %dma_wait3A_318 = tpu.memref_slice %arg10[%dma_wait3A_316, %dma_wait3A_317] : memref<320x128xf32, #tpu.memory_space<vmem>> -> memref<128x128xf32, #tpu.memory_space<vmem>>
      %dma_wait3A_319 = arith.constant 128 : i32
      %dma_wait3A_320 = tpu.memref_slice %arg8[%dma_wait3A_319] : memref<320xi32, #tpu.memory_space<vmem>> -> memref<128xi32, #tpu.memory_space<vmem>>
      %dma_wait3A_321 = arith.constant 0 : i32
      %dma_wait3A_322 = arith.constant 0 : i32
      %dma_wait3A_323 = tpu.memref_slice %arg3[%dma_wait3A_321, %dma_wait3A_322] : memref<8192x128xf32, #tpu.memory_space<hbm>> -> memref<8192x128xf32, #tpu.memory_space<hbm>>
      tpu.wait_indirect_dma semaphore(%arg13 : memref<!tpu.dma_semaphore, #tpu.memory_space<semaphore_mem>>) src(%dma_wait3A_323 : memref<8192x128xf32, #tpu.memory_space<hbm>>) dst(%dma_wait3A_318 : memref<128x128xf32, #tpu.memory_space<vmem>>)
      %dma_wait3A_324 = arith.constant 256 : i32
      %dma_wait3A_325 = arith.constant 0 : i32
      %dma_wait3A_326 = tpu.memref_slice %arg10[%dma_wait3A_324, %dma_wait3A_325] : memref<320x128xf32, #tpu.memory_space<vmem>> -> memref<64x128xf32, #tpu.memory_space<vmem>>
      %dma_wait3A_327 = arith.constant 256 : i32
      %dma_wait3A_328 = tpu.memref_slice %arg8[%dma_wait3A_327] : memref<320xi32, #tpu.memory_space<vmem>> -> memref<64xi32, #tpu.memory_space<vmem>>
      %dma_wait3A_329 = arith.constant 0 : i32
      %dma_wait3A_330 = arith.constant 0 : i32
      %dma_wait3A_331 = tpu.memref_slice %arg3[%dma_wait3A_329, %dma_wait3A_330] : memref<8192x128xf32, #tpu.memory_space<hbm>> -> memref<8192x128xf32, #tpu.memory_space<hbm>>
      tpu.wait_indirect_dma semaphore(%arg13 : memref<!tpu.dma_semaphore, #tpu.memory_space<semaphore_mem>>) src(%dma_wait3A_331 : memref<8192x128xf32, #tpu.memory_space<hbm>>) dst(%dma_wait3A_326 : memref<64x128xf32, #tpu.memory_space<vmem>>)
      %scan3A_332 = arith.constant 0 : i32
      %scan3A_333 = arith.constant 0 : i32
      %scan3A_334 = arith.constant 64 : i32
      %scan3A_335 = arith.addi %scan3A_333, %scan3A_334 : i32
      %scan3A_336 = arith.constant 1 : i32
      scf.for %scan3A_393 = %scan3A_333 to %scan3A_335 step %scan3A_336  : i32 {
        %broadcast_in_dim3A_394 = vector.broadcast %scan3A_393 : i32 to vector<16xi32>
        %gather3A = tpu.vector_load_idx %arg9[%broadcast_in_dim3A_394] : memref<64xf32, #tpu.memory_space<vmem>>[vector<16xi32>], vector<16xf32>,
        %slice3A = vector.extract_strided_slice %gather3A {offsets = [0], sizes = [1], strides = [1]} : vector<16xf32> to vector<1xf32>
        %squeeze3A = vector.extract %slice3A[0] : f32 from vector<1xf32>
        %lt3A = arith.constant 0.00999999977 : f32
        %lt3A_395 = arith.cmpf olt, %squeeze3A, %lt3A : f32
        %not3A = arith.constant true
        %not3A_396 = arith.xori %lt3A_395, %not3A : i1
        %convert_element_type3A = arith.extui %not3A_396 : i1 to i32
        %cond3A = arith.constant 0 : i32
        %cond3A_397 = arith.cmpi ne, %convert_element_type3A, %cond3A : i32
        scf.if %cond3A_397 {
          %mul3A_401 = arith.constant 5 : i32
          %mul3A_402 = arith.muli %mul3A_401, %scan3A_393 : i32
          %get3A = arith.index_cast %mul3A_402 : i32 to index
          %get3A_403 = arith.constant 0 : index
          %get3A_404 = tpu.vector_load %arg10[%get3A, %get3A_403] {strides = array<i32>} : memref<320x128xf32, #tpu.memory_space<vmem>>, vector<16xf32>,
          %swap3A = arith.index_cast %scan3A_393 : i32 to index
          %swap3A_405 = arith.constant 128 : index
          %swap3A_406 = tpu.vector_load %arg11[%swap3A, %swap3A_405] {strides = array<i32>} : memref<64x384xf32, #tpu.memory_space<vmem>>, vector<16xf32>,
          tpu.vector_store %arg11[%swap3A, %swap3A_405], %get3A_404 {strides = array<i32>} : memref<64x384xf32, #tpu.memory_space<vmem>>, vector<16xf32>,
          %mul3A_407 = arith.constant 5 : i32
          %mul3A_408 = arith.muli %mul3A_407, %scan3A_393 : i32
          %get3A_409 = arith.index_cast %mul3A_408 : i32 to index
          %get3A_410 = arith.constant 16 : index
          %get3A_411 = tpu.vector_load %arg10[%get3A_409, %get3A_410] {strides = array<i32>} : memref<320x128xf32, #tpu.memory_space<vmem>>, vector<16xf32>,
          %swap3A_412 = arith.index_cast %scan3A_393 : i32 to index
          %swap3A_413 = arith.constant 144 : index
          %swap3A_414 = tpu.vector_load %arg11[%swap3A_412, %swap3A_413] {strides = array<i32>} : memref<64x384xf32, #tpu.memory_space<vmem>>, vector<16xf32>,
          tpu.vector_store %arg11[%swap3A_412, %swap3A_413], %get3A_411 {strides = array<i32>} : memref<64x384xf32, #tpu.memory_space<vmem>>, vector<16xf32>,
          %mul3A_415 = arith.constant 5 : i32
          %mul3A_416 = arith.muli %mul3A_415, %scan3A_393 : i32
          %get3A_417 = arith.index_cast %mul3A_416 : i32 to index
          %get3A_418 = arith.constant 32 : index
          %get3A_419 = tpu.vector_load %arg10[%get3A_417, %get3A_418] {strides = array<i32>} : memref<320x128xf32, #tpu.memory_space<vmem>>, vector<16xf32>,
          %swap3A_420 = arith.index_cast %scan3A_393 : i32 to index
          %swap3A_421 = arith.constant 160 : index
          %swap3A_422 = tpu.vector_load %arg11[%swap3A_420, %swap3A_421] {strides = array<i32>} : memref<64x384xf32, #tpu.memory_space<vmem>>, vector<16xf32>,
          tpu.vector_store %arg11[%swap3A_420, %swap3A_421], %get3A_419 {strides = array<i32>} : memref<64x384xf32, #tpu.memory_space<vmem>>, vector<16xf32>,
          %mul3A_423 = arith.constant 5 : i32
          %mul3A_424 = arith.muli %mul3A_423, %scan3A_393 : i32
          %get3A_425 = arith.index_cast %mul3A_424 : i32 to index
          %get3A_426 = arith.constant 48 : index
          %get3A_427 = tpu.vector_load %arg10[%get3A_425, %get3A_426] {strides = array<i32>} : memref<320x128xf32, #tpu.memory_space<vmem>>, vector<16xf32>,
          %swap3A_428 = arith.index_cast %scan3A_393 : i32 to index
          %swap3A_429 = arith.constant 176 : index
          %swap3A_430 = tpu.vector_load %arg11[%swap3A_428, %swap3A_429] {strides = array<i32>} : memref<64x384xf32, #tpu.memory_space<vmem>>, vector<16xf32>,
          tpu.vector_store %arg11[%swap3A_428, %swap3A_429], %get3A_427 {strides = array<i32>} : memref<64x384xf32, #tpu.memory_space<vmem>>, vector<16xf32>,
          %mul3A_431 = arith.constant 5 : i32
          %mul3A_432 = arith.muli %mul3A_431, %scan3A_393 : i32
          %get3A_433 = arith.index_cast %mul3A_432 : i32 to index
          %get3A_434 = arith.constant 64 : index
          %get3A_435 = tpu.vector_load %arg10[%get3A_433, %get3A_434] {strides = array<i32>} : memref<320x128xf32, #tpu.memory_space<vmem>>, vector<16xf32>,
          %swap3A_436 = arith.index_cast %scan3A_393 : i32 to index
          %swap3A_437 = arith.constant 192 : index
          %swap3A_438 = tpu.vector_load %arg11[%swap3A_436, %swap3A_437] {strides = array<i32>} : memref<64x384xf32, #tpu.memory_space<vmem>>, vector<16xf32>,
          tpu.vector_store %arg11[%swap3A_436, %swap3A_437], %get3A_435 {strides = array<i32>} : memref<64x384xf32, #tpu.memory_space<vmem>>, vector<16xf32>,
          %mul3A_439 = arith.constant 5 : i32
          %mul3A_440 = arith.muli %mul3A_439, %scan3A_393 : i32
          %get3A_441 = arith.index_cast %mul3A_440 : i32 to index
          %get3A_442 = arith.constant 80 : index
          %get3A_443 = tpu.vector_load %arg10[%get3A_441, %get3A_442] {strides = array<i32>} : memref<320x128xf32, #tpu.memory_space<vmem>>, vector<16xf32>,
          %swap3A_444 = arith.index_cast %scan3A_393 : i32 to index
          %swap3A_445 = arith.constant 208 : index
          %swap3A_446 = tpu.vector_load %arg11[%swap3A_444, %swap3A_445] {strides = array<i32>} : memref<64x384xf32, #tpu.memory_space<vmem>>, vector<16xf32>,
          tpu.vector_store %arg11[%swap3A_444, %swap3A_445], %get3A_443 {strides = array<i32>} : memref<64x384xf32, #tpu.memory_space<vmem>>, vector<16xf32>,
          %mul3A_447 = arith.constant 5 : i32
          %mul3A_448 = arith.muli %mul3A_447, %scan3A_393 : i32
          %get3A_449 = arith.index_cast %mul3A_448 : i32 to index
          %get3A_450 = arith.constant 96 : index
          %get3A_451 = tpu.vector_load %arg10[%get3A_449, %get3A_450] {strides = array<i32>} : memref<320x128xf32, #tpu.memory_space<vmem>>, vector<16xf32>,
          %swap3A_452 = arith.index_cast %scan3A_393 : i32 to index
          %swap3A_453 = arith.constant 224 : index
          %swap3A_454 = tpu.vector_load %arg11[%swap3A_452, %swap3A_453] {strides = array<i32>} : memref<64x384xf32, #tpu.memory_space<vmem>>, vector<16xf32>,
          tpu.vector_store %arg11[%swap3A_452, %swap3A_453], %get3A_451 {strides = array<i32>} : memref<64x384xf32, #tpu.memory_space<vmem>>, vector<16xf32>,
          %mul3A_455 = arith.constant 5 : i32
          %mul3A_456 = arith.muli %mul3A_455, %scan3A_393 : i32
          %get3A_457 = arith.index_cast %mul3A_456 : i32 to index
          %get3A_458 = arith.constant 112 : index
          %get3A_459 = tpu.vector_load %arg10[%get3A_457, %get3A_458] {strides = array<i32>} : memref<320x128xf32, #tpu.memory_space<vmem>>, vector<16xf32>,
          %swap3A_460 = arith.index_cast %scan3A_393 : i32 to index
          %swap3A_461 = arith.constant 240 : index
          %swap3A_462 = tpu.vector_load %arg11[%swap3A_460, %swap3A_461] {strides = array<i32>} : memref<64x384xf32, #tpu.memory_space<vmem>>, vector<16xf32>,
          tpu.vector_store %arg11[%swap3A_460, %swap3A_461], %get3A_459 {strides = array<i32>} : memref<64x384xf32, #tpu.memory_space<vmem>>, vector<16xf32>,
        } else {
        }
        %convert_element_type3A_398 = arith.extui %lt3A_395 : i1 to i32
        %cond3A_399 = arith.constant 0 : i32
        %cond3A_400 = arith.cmpi ne, %convert_element_type3A_398, %cond3A_399 : i32
        scf.if %cond3A_400 {
          %mul3A_401 = arith.constant 5 : i32
          %mul3A_402 = arith.muli %mul3A_401, %scan3A_393 : i32
          %get3A = arith.index_cast %mul3A_402 : i32 to index
          %get3A_403 = arith.constant 0 : index
          %get3A_404 = tpu.vector_load %arg10[%get3A, %get3A_403] {strides = array<i32>} : memref<320x128xf32, #tpu.memory_space<vmem>>, vector<16xf32>,
          %mul3A_405 = arith.constant 5 : i32
          %mul3A_406 = arith.muli %mul3A_405, %scan3A_393 : i32
          %get3A_407 = arith.index_cast %mul3A_406 : i32 to index
          %get3A_408 = arith.constant 16 : index
          %get3A_409 = tpu.vector_load %arg10[%get3A_407, %get3A_408] {strides = array<i32>} : memref<320x128xf32, #tpu.memory_space<vmem>>, vector<16xf32>,
          %mul3A_410 = arith.constant 5 : i32
          %mul3A_411 = arith.muli %mul3A_410, %scan3A_393 : i32
          %get3A_412 = arith.index_cast %mul3A_411 : i32 to index
          %get3A_413 = arith.constant 32 : index
          %get3A_414 = tpu.vector_load %arg10[%get3A_412, %get3A_413] {strides = array<i32>} : memref<320x128xf32, #tpu.memory_space<vmem>>, vector<16xf32>,
          %mul3A_415 = arith.constant 5 : i32
          %mul3A_416 = arith.muli %mul3A_415, %scan3A_393 : i32
          %get3A_417 = arith.index_cast %mul3A_416 : i32 to index
          %get3A_418 = arith.constant 48 : index
          %get3A_419 = tpu.vector_load %arg10[%get3A_417, %get3A_418] {strides = array<i32>} : memref<320x128xf32, #tpu.memory_space<vmem>>, vector<16xf32>,
          %mul3A_420 = arith.constant 5 : i32
          %mul3A_421 = arith.muli %mul3A_420, %scan3A_393 : i32
          %get3A_422 = arith.index_cast %mul3A_421 : i32 to index
          %get3A_423 = arith.constant 64 : index
          %get3A_424 = tpu.vector_load %arg10[%get3A_422, %get3A_423] {strides = array<i32>} : memref<320x128xf32, #tpu.memory_space<vmem>>, vector<16xf32>,
          %mul3A_425 = arith.constant 5 : i32
          %mul3A_426 = arith.muli %mul3A_425, %scan3A_393 : i32
          %get3A_427 = arith.index_cast %mul3A_426 : i32 to index
          %get3A_428 = arith.constant 80 : index
          %get3A_429 = tpu.vector_load %arg10[%get3A_427, %get3A_428] {strides = array<i32>} : memref<320x128xf32, #tpu.memory_space<vmem>>, vector<16xf32>,
          %mul3A_430 = arith.constant 5 : i32
          %mul3A_431 = arith.muli %mul3A_430, %scan3A_393 : i32
          %get3A_432 = arith.index_cast %mul3A_431 : i32 to index
          %get3A_433 = arith.constant 96 : index
          %get3A_434 = tpu.vector_load %arg10[%get3A_432, %get3A_433] {strides = array<i32>} : memref<320x128xf32, #tpu.memory_space<vmem>>, vector<16xf32>,
          %mul3A_435 = arith.constant 5 : i32
          %mul3A_436 = arith.muli %mul3A_435, %scan3A_393 : i32
          %get3A_437 = arith.index_cast %mul3A_436 : i32 to index
          %get3A_438 = arith.constant 112 : index
          %get3A_439 = tpu.vector_load %arg10[%get3A_437, %get3A_438] {strides = array<i32>} : memref<320x128xf32, #tpu.memory_space<vmem>>, vector<16xf32>,
          %broadcast_in_dim3A_440 = arith.constant 1.000000e+00 : f32
          %broadcast_in_dim3A_441 = vector.broadcast %broadcast_in_dim3A_440 : f32 to vector<16xf32>
          %mul3A_442 = arith.constant 5 : i32
          %mul3A_443 = arith.muli %mul3A_442, %scan3A_393 : i32
          %add3A_444 = arith.constant 1 : i32
          %add3A_445 = arith.addi %mul3A_443, %add3A_444 : i32
          %get3A_446 = arith.index_cast %add3A_445 : i32 to index
          %get3A_447 = arith.constant 0 : index
          %get3A_448 = tpu.vector_load %arg10[%get3A_446, %get3A_447] {strides = array<i32>} : memref<320x128xf32, #tpu.memory_space<vmem>>, vector<16xf32>,
          %mul3A_449 = arith.constant 5 : i32
          %mul3A_450 = arith.muli %mul3A_449, %scan3A_393 : i32
          %add3A_451 = arith.constant 1 : i32
          %add3A_452 = arith.addi %mul3A_450, %add3A_451 : i32
          %get3A_453 = arith.index_cast %add3A_452 : i32 to index
          %get3A_454 = arith.constant 16 : index
          %get3A_455 = tpu.vector_load %arg10[%get3A_453, %get3A_454] {strides = array<i32>} : memref<320x128xf32, #tpu.memory_space<vmem>>, vector<16xf32>,
          %mul3A_456 = arith.constant 5 : i32
          %mul3A_457 = arith.muli %mul3A_456, %scan3A_393 : i32
          %add3A_458 = arith.constant 1 : i32
          %add3A_459 = arith.addi %mul3A_457, %add3A_458 : i32
          %get3A_460 = arith.index_cast %add3A_459 : i32 to index
          %get3A_461 = arith.constant 32 : index
          %get3A_462 = tpu.vector_load %arg10[%get3A_460, %get3A_461] {strides = array<i32>} : memref<320x128xf32, #tpu.memory_space<vmem>>, vector<16xf32>,
          %mul3A_463 = arith.constant 5 : i32
          %mul3A_464 = arith.muli %mul3A_463, %scan3A_393 : i32
          %add3A_465 = arith.constant 1 : i32
          %add3A_466 = arith.addi %mul3A_464, %add3A_465 : i32
          %get3A_467 = arith.index_cast %add3A_466 : i32 to index
          %get3A_468 = arith.constant 48 : index
          %get3A_469 = tpu.vector_load %arg10[%get3A_467, %get3A_468] {strides = array<i32>} : memref<320x128xf32, #tpu.memory_space<vmem>>, vector<16xf32>,
          %mul3A_470 = arith.constant 5 : i32
          %mul3A_471 = arith.muli %mul3A_470, %scan3A_393 : i32
          %add3A_472 = arith.constant 1 : i32
          %add3A_473 = arith.addi %mul3A_471, %add3A_472 : i32
          %get3A_474 = arith.index_cast %add3A_473 : i32 to index
          %get3A_475 = arith.constant 64 : index
          %get3A_476 = tpu.vector_load %arg10[%get3A_474, %get3A_475] {strides = array<i32>} : memref<320x128xf32, #tpu.memory_space<vmem>>, vector<16xf32>,
          %mul3A_477 = arith.constant 5 : i32
          %mul3A_478 = arith.muli %mul3A_477, %scan3A_393 : i32
          %add3A_479 = arith.constant 1 : i32
          %add3A_480 = arith.addi %mul3A_478, %add3A_479 : i32
          %get3A_481 = arith.index_cast %add3A_480 : i32 to index
          %get3A_482 = arith.constant 80 : index
          %get3A_483 = tpu.vector_load %arg10[%get3A_481, %get3A_482] {strides = array<i32>} : memref<320x128xf32, #tpu.memory_space<vmem>>, vector<16xf32>,
          %mul3A_484 = arith.constant 5 : i32
          %mul3A_485 = arith.muli %mul3A_484, %scan3A_393 : i32
          %add3A_486 = arith.constant 1 : i32
          %add3A_487 = arith.addi %mul3A_485, %add3A_486 : i32
          %get3A_488 = arith.index_cast %add3A_487 : i32 to index
          %get3A_489 = arith.constant 96 : index
          %get3A_490 = tpu.vector_load %arg10[%get3A_488, %get3A_489] {strides = array<i32>} : memref<320x128xf32, #tpu.memory_space<vmem>>, vector<16xf32>,
          %mul3A_491 = arith.constant 5 : i32
          %mul3A_492 = arith.muli %mul3A_491, %scan3A_393 : i32
          %add3A_493 = arith.constant 1 : i32
          %add3A_494 = arith.addi %mul3A_492, %add3A_493 : i32
          %get3A_495 = arith.index_cast %add3A_494 : i32 to index
          %get3A_496 = arith.constant 112 : index
          %get3A_497 = tpu.vector_load %arg10[%get3A_495, %get3A_496] {strides = array<i32>} : memref<320x128xf32, #tpu.memory_space<vmem>>, vector<16xf32>,
          %broadcast_in_dim3A_498 = arith.constant 0.000000e+00 : f32
          %broadcast_in_dim3A_499 = vector.broadcast %broadcast_in_dim3A_498 : f32 to vector<16xf32>
          %sub3A = arith.subf %get3A_448, %get3A_404 : vector<16xf32>
          %mul3A_500 = arith.mulf %sub3A, %sub3A : vector<16xf32>
          %add3A_501 = arith.addf %broadcast_in_dim3A_499, %mul3A_500 : vector<16xf32>
          %sub3A_502 = arith.subf %get3A_455, %get3A_409 : vector<16xf32>
          %mul3A_503 = arith.mulf %sub3A_502, %sub3A_502 : vector<16xf32>
          %add3A_504 = arith.addf %add3A_501, %mul3A_503 : vector<16xf32>
          %sub3A_505 = arith.subf %get3A_462, %get3A_414 : vector<16xf32>
          %mul3A_506 = arith.mulf %sub3A_505, %sub3A_505 : vector<16xf32>
          %add3A_507 = arith.addf %add3A_504, %mul3A_506 : vector<16xf32>
          %sub3A_508 = arith.subf %get3A_469, %get3A_419 : vector<16xf32>
          %mul3A_509 = arith.mulf %sub3A_508, %sub3A_508 : vector<16xf32>
          %add3A_510 = arith.addf %add3A_507, %mul3A_509 : vector<16xf32>
          %sub3A_511 = arith.subf %get3A_476, %get3A_424 : vector<16xf32>
          %mul3A_512 = arith.mulf %sub3A_511, %sub3A_511 : vector<16xf32>
          %add3A_513 = arith.addf %add3A_510, %mul3A_512 : vector<16xf32>
          %sub3A_514 = arith.subf %get3A_483, %get3A_429 : vector<16xf32>
          %mul3A_515 = arith.mulf %sub3A_514, %sub3A_514 : vector<16xf32>
          %add3A_516 = arith.addf %add3A_513, %mul3A_515 : vector<16xf32>
          %sub3A_517 = arith.subf %get3A_490, %get3A_434 : vector<16xf32>
          %mul3A_518 = arith.mulf %sub3A_517, %sub3A_517 : vector<16xf32>
          %add3A_519 = arith.addf %add3A_516, %mul3A_518 : vector<16xf32>
          %sub3A_520 = arith.subf %get3A_497, %get3A_439 : vector<16xf32>
          %mul3A_521 = arith.mulf %sub3A_520, %sub3A_520 : vector<16xf32>
          %add3A_522 = arith.addf %add3A_519, %mul3A_521 : vector<16xf32>
          %swap3A = arith.constant 0 : index
          %swap3A_523 = tpu.vector_load %arg12[%swap3A] {strides = array<i32>} : memref<384xf32, #tpu.memory_space<vmem>>, vector<16xf32>,
          tpu.vector_store %arg12[%swap3A], %add3A_522 {strides = array<i32>} : memref<384xf32, #tpu.memory_space<vmem>>, vector<16xf32>,
          %xor3A = arith.constant 8 : i32
          %xor3A_524 = vector.broadcast %xor3A : i32 to vector<16xi32>
          %xor3A_525 = arith.xori %iota3A, %xor3A_524 : vector<16xi32>
          %gather3A_526 = tpu.vector_load_idx %arg12[%xor3A_525] : memref<384xf32, #tpu.memory_space<vmem>>[vector<16xi32>], vector<16xf32>,
          %add3A_527 = arith.addf %add3A_522, %gather3A_526 : vector<16xf32>
          %swap3A_528 = arith.constant 0 : index
          %swap3A_529 = tpu.vector_load %arg12[%swap3A_528] {strides = array<i32>} : memref<384xf32, #tpu.memory_space<vmem>>, vector<16xf32>,
          tpu.vector_store %arg12[%swap3A_528], %add3A_527 {strides = array<i32>} : memref<384xf32, #tpu.memory_space<vmem>>, vector<16xf32>,
          %xor3A_530 = arith.constant 4 : i32
          %xor3A_531 = vector.broadcast %xor3A_530 : i32 to vector<16xi32>
          %xor3A_532 = arith.xori %iota3A, %xor3A_531 : vector<16xi32>
          %gather3A_533 = tpu.vector_load_idx %arg12[%xor3A_532] : memref<384xf32, #tpu.memory_space<vmem>>[vector<16xi32>], vector<16xf32>,
          %add3A_534 = arith.addf %add3A_527, %gather3A_533 : vector<16xf32>
          %swap3A_535 = arith.constant 0 : index
          %swap3A_536 = tpu.vector_load %arg12[%swap3A_535] {strides = array<i32>} : memref<384xf32, #tpu.memory_space<vmem>>, vector<16xf32>,
          tpu.vector_store %arg12[%swap3A_535], %add3A_534 {strides = array<i32>} : memref<384xf32, #tpu.memory_space<vmem>>, vector<16xf32>,
          %xor3A_537 = arith.constant 2 : i32
          %xor3A_538 = vector.broadcast %xor3A_537 : i32 to vector<16xi32>
          %xor3A_539 = arith.xori %iota3A, %xor3A_538 : vector<16xi32>
          %gather3A_540 = tpu.vector_load_idx %arg12[%xor3A_539] : memref<384xf32, #tpu.memory_space<vmem>>[vector<16xi32>], vector<16xf32>,
          %add3A_541 = arith.addf %add3A_534, %gather3A_540 : vector<16xf32>
          %swap3A_542 = arith.constant 0 : index
          %swap3A_543 = tpu.vector_load %arg12[%swap3A_542] {strides = array<i32>} : memref<384xf32, #tpu.memory_space<vmem>>, vector<16xf32>,
          tpu.vector_store %arg12[%swap3A_542], %add3A_541 {strides = array<i32>} : memref<384xf32, #tpu.memory_space<vmem>>, vector<16xf32>,
          %xor3A_544 = arith.constant 1 : i32
          %xor3A_545 = vector.broadcast %xor3A_544 : i32 to vector<16xi32>
          %xor3A_546 = arith.xori %iota3A, %xor3A_545 : vector<16xi32>
          %gather3A_547 = tpu.vector_load_idx %arg12[%xor3A_546] : memref<384xf32, #tpu.memory_space<vmem>>[vector<16xi32>], vector<16xf32>,
          %add3A_548 = arith.addf %add3A_541, %gather3A_547 : vector<16xf32>
          %gt3A = arith.constant 0.000000e+00 : f32
          %gt3A_549 = vector.broadcast %gt3A : f32 to vector<16xf32>
          %gt3A_550 = arith.cmpf ogt, %add3A_548, %gt3A_549 : vector<16xf32>
          %bitcast3A = vector.bitcast %add3A_548 : vector<16xf32> to vector<16xi32>
          %shift_right_arithmetic3A = arith.constant 1 : i32
          %shift_right_arithmetic3A_551 = vector.broadcast %shift_right_arithmetic3A : i32 to vector<16xi32>
          %shift_right_arithmetic3A_552 = arith.shrsi %bitcast3A, %shift_right_arithmetic3A_551 : vector<16xi32>
          %sub3A_553 = arith.constant 1597463007 : i32
          %sub3A_554 = vector.broadcast %sub3A_553 : i32 to vector<16xi32>
          %sub3A_555 = arith.subi %sub3A_554, %shift_right_arithmetic3A_552 : vector<16xi32>
          %bitcast3A_556 = vector.bitcast %sub3A_555 : vector<16xi32> to vector<16xf32>
          %mul3A_557 = arith.constant 5.000000e-01 : f32
          %mul3A_558 = vector.broadcast %mul3A_557 : f32 to vector<16xf32>
          %mul3A_559 = arith.mulf %mul3A_558, %add3A_548 : vector<16xf32>
          %mul3A_560 = arith.mulf %mul3A_559, %bitcast3A_556 : vector<16xf32>
          %mul3A_561 = arith.mulf %mul3A_560, %bitcast3A_556 : vector<16xf32>
          %sub3A_562 = arith.constant 1.500000e+00 : f32
          %sub3A_563 = vector.broadcast %sub3A_562 : f32 to vector<16xf32>
          %sub3A_564 = arith.subf %sub3A_563, %mul3A_561 : vector<16xf32>
          %mul3A_565 = arith.mulf %bitcast3A_556, %sub3A_564 : vector<16xf32>
          %mul3A_566 = arith.constant 5.000000e-01 : f32
          %mul3A_567 = vector.broadcast %mul3A_566 : f32 to vector<16xf32>
          %mul3A_568 = arith.mulf %mul3A_567, %add3A_548 : vector<16xf32>
          %mul3A_569 = arith.mulf %mul3A_568, %mul3A_565 : vector<16xf32>
          %mul3A_570 = arith.mulf %mul3A_569, %mul3A_565 : vector<16xf32>
          %sub3A_571 = arith.constant 1.500000e+00 : f32
          %sub3A_572 = vector.broadcast %sub3A_571 : f32 to vector<16xf32>
          %sub3A_573 = arith.subf %sub3A_572, %mul3A_570 : vector<16xf32>
          %mul3A_574 = arith.mulf %mul3A_565, %sub3A_573 : vector<16xf32>
          %mul3A_575 = arith.constant 5.000000e-01 : f32
          %mul3A_576 = vector.broadcast %mul3A_575 : f32 to vector<16xf32>
          %mul3A_577 = arith.mulf %mul3A_576, %add3A_548 : vector<16xf32>
          %mul3A_578 = arith.mulf %mul3A_577, %mul3A_574 : vector<16xf32>
          %mul3A_579 = arith.mulf %mul3A_578, %mul3A_574 : vector<16xf32>
          %sub3A_580 = arith.constant 1.500000e+00 : f32
          %sub3A_581 = vector.broadcast %sub3A_580 : f32 to vector<16xf32>
          %sub3A_582 = arith.subf %sub3A_581, %mul3A_579 : vector<16xf32>
          %mul3A_583 = arith.mulf %mul3A_574, %sub3A_582 : vector<16xf32>
          %mul3A_584 = arith.mulf %add3A_548, %mul3A_583 : vector<16xf32>
          %jit3A = arith.constant 0.000000e+00 : f32
          %broadcast_in_dim3A_585 = vector.broadcast %jit3A : f32 to vector<16xf32>
          %select_n3A = arith.select %gt3A_550, %mul3A_584, %broadcast_in_dim3A_585 : vector<16xi1>, vector<16xf32>
          %neg3A = arith.constant 0.000000e+00 : f32
          %neg3A_586 = vector.broadcast %neg3A : f32 to vector<16xf32>
          %neg3A_587 = arith.subf %neg3A_586, %select_n3A : vector<16xf32>
          %exp3A = math.exp %neg3A_587 : vector<16xf32>
          %mul3A_588 = arith.mulf %exp3A, %get3A_448 : vector<16xf32>
          %add3A_589 = arith.addf %get3A_404, %mul3A_588 : vector<16xf32>
          %mul3A_590 = arith.mulf %exp3A, %get3A_455 : vector<16xf32>
          %add3A_591 = arith.addf %get3A_409, %mul3A_590 : vector<16xf32>
          %mul3A_592 = arith.mulf %exp3A, %get3A_462 : vector<16xf32>
          %add3A_593 = arith.addf %get3A_414, %mul3A_592 : vector<16xf32>
          %mul3A_594 = arith.mulf %exp3A, %get3A_469 : vector<16xf32>
          %add3A_595 = arith.addf %get3A_419, %mul3A_594 : vector<16xf32>
          %mul3A_596 = arith.mulf %exp3A, %get3A_476 : vector<16xf32>
          %add3A_597 = arith.addf %get3A_424, %mul3A_596 : vector<16xf32>
          %mul3A_598 = arith.mulf %exp3A, %get3A_483 : vector<16xf32>
          %add3A_599 = arith.addf %get3A_429, %mul3A_598 : vector<16xf32>
          %mul3A_600 = arith.mulf %exp3A, %get3A_490 : vector<16xf32>
          %add3A_601 = arith.addf %get3A_434, %mul3A_600 : vector<16xf32>
          %mul3A_602 = arith.mulf %exp3A, %get3A_497 : vector<16xf32>
          %add3A_603 = arith.addf %get3A_439, %mul3A_602 : vector<16xf32>
          %add3A_604 = arith.addf %broadcast_in_dim3A_441, %exp3A : vector<16xf32>
          %mul3A_605 = arith.constant 5 : i32
          %mul3A_606 = arith.muli %mul3A_605, %scan3A_393 : i32
          %add3A_607 = arith.constant 2 : i32
          %add3A_608 = arith.addi %mul3A_606, %add3A_607 : i32
          %get3A_609 = arith.index_cast %add3A_608 : i32 to index
          %get3A_610 = arith.constant 0 : index
          %get3A_611 = tpu.vector_load %arg10[%get3A_609, %get3A_610] {strides = array<i32>} : memref<320x128xf32, #tpu.memory_space<vmem>>, vector<16xf32>,
          %mul3A_612 = arith.constant 5 : i32
          %mul3A_613 = arith.muli %mul3A_612, %scan3A_393 : i32
          %add3A_614 = arith.constant 2 : i32
          %add3A_615 = arith.addi %mul3A_613, %add3A_614 : i32
          %get3A_616 = arith.index_cast %add3A_615 : i32 to index
          %get3A_617 = arith.constant 16 : index
          %get3A_618 = tpu.vector_load %arg10[%get3A_616, %get3A_617] {strides = array<i32>} : memref<320x128xf32, #tpu.memory_space<vmem>>, vector<16xf32>,
          %mul3A_619 = arith.constant 5 : i32
          %mul3A_620 = arith.muli %mul3A_619, %scan3A_393 : i32
          %add3A_621 = arith.constant 2 : i32
          %add3A_622 = arith.addi %mul3A_620, %add3A_621 : i32
          %get3A_623 = arith.index_cast %add3A_622 : i32 to index
          %get3A_624 = arith.constant 32 : index
          %get3A_625 = tpu.vector_load %arg10[%get3A_623, %get3A_624] {strides = array<i32>} : memref<320x128xf32, #tpu.memory_space<vmem>>, vector<16xf32>,
          %mul3A_626 = arith.constant 5 : i32
          %mul3A_627 = arith.muli %mul3A_626, %scan3A_393 : i32
          %add3A_628 = arith.constant 2 : i32
          %add3A_629 = arith.addi %mul3A_627, %add3A_628 : i32
          %get3A_630 = arith.index_cast %add3A_629 : i32 to index
          %get3A_631 = arith.constant 48 : index
          %get3A_632 = tpu.vector_load %arg10[%get3A_630, %get3A_631] {strides = array<i32>} : memref<320x128xf32, #tpu.memory_space<vmem>>, vector<16xf32>,
          %mul3A_633 = arith.constant 5 : i32
          %mul3A_634 = arith.muli %mul3A_633, %scan3A_393 : i32
          %add3A_635 = arith.constant 2 : i32
          %add3A_636 = arith.addi %mul3A_634, %add3A_635 : i32
          %get3A_637 = arith.index_cast %add3A_636 : i32 to index
          %get3A_638 = arith.constant 64 : index
          %get3A_639 = tpu.vector_load %arg10[%get3A_637, %get3A_638] {strides = array<i32>} : memref<320x128xf32, #tpu.memory_space<vmem>>, vector<16xf32>,
          %mul3A_640 = arith.constant 5 : i32
          %mul3A_641 = arith.muli %mul3A_640, %scan3A_393 : i32
          %add3A_642 = arith.constant 2 : i32
          %add3A_643 = arith.addi %mul3A_641, %add3A_642 : i32
          %get3A_644 = arith.index_cast %add3A_643 : i32 to index
          %get3A_645 = arith.constant 80 : index
          %get3A_646 = tpu.vector_load %arg10[%get3A_644, %get3A_645] {strides = array<i32>} : memref<320x128xf32, #tpu.memory_space<vmem>>, vector<16xf32>,
          %mul3A_647 = arith.constant 5 : i32
          %mul3A_648 = arith.muli %mul3A_647, %scan3A_393 : i32
          %add3A_649 = arith.constant 2 : i32
          %add3A_650 = arith.addi %mul3A_648, %add3A_649 : i32
          %get3A_651 = arith.index_cast %add3A_650 : i32 to index
          %get3A_652 = arith.constant 96 : index
          %get3A_653 = tpu.vector_load %arg10[%get3A_651, %get3A_652] {strides = array<i32>} : memref<320x128xf32, #tpu.memory_space<vmem>>, vector<16xf32>,
          %mul3A_654 = arith.constant 5 : i32
          %mul3A_655 = arith.muli %mul3A_654, %scan3A_393 : i32
          %add3A_656 = arith.constant 2 : i32
          %add3A_657 = arith.addi %mul3A_655, %add3A_656 : i32
          %get3A_658 = arith.index_cast %add3A_657 : i32 to index
          %get3A_659 = arith.constant 112 : index
          %get3A_660 = tpu.vector_load %arg10[%get3A_658, %get3A_659] {strides = array<i32>} : memref<320x128xf32, #tpu.memory_space<vmem>>, vector<16xf32>,
          %broadcast_in_dim3A_661 = arith.constant 0.000000e+00 : f32
          %broadcast_in_dim3A_662 = vector.broadcast %broadcast_in_dim3A_661 : f32 to vector<16xf32>
          %sub3A_663 = arith.subf %get3A_611, %get3A_404 : vector<16xf32>
          %mul3A_664 = arith.mulf %sub3A_663, %sub3A_663 : vector<16xf32>
          %add3A_665 = arith.addf %broadcast_in_dim3A_662, %mul3A_664 : vector<16xf32>
          %sub3A_666 = arith.subf %get3A_618, %get3A_409 : vector<16xf32>
          %mul3A_667 = arith.mulf %sub3A_666, %sub3A_666 : vector<16xf32>
          %add3A_668 = arith.addf %add3A_665, %mul3A_667 : vector<16xf32>
          %sub3A_669 = arith.subf %get3A_625, %get3A_414 : vector<16xf32>
          %mul3A_670 = arith.mulf %sub3A_669, %sub3A_669 : vector<16xf32>
          %add3A_671 = arith.addf %add3A_668, %mul3A_670 : vector<16xf32>
          %sub3A_672 = arith.subf %get3A_632, %get3A_419 : vector<16xf32>
          %mul3A_673 = arith.mulf %sub3A_672, %sub3A_672 : vector<16xf32>
          %add3A_674 = arith.addf %add3A_671, %mul3A_673 : vector<16xf32>
          %sub3A_675 = arith.subf %get3A_639, %get3A_424 : vector<16xf32>
          %mul3A_676 = arith.mulf %sub3A_675, %sub3A_675 : vector<16xf32>
          %add3A_677 = arith.addf %add3A_674, %mul3A_676 : vector<16xf32>
          %sub3A_678 = arith.subf %get3A_646, %get3A_429 : vector<16xf32>
          %mul3A_679 = arith.mulf %sub3A_678, %sub3A_678 : vector<16xf32>
          %add3A_680 = arith.addf %add3A_677, %mul3A_679 : vector<16xf32>
          %sub3A_681 = arith.subf %get3A_653, %get3A_434 : vector<16xf32>
          %mul3A_682 = arith.mulf %sub3A_681, %sub3A_681 : vector<16xf32>
          %add3A_683 = arith.addf %add3A_680, %mul3A_682 : vector<16xf32>
          %sub3A_684 = arith.subf %get3A_660, %get3A_439 : vector<16xf32>
          %mul3A_685 = arith.mulf %sub3A_684, %sub3A_684 : vector<16xf32>
          %add3A_686 = arith.addf %add3A_683, %mul3A_685 : vector<16xf32>
          %swap3A_687 = arith.constant 0 : index
          %swap3A_688 = tpu.vector_load %arg12[%swap3A_687] {strides = array<i32>} : memref<384xf32, #tpu.memory_space<vmem>>, vector<16xf32>,
          tpu.vector_store %arg12[%swap3A_687], %add3A_686 {strides = array<i32>} : memref<384xf32, #tpu.memory_space<vmem>>, vector<16xf32>,
          %xor3A_689 = arith.constant 8 : i32
          %xor3A_690 = vector.broadcast %xor3A_689 : i32 to vector<16xi32>
          %xor3A_691 = arith.xori %iota3A, %xor3A_690 : vector<16xi32>
          %gather3A_692 = tpu.vector_load_idx %arg12[%xor3A_691] : memref<384xf32, #tpu.memory_space<vmem>>[vector<16xi32>], vector<16xf32>,
          %add3A_693 = arith.addf %add3A_686, %gather3A_692 : vector<16xf32>
          %swap3A_694 = arith.constant 0 : index
          %swap3A_695 = tpu.vector_load %arg12[%swap3A_694] {strides = array<i32>} : memref<384xf32, #tpu.memory_space<vmem>>, vector<16xf32>,
          tpu.vector_store %arg12[%swap3A_694], %add3A_693 {strides = array<i32>} : memref<384xf32, #tpu.memory_space<vmem>>, vector<16xf32>,
          %xor3A_696 = arith.constant 4 : i32
          %xor3A_697 = vector.broadcast %xor3A_696 : i32 to vector<16xi32>
          %xor3A_698 = arith.xori %iota3A, %xor3A_697 : vector<16xi32>
          %gather3A_699 = tpu.vector_load_idx %arg12[%xor3A_698] : memref<384xf32, #tpu.memory_space<vmem>>[vector<16xi32>], vector<16xf32>,
          %add3A_700 = arith.addf %add3A_693, %gather3A_699 : vector<16xf32>
          %swap3A_701 = arith.constant 0 : index
          %swap3A_702 = tpu.vector_load %arg12[%swap3A_701] {strides = array<i32>} : memref<384xf32, #tpu.memory_space<vmem>>, vector<16xf32>,
          tpu.vector_store %arg12[%swap3A_701], %add3A_700 {strides = array<i32>} : memref<384xf32, #tpu.memory_space<vmem>>, vector<16xf32>,
          %xor3A_703 = arith.constant 2 : i32
          %xor3A_704 = vector.broadcast %xor3A_703 : i32 to vector<16xi32>
          %xor3A_705 = arith.xori %iota3A, %xor3A_704 : vector<16xi32>
          %gather3A_706 = tpu.vector_load_idx %arg12[%xor3A_705] : memref<384xf32, #tpu.memory_space<vmem>>[vector<16xi32>], vector<16xf32>,
          %add3A_707 = arith.addf %add3A_700, %gather3A_706 : vector<16xf32>
          %swap3A_708 = arith.constant 0 : index
          %swap3A_709 = tpu.vector_load %arg12[%swap3A_708] {strides = array<i32>} : memref<384xf32, #tpu.memory_space<vmem>>, vector<16xf32>,
          tpu.vector_store %arg12[%swap3A_708], %add3A_707 {strides = array<i32>} : memref<384xf32, #tpu.memory_space<vmem>>, vector<16xf32>,
          %xor3A_710 = arith.constant 1 : i32
          %xor3A_711 = vector.broadcast %xor3A_710 : i32 to vector<16xi32>
          %xor3A_712 = arith.xori %iota3A, %xor3A_711 : vector<16xi32>
          %gather3A_713 = tpu.vector_load_idx %arg12[%xor3A_712] : memref<384xf32, #tpu.memory_space<vmem>>[vector<16xi32>], vector<16xf32>,
          %add3A_714 = arith.addf %add3A_707, %gather3A_713 : vector<16xf32>
          %gt3A_715 = arith.constant 0.000000e+00 : f32
          %gt3A_716 = vector.broadcast %gt3A_715 : f32 to vector<16xf32>
          %gt3A_717 = arith.cmpf ogt, %add3A_714, %gt3A_716 : vector<16xf32>
          %bitcast3A_718 = vector.bitcast %add3A_714 : vector<16xf32> to vector<16xi32>
          %shift_right_arithmetic3A_719 = arith.constant 1 : i32
          %shift_right_arithmetic3A_720 = vector.broadcast %shift_right_arithmetic3A_719 : i32 to vector<16xi32>
          %shift_right_arithmetic3A_721 = arith.shrsi %bitcast3A_718, %shift_right_arithmetic3A_720 : vector<16xi32>
          %sub3A_722 = arith.constant 1597463007 : i32
          %sub3A_723 = vector.broadcast %sub3A_722 : i32 to vector<16xi32>
          %sub3A_724 = arith.subi %sub3A_723, %shift_right_arithmetic3A_721 : vector<16xi32>
          %bitcast3A_725 = vector.bitcast %sub3A_724 : vector<16xi32> to vector<16xf32>
          %mul3A_726 = arith.constant 5.000000e-01 : f32
          %mul3A_727 = vector.broadcast %mul3A_726 : f32 to vector<16xf32>
          %mul3A_728 = arith.mulf %mul3A_727, %add3A_714 : vector<16xf32>
          %mul3A_729 = arith.mulf %mul3A_728, %bitcast3A_725 : vector<16xf32>
          %mul3A_730 = arith.mulf %mul3A_729, %bitcast3A_725 : vector<16xf32>
          %sub3A_731 = arith.constant 1.500000e+00 : f32
          %sub3A_732 = vector.broadcast %sub3A_731 : f32 to vector<16xf32>
          %sub3A_733 = arith.subf %sub3A_732, %mul3A_730 : vector<16xf32>
          %mul3A_734 = arith.mulf %bitcast3A_725, %sub3A_733 : vector<16xf32>
          %mul3A_735 = arith.constant 5.000000e-01 : f32
          %mul3A_736 = vector.broadcast %mul3A_735 : f32 to vector<16xf32>
          %mul3A_737 = arith.mulf %mul3A_736, %add3A_714 : vector<16xf32>
          %mul3A_738 = arith.mulf %mul3A_737, %mul3A_734 : vector<16xf32>
          %mul3A_739 = arith.mulf %mul3A_738, %mul3A_734 : vector<16xf32>
          %sub3A_740 = arith.constant 1.500000e+00 : f32
          %sub3A_741 = vector.broadcast %sub3A_740 : f32 to vector<16xf32>
          %sub3A_742 = arith.subf %sub3A_741, %mul3A_739 : vector<16xf32>
          %mul3A_743 = arith.mulf %mul3A_734, %sub3A_742 : vector<16xf32>
          %mul3A_744 = arith.constant 5.000000e-01 : f32
          %mul3A_745 = vector.broadcast %mul3A_744 : f32 to vector<16xf32>
          %mul3A_746 = arith.mulf %mul3A_745, %add3A_714 : vector<16xf32>
          %mul3A_747 = arith.mulf %mul3A_746, %mul3A_743 : vector<16xf32>
          %mul3A_748 = arith.mulf %mul3A_747, %mul3A_743 : vector<16xf32>
          %sub3A_749 = arith.constant 1.500000e+00 : f32
          %sub3A_750 = vector.broadcast %sub3A_749 : f32 to vector<16xf32>
          %sub3A_751 = arith.subf %sub3A_750, %mul3A_748 : vector<16xf32>
          %mul3A_752 = arith.mulf %mul3A_743, %sub3A_751 : vector<16xf32>
          %mul3A_753 = arith.mulf %add3A_714, %mul3A_752 : vector<16xf32>
          %jit3A_754 = arith.constant 0.000000e+00 : f32
          %broadcast_in_dim3A_755 = vector.broadcast %jit3A_754 : f32 to vector<16xf32>
          %select_n3A_756 = arith.select %gt3A_717, %mul3A_753, %broadcast_in_dim3A_755 : vector<16xi1>, vector<16xf32>
          %neg3A_757 = arith.constant 0.000000e+00 : f32
          %neg3A_758 = vector.broadcast %neg3A_757 : f32 to vector<16xf32>
          %neg3A_759 = arith.subf %neg3A_758, %select_n3A_756 : vector<16xf32>
          %exp3A_760 = math.exp %neg3A_759 : vector<16xf32>
          %mul3A_761 = arith.mulf %exp3A_760, %get3A_611 : vector<16xf32>
          %add3A_762 = arith.addf %add3A_589, %mul3A_761 : vector<16xf32>
          %mul3A_763 = arith.mulf %exp3A_760, %get3A_618 : vector<16xf32>
          %add3A_764 = arith.addf %add3A_591, %mul3A_763 : vector<16xf32>
          %mul3A_765 = arith.mulf %exp3A_760, %get3A_625 : vector<16xf32>
          %add3A_766 = arith.addf %add3A_593, %mul3A_765 : vector<16xf32>
          %mul3A_767 = arith.mulf %exp3A_760, %get3A_632 : vector<16xf32>
          %add3A_768 = arith.addf %add3A_595, %mul3A_767 : vector<16xf32>
          %mul3A_769 = arith.mulf %exp3A_760, %get3A_639 : vector<16xf32>
          %add3A_770 = arith.addf %add3A_597, %mul3A_769 : vector<16xf32>
          %mul3A_771 = arith.mulf %exp3A_760, %get3A_646 : vector<16xf32>
          %add3A_772 = arith.addf %add3A_599, %mul3A_771 : vector<16xf32>
          %mul3A_773 = arith.mulf %exp3A_760, %get3A_653 : vector<16xf32>
          %add3A_774 = arith.addf %add3A_601, %mul3A_773 : vector<16xf32>
          %mul3A_775 = arith.mulf %exp3A_760, %get3A_660 : vector<16xf32>
          %add3A_776 = arith.addf %add3A_603, %mul3A_775 : vector<16xf32>
          %add3A_777 = arith.addf %add3A_604, %exp3A_760 : vector<16xf32>
          %div3A = arith.divf %add3A_762, %add3A_777 : vector<16xf32>
          %div3A_778 = arith.divf %add3A_764, %add3A_777 : vector<16xf32>
          %div3A_779 = arith.divf %add3A_766, %add3A_777 : vector<16xf32>
          %div3A_780 = arith.divf %add3A_768, %add3A_777 : vector<16xf32>
          %div3A_781 = arith.divf %add3A_770, %add3A_777 : vector<16xf32>
          %div3A_782 = arith.divf %add3A_772, %add3A_777 : vector<16xf32>
          %div3A_783 = arith.divf %add3A_774, %add3A_777 : vector<16xf32>
          %div3A_784 = arith.divf %add3A_776, %add3A_777 : vector<16xf32>
          %mul3A_785 = arith.constant 5 : i32
          %mul3A_786 = arith.muli %mul3A_785, %scan3A_393 : i32
          %add3A_787 = arith.constant 3 : i32
          %add3A_788 = arith.addi %mul3A_786, %add3A_787 : i32
          %get3A_789 = arith.index_cast %add3A_788 : i32 to index
          %get3A_790 = arith.constant 0 : index
          %get3A_791 = tpu.vector_load %arg10[%get3A_789, %get3A_790] {strides = array<i32>} : memref<320x128xf32, #tpu.memory_space<vmem>>, vector<16xf32>,
          %mul3A_792 = arith.constant 5 : i32
          %mul3A_793 = arith.muli %mul3A_792, %scan3A_393 : i32
          %add3A_794 = arith.constant 3 : i32
          %add3A_795 = arith.addi %mul3A_793, %add3A_794 : i32
          %get3A_796 = arith.index_cast %add3A_795 : i32 to index
          %get3A_797 = arith.constant 16 : index
          %get3A_798 = tpu.vector_load %arg10[%get3A_796, %get3A_797] {strides = array<i32>} : memref<320x128xf32, #tpu.memory_space<vmem>>, vector<16xf32>,
          %mul3A_799 = arith.constant 5 : i32
          %mul3A_800 = arith.muli %mul3A_799, %scan3A_393 : i32
          %add3A_801 = arith.constant 3 : i32
          %add3A_802 = arith.addi %mul3A_800, %add3A_801 : i32
          %get3A_803 = arith.index_cast %add3A_802 : i32 to index
          %get3A_804 = arith.constant 32 : index
          %get3A_805 = tpu.vector_load %arg10[%get3A_803, %get3A_804] {strides = array<i32>} : memref<320x128xf32, #tpu.memory_space<vmem>>, vector<16xf32>,
          %mul3A_806 = arith.constant 5 : i32
          %mul3A_807 = arith.muli %mul3A_806, %scan3A_393 : i32
          %add3A_808 = arith.constant 3 : i32
          %add3A_809 = arith.addi %mul3A_807, %add3A_808 : i32
          %get3A_810 = arith.index_cast %add3A_809 : i32 to index
          %get3A_811 = arith.constant 48 : index
          %get3A_812 = tpu.vector_load %arg10[%get3A_810, %get3A_811] {strides = array<i32>} : memref<320x128xf32, #tpu.memory_space<vmem>>, vector<16xf32>,
          %mul3A_813 = arith.constant 5 : i32
          %mul3A_814 = arith.muli %mul3A_813, %scan3A_393 : i32
          %add3A_815 = arith.constant 3 : i32
          %add3A_816 = arith.addi %mul3A_814, %add3A_815 : i32
          %get3A_817 = arith.index_cast %add3A_816 : i32 to index
          %get3A_818 = arith.constant 64 : index
          %get3A_819 = tpu.vector_load %arg10[%get3A_817, %get3A_818] {strides = array<i32>} : memref<320x128xf32, #tpu.memory_space<vmem>>, vector<16xf32>,
          %mul3A_820 = arith.constant 5 : i32
          %mul3A_821 = arith.muli %mul3A_820, %scan3A_393 : i32
          %add3A_822 = arith.constant 3 : i32
          %add3A_823 = arith.addi %mul3A_821, %add3A_822 : i32
          %get3A_824 = arith.index_cast %add3A_823 : i32 to index
          %get3A_825 = arith.constant 80 : index
          %get3A_826 = tpu.vector_load %arg10[%get3A_824, %get3A_825] {strides = array<i32>} : memref<320x128xf32, #tpu.memory_space<vmem>>, vector<16xf32>,
          %mul3A_827 = arith.constant 5 : i32
          %mul3A_828 = arith.muli %mul3A_827, %scan3A_393 : i32
          %add3A_829 = arith.constant 3 : i32
          %add3A_830 = arith.addi %mul3A_828, %add3A_829 : i32
          %get3A_831 = arith.index_cast %add3A_830 : i32 to index
          %get3A_832 = arith.constant 96 : index
          %get3A_833 = tpu.vector_load %arg10[%get3A_831, %get3A_832] {strides = array<i32>} : memref<320x128xf32, #tpu.memory_space<vmem>>, vector<16xf32>,
          %mul3A_834 = arith.constant 5 : i32
          %mul3A_835 = arith.muli %mul3A_834, %scan3A_393 : i32
          %add3A_836 = arith.constant 3 : i32
          %add3A_837 = arith.addi %mul3A_835, %add3A_836 : i32
          %get3A_838 = arith.index_cast %add3A_837 : i32 to index
          %get3A_839 = arith.constant 112 : index
          %get3A_840 = tpu.vector_load %arg10[%get3A_838, %get3A_839] {strides = array<i32>} : memref<320x128xf32, #tpu.memory_space<vmem>>, vector<16xf32>,
          %broadcast_in_dim3A_841 = arith.constant 0.000000e+00 : f32
          %broadcast_in_dim3A_842 = vector.broadcast %broadcast_in_dim3A_841 : f32 to vector<16xf32>
          %sub3A_843 = arith.subf %get3A_791, %get3A_404 : vector<16xf32>
          %mul3A_844 = arith.mulf %sub3A_843, %sub3A_843 : vector<16xf32>
          %add3A_845 = arith.addf %broadcast_in_dim3A_842, %mul3A_844 : vector<16xf32>
          %sub3A_846 = arith.subf %get3A_798, %get3A_409 : vector<16xf32>
          %mul3A_847 = arith.mulf %sub3A_846, %sub3A_846 : vector<16xf32>
          %add3A_848 = arith.addf %add3A_845, %mul3A_847 : vector<16xf32>
          %sub3A_849 = arith.subf %get3A_805, %get3A_414 : vector<16xf32>
          %mul3A_850 = arith.mulf %sub3A_849, %sub3A_849 : vector<16xf32>
          %add3A_851 = arith.addf %add3A_848, %mul3A_850 : vector<16xf32>
          %sub3A_852 = arith.subf %get3A_812, %get3A_419 : vector<16xf32>
          %mul3A_853 = arith.mulf %sub3A_852, %sub3A_852 : vector<16xf32>
          %add3A_854 = arith.addf %add3A_851, %mul3A_853 : vector<16xf32>
          %sub3A_855 = arith.subf %get3A_819, %get3A_424 : vector<16xf32>
          %mul3A_856 = arith.mulf %sub3A_855, %sub3A_855 : vector<16xf32>
          %add3A_857 = arith.addf %add3A_854, %mul3A_856 : vector<16xf32>
          %sub3A_858 = arith.subf %get3A_826, %get3A_429 : vector<16xf32>
          %mul3A_859 = arith.mulf %sub3A_858, %sub3A_858 : vector<16xf32>
          %add3A_860 = arith.addf %add3A_857, %mul3A_859 : vector<16xf32>
          %sub3A_861 = arith.subf %get3A_833, %get3A_434 : vector<16xf32>
          %mul3A_862 = arith.mulf %sub3A_861, %sub3A_861 : vector<16xf32>
          %add3A_863 = arith.addf %add3A_860, %mul3A_862 : vector<16xf32>
          %sub3A_864 = arith.subf %get3A_840, %get3A_439 : vector<16xf32>
          %mul3A_865 = arith.mulf %sub3A_864, %sub3A_864 : vector<16xf32>
          %add3A_866 = arith.addf %add3A_863, %mul3A_865 : vector<16xf32>
          %swap3A_867 = arith.constant 0 : index
          %swap3A_868 = tpu.vector_load %arg12[%swap3A_867] {strides = array<i32>} : memref<384xf32, #tpu.memory_space<vmem>>, vector<16xf32>,
          tpu.vector_store %arg12[%swap3A_867], %add3A_866 {strides = array<i32>} : memref<384xf32, #tpu.memory_space<vmem>>, vector<16xf32>,
          %xor3A_869 = arith.constant 8 : i32
          %xor3A_870 = vector.broadcast %xor3A_869 : i32 to vector<16xi32>
          %xor3A_871 = arith.xori %iota3A, %xor3A_870 : vector<16xi32>
          %gather3A_872 = tpu.vector_load_idx %arg12[%xor3A_871] : memref<384xf32, #tpu.memory_space<vmem>>[vector<16xi32>], vector<16xf32>,
          %add3A_873 = arith.addf %add3A_866, %gather3A_872 : vector<16xf32>
          %swap3A_874 = arith.constant 0 : index
          %swap3A_875 = tpu.vector_load %arg12[%swap3A_874] {strides = array<i32>} : memref<384xf32, #tpu.memory_space<vmem>>, vector<16xf32>,
          tpu.vector_store %arg12[%swap3A_874], %add3A_873 {strides = array<i32>} : memref<384xf32, #tpu.memory_space<vmem>>, vector<16xf32>,
          %xor3A_876 = arith.constant 4 : i32
          %xor3A_877 = vector.broadcast %xor3A_876 : i32 to vector<16xi32>
          %xor3A_878 = arith.xori %iota3A, %xor3A_877 : vector<16xi32>
          %gather3A_879 = tpu.vector_load_idx %arg12[%xor3A_878] : memref<384xf32, #tpu.memory_space<vmem>>[vector<16xi32>], vector<16xf32>,
          %add3A_880 = arith.addf %add3A_873, %gather3A_879 : vector<16xf32>
          %swap3A_881 = arith.constant 0 : index
          %swap3A_882 = tpu.vector_load %arg12[%swap3A_881] {strides = array<i32>} : memref<384xf32, #tpu.memory_space<vmem>>, vector<16xf32>,
          tpu.vector_store %arg12[%swap3A_881], %add3A_880 {strides = array<i32>} : memref<384xf32, #tpu.memory_space<vmem>>, vector<16xf32>,
          %xor3A_883 = arith.constant 2 : i32
          %xor3A_884 = vector.broadcast %xor3A_883 : i32 to vector<16xi32>
          %xor3A_885 = arith.xori %iota3A, %xor3A_884 : vector<16xi32>
          %gather3A_886 = tpu.vector_load_idx %arg12[%xor3A_885] : memref<384xf32, #tpu.memory_space<vmem>>[vector<16xi32>], vector<16xf32>,
          %add3A_887 = arith.addf %add3A_880, %gather3A_886 : vector<16xf32>
          %swap3A_888 = arith.constant 0 : index
          %swap3A_889 = tpu.vector_load %arg12[%swap3A_888] {strides = array<i32>} : memref<384xf32, #tpu.memory_space<vmem>>, vector<16xf32>,
          tpu.vector_store %arg12[%swap3A_888], %add3A_887 {strides = array<i32>} : memref<384xf32, #tpu.memory_space<vmem>>, vector<16xf32>,
          %xor3A_890 = arith.constant 1 : i32
          %xor3A_891 = vector.broadcast %xor3A_890 : i32 to vector<16xi32>
          %xor3A_892 = arith.xori %iota3A, %xor3A_891 : vector<16xi32>
          %gather3A_893 = tpu.vector_load_idx %arg12[%xor3A_892] : memref<384xf32, #tpu.memory_space<vmem>>[vector<16xi32>], vector<16xf32>,
          %add3A_894 = arith.addf %add3A_887, %gather3A_893 : vector<16xf32>
          %gt3A_895 = arith.constant 0.000000e+00 : f32
          %gt3A_896 = vector.broadcast %gt3A_895 : f32 to vector<16xf32>
          %gt3A_897 = arith.cmpf ogt, %add3A_894, %gt3A_896 : vector<16xf32>
          %bitcast3A_898 = vector.bitcast %add3A_894 : vector<16xf32> to vector<16xi32>
          %shift_right_arithmetic3A_899 = arith.constant 1 : i32
          %shift_right_arithmetic3A_900 = vector.broadcast %shift_right_arithmetic3A_899 : i32 to vector<16xi32>
          %shift_right_arithmetic3A_901 = arith.shrsi %bitcast3A_898, %shift_right_arithmetic3A_900 : vector<16xi32>
          %sub3A_902 = arith.constant 1597463007 : i32
          %sub3A_903 = vector.broadcast %sub3A_902 : i32 to vector<16xi32>
          %sub3A_904 = arith.subi %sub3A_903, %shift_right_arithmetic3A_901 : vector<16xi32>
          %bitcast3A_905 = vector.bitcast %sub3A_904 : vector<16xi32> to vector<16xf32>
          %mul3A_906 = arith.constant 5.000000e-01 : f32
          %mul3A_907 = vector.broadcast %mul3A_906 : f32 to vector<16xf32>
          %mul3A_908 = arith.mulf %mul3A_907, %add3A_894 : vector<16xf32>
          %mul3A_909 = arith.mulf %mul3A_908, %bitcast3A_905 : vector<16xf32>
          %mul3A_910 = arith.mulf %mul3A_909, %bitcast3A_905 : vector<16xf32>
          %sub3A_911 = arith.constant 1.500000e+00 : f32
          %sub3A_912 = vector.broadcast %sub3A_911 : f32 to vector<16xf32>
          %sub3A_913 = arith.subf %sub3A_912, %mul3A_910 : vector<16xf32>
          %mul3A_914 = arith.mulf %bitcast3A_905, %sub3A_913 : vector<16xf32>
          %mul3A_915 = arith.constant 5.000000e-01 : f32
          %mul3A_916 = vector.broadcast %mul3A_915 : f32 to vector<16xf32>
          %mul3A_917 = arith.mulf %mul3A_916, %add3A_894 : vector<16xf32>
          %mul3A_918 = arith.mulf %mul3A_917, %mul3A_914 : vector<16xf32>
          %mul3A_919 = arith.mulf %mul3A_918, %mul3A_914 : vector<16xf32>
          %sub3A_920 = arith.constant 1.500000e+00 : f32
          %sub3A_921 = vector.broadcast %sub3A_920 : f32 to vector<16xf32>
          %sub3A_922 = arith.subf %sub3A_921, %mul3A_919 : vector<16xf32>
          %mul3A_923 = arith.mulf %mul3A_914, %sub3A_922 : vector<16xf32>
          %mul3A_924 = arith.constant 5.000000e-01 : f32
          %mul3A_925 = vector.broadcast %mul3A_924 : f32 to vector<16xf32>
          %mul3A_926 = arith.mulf %mul3A_925, %add3A_894 : vector<16xf32>
          %mul3A_927 = arith.mulf %mul3A_926, %mul3A_923 : vector<16xf32>
          %mul3A_928 = arith.mulf %mul3A_927, %mul3A_923 : vector<16xf32>
          %sub3A_929 = arith.constant 1.500000e+00 : f32
          %sub3A_930 = vector.broadcast %sub3A_929 : f32 to vector<16xf32>
          %sub3A_931 = arith.subf %sub3A_930, %mul3A_928 : vector<16xf32>
          %mul3A_932 = arith.mulf %mul3A_923, %sub3A_931 : vector<16xf32>
          %mul3A_933 = arith.mulf %add3A_894, %mul3A_932 : vector<16xf32>
          %jit3A_934 = arith.constant 0.000000e+00 : f32
          %broadcast_in_dim3A_935 = vector.broadcast %jit3A_934 : f32 to vector<16xf32>
          %select_n3A_936 = arith.select %gt3A_897, %mul3A_933, %broadcast_in_dim3A_935 : vector<16xi1>, vector<16xf32>
          %neg3A_937 = arith.constant 0.000000e+00 : f32
          %neg3A_938 = vector.broadcast %neg3A_937 : f32 to vector<16xf32>
          %neg3A_939 = arith.subf %neg3A_938, %select_n3A_936 : vector<16xf32>
          %exp3A_940 = math.exp %neg3A_939 : vector<16xf32>
          %mul3A_941 = arith.mulf %exp3A_940, %get3A_791 : vector<16xf32>
          %add3A_942 = arith.addf %add3A_762, %mul3A_941 : vector<16xf32>
          %mul3A_943 = arith.mulf %exp3A_940, %get3A_798 : vector<16xf32>
          %add3A_944 = arith.addf %add3A_764, %mul3A_943 : vector<16xf32>
          %mul3A_945 = arith.mulf %exp3A_940, %get3A_805 : vector<16xf32>
          %add3A_946 = arith.addf %add3A_766, %mul3A_945 : vector<16xf32>
          %mul3A_947 = arith.mulf %exp3A_940, %get3A_812 : vector<16xf32>
          %add3A_948 = arith.addf %add3A_768, %mul3A_947 : vector<16xf32>
          %mul3A_949 = arith.mulf %exp3A_940, %get3A_819 : vector<16xf32>
          %add3A_950 = arith.addf %add3A_770, %mul3A_949 : vector<16xf32>
          %mul3A_951 = arith.mulf %exp3A_940, %get3A_826 : vector<16xf32>
          %add3A_952 = arith.addf %add3A_772, %mul3A_951 : vector<16xf32>
          %mul3A_953 = arith.mulf %exp3A_940, %get3A_833 : vector<16xf32>
          %add3A_954 = arith.addf %add3A_774, %mul3A_953 : vector<16xf32>
          %mul3A_955 = arith.mulf %exp3A_940, %get3A_840 : vector<16xf32>
          %add3A_956 = arith.addf %add3A_776, %mul3A_955 : vector<16xf32>
          %add3A_957 = arith.addf %add3A_777, %exp3A_940 : vector<16xf32>
          %mul3A_958 = arith.constant 5 : i32
          %mul3A_959 = arith.muli %mul3A_958, %scan3A_393 : i32
          %add3A_960 = arith.constant 4 : i32
          %add3A_961 = arith.addi %mul3A_959, %add3A_960 : i32
          %get3A_962 = arith.index_cast %add3A_961 : i32 to index
          %get3A_963 = arith.constant 0 : index
          %get3A_964 = tpu.vector_load %arg10[%get3A_962, %get3A_963] {strides = array<i32>} : memref<320x128xf32, #tpu.memory_space<vmem>>, vector<16xf32>,
          %mul3A_965 = arith.constant 5 : i32
          %mul3A_966 = arith.muli %mul3A_965, %scan3A_393 : i32
          %add3A_967 = arith.constant 4 : i32
          %add3A_968 = arith.addi %mul3A_966, %add3A_967 : i32
          %get3A_969 = arith.index_cast %add3A_968 : i32 to index
          %get3A_970 = arith.constant 16 : index
          %get3A_971 = tpu.vector_load %arg10[%get3A_969, %get3A_970] {strides = array<i32>} : memref<320x128xf32, #tpu.memory_space<vmem>>, vector<16xf32>,
          %mul3A_972 = arith.constant 5 : i32
          %mul3A_973 = arith.muli %mul3A_972, %scan3A_393 : i32
          %add3A_974 = arith.constant 4 : i32
          %add3A_975 = arith.addi %mul3A_973, %add3A_974 : i32
          %get3A_976 = arith.index_cast %add3A_975 : i32 to index
          %get3A_977 = arith.constant 32 : index
          %get3A_978 = tpu.vector_load %arg10[%get3A_976, %get3A_977] {strides = array<i32>} : memref<320x128xf32, #tpu.memory_space<vmem>>, vector<16xf32>,
          %mul3A_979 = arith.constant 5 : i32
          %mul3A_980 = arith.muli %mul3A_979, %scan3A_393 : i32
          %add3A_981 = arith.constant 4 : i32
          %add3A_982 = arith.addi %mul3A_980, %add3A_981 : i32
          %get3A_983 = arith.index_cast %add3A_982 : i32 to index
          %get3A_984 = arith.constant 48 : index
          %get3A_985 = tpu.vector_load %arg10[%get3A_983, %get3A_984] {strides = array<i32>} : memref<320x128xf32, #tpu.memory_space<vmem>>, vector<16xf32>,
          %mul3A_986 = arith.constant 5 : i32
          %mul3A_987 = arith.muli %mul3A_986, %scan3A_393 : i32
          %add3A_988 = arith.constant 4 : i32
          %add3A_989 = arith.addi %mul3A_987, %add3A_988 : i32
          %get3A_990 = arith.index_cast %add3A_989 : i32 to index
          %get3A_991 = arith.constant 64 : index
          %get3A_992 = tpu.vector_load %arg10[%get3A_990, %get3A_991] {strides = array<i32>} : memref<320x128xf32, #tpu.memory_space<vmem>>, vector<16xf32>,
          %mul3A_993 = arith.constant 5 : i32
          %mul3A_994 = arith.muli %mul3A_993, %scan3A_393 : i32
          %add3A_995 = arith.constant 4 : i32
          %add3A_996 = arith.addi %mul3A_994, %add3A_995 : i32
          %get3A_997 = arith.index_cast %add3A_996 : i32 to index
          %get3A_998 = arith.constant 80 : index
          %get3A_999 = tpu.vector_load %arg10[%get3A_997, %get3A_998] {strides = array<i32>} : memref<320x128xf32, #tpu.memory_space<vmem>>, vector<16xf32>,
          %mul3A_1000 = arith.constant 5 : i32
          %mul3A_1001 = arith.muli %mul3A_1000, %scan3A_393 : i32
          %add3A_1002 = arith.constant 4 : i32
          %add3A_1003 = arith.addi %mul3A_1001, %add3A_1002 : i32
          %get3A_1004 = arith.index_cast %add3A_1003 : i32 to index
          %get3A_1005 = arith.constant 96 : index
          %get3A_1006 = tpu.vector_load %arg10[%get3A_1004, %get3A_1005] {strides = array<i32>} : memref<320x128xf32, #tpu.memory_space<vmem>>, vector<16xf32>,
          %mul3A_1007 = arith.constant 5 : i32
          %mul3A_1008 = arith.muli %mul3A_1007, %scan3A_393 : i32
          %add3A_1009 = arith.constant 4 : i32
          %add3A_1010 = arith.addi %mul3A_1008, %add3A_1009 : i32
          %get3A_1011 = arith.index_cast %add3A_1010 : i32 to index
          %get3A_1012 = arith.constant 112 : index
          %get3A_1013 = tpu.vector_load %arg10[%get3A_1011, %get3A_1012] {strides = array<i32>} : memref<320x128xf32, #tpu.memory_space<vmem>>, vector<16xf32>,
          %broadcast_in_dim3A_1014 = arith.constant 0.000000e+00 : f32
          %broadcast_in_dim3A_1015 = vector.broadcast %broadcast_in_dim3A_1014 : f32 to vector<16xf32>
          %sub3A_1016 = arith.subf %get3A_964, %get3A_404 : vector<16xf32>
          %mul3A_1017 = arith.mulf %sub3A_1016, %sub3A_1016 : vector<16xf32>
          %add3A_1018 = arith.addf %broadcast_in_dim3A_1015, %mul3A_1017 : vector<16xf32>
          %sub3A_1019 = arith.subf %get3A_971, %get3A_409 : vector<16xf32>
          %mul3A_1020 = arith.mulf %sub3A_1019, %sub3A_1019 : vector<16xf32>
          %add3A_1021 = arith.addf %add3A_1018, %mul3A_1020 : vector<16xf32>
          %sub3A_1022 = arith.subf %get3A_978, %get3A_414 : vector<16xf32>
          %mul3A_1023 = arith.mulf %sub3A_1022, %sub3A_1022 : vector<16xf32>
          %add3A_1024 = arith.addf %add3A_1021, %mul3A_1023 : vector<16xf32>
          %sub3A_1025 = arith.subf %get3A_985, %get3A_419 : vector<16xf32>
          %mul3A_1026 = arith.mulf %sub3A_1025, %sub3A_1025 : vector<16xf32>
          %add3A_1027 = arith.addf %add3A_1024, %mul3A_1026 : vector<16xf32>
          %sub3A_1028 = arith.subf %get3A_992, %get3A_424 : vector<16xf32>
          %mul3A_1029 = arith.mulf %sub3A_1028, %sub3A_1028 : vector<16xf32>
          %add3A_1030 = arith.addf %add3A_1027, %mul3A_1029 : vector<16xf32>
          %sub3A_1031 = arith.subf %get3A_999, %get3A_429 : vector<16xf32>
          %mul3A_1032 = arith.mulf %sub3A_1031, %sub3A_1031 : vector<16xf32>
          %add3A_1033 = arith.addf %add3A_1030, %mul3A_1032 : vector<16xf32>
          %sub3A_1034 = arith.subf %get3A_1006, %get3A_434 : vector<16xf32>
          %mul3A_1035 = arith.mulf %sub3A_1034, %sub3A_1034 : vector<16xf32>
          %add3A_1036 = arith.addf %add3A_1033, %mul3A_1035 : vector<16xf32>
          %sub3A_1037 = arith.subf %get3A_1013, %get3A_439 : vector<16xf32>
          %mul3A_1038 = arith.mulf %sub3A_1037, %sub3A_1037 : vector<16xf32>
          %add3A_1039 = arith.addf %add3A_1036, %mul3A_1038 : vector<16xf32>
          %swap3A_1040 = arith.constant 0 : index
          %swap3A_1041 = tpu.vector_load %arg12[%swap3A_1040] {strides = array<i32>} : memref<384xf32, #tpu.memory_space<vmem>>, vector<16xf32>,
          tpu.vector_store %arg12[%swap3A_1040], %add3A_1039 {strides = array<i32>} : memref<384xf32, #tpu.memory_space<vmem>>, vector<16xf32>,
          %xor3A_1042 = arith.constant 8 : i32
          %xor3A_1043 = vector.broadcast %xor3A_1042 : i32 to vector<16xi32>
          %xor3A_1044 = arith.xori %iota3A, %xor3A_1043 : vector<16xi32>
          %gather3A_1045 = tpu.vector_load_idx %arg12[%xor3A_1044] : memref<384xf32, #tpu.memory_space<vmem>>[vector<16xi32>], vector<16xf32>,
          %add3A_1046 = arith.addf %add3A_1039, %gather3A_1045 : vector<16xf32>
          %swap3A_1047 = arith.constant 0 : index
          %swap3A_1048 = tpu.vector_load %arg12[%swap3A_1047] {strides = array<i32>} : memref<384xf32, #tpu.memory_space<vmem>>, vector<16xf32>,
          tpu.vector_store %arg12[%swap3A_1047], %add3A_1046 {strides = array<i32>} : memref<384xf32, #tpu.memory_space<vmem>>, vector<16xf32>,
          %xor3A_1049 = arith.constant 4 : i32
          %xor3A_1050 = vector.broadcast %xor3A_1049 : i32 to vector<16xi32>
          %xor3A_1051 = arith.xori %iota3A, %xor3A_1050 : vector<16xi32>
          %gather3A_1052 = tpu.vector_load_idx %arg12[%xor3A_1051] : memref<384xf32, #tpu.memory_space<vmem>>[vector<16xi32>], vector<16xf32>,
          %add3A_1053 = arith.addf %add3A_1046, %gather3A_1052 : vector<16xf32>
          %swap3A_1054 = arith.constant 0 : index
          %swap3A_1055 = tpu.vector_load %arg12[%swap3A_1054] {strides = array<i32>} : memref<384xf32, #tpu.memory_space<vmem>>, vector<16xf32>,
          tpu.vector_store %arg12[%swap3A_1054], %add3A_1053 {strides = array<i32>} : memref<384xf32, #tpu.memory_space<vmem>>, vector<16xf32>,
          %xor3A_1056 = arith.constant 2 : i32
          %xor3A_1057 = vector.broadcast %xor3A_1056 : i32 to vector<16xi32>
          %xor3A_1058 = arith.xori %iota3A, %xor3A_1057 : vector<16xi32>
          %gather3A_1059 = tpu.vector_load_idx %arg12[%xor3A_1058] : memref<384xf32, #tpu.memory_space<vmem>>[vector<16xi32>], vector<16xf32>,
          %add3A_1060 = arith.addf %add3A_1053, %gather3A_1059 : vector<16xf32>
          %swap3A_1061 = arith.constant 0 : index
          %swap3A_1062 = tpu.vector_load %arg12[%swap3A_1061] {strides = array<i32>} : memref<384xf32, #tpu.memory_space<vmem>>, vector<16xf32>,
          tpu.vector_store %arg12[%swap3A_1061], %add3A_1060 {strides = array<i32>} : memref<384xf32, #tpu.memory_space<vmem>>, vector<16xf32>,
          %xor3A_1063 = arith.constant 1 : i32
          %xor3A_1064 = vector.broadcast %xor3A_1063 : i32 to vector<16xi32>
          %xor3A_1065 = arith.xori %iota3A, %xor3A_1064 : vector<16xi32>
          %gather3A_1066 = tpu.vector_load_idx %arg12[%xor3A_1065] : memref<384xf32, #tpu.memory_space<vmem>>[vector<16xi32>], vector<16xf32>,
          %add3A_1067 = arith.addf %add3A_1060, %gather3A_1066 : vector<16xf32>
          %gt3A_1068 = arith.constant 0.000000e+00 : f32
          %gt3A_1069 = vector.broadcast %gt3A_1068 : f32 to vector<16xf32>
          %gt3A_1070 = arith.cmpf ogt, %add3A_1067, %gt3A_1069 : vector<16xf32>
          %bitcast3A_1071 = vector.bitcast %add3A_1067 : vector<16xf32> to vector<16xi32>
          %shift_right_arithmetic3A_1072 = arith.constant 1 : i32
          %shift_right_arithmetic3A_1073 = vector.broadcast %shift_right_arithmetic3A_1072 : i32 to vector<16xi32>
          %shift_right_arithmetic3A_1074 = arith.shrsi %bitcast3A_1071, %shift_right_arithmetic3A_1073 : vector<16xi32>
          %sub3A_1075 = arith.constant 1597463007 : i32
          %sub3A_1076 = vector.broadcast %sub3A_1075 : i32 to vector<16xi32>
          %sub3A_1077 = arith.subi %sub3A_1076, %shift_right_arithmetic3A_1074 : vector<16xi32>
          %bitcast3A_1078 = vector.bitcast %sub3A_1077 : vector<16xi32> to vector<16xf32>
          %mul3A_1079 = arith.constant 5.000000e-01 : f32
          %mul3A_1080 = vector.broadcast %mul3A_1079 : f32 to vector<16xf32>
          %mul3A_1081 = arith.mulf %mul3A_1080, %add3A_1067 : vector<16xf32>
          %mul3A_1082 = arith.mulf %mul3A_1081, %bitcast3A_1078 : vector<16xf32>
          %mul3A_1083 = arith.mulf %mul3A_1082, %bitcast3A_1078 : vector<16xf32>
          %sub3A_1084 = arith.constant 1.500000e+00 : f32
          %sub3A_1085 = vector.broadcast %sub3A_1084 : f32 to vector<16xf32>
          %sub3A_1086 = arith.subf %sub3A_1085, %mul3A_1083 : vector<16xf32>
          %mul3A_1087 = arith.mulf %bitcast3A_1078, %sub3A_1086 : vector<16xf32>
          %mul3A_1088 = arith.constant 5.000000e-01 : f32
          %mul3A_1089 = vector.broadcast %mul3A_1088 : f32 to vector<16xf32>
          %mul3A_1090 = arith.mulf %mul3A_1089, %add3A_1067 : vector<16xf32>
          %mul3A_1091 = arith.mulf %mul3A_1090, %mul3A_1087 : vector<16xf32>
          %mul3A_1092 = arith.mulf %mul3A_1091, %mul3A_1087 : vector<16xf32>
          %sub3A_1093 = arith.constant 1.500000e+00 : f32
          %sub3A_1094 = vector.broadcast %sub3A_1093 : f32 to vector<16xf32>
          %sub3A_1095 = arith.subf %sub3A_1094, %mul3A_1092 : vector<16xf32>
          %mul3A_1096 = arith.mulf %mul3A_1087, %sub3A_1095 : vector<16xf32>
          %mul3A_1097 = arith.constant 5.000000e-01 : f32
          %mul3A_1098 = vector.broadcast %mul3A_1097 : f32 to vector<16xf32>
          %mul3A_1099 = arith.mulf %mul3A_1098, %add3A_1067 : vector<16xf32>
          %mul3A_1100 = arith.mulf %mul3A_1099, %mul3A_1096 : vector<16xf32>
          %mul3A_1101 = arith.mulf %mul3A_1100, %mul3A_1096 : vector<16xf32>
          %sub3A_1102 = arith.constant 1.500000e+00 : f32
          %sub3A_1103 = vector.broadcast %sub3A_1102 : f32 to vector<16xf32>
          %sub3A_1104 = arith.subf %sub3A_1103, %mul3A_1101 : vector<16xf32>
          %mul3A_1105 = arith.mulf %mul3A_1096, %sub3A_1104 : vector<16xf32>
          %mul3A_1106 = arith.mulf %add3A_1067, %mul3A_1105 : vector<16xf32>
          %jit3A_1107 = arith.constant 0.000000e+00 : f32
          %broadcast_in_dim3A_1108 = vector.broadcast %jit3A_1107 : f32 to vector<16xf32>
          %select_n3A_1109 = arith.select %gt3A_1070, %mul3A_1106, %broadcast_in_dim3A_1108 : vector<16xi1>, vector<16xf32>
          %neg3A_1110 = arith.constant 0.000000e+00 : f32
          %neg3A_1111 = vector.broadcast %neg3A_1110 : f32 to vector<16xf32>
          %neg3A_1112 = arith.subf %neg3A_1111, %select_n3A_1109 : vector<16xf32>
          %exp3A_1113 = math.exp %neg3A_1112 : vector<16xf32>
          %mul3A_1114 = arith.mulf %exp3A_1113, %get3A_964 : vector<16xf32>
          %add3A_1115 = arith.addf %add3A_942, %mul3A_1114 : vector<16xf32>
          %mul3A_1116 = arith.mulf %exp3A_1113, %get3A_971 : vector<16xf32>
          %add3A_1117 = arith.addf %add3A_944, %mul3A_1116 : vector<16xf32>
          %mul3A_1118 = arith.mulf %exp3A_1113, %get3A_978 : vector<16xf32>
          %add3A_1119 = arith.addf %add3A_946, %mul3A_1118 : vector<16xf32>
          %mul3A_1120 = arith.mulf %exp3A_1113, %get3A_985 : vector<16xf32>
          %add3A_1121 = arith.addf %add3A_948, %mul3A_1120 : vector<16xf32>
          %mul3A_1122 = arith.mulf %exp3A_1113, %get3A_992 : vector<16xf32>
          %add3A_1123 = arith.addf %add3A_950, %mul3A_1122 : vector<16xf32>
          %mul3A_1124 = arith.mulf %exp3A_1113, %get3A_999 : vector<16xf32>
          %add3A_1125 = arith.addf %add3A_952, %mul3A_1124 : vector<16xf32>
          %mul3A_1126 = arith.mulf %exp3A_1113, %get3A_1006 : vector<16xf32>
          %add3A_1127 = arith.addf %add3A_954, %mul3A_1126 : vector<16xf32>
          %mul3A_1128 = arith.mulf %exp3A_1113, %get3A_1013 : vector<16xf32>
          %add3A_1129 = arith.addf %add3A_956, %mul3A_1128 : vector<16xf32>
          %add3A_1130 = arith.addf %add3A_957, %exp3A_1113 : vector<16xf32>
          %div3A_1131 = arith.divf %add3A_1115, %add3A_1130 : vector<16xf32>
          %div3A_1132 = arith.divf %add3A_1117, %add3A_1130 : vector<16xf32>
          %div3A_1133 = arith.divf %add3A_1119, %add3A_1130 : vector<16xf32>
          %div3A_1134 = arith.divf %add3A_1121, %add3A_1130 : vector<16xf32>
          %div3A_1135 = arith.divf %add3A_1123, %add3A_1130 : vector<16xf32>
          %div3A_1136 = arith.divf %add3A_1125, %add3A_1130 : vector<16xf32>
          %div3A_1137 = arith.divf %add3A_1127, %add3A_1130 : vector<16xf32>
          %div3A_1138 = arith.divf %add3A_1129, %add3A_1130 : vector<16xf32>
          %swap3A_1139 = arith.constant 0 : index
          %swap3A_1140 = tpu.vector_load %arg12[%swap3A_1139] {strides = array<i32>} : memref<384xf32, #tpu.memory_space<vmem>>, vector<16xf32>,
          tpu.vector_store %arg12[%swap3A_1139], %get3A_404 {strides = array<i32>} : memref<384xf32, #tpu.memory_space<vmem>>, vector<16xf32>,
          %swap3A_1141 = arith.constant 128 : index
          %swap3A_1142 = tpu.vector_load %arg12[%swap3A_1141] {strides = array<i32>} : memref<384xf32, #tpu.memory_space<vmem>>, vector<16xf32>,
          tpu.vector_store %arg12[%swap3A_1141], %div3A {strides = array<i32>} : memref<384xf32, #tpu.memory_space<vmem>>, vector<16xf32>,
          %swap3A_1143 = arith.constant 256 : index
          %swap3A_1144 = tpu.vector_load %arg12[%swap3A_1143] {strides = array<i32>} : memref<384xf32, #tpu.memory_space<vmem>>, vector<16xf32>,
          tpu.vector_store %arg12[%swap3A_1143], %div3A_1131 {strides = array<i32>} : memref<384xf32, #tpu.memory_space<vmem>>, vector<16xf32>,
          %swap3A_1145 = arith.constant 16 : index
          %swap3A_1146 = tpu.vector_load %arg12[%swap3A_1145] {strides = array<i32>} : memref<384xf32, #tpu.memory_space<vmem>>, vector<16xf32>,
          tpu.vector_store %arg12[%swap3A_1145], %get3A_409 {strides = array<i32>} : memref<384xf32, #tpu.memory_space<vmem>>, vector<16xf32>,
          %swap3A_1147 = arith.constant 144 : index
          %swap3A_1148 = tpu.vector_load %arg12[%swap3A_1147] {strides = array<i32>} : memref<384xf32, #tpu.memory_space<vmem>>, vector<16xf32>,
          tpu.vector_store %arg12[%swap3A_1147], %div3A_778 {strides = array<i32>} : memref<384xf32, #tpu.memory_space<vmem>>, vector<16xf32>,
          %swap3A_1149 = arith.constant 272 : index
          %swap3A_1150 = tpu.vector_load %arg12[%swap3A_1149] {strides = array<i32>} : memref<384xf32, #tpu.memory_space<vmem>>, vector<16xf32>,
          tpu.vector_store %arg12[%swap3A_1149], %div3A_1132 {strides = array<i32>} : memref<384xf32, #tpu.memory_space<vmem>>, vector<16xf32>,
          %swap3A_1151 = arith.constant 32 : index
          %swap3A_1152 = tpu.vector_load %arg12[%swap3A_1151] {strides = array<i32>} : memref<384xf32, #tpu.memory_space<vmem>>, vector<16xf32>,
          tpu.vector_store %arg12[%swap3A_1151], %get3A_414 {strides = array<i32>} : memref<384xf32, #tpu.memory_space<vmem>>, vector<16xf32>,
          %swap3A_1153 = arith.constant 160 : index
          %swap3A_1154 = tpu.vector_load %arg12[%swap3A_1153] {strides = array<i32>} : memref<384xf32, #tpu.memory_space<vmem>>, vector<16xf32>,
          tpu.vector_store %arg12[%swap3A_1153], %div3A_779 {strides = array<i32>} : memref<384xf32, #tpu.memory_space<vmem>>, vector<16xf32>,
          %swap3A_1155 = arith.constant 288 : index
          %swap3A_1156 = tpu.vector_load %arg12[%swap3A_1155] {strides = array<i32>} : memref<384xf32, #tpu.memory_space<vmem>>, vector<16xf32>,
          tpu.vector_store %arg12[%swap3A_1155], %div3A_1133 {strides = array<i32>} : memref<384xf32, #tpu.memory_space<vmem>>, vector<16xf32>,
          %swap3A_1157 = arith.constant 48 : index
          %swap3A_1158 = tpu.vector_load %arg12[%swap3A_1157] {strides = array<i32>} : memref<384xf32, #tpu.memory_space<vmem>>, vector<16xf32>,
          tpu.vector_store %arg12[%swap3A_1157], %get3A_419 {strides = array<i32>} : memref<384xf32, #tpu.memory_space<vmem>>, vector<16xf32>,
          %swap3A_1159 = arith.constant 176 : index
          %swap3A_1160 = tpu.vector_load %arg12[%swap3A_1159] {strides = array<i32>} : memref<384xf32, #tpu.memory_space<vmem>>, vector<16xf32>,
          tpu.vector_store %arg12[%swap3A_1159], %div3A_780 {strides = array<i32>} : memref<384xf32, #tpu.memory_space<vmem>>, vector<16xf32>,
          %swap3A_1161 = arith.constant 304 : index
          %swap3A_1162 = tpu.vector_load %arg12[%swap3A_1161] {strides = array<i32>} : memref<384xf32, #tpu.memory_space<vmem>>, vector<16xf32>,
          tpu.vector_store %arg12[%swap3A_1161], %div3A_1134 {strides = array<i32>} : memref<384xf32, #tpu.memory_space<vmem>>, vector<16xf32>,
          %swap3A_1163 = arith.constant 64 : index
          %swap3A_1164 = tpu.vector_load %arg12[%swap3A_1163] {strides = array<i32>} : memref<384xf32, #tpu.memory_space<vmem>>, vector<16xf32>,
          tpu.vector_store %arg12[%swap3A_1163], %get3A_424 {strides = array<i32>} : memref<384xf32, #tpu.memory_space<vmem>>, vector<16xf32>,
          %swap3A_1165 = arith.constant 192 : index
          %swap3A_1166 = tpu.vector_load %arg12[%swap3A_1165] {strides = array<i32>} : memref<384xf32, #tpu.memory_space<vmem>>, vector<16xf32>,
          tpu.vector_store %arg12[%swap3A_1165], %div3A_781 {strides = array<i32>} : memref<384xf32, #tpu.memory_space<vmem>>, vector<16xf32>,
          %swap3A_1167 = arith.constant 320 : index
          %swap3A_1168 = tpu.vector_load %arg12[%swap3A_1167] {strides = array<i32>} : memref<384xf32, #tpu.memory_space<vmem>>, vector<16xf32>,
          tpu.vector_store %arg12[%swap3A_1167], %div3A_1135 {strides = array<i32>} : memref<384xf32, #tpu.memory_space<vmem>>, vector<16xf32>,
          %swap3A_1169 = arith.constant 80 : index
          %swap3A_1170 = tpu.vector_load %arg12[%swap3A_1169] {strides = array<i32>} : memref<384xf32, #tpu.memory_space<vmem>>, vector<16xf32>,
          tpu.vector_store %arg12[%swap3A_1169], %get3A_429 {strides = array<i32>} : memref<384xf32, #tpu.memory_space<vmem>>, vector<16xf32>,
          %swap3A_1171 = arith.constant 208 : index
          %swap3A_1172 = tpu.vector_load %arg12[%swap3A_1171] {strides = array<i32>} : memref<384xf32, #tpu.memory_space<vmem>>, vector<16xf32>,
          tpu.vector_store %arg12[%swap3A_1171], %div3A_782 {strides = array<i32>} : memref<384xf32, #tpu.memory_space<vmem>>, vector<16xf32>,
          %swap3A_1173 = arith.constant 336 : index
          %swap3A_1174 = tpu.vector_load %arg12[%swap3A_1173] {strides = array<i32>} : memref<384xf32, #tpu.memory_space<vmem>>, vector<16xf32>,
          tpu.vector_store %arg12[%swap3A_1173], %div3A_1136 {strides = array<i32>} : memref<384xf32, #tpu.memory_space<vmem>>, vector<16xf32>,
          %swap3A_1175 = arith.constant 96 : index
          %swap3A_1176 = tpu.vector_load %arg12[%swap3A_1175] {strides = array<i32>} : memref<384xf32, #tpu.memory_space<vmem>>, vector<16xf32>,
          tpu.vector_store %arg12[%swap3A_1175], %get3A_434 {strides = array<i32>} : memref<384xf32, #tpu.memory_space<vmem>>, vector<16xf32>,
          %swap3A_1177 = arith.constant 224 : index
          %swap3A_1178 = tpu.vector_load %arg12[%swap3A_1177] {strides = array<i32>} : memref<384xf32, #tpu.memory_space<vmem>>, vector<16xf32>,
          tpu.vector_store %arg12[%swap3A_1177], %div3A_783 {strides = array<i32>} : memref<384xf32, #tpu.memory_space<vmem>>, vector<16xf32>,
          %swap3A_1179 = arith.constant 352 : index
          %swap3A_1180 = tpu.vector_load %arg12[%swap3A_1179] {strides = array<i32>} : memref<384xf32, #tpu.memory_space<vmem>>, vector<16xf32>,
          tpu.vector_store %arg12[%swap3A_1179], %div3A_1137 {strides = array<i32>} : memref<384xf32, #tpu.memory_space<vmem>>, vector<16xf32>,
          %swap3A_1181 = arith.constant 112 : index
          %swap3A_1182 = tpu.vector_load %arg12[%swap3A_1181] {strides = array<i32>} : memref<384xf32, #tpu.memory_space<vmem>>, vector<16xf32>,
          tpu.vector_store %arg12[%swap3A_1181], %get3A_439 {strides = array<i32>} : memref<384xf32, #tpu.memory_space<vmem>>, vector<16xf32>,
          %swap3A_1183 = arith.constant 240 : index
          %swap3A_1184 = tpu.vector_load %arg12[%swap3A_1183] {strides = array<i32>} : memref<384xf32, #tpu.memory_space<vmem>>, vector<16xf32>,
          tpu.vector_store %arg12[%swap3A_1183], %div3A_784 {strides = array<i32>} : memref<384xf32, #tpu.memory_space<vmem>>, vector<16xf32>,
          %swap3A_1185 = arith.constant 368 : index
          %swap3A_1186 = tpu.vector_load %arg12[%swap3A_1185] {strides = array<i32>} : memref<384xf32, #tpu.memory_space<vmem>>, vector<16xf32>,
          tpu.vector_store %arg12[%swap3A_1185], %div3A_1138 {strides = array<i32>} : memref<384xf32, #tpu.memory_space<vmem>>, vector<16xf32>,
          %gather3A_1187 = tpu.vector_load_idx %arg12[%add3A_9] : memref<384xf32, #tpu.memory_space<vmem>>[vector<16xi32>], vector<16xf32>,
          %gather3A_1188 = tpu.vector_load_idx %arg12[%add3A_18] : memref<384xf32, #tpu.memory_space<vmem>>[vector<16xi32>], vector<16xf32>,
          %add3A_1189 = arith.addf %gather3A_1187, %gather3A_1188 : vector<16xf32>
          %gather3A_1190 = tpu.vector_load_idx %arg12[%add3A_27] : memref<384xf32, #tpu.memory_space<vmem>>[vector<16xi32>], vector<16xf32>,
          %add3A_1191 = arith.addf %add3A_1189, %gather3A_1190 : vector<16xf32>
          %mul3A_1192 = arith.mulf %add3A_1191, %broadcast_in_dim3A_217 : vector<16xf32>
          %swap3A_1193 = arith.index_cast %scan3A_393 : i32 to index
          %swap3A_1194 = arith.constant 128 : index
          %swap3A_1195 = tpu.vector_load %arg11[%swap3A_1193, %swap3A_1194] {strides = array<i32>} : memref<64x384xf32, #tpu.memory_space<vmem>>, vector<16xf32>,
          tpu.vector_store %arg11[%swap3A_1193, %swap3A_1194], %mul3A_1192 {strides = array<i32>} : memref<64x384xf32, #tpu.memory_space<vmem>>, vector<16xf32>,
          %gather3A_1196 = tpu.vector_load_idx %arg12[%add3A_36] : memref<384xf32, #tpu.memory_space<vmem>>[vector<16xi32>], vector<16xf32>,
          %gather3A_1197 = tpu.vector_load_idx %arg12[%add3A_45] : memref<384xf32, #tpu.memory_space<vmem>>[vector<16xi32>], vector<16xf32>,
          %add3A_1198 = arith.addf %gather3A_1196, %gather3A_1197 : vector<16xf32>
          %gather3A_1199 = tpu.vector_load_idx %arg12[%add3A_54] : memref<384xf32, #tpu.memory_space<vmem>>[vector<16xi32>], vector<16xf32>,
          %add3A_1200 = arith.addf %add3A_1198, %gather3A_1199 : vector<16xf32>
          %mul3A_1201 = arith.mulf %add3A_1200, %broadcast_in_dim3A_217 : vector<16xf32>
          %swap3A_1202 = arith.index_cast %scan3A_393 : i32 to index
          %swap3A_1203 = arith.constant 144 : index
          %swap3A_1204 = tpu.vector_load %arg11[%swap3A_1202, %swap3A_1203] {strides = array<i32>} : memref<64x384xf32, #tpu.memory_space<vmem>>, vector<16xf32>,
          tpu.vector_store %arg11[%swap3A_1202, %swap3A_1203], %mul3A_1201 {strides = array<i32>} : memref<64x384xf32, #tpu.memory_space<vmem>>, vector<16xf32>,
          %gather3A_1205 = tpu.vector_load_idx %arg12[%add3A_63] : memref<384xf32, #tpu.memory_space<vmem>>[vector<16xi32>], vector<16xf32>,
          %gather3A_1206 = tpu.vector_load_idx %arg12[%add3A_72] : memref<384xf32, #tpu.memory_space<vmem>>[vector<16xi32>], vector<16xf32>,
          %add3A_1207 = arith.addf %gather3A_1205, %gather3A_1206 : vector<16xf32>
          %gather3A_1208 = tpu.vector_load_idx %arg12[%add3A_81] : memref<384xf32, #tpu.memory_space<vmem>>[vector<16xi32>], vector<16xf32>,
          %add3A_1209 = arith.addf %add3A_1207, %gather3A_1208 : vector<16xf32>
          %mul3A_1210 = arith.mulf %add3A_1209, %broadcast_in_dim3A_217 : vector<16xf32>
          %swap3A_1211 = arith.index_cast %scan3A_393 : i32 to index
          %swap3A_1212 = arith.constant 160 : index
          %swap3A_1213 = tpu.vector_load %arg11[%swap3A_1211, %swap3A_1212] {strides = array<i32>} : memref<64x384xf32, #tpu.memory_space<vmem>>, vector<16xf32>,
          tpu.vector_store %arg11[%swap3A_1211, %swap3A_1212], %mul3A_1210 {strides = array<i32>} : memref<64x384xf32, #tpu.memory_space<vmem>>, vector<16xf32>,
          %gather3A_1214 = tpu.vector_load_idx %arg12[%add3A_90] : memref<384xf32, #tpu.memory_space<vmem>>[vector<16xi32>], vector<16xf32>,
          %gather3A_1215 = tpu.vector_load_idx %arg12[%add3A_99] : memref<384xf32, #tpu.memory_space<vmem>>[vector<16xi32>], vector<16xf32>,
          %add3A_1216 = arith.addf %gather3A_1214, %gather3A_1215 : vector<16xf32>
          %gather3A_1217 = tpu.vector_load_idx %arg12[%add3A_108] : memref<384xf32, #tpu.memory_space<vmem>>[vector<16xi32>], vector<16xf32>,
          %add3A_1218 = arith.addf %add3A_1216, %gather3A_1217 : vector<16xf32>
          %mul3A_1219 = arith.mulf %add3A_1218, %broadcast_in_dim3A_217 : vector<16xf32>
          %swap3A_1220 = arith.index_cast %scan3A_393 : i32 to index
          %swap3A_1221 = arith.constant 176 : index
          %swap3A_1222 = tpu.vector_load %arg11[%swap3A_1220, %swap3A_1221] {strides = array<i32>} : memref<64x384xf32, #tpu.memory_space<vmem>>, vector<16xf32>,
          tpu.vector_store %arg11[%swap3A_1220, %swap3A_1221], %mul3A_1219 {strides = array<i32>} : memref<64x384xf32, #tpu.memory_space<vmem>>, vector<16xf32>,
          %gather3A_1223 = tpu.vector_load_idx %arg12[%add3A_117] : memref<384xf32, #tpu.memory_space<vmem>>[vector<16xi32>], vector<16xf32>,
          %gather3A_1224 = tpu.vector_load_idx %arg12[%add3A_126] : memref<384xf32, #tpu.memory_space<vmem>>[vector<16xi32>], vector<16xf32>,
          %add3A_1225 = arith.addf %gather3A_1223, %gather3A_1224 : vector<16xf32>
          %gather3A_1226 = tpu.vector_load_idx %arg12[%add3A_135] : memref<384xf32, #tpu.memory_space<vmem>>[vector<16xi32>], vector<16xf32>,
          %add3A_1227 = arith.addf %add3A_1225, %gather3A_1226 : vector<16xf32>
          %mul3A_1228 = arith.mulf %add3A_1227, %broadcast_in_dim3A_217 : vector<16xf32>
          %swap3A_1229 = arith.index_cast %scan3A_393 : i32 to index
          %swap3A_1230 = arith.constant 192 : index
          %swap3A_1231 = tpu.vector_load %arg11[%swap3A_1229, %swap3A_1230] {strides = array<i32>} : memref<64x384xf32, #tpu.memory_space<vmem>>, vector<16xf32>,
          tpu.vector_store %arg11[%swap3A_1229, %swap3A_1230], %mul3A_1228 {strides = array<i32>} : memref<64x384xf32, #tpu.memory_space<vmem>>, vector<16xf32>,
          %gather3A_1232 = tpu.vector_load_idx %arg12[%add3A_144] : memref<384xf32, #tpu.memory_space<vmem>>[vector<16xi32>], vector<16xf32>,
          %gather3A_1233 = tpu.vector_load_idx %arg12[%add3A_153] : memref<384xf32, #tpu.memory_space<vmem>>[vector<16xi32>], vector<16xf32>,
          %add3A_1234 = arith.addf %gather3A_1232, %gather3A_1233 : vector<16xf32>
          %gather3A_1235 = tpu.vector_load_idx %arg12[%add3A_162] : memref<384xf32, #tpu.memory_space<vmem>>[vector<16xi32>], vector<16xf32>,
          %add3A_1236 = arith.addf %add3A_1234, %gather3A_1235 : vector<16xf32>
          %mul3A_1237 = arith.mulf %add3A_1236, %broadcast_in_dim3A_217 : vector<16xf32>
          %swap3A_1238 = arith.index_cast %scan3A_393 : i32 to index
          %swap3A_1239 = arith.constant 208 : index
          %swap3A_1240 = tpu.vector_load %arg11[%swap3A_1238, %swap3A_1239] {strides = array<i32>} : memref<64x384xf32, #tpu.memory_space<vmem>>, vector<16xf32>,
          tpu.vector_store %arg11[%swap3A_1238, %swap3A_1239], %mul3A_1237 {strides = array<i32>} : memref<64x384xf32, #tpu.memory_space<vmem>>, vector<16xf32>,
          %gather3A_1241 = tpu.vector_load_idx %arg12[%add3A_171] : memref<384xf32, #tpu.memory_space<vmem>>[vector<16xi32>], vector<16xf32>,
          %gather3A_1242 = tpu.vector_load_idx %arg12[%add3A_180] : memref<384xf32, #tpu.memory_space<vmem>>[vector<16xi32>], vector<16xf32>,
          %add3A_1243 = arith.addf %gather3A_1241, %gather3A_1242 : vector<16xf32>
          %gather3A_1244 = tpu.vector_load_idx %arg12[%add3A_189] : memref<384xf32, #tpu.memory_space<vmem>>[vector<16xi32>], vector<16xf32>,
          %add3A_1245 = arith.addf %add3A_1243, %gather3A_1244 : vector<16xf32>
          %mul3A_1246 = arith.mulf %add3A_1245, %broadcast_in_dim3A_217 : vector<16xf32>
          %swap3A_1247 = arith.index_cast %scan3A_393 : i32 to index
          %swap3A_1248 = arith.constant 224 : index
          %swap3A_1249 = tpu.vector_load %arg11[%swap3A_1247, %swap3A_1248] {strides = array<i32>} : memref<64x384xf32, #tpu.memory_space<vmem>>, vector<16xf32>,
          tpu.vector_store %arg11[%swap3A_1247, %swap3A_1248], %mul3A_1246 {strides = array<i32>} : memref<64x384xf32, #tpu.memory_space<vmem>>, vector<16xf32>,
          %gather3A_1250 = tpu.vector_load_idx %arg12[%add3A_198] : memref<384xf32, #tpu.memory_space<vmem>>[vector<16xi32>], vector<16xf32>,
          %gather3A_1251 = tpu.vector_load_idx %arg12[%add3A_207] : memref<384xf32, #tpu.memory_space<vmem>>[vector<16xi32>], vector<16xf32>,
          %add3A_1252 = arith.addf %gather3A_1250, %gather3A_1251 : vector<16xf32>
          %gather3A_1253 = tpu.vector_load_idx %arg12[%add3A_216] : memref<384xf32, #tpu.memory_space<vmem>>[vector<16xi32>], vector<16xf32>,
          %add3A_1254 = arith.addf %add3A_1252, %gather3A_1253 : vector<16xf32>
          %mul3A_1255 = arith.mulf %add3A_1254, %broadcast_in_dim3A_217 : vector<16xf32>
          %swap3A_1256 = arith.index_cast %scan3A_393 : i32 to index
          %swap3A_1257 = arith.constant 240 : index
          %swap3A_1258 = tpu.vector_load %arg11[%swap3A_1256, %swap3A_1257] {strides = array<i32>} : memref<64x384xf32, #tpu.memory_space<vmem>>, vector<16xf32>,
          tpu.vector_store %arg11[%swap3A_1256, %swap3A_1257], %mul3A_1255 {strides = array<i32>} : memref<64x384xf32, #tpu.memory_space<vmem>>, vector<16xf32>,
        } else {
        }
      }
      %scan3A_337 = arith.constant 64 : i32
      %dma_start3A_338 = arith.constant 0 : i32
      %dma_start3A_339 = arith.constant 0 : i32
      %dma_start3A_340 = tpu.memref_slice %arg10[%dma_start3A_338, %dma_start3A_339] : memref<320x128xf32, #tpu.memory_space<vmem>> -> memref<128x128xf32, #tpu.memory_space<vmem>>
      %dma_start3A_341 = arith.constant 0 : i32
      %dma_start3A_342 = tpu.memref_slice %arg8[%dma_start3A_341] : memref<320xi32, #tpu.memory_space<vmem>> -> memref<128xi32, #tpu.memory_space<vmem>>
      %dma_start3A_343 = arith.constant 0 : i32
      %dma_start3A_344 = arith.constant 0 : i32
      %dma_start3A_345 = tpu.memref_slice %arg4[%dma_start3A_343, %dma_start3A_344] : memref<8192x128xf32, #tpu.memory_space<hbm>> -> memref<8192x128xf32, #tpu.memory_space<hbm>>
      tpu.enqueue_indirect_dma source(%dma_start3A_345 : memref<8192x128xf32, #tpu.memory_space<hbm>>) target(%dma_start3A_340 : memref<128x128xf32, #tpu.memory_space<vmem>>) offsets(%dma_start3A_342 : memref<128xi32, #tpu.memory_space<vmem>>) semaphore(%arg13 : memref<!tpu.dma_semaphore, #tpu.memory_space<semaphore_mem>>)
      %dma_start3A_346 = arith.constant 128 : i32
      %dma_start3A_347 = arith.constant 0 : i32
      %dma_start3A_348 = tpu.memref_slice %arg10[%dma_start3A_346, %dma_start3A_347] : memref<320x128xf32, #tpu.memory_space<vmem>> -> memref<128x128xf32, #tpu.memory_space<vmem>>
      %dma_start3A_349 = arith.constant 128 : i32
      %dma_start3A_350 = tpu.memref_slice %arg8[%dma_start3A_349] : memref<320xi32, #tpu.memory_space<vmem>> -> memref<128xi32, #tpu.memory_space<vmem>>
      %dma_start3A_351 = arith.constant 0 : i32
      %dma_start3A_352 = arith.constant 0 : i32
      %dma_start3A_353 = tpu.memref_slice %arg4[%dma_start3A_351, %dma_start3A_352] : memref<8192x128xf32, #tpu.memory_space<hbm>> -> memref<8192x128xf32, #tpu.memory_space<hbm>>
      tpu.enqueue_indirect_dma source(%dma_start3A_353 : memref<8192x128xf32, #tpu.memory_space<hbm>>) target(%dma_start3A_348 : memref<128x128xf32, #tpu.memory_space<vmem>>) offsets(%dma_start3A_350 : memref<128xi32, #tpu.memory_space<vmem>>) semaphore(%arg13 : memref<!tpu.dma_semaphore, #tpu.memory_space<semaphore_mem>>)
      %dma_start3A_354 = arith.constant 256 : i32
      %dma_start3A_355 = arith.constant 0 : i32
      %dma_start3A_356 = tpu.memref_slice %arg10[%dma_start3A_354, %dma_start3A_355] : memref<320x128xf32, #tpu.memory_space<vmem>> -> memref<64x128xf32, #tpu.memory_space<vmem>>
      %dma_start3A_357 = arith.constant 256 : i32
      %dma_start3A_358 = tpu.memref_slice %arg8[%dma_start3A_357] : memref<320xi32, #tpu.memory_space<vmem>> -> memref<64xi32, #tpu.memory_space<vmem>>
      %dma_start3A_359 = arith.constant 0 : i32
      %dma_start3A_360 = arith.constant 0 : i32
      %dma_start3A_361 = tpu.memref_slice %arg4[%dma_start3A_359, %dma_start3A_360] : memref<8192x128xf32, #tpu.memory_space<hbm>> -> memref<8192x128xf32, #tpu.memory_space<hbm>>
      tpu.enqueue_indirect_dma source(%dma_start3A_361 : memref<8192x128xf32, #tpu.memory_space<hbm>>) target(%dma_start3A_356 : memref<64x128xf32, #tpu.memory_space<vmem>>) offsets(%dma_start3A_358 : memref<64xi32, #tpu.memory_space<vmem>>) semaphore(%arg13 : memref<!tpu.dma_semaphore, #tpu.memory_space<semaphore_mem>>)
      %dma_wait3A_362 = arith.constant 0 : i32
      %dma_wait3A_363 = arith.constant 0 : i32
      %dma_wait3A_364 = tpu.memref_slice %arg10[%dma_wait3A_362, %dma_wait3A_363] : memref<320x128xf32, #tpu.memory_space<vmem>> -> memref<128x128xf32, #tpu.memory_space<vmem>>
      %dma_wait3A_365 = arith.constant 0 : i32
      %dma_wait3A_366 = tpu.memref_slice %arg8[%dma_wait3A_365] : memref<320xi32, #tpu.memory_space<vmem>> -> memref<128xi32, #tpu.memory_space<vmem>>
      %dma_wait3A_367 = arith.constant 0 : i32
      %dma_wait3A_368 = arith.constant 0 : i32
      %dma_wait3A_369 = tpu.memref_slice %arg4[%dma_wait3A_367, %dma_wait3A_368] : memref<8192x128xf32, #tpu.memory_space<hbm>> -> memref<8192x128xf32, #tpu.memory_space<hbm>>
      tpu.wait_indirect_dma semaphore(%arg13 : memref<!tpu.dma_semaphore, #tpu.memory_space<semaphore_mem>>) src(%dma_wait3A_369 : memref<8192x128xf32, #tpu.memory_space<hbm>>) dst(%dma_wait3A_364 : memref<128x128xf32, #tpu.memory_space<vmem>>)
      %dma_wait3A_370 = arith.constant 128 : i32
      %dma_wait3A_371 = arith.constant 0 : i32
      %dma_wait3A_372 = tpu.memref_slice %arg10[%dma_wait3A_370, %dma_wait3A_371] : memref<320x128xf32, #tpu.memory_space<vmem>> -> memref<128x128xf32, #tpu.memory_space<vmem>>
      %dma_wait3A_373 = arith.constant 128 : i32
      %dma_wait3A_374 = tpu.memref_slice %arg8[%dma_wait3A_373] : memref<320xi32, #tpu.memory_space<vmem>> -> memref<128xi32, #tpu.memory_space<vmem>>
      %dma_wait3A_375 = arith.constant 0 : i32
      %dma_wait3A_376 = arith.constant 0 : i32
      %dma_wait3A_377 = tpu.memref_slice %arg4[%dma_wait3A_375, %dma_wait3A_376] : memref<8192x128xf32, #tpu.memory_space<hbm>> -> memref<8192x128xf32, #tpu.memory_space<hbm>>
      tpu.wait_indirect_dma semaphore(%arg13 : memref<!tpu.dma_semaphore, #tpu.memory_space<semaphore_mem>>) src(%dma_wait3A_377 : memref<8192x128xf32, #tpu.memory_space<hbm>>) dst(%dma_wait3A_372 : memref<128x128xf32, #tpu.memory_space<vmem>>)
      %dma_wait3A_378 = arith.constant 256 : i32
      %dma_wait3A_379 = arith.constant 0 : i32
      %dma_wait3A_380 = tpu.memref_slice %arg10[%dma_wait3A_378, %dma_wait3A_379] : memref<320x128xf32, #tpu.memory_space<vmem>> -> memref<64x128xf32, #tpu.memory_space<vmem>>
      %dma_wait3A_381 = arith.constant 256 : i32
      %dma_wait3A_382 = tpu.memref_slice %arg8[%dma_wait3A_381] : memref<320xi32, #tpu.memory_space<vmem>> -> memref<64xi32, #tpu.memory_space<vmem>>
      %dma_wait3A_383 = arith.constant 0 : i32
      %dma_wait3A_384 = arith.constant 0 : i32
      %dma_wait3A_385 = tpu.memref_slice %arg4[%dma_wait3A_383, %dma_wait3A_384] : memref<8192x128xf32, #tpu.memory_space<hbm>> -> memref<8192x128xf32, #tpu.memory_space<hbm>>
      tpu.wait_indirect_dma semaphore(%arg13 : memref<!tpu.dma_semaphore, #tpu.memory_space<semaphore_mem>>) src(%dma_wait3A_385 : memref<8192x128xf32, #tpu.memory_space<hbm>>) dst(%dma_wait3A_380 : memref<64x128xf32, #tpu.memory_space<vmem>>)
      %scan3A_386 = arith.constant 0 : i32
      %scan3A_387 = arith.constant 0 : i32
      %scan3A_388 = arith.constant 64 : i32
      %scan3A_389 = arith.addi %scan3A_387, %scan3A_388 : i32
      %scan3A_390 = arith.constant 1 : i32
      scf.for %scan3A_393 = %scan3A_387 to %scan3A_389 step %scan3A_390  : i32 {
        %broadcast_in_dim3A_394 = vector.broadcast %scan3A_393 : i32 to vector<16xi32>
        %gather3A = tpu.vector_load_idx %arg9[%broadcast_in_dim3A_394] : memref<64xf32, #tpu.memory_space<vmem>>[vector<16xi32>], vector<16xf32>,
        %slice3A = vector.extract_strided_slice %gather3A {offsets = [0], sizes = [1], strides = [1]} : vector<16xf32> to vector<1xf32>
        %squeeze3A = vector.extract %slice3A[0] : f32 from vector<1xf32>
        %lt3A = arith.constant 0.00999999977 : f32
        %lt3A_395 = arith.cmpf olt, %squeeze3A, %lt3A : f32
        %not3A = arith.constant true
        %not3A_396 = arith.xori %lt3A_395, %not3A : i1
        %convert_element_type3A = arith.extui %not3A_396 : i1 to i32
        %cond3A = arith.constant 0 : i32
        %cond3A_397 = arith.cmpi ne, %convert_element_type3A, %cond3A : i32
        scf.if %cond3A_397 {
          %mul3A_401 = arith.constant 5 : i32
          %mul3A_402 = arith.muli %mul3A_401, %scan3A_393 : i32
          %get3A = arith.index_cast %mul3A_402 : i32 to index
          %get3A_403 = arith.constant 0 : index
          %get3A_404 = tpu.vector_load %arg10[%get3A, %get3A_403] {strides = array<i32>} : memref<320x128xf32, #tpu.memory_space<vmem>>, vector<16xf32>,
          %swap3A = arith.index_cast %scan3A_393 : i32 to index
          %swap3A_405 = arith.constant 256 : index
          %swap3A_406 = tpu.vector_load %arg11[%swap3A, %swap3A_405] {strides = array<i32>} : memref<64x384xf32, #tpu.memory_space<vmem>>, vector<16xf32>,
          tpu.vector_store %arg11[%swap3A, %swap3A_405], %get3A_404 {strides = array<i32>} : memref<64x384xf32, #tpu.memory_space<vmem>>, vector<16xf32>,
          %mul3A_407 = arith.constant 5 : i32
          %mul3A_408 = arith.muli %mul3A_407, %scan3A_393 : i32
          %get3A_409 = arith.index_cast %mul3A_408 : i32 to index
          %get3A_410 = arith.constant 16 : index
          %get3A_411 = tpu.vector_load %arg10[%get3A_409, %get3A_410] {strides = array<i32>} : memref<320x128xf32, #tpu.memory_space<vmem>>, vector<16xf32>,
          %swap3A_412 = arith.index_cast %scan3A_393 : i32 to index
          %swap3A_413 = arith.constant 272 : index
          %swap3A_414 = tpu.vector_load %arg11[%swap3A_412, %swap3A_413] {strides = array<i32>} : memref<64x384xf32, #tpu.memory_space<vmem>>, vector<16xf32>,
          tpu.vector_store %arg11[%swap3A_412, %swap3A_413], %get3A_411 {strides = array<i32>} : memref<64x384xf32, #tpu.memory_space<vmem>>, vector<16xf32>,
          %mul3A_415 = arith.constant 5 : i32
          %mul3A_416 = arith.muli %mul3A_415, %scan3A_393 : i32
          %get3A_417 = arith.index_cast %mul3A_416 : i32 to index
          %get3A_418 = arith.constant 32 : index
          %get3A_419 = tpu.vector_load %arg10[%get3A_417, %get3A_418] {strides = array<i32>} : memref<320x128xf32, #tpu.memory_space<vmem>>, vector<16xf32>,
          %swap3A_420 = arith.index_cast %scan3A_393 : i32 to index
          %swap3A_421 = arith.constant 288 : index
          %swap3A_422 = tpu.vector_load %arg11[%swap3A_420, %swap3A_421] {strides = array<i32>} : memref<64x384xf32, #tpu.memory_space<vmem>>, vector<16xf32>,
          tpu.vector_store %arg11[%swap3A_420, %swap3A_421], %get3A_419 {strides = array<i32>} : memref<64x384xf32, #tpu.memory_space<vmem>>, vector<16xf32>,
          %mul3A_423 = arith.constant 5 : i32
          %mul3A_424 = arith.muli %mul3A_423, %scan3A_393 : i32
          %get3A_425 = arith.index_cast %mul3A_424 : i32 to index
          %get3A_426 = arith.constant 48 : index
          %get3A_427 = tpu.vector_load %arg10[%get3A_425, %get3A_426] {strides = array<i32>} : memref<320x128xf32, #tpu.memory_space<vmem>>, vector<16xf32>,
          %swap3A_428 = arith.index_cast %scan3A_393 : i32 to index
          %swap3A_429 = arith.constant 304 : index
          %swap3A_430 = tpu.vector_load %arg11[%swap3A_428, %swap3A_429] {strides = array<i32>} : memref<64x384xf32, #tpu.memory_space<vmem>>, vector<16xf32>,
          tpu.vector_store %arg11[%swap3A_428, %swap3A_429], %get3A_427 {strides = array<i32>} : memref<64x384xf32, #tpu.memory_space<vmem>>, vector<16xf32>,
          %mul3A_431 = arith.constant 5 : i32
          %mul3A_432 = arith.muli %mul3A_431, %scan3A_393 : i32
          %get3A_433 = arith.index_cast %mul3A_432 : i32 to index
          %get3A_434 = arith.constant 64 : index
          %get3A_435 = tpu.vector_load %arg10[%get3A_433, %get3A_434] {strides = array<i32>} : memref<320x128xf32, #tpu.memory_space<vmem>>, vector<16xf32>,
          %swap3A_436 = arith.index_cast %scan3A_393 : i32 to index
          %swap3A_437 = arith.constant 320 : index
          %swap3A_438 = tpu.vector_load %arg11[%swap3A_436, %swap3A_437] {strides = array<i32>} : memref<64x384xf32, #tpu.memory_space<vmem>>, vector<16xf32>,
          tpu.vector_store %arg11[%swap3A_436, %swap3A_437], %get3A_435 {strides = array<i32>} : memref<64x384xf32, #tpu.memory_space<vmem>>, vector<16xf32>,
          %mul3A_439 = arith.constant 5 : i32
          %mul3A_440 = arith.muli %mul3A_439, %scan3A_393 : i32
          %get3A_441 = arith.index_cast %mul3A_440 : i32 to index
          %get3A_442 = arith.constant 80 : index
          %get3A_443 = tpu.vector_load %arg10[%get3A_441, %get3A_442] {strides = array<i32>} : memref<320x128xf32, #tpu.memory_space<vmem>>, vector<16xf32>,
          %swap3A_444 = arith.index_cast %scan3A_393 : i32 to index
          %swap3A_445 = arith.constant 336 : index
          %swap3A_446 = tpu.vector_load %arg11[%swap3A_444, %swap3A_445] {strides = array<i32>} : memref<64x384xf32, #tpu.memory_space<vmem>>, vector<16xf32>,
          tpu.vector_store %arg11[%swap3A_444, %swap3A_445], %get3A_443 {strides = array<i32>} : memref<64x384xf32, #tpu.memory_space<vmem>>, vector<16xf32>,
          %mul3A_447 = arith.constant 5 : i32
          %mul3A_448 = arith.muli %mul3A_447, %scan3A_393 : i32
          %get3A_449 = arith.index_cast %mul3A_448 : i32 to index
          %get3A_450 = arith.constant 96 : index
          %get3A_451 = tpu.vector_load %arg10[%get3A_449, %get3A_450] {strides = array<i32>} : memref<320x128xf32, #tpu.memory_space<vmem>>, vector<16xf32>,
          %swap3A_452 = arith.index_cast %scan3A_393 : i32 to index
          %swap3A_453 = arith.constant 352 : index
          %swap3A_454 = tpu.vector_load %arg11[%swap3A_452, %swap3A_453] {strides = array<i32>} : memref<64x384xf32, #tpu.memory_space<vmem>>, vector<16xf32>,
          tpu.vector_store %arg11[%swap3A_452, %swap3A_453], %get3A_451 {strides = array<i32>} : memref<64x384xf32, #tpu.memory_space<vmem>>, vector<16xf32>,
          %mul3A_455 = arith.constant 5 : i32
          %mul3A_456 = arith.muli %mul3A_455, %scan3A_393 : i32
          %get3A_457 = arith.index_cast %mul3A_456 : i32 to index
          %get3A_458 = arith.constant 112 : index
          %get3A_459 = tpu.vector_load %arg10[%get3A_457, %get3A_458] {strides = array<i32>} : memref<320x128xf32, #tpu.memory_space<vmem>>, vector<16xf32>,
          %swap3A_460 = arith.index_cast %scan3A_393 : i32 to index
          %swap3A_461 = arith.constant 368 : index
          %swap3A_462 = tpu.vector_load %arg11[%swap3A_460, %swap3A_461] {strides = array<i32>} : memref<64x384xf32, #tpu.memory_space<vmem>>, vector<16xf32>,
          tpu.vector_store %arg11[%swap3A_460, %swap3A_461], %get3A_459 {strides = array<i32>} : memref<64x384xf32, #tpu.memory_space<vmem>>, vector<16xf32>,
        } else {
        }
        %convert_element_type3A_398 = arith.extui %lt3A_395 : i1 to i32
        %cond3A_399 = arith.constant 0 : i32
        %cond3A_400 = arith.cmpi ne, %convert_element_type3A_398, %cond3A_399 : i32
        scf.if %cond3A_400 {
          %mul3A_401 = arith.constant 5 : i32
          %mul3A_402 = arith.muli %mul3A_401, %scan3A_393 : i32
          %get3A = arith.index_cast %mul3A_402 : i32 to index
          %get3A_403 = arith.constant 0 : index
          %get3A_404 = tpu.vector_load %arg10[%get3A, %get3A_403] {strides = array<i32>} : memref<320x128xf32, #tpu.memory_space<vmem>>, vector<16xf32>,
          %mul3A_405 = arith.constant 5 : i32
          %mul3A_406 = arith.muli %mul3A_405, %scan3A_393 : i32
          %get3A_407 = arith.index_cast %mul3A_406 : i32 to index
          %get3A_408 = arith.constant 16 : index
          %get3A_409 = tpu.vector_load %arg10[%get3A_407, %get3A_408] {strides = array<i32>} : memref<320x128xf32, #tpu.memory_space<vmem>>, vector<16xf32>,
          %mul3A_410 = arith.constant 5 : i32
          %mul3A_411 = arith.muli %mul3A_410, %scan3A_393 : i32
          %get3A_412 = arith.index_cast %mul3A_411 : i32 to index
          %get3A_413 = arith.constant 32 : index
          %get3A_414 = tpu.vector_load %arg10[%get3A_412, %get3A_413] {strides = array<i32>} : memref<320x128xf32, #tpu.memory_space<vmem>>, vector<16xf32>,
          %mul3A_415 = arith.constant 5 : i32
          %mul3A_416 = arith.muli %mul3A_415, %scan3A_393 : i32
          %get3A_417 = arith.index_cast %mul3A_416 : i32 to index
          %get3A_418 = arith.constant 48 : index
          %get3A_419 = tpu.vector_load %arg10[%get3A_417, %get3A_418] {strides = array<i32>} : memref<320x128xf32, #tpu.memory_space<vmem>>, vector<16xf32>,
          %mul3A_420 = arith.constant 5 : i32
          %mul3A_421 = arith.muli %mul3A_420, %scan3A_393 : i32
          %get3A_422 = arith.index_cast %mul3A_421 : i32 to index
          %get3A_423 = arith.constant 64 : index
          %get3A_424 = tpu.vector_load %arg10[%get3A_422, %get3A_423] {strides = array<i32>} : memref<320x128xf32, #tpu.memory_space<vmem>>, vector<16xf32>,
          %mul3A_425 = arith.constant 5 : i32
          %mul3A_426 = arith.muli %mul3A_425, %scan3A_393 : i32
          %get3A_427 = arith.index_cast %mul3A_426 : i32 to index
          %get3A_428 = arith.constant 80 : index
          %get3A_429 = tpu.vector_load %arg10[%get3A_427, %get3A_428] {strides = array<i32>} : memref<320x128xf32, #tpu.memory_space<vmem>>, vector<16xf32>,
          %mul3A_430 = arith.constant 5 : i32
          %mul3A_431 = arith.muli %mul3A_430, %scan3A_393 : i32
          %get3A_432 = arith.index_cast %mul3A_431 : i32 to index
          %get3A_433 = arith.constant 96 : index
          %get3A_434 = tpu.vector_load %arg10[%get3A_432, %get3A_433] {strides = array<i32>} : memref<320x128xf32, #tpu.memory_space<vmem>>, vector<16xf32>,
          %mul3A_435 = arith.constant 5 : i32
          %mul3A_436 = arith.muli %mul3A_435, %scan3A_393 : i32
          %get3A_437 = arith.index_cast %mul3A_436 : i32 to index
          %get3A_438 = arith.constant 112 : index
          %get3A_439 = tpu.vector_load %arg10[%get3A_437, %get3A_438] {strides = array<i32>} : memref<320x128xf32, #tpu.memory_space<vmem>>, vector<16xf32>,
          %broadcast_in_dim3A_440 = arith.constant 1.000000e+00 : f32
          %broadcast_in_dim3A_441 = vector.broadcast %broadcast_in_dim3A_440 : f32 to vector<16xf32>
          %mul3A_442 = arith.constant 5 : i32
          %mul3A_443 = arith.muli %mul3A_442, %scan3A_393 : i32
          %add3A_444 = arith.constant 1 : i32
          %add3A_445 = arith.addi %mul3A_443, %add3A_444 : i32
          %get3A_446 = arith.index_cast %add3A_445 : i32 to index
          %get3A_447 = arith.constant 0 : index
          %get3A_448 = tpu.vector_load %arg10[%get3A_446, %get3A_447] {strides = array<i32>} : memref<320x128xf32, #tpu.memory_space<vmem>>, vector<16xf32>,
          %mul3A_449 = arith.constant 5 : i32
          %mul3A_450 = arith.muli %mul3A_449, %scan3A_393 : i32
          %add3A_451 = arith.constant 1 : i32
          %add3A_452 = arith.addi %mul3A_450, %add3A_451 : i32
          %get3A_453 = arith.index_cast %add3A_452 : i32 to index
          %get3A_454 = arith.constant 16 : index
          %get3A_455 = tpu.vector_load %arg10[%get3A_453, %get3A_454] {strides = array<i32>} : memref<320x128xf32, #tpu.memory_space<vmem>>, vector<16xf32>,
          %mul3A_456 = arith.constant 5 : i32
          %mul3A_457 = arith.muli %mul3A_456, %scan3A_393 : i32
          %add3A_458 = arith.constant 1 : i32
          %add3A_459 = arith.addi %mul3A_457, %add3A_458 : i32
          %get3A_460 = arith.index_cast %add3A_459 : i32 to index
          %get3A_461 = arith.constant 32 : index
          %get3A_462 = tpu.vector_load %arg10[%get3A_460, %get3A_461] {strides = array<i32>} : memref<320x128xf32, #tpu.memory_space<vmem>>, vector<16xf32>,
          %mul3A_463 = arith.constant 5 : i32
          %mul3A_464 = arith.muli %mul3A_463, %scan3A_393 : i32
          %add3A_465 = arith.constant 1 : i32
          %add3A_466 = arith.addi %mul3A_464, %add3A_465 : i32
          %get3A_467 = arith.index_cast %add3A_466 : i32 to index
          %get3A_468 = arith.constant 48 : index
          %get3A_469 = tpu.vector_load %arg10[%get3A_467, %get3A_468] {strides = array<i32>} : memref<320x128xf32, #tpu.memory_space<vmem>>, vector<16xf32>,
          %mul3A_470 = arith.constant 5 : i32
          %mul3A_471 = arith.muli %mul3A_470, %scan3A_393 : i32
          %add3A_472 = arith.constant 1 : i32
          %add3A_473 = arith.addi %mul3A_471, %add3A_472 : i32
          %get3A_474 = arith.index_cast %add3A_473 : i32 to index
          %get3A_475 = arith.constant 64 : index
          %get3A_476 = tpu.vector_load %arg10[%get3A_474, %get3A_475] {strides = array<i32>} : memref<320x128xf32, #tpu.memory_space<vmem>>, vector<16xf32>,
          %mul3A_477 = arith.constant 5 : i32
          %mul3A_478 = arith.muli %mul3A_477, %scan3A_393 : i32
          %add3A_479 = arith.constant 1 : i32
          %add3A_480 = arith.addi %mul3A_478, %add3A_479 : i32
          %get3A_481 = arith.index_cast %add3A_480 : i32 to index
          %get3A_482 = arith.constant 80 : index
          %get3A_483 = tpu.vector_load %arg10[%get3A_481, %get3A_482] {strides = array<i32>} : memref<320x128xf32, #tpu.memory_space<vmem>>, vector<16xf32>,
          %mul3A_484 = arith.constant 5 : i32
          %mul3A_485 = arith.muli %mul3A_484, %scan3A_393 : i32
          %add3A_486 = arith.constant 1 : i32
          %add3A_487 = arith.addi %mul3A_485, %add3A_486 : i32
          %get3A_488 = arith.index_cast %add3A_487 : i32 to index
          %get3A_489 = arith.constant 96 : index
          %get3A_490 = tpu.vector_load %arg10[%get3A_488, %get3A_489] {strides = array<i32>} : memref<320x128xf32, #tpu.memory_space<vmem>>, vector<16xf32>,
          %mul3A_491 = arith.constant 5 : i32
          %mul3A_492 = arith.muli %mul3A_491, %scan3A_393 : i32
          %add3A_493 = arith.constant 1 : i32
          %add3A_494 = arith.addi %mul3A_492, %add3A_493 : i32
          %get3A_495 = arith.index_cast %add3A_494 : i32 to index
          %get3A_496 = arith.constant 112 : index
          %get3A_497 = tpu.vector_load %arg10[%get3A_495, %get3A_496] {strides = array<i32>} : memref<320x128xf32, #tpu.memory_space<vmem>>, vector<16xf32>,
          %broadcast_in_dim3A_498 = arith.constant 0.000000e+00 : f32
          %broadcast_in_dim3A_499 = vector.broadcast %broadcast_in_dim3A_498 : f32 to vector<16xf32>
          %sub3A = arith.subf %get3A_448, %get3A_404 : vector<16xf32>
          %mul3A_500 = arith.mulf %sub3A, %sub3A : vector<16xf32>
          %add3A_501 = arith.addf %broadcast_in_dim3A_499, %mul3A_500 : vector<16xf32>
          %sub3A_502 = arith.subf %get3A_455, %get3A_409 : vector<16xf32>
          %mul3A_503 = arith.mulf %sub3A_502, %sub3A_502 : vector<16xf32>
          %add3A_504 = arith.addf %add3A_501, %mul3A_503 : vector<16xf32>
          %sub3A_505 = arith.subf %get3A_462, %get3A_414 : vector<16xf32>
          %mul3A_506 = arith.mulf %sub3A_505, %sub3A_505 : vector<16xf32>
          %add3A_507 = arith.addf %add3A_504, %mul3A_506 : vector<16xf32>
          %sub3A_508 = arith.subf %get3A_469, %get3A_419 : vector<16xf32>
          %mul3A_509 = arith.mulf %sub3A_508, %sub3A_508 : vector<16xf32>
          %add3A_510 = arith.addf %add3A_507, %mul3A_509 : vector<16xf32>
          %sub3A_511 = arith.subf %get3A_476, %get3A_424 : vector<16xf32>
          %mul3A_512 = arith.mulf %sub3A_511, %sub3A_511 : vector<16xf32>
          %add3A_513 = arith.addf %add3A_510, %mul3A_512 : vector<16xf32>
          %sub3A_514 = arith.subf %get3A_483, %get3A_429 : vector<16xf32>
          %mul3A_515 = arith.mulf %sub3A_514, %sub3A_514 : vector<16xf32>
          %add3A_516 = arith.addf %add3A_513, %mul3A_515 : vector<16xf32>
          %sub3A_517 = arith.subf %get3A_490, %get3A_434 : vector<16xf32>
          %mul3A_518 = arith.mulf %sub3A_517, %sub3A_517 : vector<16xf32>
          %add3A_519 = arith.addf %add3A_516, %mul3A_518 : vector<16xf32>
          %sub3A_520 = arith.subf %get3A_497, %get3A_439 : vector<16xf32>
          %mul3A_521 = arith.mulf %sub3A_520, %sub3A_520 : vector<16xf32>
          %add3A_522 = arith.addf %add3A_519, %mul3A_521 : vector<16xf32>
          %swap3A = arith.constant 0 : index
          %swap3A_523 = tpu.vector_load %arg12[%swap3A] {strides = array<i32>} : memref<384xf32, #tpu.memory_space<vmem>>, vector<16xf32>,
          tpu.vector_store %arg12[%swap3A], %add3A_522 {strides = array<i32>} : memref<384xf32, #tpu.memory_space<vmem>>, vector<16xf32>,
          %xor3A = arith.constant 8 : i32
          %xor3A_524 = vector.broadcast %xor3A : i32 to vector<16xi32>
          %xor3A_525 = arith.xori %iota3A, %xor3A_524 : vector<16xi32>
          %gather3A_526 = tpu.vector_load_idx %arg12[%xor3A_525] : memref<384xf32, #tpu.memory_space<vmem>>[vector<16xi32>], vector<16xf32>,
          %add3A_527 = arith.addf %add3A_522, %gather3A_526 : vector<16xf32>
          %swap3A_528 = arith.constant 0 : index
          %swap3A_529 = tpu.vector_load %arg12[%swap3A_528] {strides = array<i32>} : memref<384xf32, #tpu.memory_space<vmem>>, vector<16xf32>,
          tpu.vector_store %arg12[%swap3A_528], %add3A_527 {strides = array<i32>} : memref<384xf32, #tpu.memory_space<vmem>>, vector<16xf32>,
          %xor3A_530 = arith.constant 4 : i32
          %xor3A_531 = vector.broadcast %xor3A_530 : i32 to vector<16xi32>
          %xor3A_532 = arith.xori %iota3A, %xor3A_531 : vector<16xi32>
          %gather3A_533 = tpu.vector_load_idx %arg12[%xor3A_532] : memref<384xf32, #tpu.memory_space<vmem>>[vector<16xi32>], vector<16xf32>,
          %add3A_534 = arith.addf %add3A_527, %gather3A_533 : vector<16xf32>
          %swap3A_535 = arith.constant 0 : index
          %swap3A_536 = tpu.vector_load %arg12[%swap3A_535] {strides = array<i32>} : memref<384xf32, #tpu.memory_space<vmem>>, vector<16xf32>,
          tpu.vector_store %arg12[%swap3A_535], %add3A_534 {strides = array<i32>} : memref<384xf32, #tpu.memory_space<vmem>>, vector<16xf32>,
          %xor3A_537 = arith.constant 2 : i32
          %xor3A_538 = vector.broadcast %xor3A_537 : i32 to vector<16xi32>
          %xor3A_539 = arith.xori %iota3A, %xor3A_538 : vector<16xi32>
          %gather3A_540 = tpu.vector_load_idx %arg12[%xor3A_539] : memref<384xf32, #tpu.memory_space<vmem>>[vector<16xi32>], vector<16xf32>,
          %add3A_541 = arith.addf %add3A_534, %gather3A_540 : vector<16xf32>
          %swap3A_542 = arith.constant 0 : index
          %swap3A_543 = tpu.vector_load %arg12[%swap3A_542] {strides = array<i32>} : memref<384xf32, #tpu.memory_space<vmem>>, vector<16xf32>,
          tpu.vector_store %arg12[%swap3A_542], %add3A_541 {strides = array<i32>} : memref<384xf32, #tpu.memory_space<vmem>>, vector<16xf32>,
          %xor3A_544 = arith.constant 1 : i32
          %xor3A_545 = vector.broadcast %xor3A_544 : i32 to vector<16xi32>
          %xor3A_546 = arith.xori %iota3A, %xor3A_545 : vector<16xi32>
          %gather3A_547 = tpu.vector_load_idx %arg12[%xor3A_546] : memref<384xf32, #tpu.memory_space<vmem>>[vector<16xi32>], vector<16xf32>,
          %add3A_548 = arith.addf %add3A_541, %gather3A_547 : vector<16xf32>
          %gt3A = arith.constant 0.000000e+00 : f32
          %gt3A_549 = vector.broadcast %gt3A : f32 to vector<16xf32>
          %gt3A_550 = arith.cmpf ogt, %add3A_548, %gt3A_549 : vector<16xf32>
          %bitcast3A = vector.bitcast %add3A_548 : vector<16xf32> to vector<16xi32>
          %shift_right_arithmetic3A = arith.constant 1 : i32
          %shift_right_arithmetic3A_551 = vector.broadcast %shift_right_arithmetic3A : i32 to vector<16xi32>
          %shift_right_arithmetic3A_552 = arith.shrsi %bitcast3A, %shift_right_arithmetic3A_551 : vector<16xi32>
          %sub3A_553 = arith.constant 1597463007 : i32
          %sub3A_554 = vector.broadcast %sub3A_553 : i32 to vector<16xi32>
          %sub3A_555 = arith.subi %sub3A_554, %shift_right_arithmetic3A_552 : vector<16xi32>
          %bitcast3A_556 = vector.bitcast %sub3A_555 : vector<16xi32> to vector<16xf32>
          %mul3A_557 = arith.constant 5.000000e-01 : f32
          %mul3A_558 = vector.broadcast %mul3A_557 : f32 to vector<16xf32>
          %mul3A_559 = arith.mulf %mul3A_558, %add3A_548 : vector<16xf32>
          %mul3A_560 = arith.mulf %mul3A_559, %bitcast3A_556 : vector<16xf32>
          %mul3A_561 = arith.mulf %mul3A_560, %bitcast3A_556 : vector<16xf32>
          %sub3A_562 = arith.constant 1.500000e+00 : f32
          %sub3A_563 = vector.broadcast %sub3A_562 : f32 to vector<16xf32>
          %sub3A_564 = arith.subf %sub3A_563, %mul3A_561 : vector<16xf32>
          %mul3A_565 = arith.mulf %bitcast3A_556, %sub3A_564 : vector<16xf32>
          %mul3A_566 = arith.constant 5.000000e-01 : f32
          %mul3A_567 = vector.broadcast %mul3A_566 : f32 to vector<16xf32>
          %mul3A_568 = arith.mulf %mul3A_567, %add3A_548 : vector<16xf32>
          %mul3A_569 = arith.mulf %mul3A_568, %mul3A_565 : vector<16xf32>
          %mul3A_570 = arith.mulf %mul3A_569, %mul3A_565 : vector<16xf32>
          %sub3A_571 = arith.constant 1.500000e+00 : f32
          %sub3A_572 = vector.broadcast %sub3A_571 : f32 to vector<16xf32>
          %sub3A_573 = arith.subf %sub3A_572, %mul3A_570 : vector<16xf32>
          %mul3A_574 = arith.mulf %mul3A_565, %sub3A_573 : vector<16xf32>
          %mul3A_575 = arith.constant 5.000000e-01 : f32
          %mul3A_576 = vector.broadcast %mul3A_575 : f32 to vector<16xf32>
          %mul3A_577 = arith.mulf %mul3A_576, %add3A_548 : vector<16xf32>
          %mul3A_578 = arith.mulf %mul3A_577, %mul3A_574 : vector<16xf32>
          %mul3A_579 = arith.mulf %mul3A_578, %mul3A_574 : vector<16xf32>
          %sub3A_580 = arith.constant 1.500000e+00 : f32
          %sub3A_581 = vector.broadcast %sub3A_580 : f32 to vector<16xf32>
          %sub3A_582 = arith.subf %sub3A_581, %mul3A_579 : vector<16xf32>
          %mul3A_583 = arith.mulf %mul3A_574, %sub3A_582 : vector<16xf32>
          %mul3A_584 = arith.mulf %add3A_548, %mul3A_583 : vector<16xf32>
          %jit3A = arith.constant 0.000000e+00 : f32
          %broadcast_in_dim3A_585 = vector.broadcast %jit3A : f32 to vector<16xf32>
          %select_n3A = arith.select %gt3A_550, %mul3A_584, %broadcast_in_dim3A_585 : vector<16xi1>, vector<16xf32>
          %neg3A = arith.constant 0.000000e+00 : f32
          %neg3A_586 = vector.broadcast %neg3A : f32 to vector<16xf32>
          %neg3A_587 = arith.subf %neg3A_586, %select_n3A : vector<16xf32>
          %exp3A = math.exp %neg3A_587 : vector<16xf32>
          %mul3A_588 = arith.mulf %exp3A, %get3A_448 : vector<16xf32>
          %add3A_589 = arith.addf %get3A_404, %mul3A_588 : vector<16xf32>
          %mul3A_590 = arith.mulf %exp3A, %get3A_455 : vector<16xf32>
          %add3A_591 = arith.addf %get3A_409, %mul3A_590 : vector<16xf32>
          %mul3A_592 = arith.mulf %exp3A, %get3A_462 : vector<16xf32>
          %add3A_593 = arith.addf %get3A_414, %mul3A_592 : vector<16xf32>
          %mul3A_594 = arith.mulf %exp3A, %get3A_469 : vector<16xf32>
          %add3A_595 = arith.addf %get3A_419, %mul3A_594 : vector<16xf32>
          %mul3A_596 = arith.mulf %exp3A, %get3A_476 : vector<16xf32>
          %add3A_597 = arith.addf %get3A_424, %mul3A_596 : vector<16xf32>
          %mul3A_598 = arith.mulf %exp3A, %get3A_483 : vector<16xf32>
          %add3A_599 = arith.addf %get3A_429, %mul3A_598 : vector<16xf32>
          %mul3A_600 = arith.mulf %exp3A, %get3A_490 : vector<16xf32>
          %add3A_601 = arith.addf %get3A_434, %mul3A_600 : vector<16xf32>
          %mul3A_602 = arith.mulf %exp3A, %get3A_497 : vector<16xf32>
          %add3A_603 = arith.addf %get3A_439, %mul3A_602 : vector<16xf32>
          %add3A_604 = arith.addf %broadcast_in_dim3A_441, %exp3A : vector<16xf32>
          %mul3A_605 = arith.constant 5 : i32
          %mul3A_606 = arith.muli %mul3A_605, %scan3A_393 : i32
          %add3A_607 = arith.constant 2 : i32
          %add3A_608 = arith.addi %mul3A_606, %add3A_607 : i32
          %get3A_609 = arith.index_cast %add3A_608 : i32 to index
          %get3A_610 = arith.constant 0 : index
          %get3A_611 = tpu.vector_load %arg10[%get3A_609, %get3A_610] {strides = array<i32>} : memref<320x128xf32, #tpu.memory_space<vmem>>, vector<16xf32>,
          %mul3A_612 = arith.constant 5 : i32
          %mul3A_613 = arith.muli %mul3A_612, %scan3A_393 : i32
          %add3A_614 = arith.constant 2 : i32
          %add3A_615 = arith.addi %mul3A_613, %add3A_614 : i32
          %get3A_616 = arith.index_cast %add3A_615 : i32 to index
          %get3A_617 = arith.constant 16 : index
          %get3A_618 = tpu.vector_load %arg10[%get3A_616, %get3A_617] {strides = array<i32>} : memref<320x128xf32, #tpu.memory_space<vmem>>, vector<16xf32>,
          %mul3A_619 = arith.constant 5 : i32
          %mul3A_620 = arith.muli %mul3A_619, %scan3A_393 : i32
          %add3A_621 = arith.constant 2 : i32
          %add3A_622 = arith.addi %mul3A_620, %add3A_621 : i32
          %get3A_623 = arith.index_cast %add3A_622 : i32 to index
          %get3A_624 = arith.constant 32 : index
          %get3A_625 = tpu.vector_load %arg10[%get3A_623, %get3A_624] {strides = array<i32>} : memref<320x128xf32, #tpu.memory_space<vmem>>, vector<16xf32>,
          %mul3A_626 = arith.constant 5 : i32
          %mul3A_627 = arith.muli %mul3A_626, %scan3A_393 : i32
          %add3A_628 = arith.constant 2 : i32
          %add3A_629 = arith.addi %mul3A_627, %add3A_628 : i32
          %get3A_630 = arith.index_cast %add3A_629 : i32 to index
          %get3A_631 = arith.constant 48 : index
          %get3A_632 = tpu.vector_load %arg10[%get3A_630, %get3A_631] {strides = array<i32>} : memref<320x128xf32, #tpu.memory_space<vmem>>, vector<16xf32>,
          %mul3A_633 = arith.constant 5 : i32
          %mul3A_634 = arith.muli %mul3A_633, %scan3A_393 : i32
          %add3A_635 = arith.constant 2 : i32
          %add3A_636 = arith.addi %mul3A_634, %add3A_635 : i32
          %get3A_637 = arith.index_cast %add3A_636 : i32 to index
          %get3A_638 = arith.constant 64 : index
          %get3A_639 = tpu.vector_load %arg10[%get3A_637, %get3A_638] {strides = array<i32>} : memref<320x128xf32, #tpu.memory_space<vmem>>, vector<16xf32>,
          %mul3A_640 = arith.constant 5 : i32
          %mul3A_641 = arith.muli %mul3A_640, %scan3A_393 : i32
          %add3A_642 = arith.constant 2 : i32
          %add3A_643 = arith.addi %mul3A_641, %add3A_642 : i32
          %get3A_644 = arith.index_cast %add3A_643 : i32 to index
          %get3A_645 = arith.constant 80 : index
          %get3A_646 = tpu.vector_load %arg10[%get3A_644, %get3A_645] {strides = array<i32>} : memref<320x128xf32, #tpu.memory_space<vmem>>, vector<16xf32>,
          %mul3A_647 = arith.constant 5 : i32
          %mul3A_648 = arith.muli %mul3A_647, %scan3A_393 : i32
          %add3A_649 = arith.constant 2 : i32
          %add3A_650 = arith.addi %mul3A_648, %add3A_649 : i32
          %get3A_651 = arith.index_cast %add3A_650 : i32 to index
          %get3A_652 = arith.constant 96 : index
          %get3A_653 = tpu.vector_load %arg10[%get3A_651, %get3A_652] {strides = array<i32>} : memref<320x128xf32, #tpu.memory_space<vmem>>, vector<16xf32>,
          %mul3A_654 = arith.constant 5 : i32
          %mul3A_655 = arith.muli %mul3A_654, %scan3A_393 : i32
          %add3A_656 = arith.constant 2 : i32
          %add3A_657 = arith.addi %mul3A_655, %add3A_656 : i32
          %get3A_658 = arith.index_cast %add3A_657 : i32 to index
          %get3A_659 = arith.constant 112 : index
          %get3A_660 = tpu.vector_load %arg10[%get3A_658, %get3A_659] {strides = array<i32>} : memref<320x128xf32, #tpu.memory_space<vmem>>, vector<16xf32>,
          %broadcast_in_dim3A_661 = arith.constant 0.000000e+00 : f32
          %broadcast_in_dim3A_662 = vector.broadcast %broadcast_in_dim3A_661 : f32 to vector<16xf32>
          %sub3A_663 = arith.subf %get3A_611, %get3A_404 : vector<16xf32>
          %mul3A_664 = arith.mulf %sub3A_663, %sub3A_663 : vector<16xf32>
          %add3A_665 = arith.addf %broadcast_in_dim3A_662, %mul3A_664 : vector<16xf32>
          %sub3A_666 = arith.subf %get3A_618, %get3A_409 : vector<16xf32>
          %mul3A_667 = arith.mulf %sub3A_666, %sub3A_666 : vector<16xf32>
          %add3A_668 = arith.addf %add3A_665, %mul3A_667 : vector<16xf32>
          %sub3A_669 = arith.subf %get3A_625, %get3A_414 : vector<16xf32>
          %mul3A_670 = arith.mulf %sub3A_669, %sub3A_669 : vector<16xf32>
          %add3A_671 = arith.addf %add3A_668, %mul3A_670 : vector<16xf32>
          %sub3A_672 = arith.subf %get3A_632, %get3A_419 : vector<16xf32>
          %mul3A_673 = arith.mulf %sub3A_672, %sub3A_672 : vector<16xf32>
          %add3A_674 = arith.addf %add3A_671, %mul3A_673 : vector<16xf32>
          %sub3A_675 = arith.subf %get3A_639, %get3A_424 : vector<16xf32>
          %mul3A_676 = arith.mulf %sub3A_675, %sub3A_675 : vector<16xf32>
          %add3A_677 = arith.addf %add3A_674, %mul3A_676 : vector<16xf32>
          %sub3A_678 = arith.subf %get3A_646, %get3A_429 : vector<16xf32>
          %mul3A_679 = arith.mulf %sub3A_678, %sub3A_678 : vector<16xf32>
          %add3A_680 = arith.addf %add3A_677, %mul3A_679 : vector<16xf32>
          %sub3A_681 = arith.subf %get3A_653, %get3A_434 : vector<16xf32>
          %mul3A_682 = arith.mulf %sub3A_681, %sub3A_681 : vector<16xf32>
          %add3A_683 = arith.addf %add3A_680, %mul3A_682 : vector<16xf32>
          %sub3A_684 = arith.subf %get3A_660, %get3A_439 : vector<16xf32>
          %mul3A_685 = arith.mulf %sub3A_684, %sub3A_684 : vector<16xf32>
          %add3A_686 = arith.addf %add3A_683, %mul3A_685 : vector<16xf32>
          %swap3A_687 = arith.constant 0 : index
          %swap3A_688 = tpu.vector_load %arg12[%swap3A_687] {strides = array<i32>} : memref<384xf32, #tpu.memory_space<vmem>>, vector<16xf32>,
          tpu.vector_store %arg12[%swap3A_687], %add3A_686 {strides = array<i32>} : memref<384xf32, #tpu.memory_space<vmem>>, vector<16xf32>,
          %xor3A_689 = arith.constant 8 : i32
          %xor3A_690 = vector.broadcast %xor3A_689 : i32 to vector<16xi32>
          %xor3A_691 = arith.xori %iota3A, %xor3A_690 : vector<16xi32>
          %gather3A_692 = tpu.vector_load_idx %arg12[%xor3A_691] : memref<384xf32, #tpu.memory_space<vmem>>[vector<16xi32>], vector<16xf32>,
          %add3A_693 = arith.addf %add3A_686, %gather3A_692 : vector<16xf32>
          %swap3A_694 = arith.constant 0 : index
          %swap3A_695 = tpu.vector_load %arg12[%swap3A_694] {strides = array<i32>} : memref<384xf32, #tpu.memory_space<vmem>>, vector<16xf32>,
          tpu.vector_store %arg12[%swap3A_694], %add3A_693 {strides = array<i32>} : memref<384xf32, #tpu.memory_space<vmem>>, vector<16xf32>,
          %xor3A_696 = arith.constant 4 : i32
          %xor3A_697 = vector.broadcast %xor3A_696 : i32 to vector<16xi32>
          %xor3A_698 = arith.xori %iota3A, %xor3A_697 : vector<16xi32>
          %gather3A_699 = tpu.vector_load_idx %arg12[%xor3A_698] : memref<384xf32, #tpu.memory_space<vmem>>[vector<16xi32>], vector<16xf32>,
          %add3A_700 = arith.addf %add3A_693, %gather3A_699 : vector<16xf32>
          %swap3A_701 = arith.constant 0 : index
          %swap3A_702 = tpu.vector_load %arg12[%swap3A_701] {strides = array<i32>} : memref<384xf32, #tpu.memory_space<vmem>>, vector<16xf32>,
          tpu.vector_store %arg12[%swap3A_701], %add3A_700 {strides = array<i32>} : memref<384xf32, #tpu.memory_space<vmem>>, vector<16xf32>,
          %xor3A_703 = arith.constant 2 : i32
          %xor3A_704 = vector.broadcast %xor3A_703 : i32 to vector<16xi32>
          %xor3A_705 = arith.xori %iota3A, %xor3A_704 : vector<16xi32>
          %gather3A_706 = tpu.vector_load_idx %arg12[%xor3A_705] : memref<384xf32, #tpu.memory_space<vmem>>[vector<16xi32>], vector<16xf32>,
          %add3A_707 = arith.addf %add3A_700, %gather3A_706 : vector<16xf32>
          %swap3A_708 = arith.constant 0 : index
          %swap3A_709 = tpu.vector_load %arg12[%swap3A_708] {strides = array<i32>} : memref<384xf32, #tpu.memory_space<vmem>>, vector<16xf32>,
          tpu.vector_store %arg12[%swap3A_708], %add3A_707 {strides = array<i32>} : memref<384xf32, #tpu.memory_space<vmem>>, vector<16xf32>,
          %xor3A_710 = arith.constant 1 : i32
          %xor3A_711 = vector.broadcast %xor3A_710 : i32 to vector<16xi32>
          %xor3A_712 = arith.xori %iota3A, %xor3A_711 : vector<16xi32>
          %gather3A_713 = tpu.vector_load_idx %arg12[%xor3A_712] : memref<384xf32, #tpu.memory_space<vmem>>[vector<16xi32>], vector<16xf32>,
          %add3A_714 = arith.addf %add3A_707, %gather3A_713 : vector<16xf32>
          %gt3A_715 = arith.constant 0.000000e+00 : f32
          %gt3A_716 = vector.broadcast %gt3A_715 : f32 to vector<16xf32>
          %gt3A_717 = arith.cmpf ogt, %add3A_714, %gt3A_716 : vector<16xf32>
          %bitcast3A_718 = vector.bitcast %add3A_714 : vector<16xf32> to vector<16xi32>
          %shift_right_arithmetic3A_719 = arith.constant 1 : i32
          %shift_right_arithmetic3A_720 = vector.broadcast %shift_right_arithmetic3A_719 : i32 to vector<16xi32>
          %shift_right_arithmetic3A_721 = arith.shrsi %bitcast3A_718, %shift_right_arithmetic3A_720 : vector<16xi32>
          %sub3A_722 = arith.constant 1597463007 : i32
          %sub3A_723 = vector.broadcast %sub3A_722 : i32 to vector<16xi32>
          %sub3A_724 = arith.subi %sub3A_723, %shift_right_arithmetic3A_721 : vector<16xi32>
          %bitcast3A_725 = vector.bitcast %sub3A_724 : vector<16xi32> to vector<16xf32>
          %mul3A_726 = arith.constant 5.000000e-01 : f32
          %mul3A_727 = vector.broadcast %mul3A_726 : f32 to vector<16xf32>
          %mul3A_728 = arith.mulf %mul3A_727, %add3A_714 : vector<16xf32>
          %mul3A_729 = arith.mulf %mul3A_728, %bitcast3A_725 : vector<16xf32>
          %mul3A_730 = arith.mulf %mul3A_729, %bitcast3A_725 : vector<16xf32>
          %sub3A_731 = arith.constant 1.500000e+00 : f32
          %sub3A_732 = vector.broadcast %sub3A_731 : f32 to vector<16xf32>
          %sub3A_733 = arith.subf %sub3A_732, %mul3A_730 : vector<16xf32>
          %mul3A_734 = arith.mulf %bitcast3A_725, %sub3A_733 : vector<16xf32>
          %mul3A_735 = arith.constant 5.000000e-01 : f32
          %mul3A_736 = vector.broadcast %mul3A_735 : f32 to vector<16xf32>
          %mul3A_737 = arith.mulf %mul3A_736, %add3A_714 : vector<16xf32>
          %mul3A_738 = arith.mulf %mul3A_737, %mul3A_734 : vector<16xf32>
          %mul3A_739 = arith.mulf %mul3A_738, %mul3A_734 : vector<16xf32>
          %sub3A_740 = arith.constant 1.500000e+00 : f32
          %sub3A_741 = vector.broadcast %sub3A_740 : f32 to vector<16xf32>
          %sub3A_742 = arith.subf %sub3A_741, %mul3A_739 : vector<16xf32>
          %mul3A_743 = arith.mulf %mul3A_734, %sub3A_742 : vector<16xf32>
          %mul3A_744 = arith.constant 5.000000e-01 : f32
          %mul3A_745 = vector.broadcast %mul3A_744 : f32 to vector<16xf32>
          %mul3A_746 = arith.mulf %mul3A_745, %add3A_714 : vector<16xf32>
          %mul3A_747 = arith.mulf %mul3A_746, %mul3A_743 : vector<16xf32>
          %mul3A_748 = arith.mulf %mul3A_747, %mul3A_743 : vector<16xf32>
          %sub3A_749 = arith.constant 1.500000e+00 : f32
          %sub3A_750 = vector.broadcast %sub3A_749 : f32 to vector<16xf32>
          %sub3A_751 = arith.subf %sub3A_750, %mul3A_748 : vector<16xf32>
          %mul3A_752 = arith.mulf %mul3A_743, %sub3A_751 : vector<16xf32>
          %mul3A_753 = arith.mulf %add3A_714, %mul3A_752 : vector<16xf32>
          %jit3A_754 = arith.constant 0.000000e+00 : f32
          %broadcast_in_dim3A_755 = vector.broadcast %jit3A_754 : f32 to vector<16xf32>
          %select_n3A_756 = arith.select %gt3A_717, %mul3A_753, %broadcast_in_dim3A_755 : vector<16xi1>, vector<16xf32>
          %neg3A_757 = arith.constant 0.000000e+00 : f32
          %neg3A_758 = vector.broadcast %neg3A_757 : f32 to vector<16xf32>
          %neg3A_759 = arith.subf %neg3A_758, %select_n3A_756 : vector<16xf32>
          %exp3A_760 = math.exp %neg3A_759 : vector<16xf32>
          %mul3A_761 = arith.mulf %exp3A_760, %get3A_611 : vector<16xf32>
          %add3A_762 = arith.addf %add3A_589, %mul3A_761 : vector<16xf32>
          %mul3A_763 = arith.mulf %exp3A_760, %get3A_618 : vector<16xf32>
          %add3A_764 = arith.addf %add3A_591, %mul3A_763 : vector<16xf32>
          %mul3A_765 = arith.mulf %exp3A_760, %get3A_625 : vector<16xf32>
          %add3A_766 = arith.addf %add3A_593, %mul3A_765 : vector<16xf32>
          %mul3A_767 = arith.mulf %exp3A_760, %get3A_632 : vector<16xf32>
          %add3A_768 = arith.addf %add3A_595, %mul3A_767 : vector<16xf32>
          %mul3A_769 = arith.mulf %exp3A_760, %get3A_639 : vector<16xf32>
          %add3A_770 = arith.addf %add3A_597, %mul3A_769 : vector<16xf32>
          %mul3A_771 = arith.mulf %exp3A_760, %get3A_646 : vector<16xf32>
          %add3A_772 = arith.addf %add3A_599, %mul3A_771 : vector<16xf32>
          %mul3A_773 = arith.mulf %exp3A_760, %get3A_653 : vector<16xf32>
          %add3A_774 = arith.addf %add3A_601, %mul3A_773 : vector<16xf32>
          %mul3A_775 = arith.mulf %exp3A_760, %get3A_660 : vector<16xf32>
          %add3A_776 = arith.addf %add3A_603, %mul3A_775 : vector<16xf32>
          %add3A_777 = arith.addf %add3A_604, %exp3A_760 : vector<16xf32>
          %div3A = arith.divf %add3A_762, %add3A_777 : vector<16xf32>
          %div3A_778 = arith.divf %add3A_764, %add3A_777 : vector<16xf32>
          %div3A_779 = arith.divf %add3A_766, %add3A_777 : vector<16xf32>
          %div3A_780 = arith.divf %add3A_768, %add3A_777 : vector<16xf32>
          %div3A_781 = arith.divf %add3A_770, %add3A_777 : vector<16xf32>
          %div3A_782 = arith.divf %add3A_772, %add3A_777 : vector<16xf32>
          %div3A_783 = arith.divf %add3A_774, %add3A_777 : vector<16xf32>
          %div3A_784 = arith.divf %add3A_776, %add3A_777 : vector<16xf32>
          %mul3A_785 = arith.constant 5 : i32
          %mul3A_786 = arith.muli %mul3A_785, %scan3A_393 : i32
          %add3A_787 = arith.constant 3 : i32
          %add3A_788 = arith.addi %mul3A_786, %add3A_787 : i32
          %get3A_789 = arith.index_cast %add3A_788 : i32 to index
          %get3A_790 = arith.constant 0 : index
          %get3A_791 = tpu.vector_load %arg10[%get3A_789, %get3A_790] {strides = array<i32>} : memref<320x128xf32, #tpu.memory_space<vmem>>, vector<16xf32>,
          %mul3A_792 = arith.constant 5 : i32
          %mul3A_793 = arith.muli %mul3A_792, %scan3A_393 : i32
          %add3A_794 = arith.constant 3 : i32
          %add3A_795 = arith.addi %mul3A_793, %add3A_794 : i32
          %get3A_796 = arith.index_cast %add3A_795 : i32 to index
          %get3A_797 = arith.constant 16 : index
          %get3A_798 = tpu.vector_load %arg10[%get3A_796, %get3A_797] {strides = array<i32>} : memref<320x128xf32, #tpu.memory_space<vmem>>, vector<16xf32>,
          %mul3A_799 = arith.constant 5 : i32
          %mul3A_800 = arith.muli %mul3A_799, %scan3A_393 : i32
          %add3A_801 = arith.constant 3 : i32
          %add3A_802 = arith.addi %mul3A_800, %add3A_801 : i32
          %get3A_803 = arith.index_cast %add3A_802 : i32 to index
          %get3A_804 = arith.constant 32 : index
          %get3A_805 = tpu.vector_load %arg10[%get3A_803, %get3A_804] {strides = array<i32>} : memref<320x128xf32, #tpu.memory_space<vmem>>, vector<16xf32>,
          %mul3A_806 = arith.constant 5 : i32
          %mul3A_807 = arith.muli %mul3A_806, %scan3A_393 : i32
          %add3A_808 = arith.constant 3 : i32
          %add3A_809 = arith.addi %mul3A_807, %add3A_808 : i32
          %get3A_810 = arith.index_cast %add3A_809 : i32 to index
          %get3A_811 = arith.constant 48 : index
          %get3A_812 = tpu.vector_load %arg10[%get3A_810, %get3A_811] {strides = array<i32>} : memref<320x128xf32, #tpu.memory_space<vmem>>, vector<16xf32>,
          %mul3A_813 = arith.constant 5 : i32
          %mul3A_814 = arith.muli %mul3A_813, %scan3A_393 : i32
          %add3A_815 = arith.constant 3 : i32
          %add3A_816 = arith.addi %mul3A_814, %add3A_815 : i32
          %get3A_817 = arith.index_cast %add3A_816 : i32 to index
          %get3A_818 = arith.constant 64 : index
          %get3A_819 = tpu.vector_load %arg10[%get3A_817, %get3A_818] {strides = array<i32>} : memref<320x128xf32, #tpu.memory_space<vmem>>, vector<16xf32>,
          %mul3A_820 = arith.constant 5 : i32
          %mul3A_821 = arith.muli %mul3A_820, %scan3A_393 : i32
          %add3A_822 = arith.constant 3 : i32
          %add3A_823 = arith.addi %mul3A_821, %add3A_822 : i32
          %get3A_824 = arith.index_cast %add3A_823 : i32 to index
          %get3A_825 = arith.constant 80 : index
          %get3A_826 = tpu.vector_load %arg10[%get3A_824, %get3A_825] {strides = array<i32>} : memref<320x128xf32, #tpu.memory_space<vmem>>, vector<16xf32>,
          %mul3A_827 = arith.constant 5 : i32
          %mul3A_828 = arith.muli %mul3A_827, %scan3A_393 : i32
          %add3A_829 = arith.constant 3 : i32
          %add3A_830 = arith.addi %mul3A_828, %add3A_829 : i32
          %get3A_831 = arith.index_cast %add3A_830 : i32 to index
          %get3A_832 = arith.constant 96 : index
          %get3A_833 = tpu.vector_load %arg10[%get3A_831, %get3A_832] {strides = array<i32>} : memref<320x128xf32, #tpu.memory_space<vmem>>, vector<16xf32>,
          %mul3A_834 = arith.constant 5 : i32
          %mul3A_835 = arith.muli %mul3A_834, %scan3A_393 : i32
          %add3A_836 = arith.constant 3 : i32
          %add3A_837 = arith.addi %mul3A_835, %add3A_836 : i32
          %get3A_838 = arith.index_cast %add3A_837 : i32 to index
          %get3A_839 = arith.constant 112 : index
          %get3A_840 = tpu.vector_load %arg10[%get3A_838, %get3A_839] {strides = array<i32>} : memref<320x128xf32, #tpu.memory_space<vmem>>, vector<16xf32>,
          %broadcast_in_dim3A_841 = arith.constant 0.000000e+00 : f32
          %broadcast_in_dim3A_842 = vector.broadcast %broadcast_in_dim3A_841 : f32 to vector<16xf32>
          %sub3A_843 = arith.subf %get3A_791, %get3A_404 : vector<16xf32>
          %mul3A_844 = arith.mulf %sub3A_843, %sub3A_843 : vector<16xf32>
          %add3A_845 = arith.addf %broadcast_in_dim3A_842, %mul3A_844 : vector<16xf32>
          %sub3A_846 = arith.subf %get3A_798, %get3A_409 : vector<16xf32>
          %mul3A_847 = arith.mulf %sub3A_846, %sub3A_846 : vector<16xf32>
          %add3A_848 = arith.addf %add3A_845, %mul3A_847 : vector<16xf32>
          %sub3A_849 = arith.subf %get3A_805, %get3A_414 : vector<16xf32>
          %mul3A_850 = arith.mulf %sub3A_849, %sub3A_849 : vector<16xf32>
          %add3A_851 = arith.addf %add3A_848, %mul3A_850 : vector<16xf32>
          %sub3A_852 = arith.subf %get3A_812, %get3A_419 : vector<16xf32>
          %mul3A_853 = arith.mulf %sub3A_852, %sub3A_852 : vector<16xf32>
          %add3A_854 = arith.addf %add3A_851, %mul3A_853 : vector<16xf32>
          %sub3A_855 = arith.subf %get3A_819, %get3A_424 : vector<16xf32>
          %mul3A_856 = arith.mulf %sub3A_855, %sub3A_855 : vector<16xf32>
          %add3A_857 = arith.addf %add3A_854, %mul3A_856 : vector<16xf32>
          %sub3A_858 = arith.subf %get3A_826, %get3A_429 : vector<16xf32>
          %mul3A_859 = arith.mulf %sub3A_858, %sub3A_858 : vector<16xf32>
          %add3A_860 = arith.addf %add3A_857, %mul3A_859 : vector<16xf32>
          %sub3A_861 = arith.subf %get3A_833, %get3A_434 : vector<16xf32>
          %mul3A_862 = arith.mulf %sub3A_861, %sub3A_861 : vector<16xf32>
          %add3A_863 = arith.addf %add3A_860, %mul3A_862 : vector<16xf32>
          %sub3A_864 = arith.subf %get3A_840, %get3A_439 : vector<16xf32>
          %mul3A_865 = arith.mulf %sub3A_864, %sub3A_864 : vector<16xf32>
          %add3A_866 = arith.addf %add3A_863, %mul3A_865 : vector<16xf32>
          %swap3A_867 = arith.constant 0 : index
          %swap3A_868 = tpu.vector_load %arg12[%swap3A_867] {strides = array<i32>} : memref<384xf32, #tpu.memory_space<vmem>>, vector<16xf32>,
          tpu.vector_store %arg12[%swap3A_867], %add3A_866 {strides = array<i32>} : memref<384xf32, #tpu.memory_space<vmem>>, vector<16xf32>,
          %xor3A_869 = arith.constant 8 : i32
          %xor3A_870 = vector.broadcast %xor3A_869 : i32 to vector<16xi32>
          %xor3A_871 = arith.xori %iota3A, %xor3A_870 : vector<16xi32>
          %gather3A_872 = tpu.vector_load_idx %arg12[%xor3A_871] : memref<384xf32, #tpu.memory_space<vmem>>[vector<16xi32>], vector<16xf32>,
          %add3A_873 = arith.addf %add3A_866, %gather3A_872 : vector<16xf32>
          %swap3A_874 = arith.constant 0 : index
          %swap3A_875 = tpu.vector_load %arg12[%swap3A_874] {strides = array<i32>} : memref<384xf32, #tpu.memory_space<vmem>>, vector<16xf32>,
          tpu.vector_store %arg12[%swap3A_874], %add3A_873 {strides = array<i32>} : memref<384xf32, #tpu.memory_space<vmem>>, vector<16xf32>,
          %xor3A_876 = arith.constant 4 : i32
          %xor3A_877 = vector.broadcast %xor3A_876 : i32 to vector<16xi32>
          %xor3A_878 = arith.xori %iota3A, %xor3A_877 : vector<16xi32>
          %gather3A_879 = tpu.vector_load_idx %arg12[%xor3A_878] : memref<384xf32, #tpu.memory_space<vmem>>[vector<16xi32>], vector<16xf32>,
          %add3A_880 = arith.addf %add3A_873, %gather3A_879 : vector<16xf32>
          %swap3A_881 = arith.constant 0 : index
          %swap3A_882 = tpu.vector_load %arg12[%swap3A_881] {strides = array<i32>} : memref<384xf32, #tpu.memory_space<vmem>>, vector<16xf32>,
          tpu.vector_store %arg12[%swap3A_881], %add3A_880 {strides = array<i32>} : memref<384xf32, #tpu.memory_space<vmem>>, vector<16xf32>,
          %xor3A_883 = arith.constant 2 : i32
          %xor3A_884 = vector.broadcast %xor3A_883 : i32 to vector<16xi32>
          %xor3A_885 = arith.xori %iota3A, %xor3A_884 : vector<16xi32>
          %gather3A_886 = tpu.vector_load_idx %arg12[%xor3A_885] : memref<384xf32, #tpu.memory_space<vmem>>[vector<16xi32>], vector<16xf32>,
          %add3A_887 = arith.addf %add3A_880, %gather3A_886 : vector<16xf32>
          %swap3A_888 = arith.constant 0 : index
          %swap3A_889 = tpu.vector_load %arg12[%swap3A_888] {strides = array<i32>} : memref<384xf32, #tpu.memory_space<vmem>>, vector<16xf32>,
          tpu.vector_store %arg12[%swap3A_888], %add3A_887 {strides = array<i32>} : memref<384xf32, #tpu.memory_space<vmem>>, vector<16xf32>,
          %xor3A_890 = arith.constant 1 : i32
          %xor3A_891 = vector.broadcast %xor3A_890 : i32 to vector<16xi32>
          %xor3A_892 = arith.xori %iota3A, %xor3A_891 : vector<16xi32>
          %gather3A_893 = tpu.vector_load_idx %arg12[%xor3A_892] : memref<384xf32, #tpu.memory_space<vmem>>[vector<16xi32>], vector<16xf32>,
          %add3A_894 = arith.addf %add3A_887, %gather3A_893 : vector<16xf32>
          %gt3A_895 = arith.constant 0.000000e+00 : f32
          %gt3A_896 = vector.broadcast %gt3A_895 : f32 to vector<16xf32>
          %gt3A_897 = arith.cmpf ogt, %add3A_894, %gt3A_896 : vector<16xf32>
          %bitcast3A_898 = vector.bitcast %add3A_894 : vector<16xf32> to vector<16xi32>
          %shift_right_arithmetic3A_899 = arith.constant 1 : i32
          %shift_right_arithmetic3A_900 = vector.broadcast %shift_right_arithmetic3A_899 : i32 to vector<16xi32>
          %shift_right_arithmetic3A_901 = arith.shrsi %bitcast3A_898, %shift_right_arithmetic3A_900 : vector<16xi32>
          %sub3A_902 = arith.constant 1597463007 : i32
          %sub3A_903 = vector.broadcast %sub3A_902 : i32 to vector<16xi32>
          %sub3A_904 = arith.subi %sub3A_903, %shift_right_arithmetic3A_901 : vector<16xi32>
          %bitcast3A_905 = vector.bitcast %sub3A_904 : vector<16xi32> to vector<16xf32>
          %mul3A_906 = arith.constant 5.000000e-01 : f32
          %mul3A_907 = vector.broadcast %mul3A_906 : f32 to vector<16xf32>
          %mul3A_908 = arith.mulf %mul3A_907, %add3A_894 : vector<16xf32>
          %mul3A_909 = arith.mulf %mul3A_908, %bitcast3A_905 : vector<16xf32>
          %mul3A_910 = arith.mulf %mul3A_909, %bitcast3A_905 : vector<16xf32>
          %sub3A_911 = arith.constant 1.500000e+00 : f32
          %sub3A_912 = vector.broadcast %sub3A_911 : f32 to vector<16xf32>
          %sub3A_913 = arith.subf %sub3A_912, %mul3A_910 : vector<16xf32>
          %mul3A_914 = arith.mulf %bitcast3A_905, %sub3A_913 : vector<16xf32>
          %mul3A_915 = arith.constant 5.000000e-01 : f32
          %mul3A_916 = vector.broadcast %mul3A_915 : f32 to vector<16xf32>
          %mul3A_917 = arith.mulf %mul3A_916, %add3A_894 : vector<16xf32>
          %mul3A_918 = arith.mulf %mul3A_917, %mul3A_914 : vector<16xf32>
          %mul3A_919 = arith.mulf %mul3A_918, %mul3A_914 : vector<16xf32>
          %sub3A_920 = arith.constant 1.500000e+00 : f32
          %sub3A_921 = vector.broadcast %sub3A_920 : f32 to vector<16xf32>
          %sub3A_922 = arith.subf %sub3A_921, %mul3A_919 : vector<16xf32>
          %mul3A_923 = arith.mulf %mul3A_914, %sub3A_922 : vector<16xf32>
          %mul3A_924 = arith.constant 5.000000e-01 : f32
          %mul3A_925 = vector.broadcast %mul3A_924 : f32 to vector<16xf32>
          %mul3A_926 = arith.mulf %mul3A_925, %add3A_894 : vector<16xf32>
          %mul3A_927 = arith.mulf %mul3A_926, %mul3A_923 : vector<16xf32>
          %mul3A_928 = arith.mulf %mul3A_927, %mul3A_923 : vector<16xf32>
          %sub3A_929 = arith.constant 1.500000e+00 : f32
          %sub3A_930 = vector.broadcast %sub3A_929 : f32 to vector<16xf32>
          %sub3A_931 = arith.subf %sub3A_930, %mul3A_928 : vector<16xf32>
          %mul3A_932 = arith.mulf %mul3A_923, %sub3A_931 : vector<16xf32>
          %mul3A_933 = arith.mulf %add3A_894, %mul3A_932 : vector<16xf32>
          %jit3A_934 = arith.constant 0.000000e+00 : f32
          %broadcast_in_dim3A_935 = vector.broadcast %jit3A_934 : f32 to vector<16xf32>
          %select_n3A_936 = arith.select %gt3A_897, %mul3A_933, %broadcast_in_dim3A_935 : vector<16xi1>, vector<16xf32>
          %neg3A_937 = arith.constant 0.000000e+00 : f32
          %neg3A_938 = vector.broadcast %neg3A_937 : f32 to vector<16xf32>
          %neg3A_939 = arith.subf %neg3A_938, %select_n3A_936 : vector<16xf32>
          %exp3A_940 = math.exp %neg3A_939 : vector<16xf32>
          %mul3A_941 = arith.mulf %exp3A_940, %get3A_791 : vector<16xf32>
          %add3A_942 = arith.addf %add3A_762, %mul3A_941 : vector<16xf32>
          %mul3A_943 = arith.mulf %exp3A_940, %get3A_798 : vector<16xf32>
          %add3A_944 = arith.addf %add3A_764, %mul3A_943 : vector<16xf32>
          %mul3A_945 = arith.mulf %exp3A_940, %get3A_805 : vector<16xf32>
          %add3A_946 = arith.addf %add3A_766, %mul3A_945 : vector<16xf32>
          %mul3A_947 = arith.mulf %exp3A_940, %get3A_812 : vector<16xf32>
          %add3A_948 = arith.addf %add3A_768, %mul3A_947 : vector<16xf32>
          %mul3A_949 = arith.mulf %exp3A_940, %get3A_819 : vector<16xf32>
          %add3A_950 = arith.addf %add3A_770, %mul3A_949 : vector<16xf32>
          %mul3A_951 = arith.mulf %exp3A_940, %get3A_826 : vector<16xf32>
          %add3A_952 = arith.addf %add3A_772, %mul3A_951 : vector<16xf32>
          %mul3A_953 = arith.mulf %exp3A_940, %get3A_833 : vector<16xf32>
          %add3A_954 = arith.addf %add3A_774, %mul3A_953 : vector<16xf32>
          %mul3A_955 = arith.mulf %exp3A_940, %get3A_840 : vector<16xf32>
          %add3A_956 = arith.addf %add3A_776, %mul3A_955 : vector<16xf32>
          %add3A_957 = arith.addf %add3A_777, %exp3A_940 : vector<16xf32>
          %mul3A_958 = arith.constant 5 : i32
          %mul3A_959 = arith.muli %mul3A_958, %scan3A_393 : i32
          %add3A_960 = arith.constant 4 : i32
          %add3A_961 = arith.addi %mul3A_959, %add3A_960 : i32
          %get3A_962 = arith.index_cast %add3A_961 : i32 to index
          %get3A_963 = arith.constant 0 : index
          %get3A_964 = tpu.vector_load %arg10[%get3A_962, %get3A_963] {strides = array<i32>} : memref<320x128xf32, #tpu.memory_space<vmem>>, vector<16xf32>,
          %mul3A_965 = arith.constant 5 : i32
          %mul3A_966 = arith.muli %mul3A_965, %scan3A_393 : i32
          %add3A_967 = arith.constant 4 : i32
          %add3A_968 = arith.addi %mul3A_966, %add3A_967 : i32
          %get3A_969 = arith.index_cast %add3A_968 : i32 to index
          %get3A_970 = arith.constant 16 : index
          %get3A_971 = tpu.vector_load %arg10[%get3A_969, %get3A_970] {strides = array<i32>} : memref<320x128xf32, #tpu.memory_space<vmem>>, vector<16xf32>,
          %mul3A_972 = arith.constant 5 : i32
          %mul3A_973 = arith.muli %mul3A_972, %scan3A_393 : i32
          %add3A_974 = arith.constant 4 : i32
          %add3A_975 = arith.addi %mul3A_973, %add3A_974 : i32
          %get3A_976 = arith.index_cast %add3A_975 : i32 to index
          %get3A_977 = arith.constant 32 : index
          %get3A_978 = tpu.vector_load %arg10[%get3A_976, %get3A_977] {strides = array<i32>} : memref<320x128xf32, #tpu.memory_space<vmem>>, vector<16xf32>,
          %mul3A_979 = arith.constant 5 : i32
          %mul3A_980 = arith.muli %mul3A_979, %scan3A_393 : i32
          %add3A_981 = arith.constant 4 : i32
          %add3A_982 = arith.addi %mul3A_980, %add3A_981 : i32
          %get3A_983 = arith.index_cast %add3A_982 : i32 to index
          %get3A_984 = arith.constant 48 : index
          %get3A_985 = tpu.vector_load %arg10[%get3A_983, %get3A_984] {strides = array<i32>} : memref<320x128xf32, #tpu.memory_space<vmem>>, vector<16xf32>,
          %mul3A_986 = arith.constant 5 : i32
          %mul3A_987 = arith.muli %mul3A_986, %scan3A_393 : i32
          %add3A_988 = arith.constant 4 : i32
          %add3A_989 = arith.addi %mul3A_987, %add3A_988 : i32
          %get3A_990 = arith.index_cast %add3A_989 : i32 to index
          %get3A_991 = arith.constant 64 : index
          %get3A_992 = tpu.vector_load %arg10[%get3A_990, %get3A_991] {strides = array<i32>} : memref<320x128xf32, #tpu.memory_space<vmem>>, vector<16xf32>,
          %mul3A_993 = arith.constant 5 : i32
          %mul3A_994 = arith.muli %mul3A_993, %scan3A_393 : i32
          %add3A_995 = arith.constant 4 : i32
          %add3A_996 = arith.addi %mul3A_994, %add3A_995 : i32
          %get3A_997 = arith.index_cast %add3A_996 : i32 to index
          %get3A_998 = arith.constant 80 : index
          %get3A_999 = tpu.vector_load %arg10[%get3A_997, %get3A_998] {strides = array<i32>} : memref<320x128xf32, #tpu.memory_space<vmem>>, vector<16xf32>,
          %mul3A_1000 = arith.constant 5 : i32
          %mul3A_1001 = arith.muli %mul3A_1000, %scan3A_393 : i32
          %add3A_1002 = arith.constant 4 : i32
          %add3A_1003 = arith.addi %mul3A_1001, %add3A_1002 : i32
          %get3A_1004 = arith.index_cast %add3A_1003 : i32 to index
          %get3A_1005 = arith.constant 96 : index
          %get3A_1006 = tpu.vector_load %arg10[%get3A_1004, %get3A_1005] {strides = array<i32>} : memref<320x128xf32, #tpu.memory_space<vmem>>, vector<16xf32>,
          %mul3A_1007 = arith.constant 5 : i32
          %mul3A_1008 = arith.muli %mul3A_1007, %scan3A_393 : i32
          %add3A_1009 = arith.constant 4 : i32
          %add3A_1010 = arith.addi %mul3A_1008, %add3A_1009 : i32
          %get3A_1011 = arith.index_cast %add3A_1010 : i32 to index
          %get3A_1012 = arith.constant 112 : index
          %get3A_1013 = tpu.vector_load %arg10[%get3A_1011, %get3A_1012] {strides = array<i32>} : memref<320x128xf32, #tpu.memory_space<vmem>>, vector<16xf32>,
          %broadcast_in_dim3A_1014 = arith.constant 0.000000e+00 : f32
          %broadcast_in_dim3A_1015 = vector.broadcast %broadcast_in_dim3A_1014 : f32 to vector<16xf32>
          %sub3A_1016 = arith.subf %get3A_964, %get3A_404 : vector<16xf32>
          %mul3A_1017 = arith.mulf %sub3A_1016, %sub3A_1016 : vector<16xf32>
          %add3A_1018 = arith.addf %broadcast_in_dim3A_1015, %mul3A_1017 : vector<16xf32>
          %sub3A_1019 = arith.subf %get3A_971, %get3A_409 : vector<16xf32>
          %mul3A_1020 = arith.mulf %sub3A_1019, %sub3A_1019 : vector<16xf32>
          %add3A_1021 = arith.addf %add3A_1018, %mul3A_1020 : vector<16xf32>
          %sub3A_1022 = arith.subf %get3A_978, %get3A_414 : vector<16xf32>
          %mul3A_1023 = arith.mulf %sub3A_1022, %sub3A_1022 : vector<16xf32>
          %add3A_1024 = arith.addf %add3A_1021, %mul3A_1023 : vector<16xf32>
          %sub3A_1025 = arith.subf %get3A_985, %get3A_419 : vector<16xf32>
          %mul3A_1026 = arith.mulf %sub3A_1025, %sub3A_1025 : vector<16xf32>
          %add3A_1027 = arith.addf %add3A_1024, %mul3A_1026 : vector<16xf32>
          %sub3A_1028 = arith.subf %get3A_992, %get3A_424 : vector<16xf32>
          %mul3A_1029 = arith.mulf %sub3A_1028, %sub3A_1028 : vector<16xf32>
          %add3A_1030 = arith.addf %add3A_1027, %mul3A_1029 : vector<16xf32>
          %sub3A_1031 = arith.subf %get3A_999, %get3A_429 : vector<16xf32>
          %mul3A_1032 = arith.mulf %sub3A_1031, %sub3A_1031 : vector<16xf32>
          %add3A_1033 = arith.addf %add3A_1030, %mul3A_1032 : vector<16xf32>
          %sub3A_1034 = arith.subf %get3A_1006, %get3A_434 : vector<16xf32>
          %mul3A_1035 = arith.mulf %sub3A_1034, %sub3A_1034 : vector<16xf32>
          %add3A_1036 = arith.addf %add3A_1033, %mul3A_1035 : vector<16xf32>
          %sub3A_1037 = arith.subf %get3A_1013, %get3A_439 : vector<16xf32>
          %mul3A_1038 = arith.mulf %sub3A_1037, %sub3A_1037 : vector<16xf32>
          %add3A_1039 = arith.addf %add3A_1036, %mul3A_1038 : vector<16xf32>
          %swap3A_1040 = arith.constant 0 : index
          %swap3A_1041 = tpu.vector_load %arg12[%swap3A_1040] {strides = array<i32>} : memref<384xf32, #tpu.memory_space<vmem>>, vector<16xf32>,
          tpu.vector_store %arg12[%swap3A_1040], %add3A_1039 {strides = array<i32>} : memref<384xf32, #tpu.memory_space<vmem>>, vector<16xf32>,
          %xor3A_1042 = arith.constant 8 : i32
          %xor3A_1043 = vector.broadcast %xor3A_1042 : i32 to vector<16xi32>
          %xor3A_1044 = arith.xori %iota3A, %xor3A_1043 : vector<16xi32>
          %gather3A_1045 = tpu.vector_load_idx %arg12[%xor3A_1044] : memref<384xf32, #tpu.memory_space<vmem>>[vector<16xi32>], vector<16xf32>,
          %add3A_1046 = arith.addf %add3A_1039, %gather3A_1045 : vector<16xf32>
          %swap3A_1047 = arith.constant 0 : index
          %swap3A_1048 = tpu.vector_load %arg12[%swap3A_1047] {strides = array<i32>} : memref<384xf32, #tpu.memory_space<vmem>>, vector<16xf32>,
          tpu.vector_store %arg12[%swap3A_1047], %add3A_1046 {strides = array<i32>} : memref<384xf32, #tpu.memory_space<vmem>>, vector<16xf32>,
          %xor3A_1049 = arith.constant 4 : i32
          %xor3A_1050 = vector.broadcast %xor3A_1049 : i32 to vector<16xi32>
          %xor3A_1051 = arith.xori %iota3A, %xor3A_1050 : vector<16xi32>
          %gather3A_1052 = tpu.vector_load_idx %arg12[%xor3A_1051] : memref<384xf32, #tpu.memory_space<vmem>>[vector<16xi32>], vector<16xf32>,
          %add3A_1053 = arith.addf %add3A_1046, %gather3A_1052 : vector<16xf32>
          %swap3A_1054 = arith.constant 0 : index
          %swap3A_1055 = tpu.vector_load %arg12[%swap3A_1054] {strides = array<i32>} : memref<384xf32, #tpu.memory_space<vmem>>, vector<16xf32>,
          tpu.vector_store %arg12[%swap3A_1054], %add3A_1053 {strides = array<i32>} : memref<384xf32, #tpu.memory_space<vmem>>, vector<16xf32>,
          %xor3A_1056 = arith.constant 2 : i32
          %xor3A_1057 = vector.broadcast %xor3A_1056 : i32 to vector<16xi32>
          %xor3A_1058 = arith.xori %iota3A, %xor3A_1057 : vector<16xi32>
          %gather3A_1059 = tpu.vector_load_idx %arg12[%xor3A_1058] : memref<384xf32, #tpu.memory_space<vmem>>[vector<16xi32>], vector<16xf32>,
          %add3A_1060 = arith.addf %add3A_1053, %gather3A_1059 : vector<16xf32>
          %swap3A_1061 = arith.constant 0 : index
          %swap3A_1062 = tpu.vector_load %arg12[%swap3A_1061] {strides = array<i32>} : memref<384xf32, #tpu.memory_space<vmem>>, vector<16xf32>,
          tpu.vector_store %arg12[%swap3A_1061], %add3A_1060 {strides = array<i32>} : memref<384xf32, #tpu.memory_space<vmem>>, vector<16xf32>,
          %xor3A_1063 = arith.constant 1 : i32
          %xor3A_1064 = vector.broadcast %xor3A_1063 : i32 to vector<16xi32>
          %xor3A_1065 = arith.xori %iota3A, %xor3A_1064 : vector<16xi32>
          %gather3A_1066 = tpu.vector_load_idx %arg12[%xor3A_1065] : memref<384xf32, #tpu.memory_space<vmem>>[vector<16xi32>], vector<16xf32>,
          %add3A_1067 = arith.addf %add3A_1060, %gather3A_1066 : vector<16xf32>
          %gt3A_1068 = arith.constant 0.000000e+00 : f32
          %gt3A_1069 = vector.broadcast %gt3A_1068 : f32 to vector<16xf32>
          %gt3A_1070 = arith.cmpf ogt, %add3A_1067, %gt3A_1069 : vector<16xf32>
          %bitcast3A_1071 = vector.bitcast %add3A_1067 : vector<16xf32> to vector<16xi32>
          %shift_right_arithmetic3A_1072 = arith.constant 1 : i32
          %shift_right_arithmetic3A_1073 = vector.broadcast %shift_right_arithmetic3A_1072 : i32 to vector<16xi32>
          %shift_right_arithmetic3A_1074 = arith.shrsi %bitcast3A_1071, %shift_right_arithmetic3A_1073 : vector<16xi32>
          %sub3A_1075 = arith.constant 1597463007 : i32
          %sub3A_1076 = vector.broadcast %sub3A_1075 : i32 to vector<16xi32>
          %sub3A_1077 = arith.subi %sub3A_1076, %shift_right_arithmetic3A_1074 : vector<16xi32>
          %bitcast3A_1078 = vector.bitcast %sub3A_1077 : vector<16xi32> to vector<16xf32>
          %mul3A_1079 = arith.constant 5.000000e-01 : f32
          %mul3A_1080 = vector.broadcast %mul3A_1079 : f32 to vector<16xf32>
          %mul3A_1081 = arith.mulf %mul3A_1080, %add3A_1067 : vector<16xf32>
          %mul3A_1082 = arith.mulf %mul3A_1081, %bitcast3A_1078 : vector<16xf32>
          %mul3A_1083 = arith.mulf %mul3A_1082, %bitcast3A_1078 : vector<16xf32>
          %sub3A_1084 = arith.constant 1.500000e+00 : f32
          %sub3A_1085 = vector.broadcast %sub3A_1084 : f32 to vector<16xf32>
          %sub3A_1086 = arith.subf %sub3A_1085, %mul3A_1083 : vector<16xf32>
          %mul3A_1087 = arith.mulf %bitcast3A_1078, %sub3A_1086 : vector<16xf32>
          %mul3A_1088 = arith.constant 5.000000e-01 : f32
          %mul3A_1089 = vector.broadcast %mul3A_1088 : f32 to vector<16xf32>
          %mul3A_1090 = arith.mulf %mul3A_1089, %add3A_1067 : vector<16xf32>
          %mul3A_1091 = arith.mulf %mul3A_1090, %mul3A_1087 : vector<16xf32>
          %mul3A_1092 = arith.mulf %mul3A_1091, %mul3A_1087 : vector<16xf32>
          %sub3A_1093 = arith.constant 1.500000e+00 : f32
          %sub3A_1094 = vector.broadcast %sub3A_1093 : f32 to vector<16xf32>
          %sub3A_1095 = arith.subf %sub3A_1094, %mul3A_1092 : vector<16xf32>
          %mul3A_1096 = arith.mulf %mul3A_1087, %sub3A_1095 : vector<16xf32>
          %mul3A_1097 = arith.constant 5.000000e-01 : f32
          %mul3A_1098 = vector.broadcast %mul3A_1097 : f32 to vector<16xf32>
          %mul3A_1099 = arith.mulf %mul3A_1098, %add3A_1067 : vector<16xf32>
          %mul3A_1100 = arith.mulf %mul3A_1099, %mul3A_1096 : vector<16xf32>
          %mul3A_1101 = arith.mulf %mul3A_1100, %mul3A_1096 : vector<16xf32>
          %sub3A_1102 = arith.constant 1.500000e+00 : f32
          %sub3A_1103 = vector.broadcast %sub3A_1102 : f32 to vector<16xf32>
          %sub3A_1104 = arith.subf %sub3A_1103, %mul3A_1101 : vector<16xf32>
          %mul3A_1105 = arith.mulf %mul3A_1096, %sub3A_1104 : vector<16xf32>
          %mul3A_1106 = arith.mulf %add3A_1067, %mul3A_1105 : vector<16xf32>
          %jit3A_1107 = arith.constant 0.000000e+00 : f32
          %broadcast_in_dim3A_1108 = vector.broadcast %jit3A_1107 : f32 to vector<16xf32>
          %select_n3A_1109 = arith.select %gt3A_1070, %mul3A_1106, %broadcast_in_dim3A_1108 : vector<16xi1>, vector<16xf32>
          %neg3A_1110 = arith.constant 0.000000e+00 : f32
          %neg3A_1111 = vector.broadcast %neg3A_1110 : f32 to vector<16xf32>
          %neg3A_1112 = arith.subf %neg3A_1111, %select_n3A_1109 : vector<16xf32>
          %exp3A_1113 = math.exp %neg3A_1112 : vector<16xf32>
          %mul3A_1114 = arith.mulf %exp3A_1113, %get3A_964 : vector<16xf32>
          %add3A_1115 = arith.addf %add3A_942, %mul3A_1114 : vector<16xf32>
          %mul3A_1116 = arith.mulf %exp3A_1113, %get3A_971 : vector<16xf32>
          %add3A_1117 = arith.addf %add3A_944, %mul3A_1116 : vector<16xf32>
          %mul3A_1118 = arith.mulf %exp3A_1113, %get3A_978 : vector<16xf32>
          %add3A_1119 = arith.addf %add3A_946, %mul3A_1118 : vector<16xf32>
          %mul3A_1120 = arith.mulf %exp3A_1113, %get3A_985 : vector<16xf32>
          %add3A_1121 = arith.addf %add3A_948, %mul3A_1120 : vector<16xf32>
          %mul3A_1122 = arith.mulf %exp3A_1113, %get3A_992 : vector<16xf32>
          %add3A_1123 = arith.addf %add3A_950, %mul3A_1122 : vector<16xf32>
          %mul3A_1124 = arith.mulf %exp3A_1113, %get3A_999 : vector<16xf32>
          %add3A_1125 = arith.addf %add3A_952, %mul3A_1124 : vector<16xf32>
          %mul3A_1126 = arith.mulf %exp3A_1113, %get3A_1006 : vector<16xf32>
          %add3A_1127 = arith.addf %add3A_954, %mul3A_1126 : vector<16xf32>
          %mul3A_1128 = arith.mulf %exp3A_1113, %get3A_1013 : vector<16xf32>
          %add3A_1129 = arith.addf %add3A_956, %mul3A_1128 : vector<16xf32>
          %add3A_1130 = arith.addf %add3A_957, %exp3A_1113 : vector<16xf32>
          %div3A_1131 = arith.divf %add3A_1115, %add3A_1130 : vector<16xf32>
          %div3A_1132 = arith.divf %add3A_1117, %add3A_1130 : vector<16xf32>
          %div3A_1133 = arith.divf %add3A_1119, %add3A_1130 : vector<16xf32>
          %div3A_1134 = arith.divf %add3A_1121, %add3A_1130 : vector<16xf32>
          %div3A_1135 = arith.divf %add3A_1123, %add3A_1130 : vector<16xf32>
          %div3A_1136 = arith.divf %add3A_1125, %add3A_1130 : vector<16xf32>
          %div3A_1137 = arith.divf %add3A_1127, %add3A_1130 : vector<16xf32>
          %div3A_1138 = arith.divf %add3A_1129, %add3A_1130 : vector<16xf32>
          %swap3A_1139 = arith.constant 0 : index
          %swap3A_1140 = tpu.vector_load %arg12[%swap3A_1139] {strides = array<i32>} : memref<384xf32, #tpu.memory_space<vmem>>, vector<16xf32>,
          tpu.vector_store %arg12[%swap3A_1139], %get3A_404 {strides = array<i32>} : memref<384xf32, #tpu.memory_space<vmem>>, vector<16xf32>,
          %swap3A_1141 = arith.constant 128 : index
          %swap3A_1142 = tpu.vector_load %arg12[%swap3A_1141] {strides = array<i32>} : memref<384xf32, #tpu.memory_space<vmem>>, vector<16xf32>,
          tpu.vector_store %arg12[%swap3A_1141], %div3A {strides = array<i32>} : memref<384xf32, #tpu.memory_space<vmem>>, vector<16xf32>,
          %swap3A_1143 = arith.constant 256 : index
          %swap3A_1144 = tpu.vector_load %arg12[%swap3A_1143] {strides = array<i32>} : memref<384xf32, #tpu.memory_space<vmem>>, vector<16xf32>,
          tpu.vector_store %arg12[%swap3A_1143], %div3A_1131 {strides = array<i32>} : memref<384xf32, #tpu.memory_space<vmem>>, vector<16xf32>,
          %swap3A_1145 = arith.constant 16 : index
          %swap3A_1146 = tpu.vector_load %arg12[%swap3A_1145] {strides = array<i32>} : memref<384xf32, #tpu.memory_space<vmem>>, vector<16xf32>,
          tpu.vector_store %arg12[%swap3A_1145], %get3A_409 {strides = array<i32>} : memref<384xf32, #tpu.memory_space<vmem>>, vector<16xf32>,
          %swap3A_1147 = arith.constant 144 : index
          %swap3A_1148 = tpu.vector_load %arg12[%swap3A_1147] {strides = array<i32>} : memref<384xf32, #tpu.memory_space<vmem>>, vector<16xf32>,
          tpu.vector_store %arg12[%swap3A_1147], %div3A_778 {strides = array<i32>} : memref<384xf32, #tpu.memory_space<vmem>>, vector<16xf32>,
          %swap3A_1149 = arith.constant 272 : index
          %swap3A_1150 = tpu.vector_load %arg12[%swap3A_1149] {strides = array<i32>} : memref<384xf32, #tpu.memory_space<vmem>>, vector<16xf32>,
          tpu.vector_store %arg12[%swap3A_1149], %div3A_1132 {strides = array<i32>} : memref<384xf32, #tpu.memory_space<vmem>>, vector<16xf32>,
          %swap3A_1151 = arith.constant 32 : index
          %swap3A_1152 = tpu.vector_load %arg12[%swap3A_1151] {strides = array<i32>} : memref<384xf32, #tpu.memory_space<vmem>>, vector<16xf32>,
          tpu.vector_store %arg12[%swap3A_1151], %get3A_414 {strides = array<i32>} : memref<384xf32, #tpu.memory_space<vmem>>, vector<16xf32>,
          %swap3A_1153 = arith.constant 160 : index
          %swap3A_1154 = tpu.vector_load %arg12[%swap3A_1153] {strides = array<i32>} : memref<384xf32, #tpu.memory_space<vmem>>, vector<16xf32>,
          tpu.vector_store %arg12[%swap3A_1153], %div3A_779 {strides = array<i32>} : memref<384xf32, #tpu.memory_space<vmem>>, vector<16xf32>,
          %swap3A_1155 = arith.constant 288 : index
          %swap3A_1156 = tpu.vector_load %arg12[%swap3A_1155] {strides = array<i32>} : memref<384xf32, #tpu.memory_space<vmem>>, vector<16xf32>,
          tpu.vector_store %arg12[%swap3A_1155], %div3A_1133 {strides = array<i32>} : memref<384xf32, #tpu.memory_space<vmem>>, vector<16xf32>,
          %swap3A_1157 = arith.constant 48 : index
          %swap3A_1158 = tpu.vector_load %arg12[%swap3A_1157] {strides = array<i32>} : memref<384xf32, #tpu.memory_space<vmem>>, vector<16xf32>,
          tpu.vector_store %arg12[%swap3A_1157], %get3A_419 {strides = array<i32>} : memref<384xf32, #tpu.memory_space<vmem>>, vector<16xf32>,
          %swap3A_1159 = arith.constant 176 : index
          %swap3A_1160 = tpu.vector_load %arg12[%swap3A_1159] {strides = array<i32>} : memref<384xf32, #tpu.memory_space<vmem>>, vector<16xf32>,
          tpu.vector_store %arg12[%swap3A_1159], %div3A_780 {strides = array<i32>} : memref<384xf32, #tpu.memory_space<vmem>>, vector<16xf32>,
          %swap3A_1161 = arith.constant 304 : index
          %swap3A_1162 = tpu.vector_load %arg12[%swap3A_1161] {strides = array<i32>} : memref<384xf32, #tpu.memory_space<vmem>>, vector<16xf32>,
          tpu.vector_store %arg12[%swap3A_1161], %div3A_1134 {strides = array<i32>} : memref<384xf32, #tpu.memory_space<vmem>>, vector<16xf32>,
          %swap3A_1163 = arith.constant 64 : index
          %swap3A_1164 = tpu.vector_load %arg12[%swap3A_1163] {strides = array<i32>} : memref<384xf32, #tpu.memory_space<vmem>>, vector<16xf32>,
          tpu.vector_store %arg12[%swap3A_1163], %get3A_424 {strides = array<i32>} : memref<384xf32, #tpu.memory_space<vmem>>, vector<16xf32>,
          %swap3A_1165 = arith.constant 192 : index
          %swap3A_1166 = tpu.vector_load %arg12[%swap3A_1165] {strides = array<i32>} : memref<384xf32, #tpu.memory_space<vmem>>, vector<16xf32>,
          tpu.vector_store %arg12[%swap3A_1165], %div3A_781 {strides = array<i32>} : memref<384xf32, #tpu.memory_space<vmem>>, vector<16xf32>,
          %swap3A_1167 = arith.constant 320 : index
          %swap3A_1168 = tpu.vector_load %arg12[%swap3A_1167] {strides = array<i32>} : memref<384xf32, #tpu.memory_space<vmem>>, vector<16xf32>,
          tpu.vector_store %arg12[%swap3A_1167], %div3A_1135 {strides = array<i32>} : memref<384xf32, #tpu.memory_space<vmem>>, vector<16xf32>,
          %swap3A_1169 = arith.constant 80 : index
          %swap3A_1170 = tpu.vector_load %arg12[%swap3A_1169] {strides = array<i32>} : memref<384xf32, #tpu.memory_space<vmem>>, vector<16xf32>,
          tpu.vector_store %arg12[%swap3A_1169], %get3A_429 {strides = array<i32>} : memref<384xf32, #tpu.memory_space<vmem>>, vector<16xf32>,
          %swap3A_1171 = arith.constant 208 : index
          %swap3A_1172 = tpu.vector_load %arg12[%swap3A_1171] {strides = array<i32>} : memref<384xf32, #tpu.memory_space<vmem>>, vector<16xf32>,
          tpu.vector_store %arg12[%swap3A_1171], %div3A_782 {strides = array<i32>} : memref<384xf32, #tpu.memory_space<vmem>>, vector<16xf32>,
          %swap3A_1173 = arith.constant 336 : index
          %swap3A_1174 = tpu.vector_load %arg12[%swap3A_1173] {strides = array<i32>} : memref<384xf32, #tpu.memory_space<vmem>>, vector<16xf32>,
          tpu.vector_store %arg12[%swap3A_1173], %div3A_1136 {strides = array<i32>} : memref<384xf32, #tpu.memory_space<vmem>>, vector<16xf32>,
          %swap3A_1175 = arith.constant 96 : index
          %swap3A_1176 = tpu.vector_load %arg12[%swap3A_1175] {strides = array<i32>} : memref<384xf32, #tpu.memory_space<vmem>>, vector<16xf32>,
          tpu.vector_store %arg12[%swap3A_1175], %get3A_434 {strides = array<i32>} : memref<384xf32, #tpu.memory_space<vmem>>, vector<16xf32>,
          %swap3A_1177 = arith.constant 224 : index
          %swap3A_1178 = tpu.vector_load %arg12[%swap3A_1177] {strides = array<i32>} : memref<384xf32, #tpu.memory_space<vmem>>, vector<16xf32>,
          tpu.vector_store %arg12[%swap3A_1177], %div3A_783 {strides = array<i32>} : memref<384xf32, #tpu.memory_space<vmem>>, vector<16xf32>,
          %swap3A_1179 = arith.constant 352 : index
          %swap3A_1180 = tpu.vector_load %arg12[%swap3A_1179] {strides = array<i32>} : memref<384xf32, #tpu.memory_space<vmem>>, vector<16xf32>,
          tpu.vector_store %arg12[%swap3A_1179], %div3A_1137 {strides = array<i32>} : memref<384xf32, #tpu.memory_space<vmem>>, vector<16xf32>,
          %swap3A_1181 = arith.constant 112 : index
          %swap3A_1182 = tpu.vector_load %arg12[%swap3A_1181] {strides = array<i32>} : memref<384xf32, #tpu.memory_space<vmem>>, vector<16xf32>,
          tpu.vector_store %arg12[%swap3A_1181], %get3A_439 {strides = array<i32>} : memref<384xf32, #tpu.memory_space<vmem>>, vector<16xf32>,
          %swap3A_1183 = arith.constant 240 : index
          %swap3A_1184 = tpu.vector_load %arg12[%swap3A_1183] {strides = array<i32>} : memref<384xf32, #tpu.memory_space<vmem>>, vector<16xf32>,
          tpu.vector_store %arg12[%swap3A_1183], %div3A_784 {strides = array<i32>} : memref<384xf32, #tpu.memory_space<vmem>>, vector<16xf32>,
          %swap3A_1185 = arith.constant 368 : index
          %swap3A_1186 = tpu.vector_load %arg12[%swap3A_1185] {strides = array<i32>} : memref<384xf32, #tpu.memory_space<vmem>>, vector<16xf32>,
          tpu.vector_store %arg12[%swap3A_1185], %div3A_1138 {strides = array<i32>} : memref<384xf32, #tpu.memory_space<vmem>>, vector<16xf32>,
          %gather3A_1187 = tpu.vector_load_idx %arg12[%add3A_9] : memref<384xf32, #tpu.memory_space<vmem>>[vector<16xi32>], vector<16xf32>,
          %gather3A_1188 = tpu.vector_load_idx %arg12[%add3A_18] : memref<384xf32, #tpu.memory_space<vmem>>[vector<16xi32>], vector<16xf32>,
          %add3A_1189 = arith.addf %gather3A_1187, %gather3A_1188 : vector<16xf32>
          %gather3A_1190 = tpu.vector_load_idx %arg12[%add3A_27] : memref<384xf32, #tpu.memory_space<vmem>>[vector<16xi32>], vector<16xf32>,
          %add3A_1191 = arith.addf %add3A_1189, %gather3A_1190 : vector<16xf32>
          %mul3A_1192 = arith.mulf %add3A_1191, %broadcast_in_dim3A_217 : vector<16xf32>
          %swap3A_1193 = arith.index_cast %scan3A_393 : i32 to index
          %swap3A_1194 = arith.constant 256 : index
          %swap3A_1195 = tpu.vector_load %arg11[%swap3A_1193, %swap3A_1194] {strides = array<i32>} : memref<64x384xf32, #tpu.memory_space<vmem>>, vector<16xf32>,
          tpu.vector_store %arg11[%swap3A_1193, %swap3A_1194], %mul3A_1192 {strides = array<i32>} : memref<64x384xf32, #tpu.memory_space<vmem>>, vector<16xf32>,
          %gather3A_1196 = tpu.vector_load_idx %arg12[%add3A_36] : memref<384xf32, #tpu.memory_space<vmem>>[vector<16xi32>], vector<16xf32>,
          %gather3A_1197 = tpu.vector_load_idx %arg12[%add3A_45] : memref<384xf32, #tpu.memory_space<vmem>>[vector<16xi32>], vector<16xf32>,
          %add3A_1198 = arith.addf %gather3A_1196, %gather3A_1197 : vector<16xf32>
          %gather3A_1199 = tpu.vector_load_idx %arg12[%add3A_54] : memref<384xf32, #tpu.memory_space<vmem>>[vector<16xi32>], vector<16xf32>,
          %add3A_1200 = arith.addf %add3A_1198, %gather3A_1199 : vector<16xf32>
          %mul3A_1201 = arith.mulf %add3A_1200, %broadcast_in_dim3A_217 : vector<16xf32>
          %swap3A_1202 = arith.index_cast %scan3A_393 : i32 to index
          %swap3A_1203 = arith.constant 272 : index
          %swap3A_1204 = tpu.vector_load %arg11[%swap3A_1202, %swap3A_1203] {strides = array<i32>} : memref<64x384xf32, #tpu.memory_space<vmem>>, vector<16xf32>,
          tpu.vector_store %arg11[%swap3A_1202, %swap3A_1203], %mul3A_1201 {strides = array<i32>} : memref<64x384xf32, #tpu.memory_space<vmem>>, vector<16xf32>,
          %gather3A_1205 = tpu.vector_load_idx %arg12[%add3A_63] : memref<384xf32, #tpu.memory_space<vmem>>[vector<16xi32>], vector<16xf32>,
          %gather3A_1206 = tpu.vector_load_idx %arg12[%add3A_72] : memref<384xf32, #tpu.memory_space<vmem>>[vector<16xi32>], vector<16xf32>,
          %add3A_1207 = arith.addf %gather3A_1205, %gather3A_1206 : vector<16xf32>
          %gather3A_1208 = tpu.vector_load_idx %arg12[%add3A_81] : memref<384xf32, #tpu.memory_space<vmem>>[vector<16xi32>], vector<16xf32>,
          %add3A_1209 = arith.addf %add3A_1207, %gather3A_1208 : vector<16xf32>
          %mul3A_1210 = arith.mulf %add3A_1209, %broadcast_in_dim3A_217 : vector<16xf32>
          %swap3A_1211 = arith.index_cast %scan3A_393 : i32 to index
          %swap3A_1212 = arith.constant 288 : index
          %swap3A_1213 = tpu.vector_load %arg11[%swap3A_1211, %swap3A_1212] {strides = array<i32>} : memref<64x384xf32, #tpu.memory_space<vmem>>, vector<16xf32>,
          tpu.vector_store %arg11[%swap3A_1211, %swap3A_1212], %mul3A_1210 {strides = array<i32>} : memref<64x384xf32, #tpu.memory_space<vmem>>, vector<16xf32>,
          %gather3A_1214 = tpu.vector_load_idx %arg12[%add3A_90] : memref<384xf32, #tpu.memory_space<vmem>>[vector<16xi32>], vector<16xf32>,
          %gather3A_1215 = tpu.vector_load_idx %arg12[%add3A_99] : memref<384xf32, #tpu.memory_space<vmem>>[vector<16xi32>], vector<16xf32>,
          %add3A_1216 = arith.addf %gather3A_1214, %gather3A_1215 : vector<16xf32>
          %gather3A_1217 = tpu.vector_load_idx %arg12[%add3A_108] : memref<384xf32, #tpu.memory_space<vmem>>[vector<16xi32>], vector<16xf32>,
          %add3A_1218 = arith.addf %add3A_1216, %gather3A_1217 : vector<16xf32>
          %mul3A_1219 = arith.mulf %add3A_1218, %broadcast_in_dim3A_217 : vector<16xf32>
          %swap3A_1220 = arith.index_cast %scan3A_393 : i32 to index
          %swap3A_1221 = arith.constant 304 : index
          %swap3A_1222 = tpu.vector_load %arg11[%swap3A_1220, %swap3A_1221] {strides = array<i32>} : memref<64x384xf32, #tpu.memory_space<vmem>>, vector<16xf32>,
          tpu.vector_store %arg11[%swap3A_1220, %swap3A_1221], %mul3A_1219 {strides = array<i32>} : memref<64x384xf32, #tpu.memory_space<vmem>>, vector<16xf32>,
          %gather3A_1223 = tpu.vector_load_idx %arg12[%add3A_117] : memref<384xf32, #tpu.memory_space<vmem>>[vector<16xi32>], vector<16xf32>,
          %gather3A_1224 = tpu.vector_load_idx %arg12[%add3A_126] : memref<384xf32, #tpu.memory_space<vmem>>[vector<16xi32>], vector<16xf32>,
          %add3A_1225 = arith.addf %gather3A_1223, %gather3A_1224 : vector<16xf32>
          %gather3A_1226 = tpu.vector_load_idx %arg12[%add3A_135] : memref<384xf32, #tpu.memory_space<vmem>>[vector<16xi32>], vector<16xf32>,
          %add3A_1227 = arith.addf %add3A_1225, %gather3A_1226 : vector<16xf32>
          %mul3A_1228 = arith.mulf %add3A_1227, %broadcast_in_dim3A_217 : vector<16xf32>
          %swap3A_1229 = arith.index_cast %scan3A_393 : i32 to index
          %swap3A_1230 = arith.constant 320 : index
          %swap3A_1231 = tpu.vector_load %arg11[%swap3A_1229, %swap3A_1230] {strides = array<i32>} : memref<64x384xf32, #tpu.memory_space<vmem>>, vector<16xf32>,
          tpu.vector_store %arg11[%swap3A_1229, %swap3A_1230], %mul3A_1228 {strides = array<i32>} : memref<64x384xf32, #tpu.memory_space<vmem>>, vector<16xf32>,
          %gather3A_1232 = tpu.vector_load_idx %arg12[%add3A_144] : memref<384xf32, #tpu.memory_space<vmem>>[vector<16xi32>], vector<16xf32>,
          %gather3A_1233 = tpu.vector_load_idx %arg12[%add3A_153] : memref<384xf32, #tpu.memory_space<vmem>>[vector<16xi32>], vector<16xf32>,
          %add3A_1234 = arith.addf %gather3A_1232, %gather3A_1233 : vector<16xf32>
          %gather3A_1235 = tpu.vector_load_idx %arg12[%add3A_162] : memref<384xf32, #tpu.memory_space<vmem>>[vector<16xi32>], vector<16xf32>,
          %add3A_1236 = arith.addf %add3A_1234, %gather3A_1235 : vector<16xf32>
          %mul3A_1237 = arith.mulf %add3A_1236, %broadcast_in_dim3A_217 : vector<16xf32>
          %swap3A_1238 = arith.index_cast %scan3A_393 : i32 to index
          %swap3A_1239 = arith.constant 336 : index
          %swap3A_1240 = tpu.vector_load %arg11[%swap3A_1238, %swap3A_1239] {strides = array<i32>} : memref<64x384xf32, #tpu.memory_space<vmem>>, vector<16xf32>,
          tpu.vector_store %arg11[%swap3A_1238, %swap3A_1239], %mul3A_1237 {strides = array<i32>} : memref<64x384xf32, #tpu.memory_space<vmem>>, vector<16xf32>,
          %gather3A_1241 = tpu.vector_load_idx %arg12[%add3A_171] : memref<384xf32, #tpu.memory_space<vmem>>[vector<16xi32>], vector<16xf32>,
          %gather3A_1242 = tpu.vector_load_idx %arg12[%add3A_180] : memref<384xf32, #tpu.memory_space<vmem>>[vector<16xi32>], vector<16xf32>,
          %add3A_1243 = arith.addf %gather3A_1241, %gather3A_1242 : vector<16xf32>
          %gather3A_1244 = tpu.vector_load_idx %arg12[%add3A_189] : memref<384xf32, #tpu.memory_space<vmem>>[vector<16xi32>], vector<16xf32>,
          %add3A_1245 = arith.addf %add3A_1243, %gather3A_1244 : vector<16xf32>
          %mul3A_1246 = arith.mulf %add3A_1245, %broadcast_in_dim3A_217 : vector<16xf32>
          %swap3A_1247 = arith.index_cast %scan3A_393 : i32 to index
          %swap3A_1248 = arith.constant 352 : index
          %swap3A_1249 = tpu.vector_load %arg11[%swap3A_1247, %swap3A_1248] {strides = array<i32>} : memref<64x384xf32, #tpu.memory_space<vmem>>, vector<16xf32>,
          tpu.vector_store %arg11[%swap3A_1247, %swap3A_1248], %mul3A_1246 {strides = array<i32>} : memref<64x384xf32, #tpu.memory_space<vmem>>, vector<16xf32>,
          %gather3A_1250 = tpu.vector_load_idx %arg12[%add3A_198] : memref<384xf32, #tpu.memory_space<vmem>>[vector<16xi32>], vector<16xf32>,
          %gather3A_1251 = tpu.vector_load_idx %arg12[%add3A_207] : memref<384xf32, #tpu.memory_space<vmem>>[vector<16xi32>], vector<16xf32>,
          %add3A_1252 = arith.addf %gather3A_1250, %gather3A_1251 : vector<16xf32>
          %gather3A_1253 = tpu.vector_load_idx %arg12[%add3A_216] : memref<384xf32, #tpu.memory_space<vmem>>[vector<16xi32>], vector<16xf32>,
          %add3A_1254 = arith.addf %add3A_1252, %gather3A_1253 : vector<16xf32>
          %mul3A_1255 = arith.mulf %add3A_1254, %broadcast_in_dim3A_217 : vector<16xf32>
          %swap3A_1256 = arith.index_cast %scan3A_393 : i32 to index
          %swap3A_1257 = arith.constant 368 : index
          %swap3A_1258 = tpu.vector_load %arg11[%swap3A_1256, %swap3A_1257] {strides = array<i32>} : memref<64x384xf32, #tpu.memory_space<vmem>>, vector<16xf32>,
          tpu.vector_store %arg11[%swap3A_1256, %swap3A_1257], %mul3A_1255 {strides = array<i32>} : memref<64x384xf32, #tpu.memory_space<vmem>>, vector<16xf32>,
        } else {
        }
      }
      %scan3A_391 = arith.constant 64 : i32
      %multiple_of3A_392 = tpu.assume_multiple %add3A_228, 8 : i32
      "tpu.region"() ({
        %run_scoped3A = tpu.sem_alloc : memref<!tpu.dma_semaphore, #tpu.memory_space<semaphore_mem>>
        %dma_start3A_393 = arith.constant 0 : i32
        %dma_start3A_394 = tpu.memref_slice %arg7[%multiple_of3A_392, %dma_start3A_393] : memref<8192x384xf32, #tpu.memory_space<hbm>> -> memref<64x384xf32, #tpu.memory_space<hbm>>
        %dma_start3A_395 = arith.constant 0 : i32
        %dma_start3A_396 = tpu.memref_slice %arg7[%multiple_of3A_392, %dma_start3A_395] : memref<8192x384xf32, #tpu.memory_space<hbm>> -> memref<64x384xf32, #tpu.memory_space<hbm>>
        tpu.enqueue_dma source(%arg11 : memref<64x384xf32, #tpu.memory_space<vmem>>) target(%dma_start3A_396 : memref<64x384xf32, #tpu.memory_space<hbm>>) target_semaphore(%run_scoped3A : memref<!tpu.dma_semaphore, #tpu.memory_space<semaphore_mem>>)
        %dma_wait3A_397 = arith.constant 0 : i32
        %dma_wait3A_398 = tpu.memref_slice %arg7[%multiple_of3A_392, %dma_wait3A_397] : memref<8192x384xf32, #tpu.memory_space<hbm>> -> memref<64x384xf32, #tpu.memory_space<hbm>>
        %dma_wait3A_399 = arith.constant 0 : i32
        %dma_wait3A_400 = tpu.memref_slice %arg7[%multiple_of3A_392, %dma_wait3A_399] : memref<8192x384xf32, #tpu.memory_space<hbm>> -> memref<64x384xf32, #tpu.memory_space<hbm>>
        tpu.wait_dma2 semaphore(%run_scoped3A : memref<!tpu.dma_semaphore, #tpu.memory_space<semaphore_mem>>) src(%arg11 : memref<64x384xf32, #tpu.memory_space<vmem>>) dst(%dma_wait3A_400 : memref<64x384xf32, #tpu.memory_space<hbm>>)
        tpu.yield
      }) : () -> ()
    }
    %scan3A_222 = arith.constant 4 : i32
    return
  }
}

module attributes {stable_mosaic.version = 14 : i64} {
  func.func @_top5_body(%arg0: i32, %arg1: memref<256x8xf32, #tpu.memory_space<vmem>>, %arg2: memref<8x8192xf32, #tpu.memory_space<vmem>>, %arg3: memref<1x256x8xi32, #tpu.memory_space<vmem>>) attributes {dimension_semantics = [#tpu.dimension_semantics<arbitrary>], iteration_bounds = array<i64: 32>, scalar_prefetch = 0 : i64, scratch_operands = 0 : i64, tpu.core_type = #tpu.core_type<tc>, window_params = [{transform_indices = @transform_0, window_bounds = array<i64: 256, 8>}, {pipeline_mode = #tpu.pipeline_mode<synchronous>, transform_indices = @transform_1, window_bounds = array<i64: 8, 8192>}, {transform_indices = @transform_2, window_bounds = array<i64: 1, 256, 8>}]} {
    %get3A = arith.constant 0 : index
    %get3A_0 = arith.constant 0 : index
    %get3A_1 = vector.load %arg1[%get3A, %get3A_0] : memref<256x8xf32, #tpu.memory_space<vmem>>, vector<256x1xf32>
    %get3A_2 = arith.constant 0 : index
    %get3A_3 = arith.constant 1 : index
    %get3A_4 = vector.load %arg1[%get3A_2, %get3A_3] : memref<256x8xf32, #tpu.memory_space<vmem>>, vector<256x1xf32>
    %get3A_5 = arith.constant 0 : index
    %get3A_6 = arith.constant 2 : index
    %get3A_7 = vector.load %arg1[%get3A_5, %get3A_6] : memref<256x8xf32, #tpu.memory_space<vmem>>, vector<256x1xf32>
    %get3A_8 = arith.constant 0 : index
    %get3A_9 = arith.constant 0 : index
    %get3A_10 = vector.load %arg2[%get3A_8, %get3A_9] : memref<8x8192xf32, #tpu.memory_space<vmem>>, vector<1x8192xf32>
    %get3A_11 = arith.constant 1 : index
    %get3A_12 = arith.constant 0 : index
    %get3A_13 = vector.load %arg2[%get3A_11, %get3A_12] : memref<8x8192xf32, #tpu.memory_space<vmem>>, vector<1x8192xf32>
    %get3A_14 = arith.constant 2 : index
    %get3A_15 = arith.constant 0 : index
    %get3A_16 = vector.load %arg2[%get3A_14, %get3A_15] : memref<8x8192xf32, #tpu.memory_space<vmem>>, vector<1x8192xf32>
    %mul3A = arith.mulf %get3A_1, %get3A_1 : vector<256x1xf32>
    %mul3A_17 = arith.mulf %get3A_4, %get3A_4 : vector<256x1xf32>
    %add3A = arith.addf %mul3A, %mul3A_17 : vector<256x1xf32>
    %mul3A_18 = arith.mulf %get3A_7, %get3A_7 : vector<256x1xf32>
    %add3A_19 = arith.addf %add3A, %mul3A_18 : vector<256x1xf32>
    %mul3A_20 = arith.mulf %get3A_10, %get3A_10 : vector<1x8192xf32>
    %mul3A_21 = arith.mulf %get3A_13, %get3A_13 : vector<1x8192xf32>
    %add3A_22 = arith.addf %mul3A_20, %mul3A_21 : vector<1x8192xf32>
    %mul3A_23 = arith.mulf %get3A_16, %get3A_16 : vector<1x8192xf32>
    %add3A_24 = arith.addf %add3A_22, %mul3A_23 : vector<1x8192xf32>
    %get3A_25 = arith.constant 0 : index
    %get3A_26 = arith.constant 0 : index
    %get3A_27 = vector.load %arg1[%get3A_25, %get3A_26] : memref<256x8xf32, #tpu.memory_space<vmem>>, vector<256x8xf32>
    %get3A_28 = arith.constant 0 : index
    %get3A_29 = arith.constant 0 : index
    %get3A_30 = vector.load %arg2[%get3A_28, %get3A_29] : memref<8x8192xf32, #tpu.memory_space<vmem>>, vector<8x8192xf32>
    %dot_general3A = arith.constant dense<0.000000e+00> : vector<256x8192xf32>
    %dot_general3A_31 = tpu.matmul %get3A_27, %get3A_30, %dot_general3A {dimension_numbers = #tpu.dot_dimension_numbers<[1], [0], [0], [1], [0, 0, 1, 1], [], []>, transpose_lhs_hint = false} : vector<256x8xf32>, vector<8x8192xf32>, vector<256x8192xf32> -> vector<256x8192xf32>
    %add3A_32 = vector.broadcast %add3A_19 : vector<256x1xf32> to vector<256x8192xf32>
    %add3A_33 = vector.broadcast %add3A_24 : vector<1x8192xf32> to vector<256x8192xf32>
    %add3A_34 = arith.addf %add3A_32, %add3A_33 : vector<256x8192xf32>
    %mul3A_35 = arith.constant 2.000000e+00 : f32
    %mul3A_36 = vector.broadcast %mul3A_35 : f32 to vector<256x8192xf32>
    %mul3A_37 = arith.mulf %mul3A_36, %dot_general3A_31 : vector<256x8192xf32>
    %sub3A = arith.subf %add3A_34, %mul3A_37 : vector<256x8192xf32>
    %max3A = arith.constant 0.000000e+00 : f32
    %max3A_38 = vector.broadcast %max3A : f32 to vector<256x8192xf32>
    %max3A_39 = arith.maximumf %sub3A, %max3A_38 : vector<256x8192xf32>
    %iota3A = tpu.iota {dimensions = array<i32: 1>} : vector<256x8192xi32>
    %reduce_min3A = arith.constant dense<0x7F800000> : vector<256xf32>
    %reduce_min3A_40 = vector.multi_reduction <minimumf>, %max3A_39, %reduce_min3A [1] : vector<256x8192xf32> to vector<256xf32>
    %broadcast_in_dim3A = vector.shape_cast %reduce_min3A_40 : vector<256xf32> to vector<256x1xf32>
    %eq3A = vector.broadcast %broadcast_in_dim3A : vector<256x1xf32> to vector<256x8192xf32>
    %eq3A_41 = arith.cmpf oeq, %max3A_39, %eq3A : vector<256x8192xf32>
    %jit3A = arith.constant 1073741824 : i32
    %broadcast_in_dim3A_42 = vector.broadcast %jit3A : i32 to vector<256x8192xi32>
    %select_n3A = arith.select %eq3A_41, %iota3A, %broadcast_in_dim3A_42 : vector<256x8192xi1>, vector<256x8192xi32>
    %reduce_min3A_43 = arith.constant dense<2147483647> : vector<256xi32>
    %reduce_min3A_44 = vector.multi_reduction <minsi>, %select_n3A, %reduce_min3A_43 [1] : vector<256x8192xi32> to vector<256xi32>
    %swap3A = arith.constant 0 : index
    %swap3A_45 = arith.constant 0 : index
    %swap3A_46 = arith.constant 0 : index
    %swap3A_47 = vector.load %arg3[%swap3A, %swap3A_45, %swap3A_46] : memref<1x256x8xi32, #tpu.memory_space<vmem>>, vector<1x256x1xi32>
    %swap3A_48 = vector.shape_cast %swap3A_47 : vector<1x256x1xi32> to vector<256xi32>
    %swap3A_49 = vector.shape_cast %reduce_min3A_44 : vector<256xi32> to vector<1x256x1xi32>
    tpu.vector_store %arg3[%swap3A, %swap3A_45, %swap3A_46], %swap3A_49 {strides = array<i32>} : memref<1x256x8xi32, #tpu.memory_space<vmem>>, vector<1x256x1xi32>,
    %broadcast_in_dim3A_50 = vector.shape_cast %reduce_min3A_44 : vector<256xi32> to vector<256x1xi32>
    %eq3A_51 = vector.broadcast %broadcast_in_dim3A_50 : vector<256x1xi32> to vector<256x8192xi32>
    %eq3A_52 = arith.cmpi eq, %iota3A, %eq3A_51 : vector<256x8192xi32>
    %jit3A_53 = arith.constant 0x7F800000 : f32
    %broadcast_in_dim3A_54 = vector.broadcast %jit3A_53 : f32 to vector<256x8192xf32>
    %select_n3A_55 = arith.select %eq3A_52, %broadcast_in_dim3A_54, %max3A_39 : vector<256x8192xi1>, vector<256x8192xf32>
    %reduce_min3A_56 = arith.constant dense<0x7F800000> : vector<256xf32>
    %reduce_min3A_57 = vector.multi_reduction <minimumf>, %select_n3A_55, %reduce_min3A_56 [1] : vector<256x8192xf32> to vector<256xf32>
    %broadcast_in_dim3A_58 = vector.shape_cast %reduce_min3A_57 : vector<256xf32> to vector<256x1xf32>
    %eq3A_59 = vector.broadcast %broadcast_in_dim3A_58 : vector<256x1xf32> to vector<256x8192xf32>
    %eq3A_60 = arith.cmpf oeq, %select_n3A_55, %eq3A_59 : vector<256x8192xf32>
    %jit3A_61 = arith.constant 1073741824 : i32
    %broadcast_in_dim3A_62 = vector.broadcast %jit3A_61 : i32 to vector<256x8192xi32>
    %select_n3A_63 = arith.select %eq3A_60, %iota3A, %broadcast_in_dim3A_62 : vector<256x8192xi1>, vector<256x8192xi32>
    %reduce_min3A_64 = arith.constant dense<2147483647> : vector<256xi32>
    %reduce_min3A_65 = vector.multi_reduction <minsi>, %select_n3A_63, %reduce_min3A_64 [1] : vector<256x8192xi32> to vector<256xi32>
    %swap3A_66 = arith.constant 0 : index
    %swap3A_67 = arith.constant 0 : index
    %swap3A_68 = arith.constant 1 : index
    %swap3A_69 = vector.load %arg3[%swap3A_66, %swap3A_67, %swap3A_68] : memref<1x256x8xi32, #tpu.memory_space<vmem>>, vector<1x256x1xi32>
    %swap3A_70 = vector.shape_cast %swap3A_69 : vector<1x256x1xi32> to vector<256xi32>
    %swap3A_71 = vector.shape_cast %reduce_min3A_65 : vector<256xi32> to vector<1x256x1xi32>
    tpu.vector_store %arg3[%swap3A_66, %swap3A_67, %swap3A_68], %swap3A_71 {strides = array<i32>} : memref<1x256x8xi32, #tpu.memory_space<vmem>>, vector<1x256x1xi32>,
    %broadcast_in_dim3A_72 = vector.shape_cast %reduce_min3A_65 : vector<256xi32> to vector<256x1xi32>
    %eq3A_73 = vector.broadcast %broadcast_in_dim3A_72 : vector<256x1xi32> to vector<256x8192xi32>
    %eq3A_74 = arith.cmpi eq, %iota3A, %eq3A_73 : vector<256x8192xi32>
    %jit3A_75 = arith.constant 0x7F800000 : f32
    %broadcast_in_dim3A_76 = vector.broadcast %jit3A_75 : f32 to vector<256x8192xf32>
    %select_n3A_77 = arith.select %eq3A_74, %broadcast_in_dim3A_76, %select_n3A_55 : vector<256x8192xi1>, vector<256x8192xf32>
    %reduce_min3A_78 = arith.constant dense<0x7F800000> : vector<256xf32>
    %reduce_min3A_79 = vector.multi_reduction <minimumf>, %select_n3A_77, %reduce_min3A_78 [1] : vector<256x8192xf32> to vector<256xf32>
    %broadcast_in_dim3A_80 = vector.shape_cast %reduce_min3A_79 : vector<256xf32> to vector<256x1xf32>
    %eq3A_81 = vector.broadcast %broadcast_in_dim3A_80 : vector<256x1xf32> to vector<256x8192xf32>
    %eq3A_82 = arith.cmpf oeq, %select_n3A_77, %eq3A_81 : vector<256x8192xf32>
    %jit3A_83 = arith.constant 1073741824 : i32
    %broadcast_in_dim3A_84 = vector.broadcast %jit3A_83 : i32 to vector<256x8192xi32>
    %select_n3A_85 = arith.select %eq3A_82, %iota3A, %broadcast_in_dim3A_84 : vector<256x8192xi1>, vector<256x8192xi32>
    %reduce_min3A_86 = arith.constant dense<2147483647> : vector<256xi32>
    %reduce_min3A_87 = vector.multi_reduction <minsi>, %select_n3A_85, %reduce_min3A_86 [1] : vector<256x8192xi32> to vector<256xi32>
    %swap3A_88 = arith.constant 0 : index
    %swap3A_89 = arith.constant 0 : index
    %swap3A_90 = arith.constant 2 : index
    %swap3A_91 = vector.load %arg3[%swap3A_88, %swap3A_89, %swap3A_90] : memref<1x256x8xi32, #tpu.memory_space<vmem>>, vector<1x256x1xi32>
    %swap3A_92 = vector.shape_cast %swap3A_91 : vector<1x256x1xi32> to vector<256xi32>
    %swap3A_93 = vector.shape_cast %reduce_min3A_87 : vector<256xi32> to vector<1x256x1xi32>
    tpu.vector_store %arg3[%swap3A_88, %swap3A_89, %swap3A_90], %swap3A_93 {strides = array<i32>} : memref<1x256x8xi32, #tpu.memory_space<vmem>>, vector<1x256x1xi32>,
    %broadcast_in_dim3A_94 = vector.shape_cast %reduce_min3A_87 : vector<256xi32> to vector<256x1xi32>
    %eq3A_95 = vector.broadcast %broadcast_in_dim3A_94 : vector<256x1xi32> to vector<256x8192xi32>
    %eq3A_96 = arith.cmpi eq, %iota3A, %eq3A_95 : vector<256x8192xi32>
    %jit3A_97 = arith.constant 0x7F800000 : f32
    %broadcast_in_dim3A_98 = vector.broadcast %jit3A_97 : f32 to vector<256x8192xf32>
    %select_n3A_99 = arith.select %eq3A_96, %broadcast_in_dim3A_98, %select_n3A_77 : vector<256x8192xi1>, vector<256x8192xf32>
    %reduce_min3A_100 = arith.constant dense<0x7F800000> : vector<256xf32>
    %reduce_min3A_101 = vector.multi_reduction <minimumf>, %select_n3A_99, %reduce_min3A_100 [1] : vector<256x8192xf32> to vector<256xf32>
    %broadcast_in_dim3A_102 = vector.shape_cast %reduce_min3A_101 : vector<256xf32> to vector<256x1xf32>
    %eq3A_103 = vector.broadcast %broadcast_in_dim3A_102 : vector<256x1xf32> to vector<256x8192xf32>
    %eq3A_104 = arith.cmpf oeq, %select_n3A_99, %eq3A_103 : vector<256x8192xf32>
    %jit3A_105 = arith.constant 1073741824 : i32
    %broadcast_in_dim3A_106 = vector.broadcast %jit3A_105 : i32 to vector<256x8192xi32>
    %select_n3A_107 = arith.select %eq3A_104, %iota3A, %broadcast_in_dim3A_106 : vector<256x8192xi1>, vector<256x8192xi32>
    %reduce_min3A_108 = arith.constant dense<2147483647> : vector<256xi32>
    %reduce_min3A_109 = vector.multi_reduction <minsi>, %select_n3A_107, %reduce_min3A_108 [1] : vector<256x8192xi32> to vector<256xi32>
    %swap3A_110 = arith.constant 0 : index
    %swap3A_111 = arith.constant 0 : index
    %swap3A_112 = arith.constant 3 : index
    %swap3A_113 = vector.load %arg3[%swap3A_110, %swap3A_111, %swap3A_112] : memref<1x256x8xi32, #tpu.memory_space<vmem>>, vector<1x256x1xi32>
    %swap3A_114 = vector.shape_cast %swap3A_113 : vector<1x256x1xi32> to vector<256xi32>
    %swap3A_115 = vector.shape_cast %reduce_min3A_109 : vector<256xi32> to vector<1x256x1xi32>
    tpu.vector_store %arg3[%swap3A_110, %swap3A_111, %swap3A_112], %swap3A_115 {strides = array<i32>} : memref<1x256x8xi32, #tpu.memory_space<vmem>>, vector<1x256x1xi32>,
    %broadcast_in_dim3A_116 = vector.shape_cast %reduce_min3A_109 : vector<256xi32> to vector<256x1xi32>
    %eq3A_117 = vector.broadcast %broadcast_in_dim3A_116 : vector<256x1xi32> to vector<256x8192xi32>
    %eq3A_118 = arith.cmpi eq, %iota3A, %eq3A_117 : vector<256x8192xi32>
    %jit3A_119 = arith.constant 0x7F800000 : f32
    %broadcast_in_dim3A_120 = vector.broadcast %jit3A_119 : f32 to vector<256x8192xf32>
    %select_n3A_121 = arith.select %eq3A_118, %broadcast_in_dim3A_120, %select_n3A_99 : vector<256x8192xi1>, vector<256x8192xf32>
    %reduce_min3A_122 = arith.constant dense<0x7F800000> : vector<256xf32>
    %reduce_min3A_123 = vector.multi_reduction <minimumf>, %select_n3A_121, %reduce_min3A_122 [1] : vector<256x8192xf32> to vector<256xf32>
    %broadcast_in_dim3A_124 = vector.shape_cast %reduce_min3A_123 : vector<256xf32> to vector<256x1xf32>
    %eq3A_125 = vector.broadcast %broadcast_in_dim3A_124 : vector<256x1xf32> to vector<256x8192xf32>
    %eq3A_126 = arith.cmpf oeq, %select_n3A_121, %eq3A_125 : vector<256x8192xf32>
    %jit3A_127 = arith.constant 1073741824 : i32
    %broadcast_in_dim3A_128 = vector.broadcast %jit3A_127 : i32 to vector<256x8192xi32>
    %select_n3A_129 = arith.select %eq3A_126, %iota3A, %broadcast_in_dim3A_128 : vector<256x8192xi1>, vector<256x8192xi32>
    %reduce_min3A_130 = arith.constant dense<2147483647> : vector<256xi32>
    %reduce_min3A_131 = vector.multi_reduction <minsi>, %select_n3A_129, %reduce_min3A_130 [1] : vector<256x8192xi32> to vector<256xi32>
    %swap3A_132 = arith.constant 0 : index
    %swap3A_133 = arith.constant 0 : index
    %swap3A_134 = arith.constant 4 : index
    %swap3A_135 = vector.load %arg3[%swap3A_132, %swap3A_133, %swap3A_134] : memref<1x256x8xi32, #tpu.memory_space<vmem>>, vector<1x256x1xi32>
    %swap3A_136 = vector.shape_cast %swap3A_135 : vector<1x256x1xi32> to vector<256xi32>
    %swap3A_137 = vector.shape_cast %reduce_min3A_131 : vector<256xi32> to vector<1x256x1xi32>
    tpu.vector_store %arg3[%swap3A_132, %swap3A_133, %swap3A_134], %swap3A_137 {strides = array<i32>} : memref<1x256x8xi32, #tpu.memory_space<vmem>>, vector<1x256x1xi32>,
    %broadcast_in_dim3A_138 = arith.constant 0 : i32
    %broadcast_in_dim3A_139 = vector.broadcast %broadcast_in_dim3A_138 : i32 to vector<256xi32>
    %swap3A_140 = arith.constant 0 : index
    %swap3A_141 = arith.constant 0 : index
    %swap3A_142 = arith.constant 5 : index
    %swap3A_143 = vector.load %arg3[%swap3A_140, %swap3A_141, %swap3A_142] : memref<1x256x8xi32, #tpu.memory_space<vmem>>, vector<1x256x1xi32>
    %swap3A_144 = vector.shape_cast %swap3A_143 : vector<1x256x1xi32> to vector<256xi32>
    %swap3A_145 = vector.shape_cast %broadcast_in_dim3A_139 : vector<256xi32> to vector<1x256x1xi32>
    tpu.vector_store %arg3[%swap3A_140, %swap3A_141, %swap3A_142], %swap3A_145 {strides = array<i32>} : memref<1x256x8xi32, #tpu.memory_space<vmem>>, vector<1x256x1xi32>,
    %swap3A_146 = arith.constant 0 : index
    %swap3A_147 = arith.constant 0 : index
    %swap3A_148 = arith.constant 6 : index
    %swap3A_149 = vector.load %arg3[%swap3A_146, %swap3A_147, %swap3A_148] : memref<1x256x8xi32, #tpu.memory_space<vmem>>, vector<1x256x1xi32>
    %swap3A_150 = vector.shape_cast %swap3A_149 : vector<1x256x1xi32> to vector<256xi32>
    %swap3A_151 = vector.shape_cast %broadcast_in_dim3A_139 : vector<256xi32> to vector<1x256x1xi32>
    tpu.vector_store %arg3[%swap3A_146, %swap3A_147, %swap3A_148], %swap3A_151 {strides = array<i32>} : memref<1x256x8xi32, #tpu.memory_space<vmem>>, vector<1x256x1xi32>,
    %swap3A_152 = arith.constant 0 : index
    %swap3A_153 = arith.constant 0 : index
    %swap3A_154 = arith.constant 7 : index
    %swap3A_155 = vector.load %arg3[%swap3A_152, %swap3A_153, %swap3A_154] : memref<1x256x8xi32, #tpu.memory_space<vmem>>, vector<1x256x1xi32>
    %swap3A_156 = vector.shape_cast %swap3A_155 : vector<1x256x1xi32> to vector<256xi32>
    %swap3A_157 = vector.shape_cast %broadcast_in_dim3A_139 : vector<256xi32> to vector<1x256x1xi32>
    tpu.vector_store %arg3[%swap3A_152, %swap3A_153, %swap3A_154], %swap3A_157 {strides = array<i32>} : memref<1x256x8xi32, #tpu.memory_space<vmem>>, vector<1x256x1xi32>,
    return
  }
  func.func @transform_0(%arg0: i32) -> (i32, i32) {
    %c0_i32 = arith.constant 0 : i32
    %c0_i32_0 = arith.constant 0 : i32
    return %arg0, %c0_i32 : i32, i32
  }
  func.func @transform_1(%arg0: i32) -> (i32, i32) {
    %c0_i32 = arith.constant 0 : i32
    %c0_i32_0 = arith.constant 0 : i32
    %c0_i32_1 = arith.constant 0 : i32
    return %c0_i32, %c0_i32_0 : i32, i32
  }
  func.func @transform_2(%arg0: i32) -> (i32, i32, i32) {
    %c0_i32 = arith.constant 0 : i32
    %c0_i32_0 = arith.constant 0 : i32
    %c0_i32_1 = arith.constant 0 : i32
    return %arg0, %c0_i32, %c0_i32_0 : i32, i32, i32
  }
}

</mosaic_0001>

<sc_bundles>
// kernel: kernel.4.cloned.1.call-start
scs
__scs_entry_jumppad:
0x0: {  	(pc) =	sbr.rel $0x88, $3  }
0x1: {  	(tag) =	ssettag $0x0;
	lr =	simm.s32 $0x1  }
0x2: {  	[smem:$0x3F9E] =	sst lr;
	_ =	strace $0xD0000000  }
0x3: {  	_ = 	snop  }
0x4: {  	_ = 	snop  }
0x5: {  	_ = 	snop  }
0x6: {  	_ = 	snop  }
0x7: {  	_ = 	snop  }
__scs_overlays_trampoline_lowered:
0x8: {  	[smem:$0x3FAD] =	sst s0  }
0x9: {  	[smem:$0x3FAE] =	sst s1  }
0xa: {  	[smem:$0x3FAF] =	sst s2  }
0xb: {  	[smem:$0x3FB0] =	sst s3  }
0xc: {  	[smem:$0x3FB1] =	sst s4  }
0xd: {  	[smem:$0x3FB2] =	sst s5  }
0xe: {  	[smem:$0x3FB3] =	sst s6  }
0xf: {  	[smem:$0x3FB4] =	sst s7  }
0x10: {  	[smem:$0x3FB5] =	sst s8  }
0x11: {  	[smem:$0x3FB6] =	sst s9;
	s0 =	simm.s32 @!p0 $0x0  }
0x12: {  	s1 =	sld [smem:$0x3F9C];
	s0 =	simm.s32 @p0 $0x1  }
0x13: {  	[smem:$0x3FB7] =	sst s0;
	s0 =	simm.s32 @!p1 $0x0  }
0x14: {  	s2 =	sld [smem:$0x3F9B];
	s0 =	simm.s32 @p1 $0x1  }
0x15: {  	[smem:$0x3FB8] =	sst s0;
	s0 =	simm.s32 @!p2 $0x0  }
0x16: {  	s3 =	sld [smem:$0x3FDB];
	s0 =	simm.s32 @p2 $0x1  }
0x17: {  	s4 =	simm.s32 $0x1BF5;
	[smem:$0x3FBA] =	sst s0  }
0x18: {  	s0 =	sld [smem:$0x3F9D];
	_ =	swait.ge [sflag:s4], $0x0  }
0x19: {  	s7 =	sld [smem:$0x3F9E]  }
0x1a: {  	s8 =	sadd.s32 $0xFFFFE003, lr  }
0x1b: {  	s9 =	sadd.s32 $0xFFFFFEF7, lr;
	s5 =	simm.s32 $0xFFFFFFFF;
	p2 =	slt.u32 s8, $0xFFFFF086  }
0x1c: {  	p1 =	slt.u32 s9, $0xF7A;
	s5 =	simm.s32 @!p2 $0x0  }
0x1d: {  	s5 =	simm.s32 @p1 $0x1;
	p0 =	seq.s32 s7, s2  }
0x1e: {  	s7 =	smul.u32 @!p0 $0xF7A, s2;
	p2 =	seq.s32 @!p0 s5, $0x0  }
0x1f: {  	s9 =	smul.u32 $0xF7A, s1;
	s8 =	simm.s32 @!p0 $0x1BF5;
	p2 =	por !p2, p0  }
0x20: {  	[sflag:s8] =	ssyncset.s32 @!p0 $0xFFFFF086;
	s6 =	sadd.s32 @!p0 s3, s7;
	s7 =	simm.s32 @!p0 $0x108  }
0x21: {  	s3 =	sadd.s32 s3, s9;
	s6 =	sadd.s32 @!p0 $0x88, s6;
	s7 =	simm.s32 @p2 $0x1082  }
0x22: {  	[simem:s7], [sflag:s8] =	dma.local @!p0 [hbm:s6], $0xF7A  }
0x23: {  	s9 =	sor.u32 $0xD0000000, s2;
	s6 =	simm.s32 $0x108;
	_ =	swait.ge @!p0 [sflag:s8], $0x0  }
0x24: {  	s3 =	sadd.s32 $0x88, s3;
	s6 =	simm.s32 @!p1 $0x1082;
	[sflag:s4] =	ssyncset.s32 $0xFFFFF086  }
0x25: {  	[simem:s6], [sflag:s4] =	dma.local [hbm:s3], $0xF7A  }
0x26: {  	[smem:$0x3F9E] =	sst s1;
	(tag) =	ssettag s2;
	_ =	strace s9  }
0x27: {  	s1 =	sld [smem:$0x3FAE]  }
0x28: {  	s2 =	sld [smem:$0x3FAF]  }
0x29: {  	s4 =	sld [smem:$0x3FB1]  }
0x2a: {  	p0 =	seq.s32 s5, $0x0;
	s5 =	sld [smem:$0x3FB2]  }
0x2b: {  	s6 =	sld [smem:$0x3FB3]  }
0x2c: {  	s7 =	sld [smem:$0x3FB4]  }
0x2d: {  	s3 =	simm.s32 $0x108;
	s8 =	sld [smem:$0x3FB5]  }
0x2e: {  	s3 =	simm.s32 @!p0 $0x1082;
	s9 =	sld [smem:$0x3FB6]  }
0x2f: {  	lr =	sadd.s32 s0, s3;
	s0 =	sld [smem:$0x3FAD]  }
0x30: {  	s3 =	sld [smem:$0x3FB0]  }
0x31: {  	[smem:$0x3FB9] =	sst s10  }
0x32: {  	s10 =	sld [smem:$0x3FB7];
	_ =	sdelay $0x3  }
0x33: {  	p0 =	seq.s32 s10, $0x1;
	s10 =	sld [smem:$0x3FB9];
	_ =	sdelay $0x3  }
0x34: {  	[smem:$0x3FB9] =	sst s10  }
0x35: {  	s10 =	sld [smem:$0x3FB8];
	_ =	sdelay $0x3  }
0x36: {  	p1 =	seq.s32 s10, $0x1;
	s10 =	sld [smem:$0x3FB9];
	_ =	sdelay $0x3  }
0x37: {  	[smem:$0x3FB9] =	sst s10  }
0x38: {  	s10 =	sld [smem:$0x3FBA]  }
0x39: {  	_ = 	snop;
	(pc) =	sbr.ind lr, $3  }
0x3a: {  	_ = 	snop  }
0x3b: {  	_ = 	snop  }
0x3c: {  	p2 =	seq.s32 s10, $0x1;
	s10 =	sld [smem:$0x3FB9]  }
0x3d: {  	_ =	shalt  }
0x3e: {  	_ =	shalt  }
0x3f: {  	_ =	shalt  }
0x40: {  	_ =	shalt  }
0x41: {  	_ =	shalt  }
0x42: {  	_ =	shalt  }
0x43: {  	_ =	shalt  }
0x44: {  	_ =	shalt  }
0x45: {  	_ =	shalt  }
0x46: {  	_ =	shalt  }
0x47: {  	_ =	shalt  }
0x48: {  	_ =	shalt  }
0x49: {  	_ =	shalt  }
0x4a: {  	_ =	shalt  }
0x4b: {  	_ =	shalt  }
0x4c: {  	_ =	shalt  }
0x4d: {  	_ =	shalt  }
0x4e: {  	_ =	shalt  }
0x4f: {  	_ =	shalt  }
0x50: {  	_ =	shalt  }
0x51: {  	_ =	shalt  }
0x52: {  	_ =	shalt  }
0x53: {  	_ =	shalt  }
0x54: {  	_ =	shalt  }
0x55: {  	_ =	shalt  }
0x56: {  	_ =	shalt  }
0x57: {  	_ =	shalt  }
0x58: {  	_ =	shalt  }
0x59: {  	_ =	shalt  }
0x5a: {  	_ =	shalt  }
0x5b: {  	_ =	shalt  }
0x5c: {  	_ =	shalt  }
0x5d: {  	_ =	shalt  }
0x5e: {  	_ =	shalt  }
0x5f: {  	_ =	shalt  }
0x60: {  	_ =	shalt  }
0x61: {  	_ =	shalt  }
0x62: {  	_ =	shalt  }
0x63: {  	_ =	shalt  }
0x64: {  	_ =	shalt  }
0x65: {  	_ =	shalt  }
0x66: {  	_ =	shalt  }
0x67: {  	_ =	shalt  }
0x68: {  	_ =	shalt  }
0x69: {  	_ =	shalt  }
0x6a: {  	_ =	shalt  }
0x6b: {  	_ =	shalt  }
0x6c: {  	_ =	shalt  }
0x6d: {  	_ =	shalt  }
0x6e: {  	_ =	shalt  }
0x6f: {  	_ =	shalt  }
0x70: {  	_ =	shalt  }
0x71: {  	_ =	shalt  }
0x72: {  	_ =	shalt  }
0x73: {  	_ =	shalt  }
0x74: {  	_ =	shalt  }
0x75: {  	_ =	shalt  }
0x76: {  	_ =	shalt  }
0x77: {  	_ =	shalt  }
0x78: {  	_ =	shalt  }
0x79: {  	_ =	shalt  }
0x7a: {  	_ =	shalt  }
0x7b: {  	_ =	shalt  }
0x7c: {  	_ =	shalt  }
0x7d: {  	_ =	shalt  }
0x7e: {  	_ =	shalt  }
0x7f: {  	_ =	shalt  }
0x80: {  	_ =	shalt  }
0x81: {  	_ =	shalt  }
0x82: {  	_ =	shalt  }
0x83: {  	_ =	shalt  }
0x84: {  	_ =	shalt  }
0x85: {  	_ =	shalt  }
0x86: {  	_ =	shalt  }
0x87: {  	_ =	shalt  }
.Lfunc_end0:
.L_simem_size_0:
called_computation_lowered:
.L_overlay_start_0:
0x88: {  	s2 =	sld [smem:$0x3FD9]  }
0x89: {  	s3 =	sld [smem:$0x3FFE];
	_ =	sdelay $0x1  }
0x8a: {  	s1 =	srdreg.scid  }
0x8b: {  	s0 =	sand.u32 $0x1, s1  }
0x8c: {  	s17 =	sshll.u32 s0, $0xA;
	s2 =	sadd.s32 s3, s2  }
0x8d: {  	s2 =	sadd.s32 s2, s17  }
0x8e: {  	[smem:$0x3FC5] =	sst s2  }
0x8f: {  	_ = 	snop  }
0x90: {  	s2 =	sld [smem:$0x3FC7]  }
0x91: {  	s18 =	sld [smem:$0x3FD0];
	(tm) =	ssettm $0x1  }
0x92: {  	s4 =	sld [smem:$0x3FFB];
	_ =	sdelay $0x3  }
0x93: {  	_ =	strace s4  }
0x94: {  	s4 =	sld [smem:$0x3FFC];
	_ =	sdelay $0x3  }
0x95: {  	_ =	strace s4  }
0x96: {  	s4 =	sld [smem:$0x3FFD];
	_ =	sdelay $0x3  }
0x97: {  	_ =	strace s4  }
0x98: {  	_ =	strace $0x8FFFFFFF  }
0x99: {  	s19 =	sld [smem:$0x3FDB];
	_ =	sdelay $0x1  }
0x9a: {  	s5 =	simm.s32 $_scs_section_size  }
0x9b: {  	s6 =	simm.s32 $_size__tile_overlayer_lowered;
	s7 =	simm.s32 $_tile_overlayer_lowered  }
0x9c: {  	s22 =	simm.s32 $0x1BFF;
	s21 =	sshll.u32 s7, $0x1;
	s4 =	sadd.s32 s5, s19  }
0x9d: {  	s8 =	simm.s32 $0x0;
	s20 =	sshll.u32 s6, $0x1;
	s6 =	sadd.s32 s21, s4  }
0x9e: {  	[timem:s8], [sflag:s22] =	dma.local [hbm:s6], s20  }
0x9f: {  	_ =	swait.ge [sflag:s22], s20  }
0xa0: {  	s5 =	ssub.s32 $0x0, s20;
	[sflag:s22] =	ssyncset.done $0x0  }
0xa1: {  	[sflag:s22] =	ssyncadd.s32 s5;
	_ =	sdelay $0x1  }
0xa2: {  	s23 =	simm.s32 $0x1B8B  }
0xa3: {  	_ =	swait.ge [sflag:s23], $0x1  }
0xa4: {  	[sflag:s23] =	ssyncset.done $0x0  }
0xa5: {  	s25 =	simm.s32 $0x1B8E;
	s24 =	sld [smem:$0x3FFE];
	[sflag:s23] =	ssyncadd.s32 $0xFFFFFFFF  }
0xa6: {  	s26 =	simm.s32 $execute0_lowered;
	[smem:$0x3FD2] =	sst s25  }
0xa7: {  	s6 =	sshll.u32 s26, $0x1;
	_ =	strace $0x80000046;
	[dreg:$0x1] =	wrdreg $0xFFFFFFFF  }
0xa8: {  	s28 =	simm.s32 $_size_execute0_lowered;
	s4 =	sadd.s32 s4, s6;
	[dreg:$0x0] =	wrdreg $0x0  }
0xa9: {  	s6 =	sshll.u32 s28, $0x1;
	[dreg:$0x2] =	wrdreg s4  }
0xaa: {  	[dreg:$0x3] =	wrdreg s6  }
0xab: {  	[dreg:$0x4] =	wrdreg $0xC0  }
0xac: {  	_ =	task [dreg:s8], $0x5FFFF  }
0xad: {  	[dreg:$0x1] =	wrdreg $0xFFFFFFFF  }
0xae: {  	[dreg:$0x0] =	wrdreg $0x60  }
0xaf: {  	[dreg:$0x2] =	wrdreg s18  }
0xb0: {  	[dreg:$0x3] =	wrdreg s24  }
0xb1: {  	[dreg:$0x4] =	wrdreg s2  }
0xb2: {  	[dreg:$0x5] =	wrdreg $0x9  }
0xb3: {  	_ =	task.clear_ibuf [dreg:s8], $0x6FFFF;
	_ =	strace $0x90000046  }
0xb4: {  	s29 =	simm.s32 $0x9;
	_ =	strace $0x80000048  }
0xb5: {  	_ =	swait.ge [sflag:s29], $0x1  }
0xb6: {  	[sflag:s29] =	ssyncadd.s32 $0xFFFFFFFF  }
0xb7: {  	_ =	strace $0x90000048  }
0xb8: {  	_ =	sfence  }
0xb9: {  	s30 =	sld [smem:$0x0];
	_ =	sdelay $0x2  }
0xba: {  	s31 =	sshll.u32 s1, $0xD;
	s1 =	sshrl.u32 s1, $0x2  }
0xbb: {  	s3 =	sand.u32 $0x4000, s31;
	s1 =	sadd.s32 s1, s30  }
0xbc: {  	s0 =	sor.u32 s3, s0;
	s1 =	sshll.u32 s1, $0x11  }
0xbd: {  	s0 =	sor.u32 s1, s0  }
0xbe: {  	s0 =	sadd.s32 $0x8F2B, s0  }
0xbf: {  	[sflag:s0] =	ssyncadd.remote.s32 $0x1  }
0xc0: {  	_ =	sfence.sel $0xFFFF  }
0xc1: {  	[dreg:$0x0] =	wrdreg $0xFFFFFFFF;
	(pc) =	sbr.abs _section_cstart, $3  }
0xc2: {  	[dreg:$0x1] =	wrdreg $0xFFFFFFFF  }
0xc3: {  	_ =	task.clear_ibuf [dreg:s8], $0x2FFFF;
	_ =	strace $0x9FFFFFFF  }
0xc4: {  	(tm) =	ssettm $0x7FFFFFFF  }
0xc5: {  	_ =	shalt  }
tec
execute0_lowered:
.L_overlay_start_1:
0x0: {  	(tag) =	ssettag $0x1  }
0x1: {  	v0 =	vimm.s32 $0x76543210;
	v1 =	vimm.s32 $0xFEDCBA98  }
0x2: {  	v2 =	vimm.s32 $0xBA98FEDC;
	v3 =	vimm.s32 $0x32107654;
	v4 =	vimm.s32 $0xDCFE98BA  }
0x3: {  	v5 =	vimm.s32 $0x54761032;
	v6 =	vimm.s32 $0xEFCDAB89;
	v7 =	vimm.s32 $0x67452301  }
0x4: {  	v0 =	vunpack.c.l.s4.s8 v0;
	v1 =	vunpack.c.l.s4.s8 v1;
	v2 =	vunpack.c.l.s4.s8 v2  }
0x5: {  	v3 =	vunpack.c.l.s4.s8 v3;
	v4 =	vunpack.c.l.s4.s8 v4;
	v5 =	vunpack.c.l.s4.s8 v5  }
0x6: {  	v6 =	vunpack.c.l.s4.s8 v6;
	v7 =	vunpack.c.l.s4.s8 v7;
	v2 =	vunpack.c.0.s8.s32 v2  }
0x7: {  	v3 =	vunpack.c.0.s8.s32 v3;
	v4 =	vunpack.c.0.s8.s32 v4;
	v5 =	vunpack.c.0.s8.s32 v5  }
0x8: {  	v1 =	vunpack.c.0.s8.s32 v1;
	v6 =	vunpack.c.0.s8.s32 v6;
	v7 =	vunpack.c.0.s8.s32 v7  }
0x9: {  	s0 =	rddreg [dreg:$0x0];
	v2 =	vcombine.low v3, v2;
	v3 =	vcombine.low v5, v4;
	v4 =	vlaneseq.u32  }
0xa: {  	s8 =	rddreg [dreg:$0x1];
	v0 =	vunpack.c.0.s8.s32 v0;
	v5 =	vcombine.low v7, v6;
	v6 =	vmul.u32 $0x3, v4  }
0xb: {  	s2 =	rddreg [dreg:$0x2];
	s3 =	simm.s32 $0x0;
	v1 =	vand.u32 $0xF, v1  }
0xc: {  	[smem:$0x7FF] =	sst s3;
	v1 =	vcombine.low v1, v0;
	v0 =	vadd.s32 $0x1, v6  }
0xd: {  	s1 =	rddreg [dreg:$0x3];
	_ =	strace $0x80000047;
	[tilespmem:$0x1FEE0] =	vst v0;
	v0 =	vadd.s32 $0x2, v6  }
0xe: {  	[tilespmem:$0x1FEF0] =	vst v0;
	v0 =	vadd.s32 $0x30, v6  }
0xf: {  	[tilespmem:$0x1FF00] =	vst v0;
	v0 =	vadd.s32 $0x31, v6  }
0x10: {  	[tilespmem:$0x1FF10] =	vst v0;
	v0 =	vadd.s32 $0x32, v6  }
0x11: {  	[tilespmem:$0x1FF20] =	vst v0;
	v0 =	vadd.s32 $0x60, v6  }
0x12: {  	[tilespmem:$0x1FF30] =	vst v0;
	v0 =	vadd.s32 $0x61, v6  }
0x13: {  	[tilespmem:$0x1FF40] =	vst v0;
	v0 =	vadd.s32 $0x62, v6  }
0x14: {  	[tilespmem:$0x1FF50] =	vst v0;
	v0 =	vadd.s32 $0x90, v6  }
0x15: {  	[tilespmem:$0x1FF60] =	vst v0;
	v0 =	vadd.s32 $0x91, v6  }
0x16: {  	s4 =	srdreg.scid;
	s6 =	stileid.u32;
	s12 =	simm.s32 $0x180;
	[tilespmem:$0x1FF70] =	vst v0;
	v0 =	vadd.s32 $0x92, v6  }
0x17: {  	s13 =	simm.s32 $0x80;
	s14 =	simm.s32 $0x200;
	s15 =	simm.s32 $0x4200;
	[tilespmem:$0x1FF80] =	vst v0;
	v0 =	vor.u32 $0xC0, v6  }
0x18: {  	s16 =	simm.s32 $0x40;
	s17 =	simm.s32 $0x100;
	s18 =	simm.s32 $0x8200;
	[tilespmem:$0x1FF90] =	vst v0;
	v0 =	vadd.s32 $0xC1, v6  }
0x19: {  	s19 =	simm.s32 $0x1;
	s20 =	simm.s32 $0x10200;
	s21 =	simm.s32 $0xA200;
	[tilespmem:$0x1FFA0] =	vst v0;
	v0 =	vadd.s32 $0xC2, v6  }
.Ltmp0:
0x1a: {  	s22 =	simm.s32 $0x0;
	s9 =	sand.u32 $0x1, s4;
	[tilespmem:$0x1FFB0] =	vst v0;
	v0 =	vadd.s32 $0xF0, v6;
	(pc) =	sbr.rel .LBB2_1-.Ltmp0, $4  }
0x1b: {  	s4 =	sadd.s32 $0x21E00, s8;
	s5 =	sadd.s32 $0x1E00, s8;
	s10 =	ssub.s32 $0x2, s9;
	v2 =	vand.u32 $0xF, v2;
	[tilespmem:$0x1FFC0] =	vst v0;
	v0 =	vadd.s32 $0xF1, v6  }
0x1c: {  	s7 =	sadd.s32 $0xA00, s8;
	s31 =	sshll.u32 s6, $0x9;
	s11 =	sshrl.u32 s10, $0x1;
	v3 =	vand.u32 $0xF, v3;
	v4 =	vand.u32 $0xF, v5;
	[tilespmem:$0x1FFD0] =	vst v0;
	v0 =	vadd.s32 $0xF2, v6  }
0x1d: {  	s8 =	sadd.s32 $0x41E00, s8;
	s9 =	sshll.u32 s9, $0x8;
	s10 =	ssub.s32 s10, s11;
	v23 =	vadd.s32 $0x121, v6;
	v24 =	vadd.s32 $0x122, v6;
	[tilespmem:$0x1FFE0] =	vst v0;
	v0 =	vadd.s32 $0x120, v6  }
0x1e: {  	s9 =	sor.u32 s9, s31;
	s11 =	simm.s32 $0x2;
	s10 =	smax.u32 s10, $0x1;
	v25 =	vadd.s32 $0x150, v6;
	v26 =	vadd.s32 $0x151, v6;
	v22 =	vmovc v6;
	v27 =	vadd.s32 $0x152, v6;
	[tilespmem:$0x1FFF0] =	vst v0  }
.LBB2_18:
0x1f: {  	s22 =	sadd.s32 $0x1, s22  }
0x20: {  	p0 =	sne.s32 s22, s10  }
.Ltmp1:
0x21: {  	_ = 	snop;
	(pc) =	sbr.rel @!p0 .LBB2_19-.Ltmp1, $1  }
0x22: {  	_ =	sdelay $0x3  }
.LBB2_1:
.Ltmp2:
0x23: {  	(pc) =	sbr.rel .LBB2_2-.Ltmp2, $2  }
0x24: {  	_ =	sdelay $0x2  }
0x25: {  	s23 =	simm.s32 $0x0  }
.LBB2_17:
0x26: {  	s24 =	smul.u32 $0x180, s24;
	s23 =	sadd.s32 $0x1, s23  }
0x27: {  	p0 =	sne.s32 s23, $0x4  }
.Ltmp3:
0x28: {  	s24 =	sadd.s32 s8, s24;
	(pc) =	sbr.rel @!p0 .LBB2_18-.Ltmp3, $4  }
0x29: {  	[hbm4b:s24+s3] =	stream.linear.scatter [tilespmem:s21], [sflag:$0x2], $0x6000, $0x38;
	[tilespmem:$0x10380] =	vst v63  }
0x2a: {  	_ =	swait.ge [sflag:s11], $0x6000  }
0x2b: {  	[sflag:s11] =	ssyncset.done $0x0  }
0x2c: {  	[sflag:s11] =	ssyncadd.s32 $0xFFFFA000  }
.LBB2_2:
0x2d: {  	s24 =	sshll.u32 s23, $0x6  }
0x2e: {  	s24 =	sadd.s32 s9, s24  }
0x2f: {  	s25 =	smul.u32 $0x5, s24;
	_ =	sdelay $0x1  }
0x30: {  	s25 =	sshrl.u32 s25, $0x3  }
0x31: {  	s26 =	sadd.s32 s7, s25;
	s25 =	simm.s32 $0x0  }
0x32: {  	[tilespmem:s25], [sflag:$0x2] =	stream.linear.gather [hbm4b:s26+s25], $0x140, $0x38;
	[tilespmem:$0x10380] =	vst v63  }
0x33: {  	_ =	swait.ge [sflag:s11], $0x140  }
0x34: {  	s24 =	sshrl.u32 s24, $0x3;
	[sflag:s11] =	ssyncset.done $0x0  }
0x35: {  	s31 =	sadd.s32 s2, s24;
	[sflag:s11] =	ssyncadd.s32 $0xFFFFFEC0  }
0x36: {  	[tilespmem:s12], [sflag:$0x2] =	stream.linear.gather [hbm4b:s31+s25], $0x40, $0x38;
	[tilespmem:$0x10380] =	vst v63  }
0x37: {  	_ =	swait.ge [sflag:s11], $0x40  }
0x38: {  	[sflag:s11] =	ssyncset.done $0x0  }
0x39: {  	[sflag:s11] =	ssyncadd.s32 $0xFFFFFFC0  }
0x3a: {  	[tilespmem:s14], [sflag:$0x1] =	stream.indirect.gather [hbm4b:s0+s13], $0x80, s25, s13, $0xb8;
	[tilespmem:$0x10380] =	vst v63  }
0x3b: {  	_ = 	snop  }
0x3c: {  	[tilespmem:s15], [sflag:$0x1] =	stream.indirect.gather [hbm4b:s0+s13], $0x80, s13, s13, $0xb8;
	[tilespmem:$0x10380] =	vst v63  }
0x3d: {  	_ = 	snop  }
0x3e: {  	[tilespmem:s18], [sflag:$0x1] =	stream.indirect.gather [hbm4b:s0+s16], $0x80, s17, s16, $0xb8;
	[tilespmem:$0x10380] =	vst v63  }
0x3f: {  	_ =	swait.ge [sflag:s19], $0x4000  }
0x40: {  	[sflag:s19] =	ssyncset.done $0x0  }
0x41: {  	[sflag:s19] =	ssyncadd.s32 $0xFFFFC000  }
0x42: {  	_ =	swait.ge [sflag:s19], $0x4000  }
.Ltmp4:
0x43: {  	[sflag:s19] =	ssyncset.done $0x0;
	(pc) =	sbr.rel .LBB2_3-.Ltmp4, $4  }
0x44: {  	[sflag:s19] =	ssyncadd.s32 $0xFFFFC000  }
0x45: {  	_ =	swait.ge [sflag:s19], $0x2000  }
0x46: {  	[sflag:s19] =	ssyncset.done $0x0  }
0x47: {  	s28 =	simm.s32 $0x0;
	s26 =	simm.s32 $0x340;
	[sflag:s19] =	ssyncadd.s32 $0xFFFFE000  }
.LBB2_5:
0x48: {  	s29 =	sshrl.u32 s28, $0x3  }
0x49: {  	s29 =	smul.u32 $0x3000, s29;
	_ =	sdelay $0x1  }
0x4a: {  	s30 =	sand.u32 $0x380, s25;
	s29 =	sshra.s32 s29, $0x2  }
0x4b: {  	s29 =	sor.u32 s30, s29  }
0x4c: {  	[tilespmem:s29+$0xA200] =	vst v35  }
0x4d: {  	v0 =	vld [tilespmem:s26+$0xFFFFFED0];
	_ =	sdelay $0x4  }
0x4e: {  	[tilespmem:s29+$0xA210] =	vst v0  }
0x4f: {  	v0 =	vld [tilespmem:s26+$0xFFFFFEE0];
	_ =	sdelay $0x4  }
0x50: {  	[tilespmem:s29+$0xA220] =	vst v0  }
0x51: {  	v0 =	vld [tilespmem:s26+$0xFFFFFEF0];
	_ =	sdelay $0x4  }
0x52: {  	[tilespmem:s29+$0xA230] =	vst v0  }
0x53: {  	v0 =	vld [tilespmem:s26+$0xFFFFFF00];
	_ =	sdelay $0x4  }
0x54: {  	[tilespmem:s29+$0xA240] =	vst v0  }
0x55: {  	v0 =	vld [tilespmem:s26+$0xFFFFFF10];
	_ =	sdelay $0x4  }
0x56: {  	[tilespmem:s29+$0xA250] =	vst v0  }
0x57: {  	v0 =	vld [tilespmem:s26+$0xFFFFFF20];
	_ =	sdelay $0x4  }
0x58: {  	[tilespmem:s29+$0xA260] =	vst v0  }
0x59: {  	s29 =	sadd.s32 $0xA200, s29;
	v0 =	vld [tilespmem:s26+$0xFFFFFF30]  }
.LBB2_6:
0x5a: {  	s28 =	sadd.s32 $0x1, s28  }
0x5b: {  	p0 =	sne.s32 s28, $0x40  }
.Ltmp5:
0x5c: {  	_ = 	snop;
	(pc) =	sbr.rel @!p0 .LBB2_7-.Ltmp5, $2  }
0x5d: {  	_ =	sdelay $0x2  }
0x5e: {  	s25 =	sadd.s32 $0x80, s25;
	s26 =	sadd.s32 $0x280, s26;
	[tilespmem:s29+$0x70] =	vst v0  }
.LBB2_3:
0x5f: {  	v0 =	vmov s28;
	_ =	sdelay $0x4  }
0x60: {  	v0 =	vld.idx.msk [tilespmem:v0+s12+$0x0], $0xffff;
	_ =	sdelay $0x4  }
0x61: {  	(v2sf) =	vpush v0, $0x0;
	_ =	sdelay $0xe  }
0x62: {  	s29 =	spop (v2sf)  }
0x63: {  	p0 =	slt.f32 s29, $9.999999770e-03  }
.Ltmp6:
0x64: {  	_ = 	snop;
	(pc) =	sbr.rel @!p0 .LBB2_5-.Ltmp6, $2  }
0x65: {  	_ =	sdelay $0x2  }
0x66: {  	v35 =	vld [tilespmem:s26+$0xFFFFFEC0]  }
0x67: {  	v34 =	vld [tilespmem:s26+$0xFFFFFED0]  }
0x68: {  	v40 =	vld [tilespmem:s26+$0xFFFFFF40]  }
0x69: {  	v38 =	vld [tilespmem:s26+$0xFFFFFF50]  }
0x6a: {  	v33 =	vld [tilespmem:s26+$0xFFFFFEE0]  }
0x6b: {  	v39 =	vld [tilespmem:s26+$0xFFFFFF60]  }
0x6c: {  	v32 =	vld [tilespmem:s26+$0xFFFFFEF0]  }
0x6d: {  	v41 =	vld [tilespmem:s26+$0xFFFFFF70]  }
0x6e: {  	v31 =	vld [tilespmem:s26+$0xFFFFFF00];
	v0 =	vsub.f32 v40, v35;
	v5 =	vsub.f32 v38, v34  }
0x6f: {  	v43 =	vld [tilespmem:s26+$0xFFFFFF80]  }
0x70: {  	v30 =	vld [tilespmem:s26+$0xFFFFFF10];
	v6 =	vsub.f32 v39, v33;
	v0 =	vmul.f32 v0, v0;
	v5 =	vmul.f32 v5, v5  }
0x71: {  	v44 =	vld [tilespmem:s26+$0xFFFFFF90]  }
0x72: {  	v29 =	vld [tilespmem:s26+$0xFFFFFF20];
	v0 =	vadd.f32 v5, v0;
	v5 =	vmul.f32 v6, v6;
	v6 =	vsub.f32 v41, v32  }
0x73: {  	v45 =	vld [tilespmem:s26+$0xFFFFFFA0]  }
0x74: {  	v28 =	vld [tilespmem:s26+$0xFFFFFF30];
	v0 =	vadd.f32 v5, v0;
	v5 =	vmul.f32 v6, v6;
	v6 =	vsub.f32 v43, v31  }
0x75: {  	v46 =	vld [tilespmem:s26+$0xFFFFFFB0]  }
0x76: {  	v0 =	vadd.f32 v5, v0;
	v5 =	vmul.f32 v6, v6;
	v6 =	vsub.f32 v44, v30;
	_ =	sdelay $0x1  }
0x77: {  	v0 =	vadd.f32 v5, v0;
	v5 =	vmul.f32 v6, v6;
	v6 =	vsub.f32 v45, v29;
	_ =	sdelay $0x1  }
0x78: {  	v0 =	vadd.f32 v5, v0;
	v5 =	vmul.f32 v6, v6;
	v6 =	vsub.f32 v46, v28;
	_ =	sdelay $0x1  }
0x79: {  	v0 =	vadd.f32 v5, v0;
	v5 =	vmul.f32 v6, v6;
	_ =	sdelay $0x1  }
0x7a: {  	v0 =	vadd.f32 v5, v0;
	_ =	sdelay $0x1  }
0x7b: {  	[tilespmem:$0x10200] =	vst v0  }
0x7c: {  	v5 =	vld.idx.msk [tilespmem:v1+s20+$0x0], $0xffff;
	_ =	sdelay $0x4  }
0x7d: {  	v0 =	vadd.f32 v0, v5;
	_ =	sdelay $0x1  }
0x7e: {  	[tilespmem:$0x10200] =	vst v0  }
0x7f: {  	v5 =	vld.idx.msk [tilespmem:v2+s20+$0x0], $0xffff;
	_ =	sdelay $0x4  }
0x80: {  	v0 =	vadd.f32 v5, v0;
	_ =	sdelay $0x1  }
0x81: {  	[tilespmem:$0x10200] =	vst v0  }
0x82: {  	v5 =	vld.idx.msk [tilespmem:v3+s20+$0x0], $0xffff;
	_ =	sdelay $0x4  }
0x83: {  	v8 =	vadd.f32 v5, v0;
	_ =	sdelay $0x1  }
0x84: {  	[tilespmem:$0x10200] =	vst v8  }
0x85: {  	v54 =	vld [tilespmem:s26+$0xFFFFFFC0]  }
0x86: {  	v53 =	vld [tilespmem:s26+$0xFFFFFFD0];
	_ =	sdelay $0x1  }
0x87: {  	v51 =	vld [tilespmem:s26+$0xFFFFFFE0];
	_ =	sdelay $0x1  }
0x88: {  	v48 =	vld [tilespmem:s26+$0xFFFFFFF0]  }
0x89: {  	v0 =	vsub.f32 v54, v35;
	v5 =	vsub.f32 v53, v34  }
0x8a: {  	v47 =	vld [tilespmem:s26+$0x0]  }
0x8b: {  	v6 =	vsub.f32 v51, v33;
	v0 =	vmul.f32 v0, v0;
	v5 =	vmul.f32 v5, v5  }
0x8c: {  	v42 =	vld [tilespmem:s26+$0x10]  }
0x8d: {  	v0 =	vadd.f32 v5, v0;
	v5 =	vmul.f32 v6, v6;
	v6 =	vsub.f32 v48, v32  }
0x8e: {  	v37 =	vld [tilespmem:s26+$0x20]  }
0x8f: {  	v0 =	vadd.f32 v5, v0;
	v5 =	vmul.f32 v6, v6;
	v6 =	vsub.f32 v47, v31  }
0x90: {  	v36 =	vld [tilespmem:s26+$0x30]  }
0x91: {  	v0 =	vadd.f32 v5, v0;
	v5 =	vmul.f32 v6, v6;
	v6 =	vsub.f32 v42, v30;
	_ =	sdelay $0x1  }
0x92: {  	v0 =	vadd.f32 v5, v0;
	v5 =	vmul.f32 v6, v6;
	v6 =	vsub.f32 v37, v29;
	_ =	sdelay $0x1  }
0x93: {  	v0 =	vadd.f32 v5, v0;
	v5 =	vmul.f32 v6, v6;
	v6 =	vsub.f32 v36, v28;
	_ =	sdelay $0x1  }
0x94: {  	v0 =	vadd.f32 v5, v0;
	v5 =	vmul.f32 v6, v6;
	_ =	sdelay $0x1  }
0x95: {  	v0 =	vadd.f32 v5, v0;
	_ =	sdelay $0x1  }
0x96: {  	v9 =	vld.idx.msk [tilespmem:v4+s20+$0x0], $0xffff;
	[tilespmem:$0x10200] =	vst v0  }
0x97: {  	v5 =	vld.idx.msk [tilespmem:v1+s20+$0x0], $0xffff;
	_ =	sdelay $0x4  }
0x98: {  	v0 =	vadd.f32 v0, v5;
	_ =	sdelay $0x1  }
0x99: {  	[tilespmem:$0x10200] =	vst v0  }
0x9a: {  	v5 =	vld.idx.msk [tilespmem:v2+s20+$0x0], $0xffff;
	_ =	sdelay $0x4  }
0x9b: {  	v0 =	vadd.f32 v5, v0;
	_ =	sdelay $0x1  }
0x9c: {  	[tilespmem:$0x10200] =	vst v0  }
0x9d: {  	v5 =	vld.idx.msk [tilespmem:v3+s20+$0x0], $0xffff;
	_ =	sdelay $0x4  }
0x9e: {  	v10 =	vadd.f32 v5, v0;
	_ =	sdelay $0x1  }
0x9f: {  	[tilespmem:$0x10200] =	vst v10  }
0xa0: {  	v63 =	vld [tilespmem:s26+$0x40]  }
0xa1: {  	v61 =	vld [tilespmem:s26+$0x50];
	_ =	sdelay $0x1  }
0xa2: {  	v59 =	vld [tilespmem:s26+$0x60];
	_ =	sdelay $0x1  }
0xa3: {  	v56 =	vld [tilespmem:s26+$0x70]  }
0xa4: {  	v0 =	vsub.f32 v63, v35;
	v5 =	vsub.f32 v61, v34  }
0xa5: {  	v55 =	vld [tilespmem:s26+$0x80]  }
0xa6: {  	v6 =	vsub.f32 v59, v33;
	v0 =	vmul.f32 v0, v0;
	v5 =	vmul.f32 v5, v5  }
0xa7: {  	v52 =	vld [tilespmem:s26+$0x90]  }
0xa8: {  	v0 =	vadd.f32 v5, v0;
	v5 =	vmul.f32 v6, v6;
	v6 =	vsub.f32 v56, v32  }
0xa9: {  	v50 =	vld [tilespmem:s26+$0xA0]  }
0xaa: {  	v0 =	vadd.f32 v5, v0;
	v5 =	vmul.f32 v6, v6;
	v6 =	vsub.f32 v55, v31  }
0xab: {  	v49 =	vld [tilespmem:s26+$0xB0]  }
0xac: {  	v0 =	vadd.f32 v5, v0;
	v5 =	vmul.f32 v6, v6;
	v6 =	vsub.f32 v52, v30;
	_ =	sdelay $0x1  }
0xad: {  	v0 =	vadd.f32 v5, v0;
	v5 =	vmul.f32 v6, v6;
	v6 =	vsub.f32 v50, v29;
	_ =	sdelay $0x1  }
0xae: {  	v0 =	vadd.f32 v5, v0;
	v5 =	vmul.f32 v6, v6;
	v6 =	vsub.f32 v49, v28;
	_ =	sdelay $0x1  }
0xaf: {  	v0 =	vadd.f32 v5, v0;
	v5 =	vmul.f32 v6, v6;
	_ =	sdelay $0x1  }
0xb0: {  	v0 =	vadd.f32 v5, v0;
	_ =	sdelay $0x1  }
0xb1: {  	v11 =	vld.idx.msk [tilespmem:v4+s20+$0x0], $0xffff;
	[tilespmem:$0x10200] =	vst v0  }
0xb2: {  	v5 =	vld.idx.msk [tilespmem:v1+s20+$0x0], $0xffff;
	_ =	sdelay $0x4  }
0xb3: {  	v0 =	vadd.f32 v0, v5;
	_ =	sdelay $0x1  }
0xb4: {  	[tilespmem:$0x10200] =	vst v0  }
0xb5: {  	v5 =	vld.idx.msk [tilespmem:v2+s20+$0x0], $0xffff;
	_ =	sdelay $0x4  }
0xb6: {  	v0 =	vadd.f32 v5, v0;
	_ =	sdelay $0x1  }
0xb7: {  	[tilespmem:$0x10200] =	vst v0  }
0xb8: {  	v5 =	vld.idx.msk [tilespmem:v3+s20+$0x0], $0xffff;
	_ =	sdelay $0x4  }
0xb9: {  	v12 =	vadd.f32 v5, v0;
	_ =	sdelay $0x1  }
0xba: {  	[tilespmem:$0x10200] =	vst v12  }
0xbb: {  	v7 =	vld [tilespmem:s26+$0xC0]  }
0xbc: {  	v6 =	vld [tilespmem:s26+$0xD0];
	_ =	sdelay $0x1  }
0xbd: {  	v5 =	vld [tilespmem:s26+$0xE0];
	_ =	sdelay $0x1  }
0xbe: {  	v0 =	vld [tilespmem:s26+$0xF0]  }
0xbf: {  	v57 =	vsub.f32 v7, v35;
	v58 =	vsub.f32 v6, v34  }
0xc0: {  	v62 =	vld [tilespmem:s26+$0x100]  }
0xc1: {  	v13 =	vsub.f32 v5, v33;
	v57 =	vmul.f32 v57, v57;
	v58 =	vmul.f32 v58, v58  }
0xc2: {  	v60 =	vld [tilespmem:s26+$0x110]  }
0xc3: {  	v14 =	vsub.f32 v0, v32;
	v13 =	vmul.f32 v13, v13;
	v57 =	vadd.f32 v58, v57  }
0xc4: {  	v58 =	vld [tilespmem:s26+$0x120]  }
0xc5: {  	v15 =	vsub.f32 v62, v31;
	v14 =	vmul.f32 v14, v14;
	v13 =	vadd.f32 v13, v57  }
0xc6: {  	v57 =	vld [tilespmem:s26+$0x130]  }
0xc7: {  	v19 =	vsub.f32 v60, v30;
	v18 =	vmul.f32 v15, v15;
	v13 =	vadd.f32 v14, v13;
	_ =	sdelay $0x1  }
0xc8: {  	v13 =	vadd.f32 v18, v13;
	v18 =	vmul.f32 v19, v19;
	v19 =	vsub.f32 v58, v29;
	_ =	sdelay $0x1  }
0xc9: {  	v13 =	vadd.f32 v18, v13;
	v18 =	vmul.f32 v19, v19;
	v19 =	vsub.f32 v57, v28;
	_ =	sdelay $0x1  }
0xca: {  	v13 =	vadd.f32 v18, v13;
	v17 =	vmul.f32 v19, v19;
	_ =	sdelay $0x1  }
0xcb: {  	v13 =	vadd.f32 v17, v13;
	_ =	sdelay $0x1  }
0xcc: {  	v14 =	vld.idx.msk [tilespmem:v4+s20+$0x0], $0xffff;
	[tilespmem:$0x10200] =	vst v13  }
0xcd: {  	v18 =	vld.idx.msk [tilespmem:v1+s20+$0x0], $0xffff;
	_ =	sdelay $0x4  }
0xce: {  	v13 =	vadd.f32 v13, v18;
	_ =	sdelay $0x1  }
0xcf: {  	[tilespmem:$0x10200] =	vst v13  }
0xd0: {  	v19 =	vld.idx.msk [tilespmem:v2+s20+$0x0], $0xffff  }
0xd1: {  	v8 =	vadd.f32 v9, v8;
	_ =	sdelay $0x1  }
0xd2: {  	v9 =	vadd.f32 v11, v10;
	v11 =	vmul.f32 $5.000000000e-01, v8;
	v17 =	vshra.s32 v8, $0x1  }
0xd3: {  	v10 =	vsub.s32 $0x5F3759DF, v17  }
0xd4: {  	v17 =	vmul.f32 v10, v11;
	v13 =	vadd.f32 v19, v13  }
0xd5: {  	v16 =	vmul.f32 $5.000000000e-01, v9;
	v15 =	vshra.s32 v9, $0x1  }
0xd6: {  	v15 =	vsub.s32 $0x5F3759DF, v15;
	v17 =	vmul.f32 v10, v17;
	[tilespmem:$0x10200] =	vst v13  }
0xd7: {  	v18 =	vmul.f32 v15, v16;
	v19 =	vld.idx.msk [tilespmem:v3+s20+$0x0], $0xffff  }
0xd8: {  	v17 =	vsub.f32 $1.500000000e+00, v17  }
0xd9: {  	v18 =	vmul.f32 v15, v18  }
0xda: {  	v10 =	vmul.f32 v10, v17  }
0xdb: {  	v18 =	vsub.f32 $1.500000000e+00, v18  }
0xdc: {  	v17 =	vmul.f32 v10, v11;
	v13 =	vadd.f32 v19, v13  }
0xdd: {  	v15 =	vmul.f32 v15, v18  }
0xde: {  	v17 =	vmul.f32 v17, v10;
	[tilespmem:$0x10200] =	vst v13  }
0xdf: {  	v18 =	vmul.f32 v15, v16;
	v19 =	vld.idx.msk [tilespmem:v4+s20+$0x0], $0xffff  }
0xe0: {  	v12 =	vadd.f32 v14, v12;
	v14 =	vsub.f32 $1.500000000e+00, v17  }
0xe1: {  	v18 =	vmul.f32 v18, v15  }
0xe2: {  	v10 =	vmul.f32 v14, v10  }
0xe3: {  	v20 =	vmul.f32 $5.000000000e-01, v12;
	v17 =	vsub.f32 $1.500000000e+00, v18;
	v18 =	vshra.s32 v12, $0x1  }
0xe4: {  	v11 =	vmul.f32 v10, v11;
	v14 =	vsub.s32 $0x5F3759DF, v18;
	v13 =	vadd.f32 v19, v13  }
0xe5: {  	v15 =	vmul.f32 v17, v15;
	v17 =	vmul.f32 v14, v20  }
0xe6: {  	v11 =	vmul.f32 v11, v10;
	v18 =	vshra.s32 v13, $0x1;
	v19 =	vmul.f32 $5.000000000e-01, v13  }
0xe7: {  	v16 =	vmul.f32 v15, v16;
	v17 =	vmul.f32 v14, v17;
	v18 =	vsub.s32 $0x5F3759DF, v18  }
0xe8: {  	v11 =	vsub.f32 $1.500000000e+00, v11;
	v21 =	vmul.f32 v18, v19  }
0xe9: {  	v16 =	vmul.f32 v16, v15;
	v17 =	vsub.f32 $1.500000000e+00, v17  }
0xea: {  	v10 =	vmul.f32 v11, v10;
	v21 =	vmul.f32 v18, v21  }
0xeb: {  	v14 =	vmul.f32 v14, v17;
	v16 =	vsub.f32 $1.500000000e+00, v16  }
0xec: {  	v10 =	vmul.f32 v10, v8;
	v11 =	vsub.f32 $1.500000000e+00, v21  }
0xed: {  	v15 =	vmul.f32 v16, v15;
	v16 =	vmul.f32 v14, v20  }
0xee: {  	v11 =	vmul.f32 v18, v11  }
0xef: {  	v10 =	vsub.f32 $0.0e+00, v10;
	v16 =	vmul.f32 v16, v14  }
0xf0: {  	v15 =	vmul.f32 v15, v9;
	v17 =	vmul.f32 v11, v19  }
0xf1: {  	vm0 =	vgt.f32 v8, $0.0e+00;
	v10 =	vmul.f32 $1.442695020e+00, v10  }
0xf2: {  	v16 =	vsub.f32 $1.500000000e+00, v16;
	v15 =	vsub.f32 $0.0e+00, v15;
	v17 =	vmul.f32 v17, v11  }
0xf3: {  	v10 =	vnsel vm0, $0x0, v10  }
0xf4: {  	v8 =	vmul.f32 v16, v14;
	v14 =	vmul.f32 $1.442695020e+00, v15;
	v18 =	vsub.f32 $1.500000000e+00, v17  }
0xf5: {  	vm13 =	vgt.f32 v9, $0.0e+00;
	(erf) = vpow2.f32 v10  }
0xf6: {  	v17 =	vnsel vm13, $0x0, v14;
	v9 =	vmul.f32 v18, v11;
	v18 =	vmul.f32 v8, v20  }
0xf7: {  	(erf) = vpow2.f32 v17  }
0xf8: {  	v14 =	vmul.f32 v18, v8;
	v15 =	vmul.f32 v9, v19;
	_ =	sdelay $0x1  }
0xf9: {  	v10 =	vsub.f32 $1.500000000e+00, v14;
	v11 =	vmul.f32 v15, v9;
	_ =	sdelay $0x1  }
0xfa: {  	v8 =	vmul.f32 v10, v8;
	v16 =	vsub.f32 $1.500000000e+00, v11;
	_ =	sdelay $0x1  }
0xfb: {  	v8 =	vmul.f32 v8, v12;
	v9 =	vmul.f32 v16, v9  }
0xfc: {  	v10 =	vpop (erf)  }
0xfd: {  	v17 =	vadd.f32 $1.000000000e+00, v10;
	v8 =	vsub.f32 $0.0e+00, v8;
	v9 =	vmul.f32 v9, v13  }
0xfe: {  	v14 =	vpop (erf)  }
0xff: {  	v11 =	vadd.f32 v14, v17;
	v8 =	vmul.f32 $1.442695020e+00, v8;
	v9 =	vsub.f32 $0.0e+00, v9  }
0x100: {  	vm14 =	vgt.f32 v12, $0.0e+00  }
0x101: {  	(erf) = vrcp.f32 v11;
	v8 =	vnsel vm14, $0x0, v8;
	v9 =	vmul.f32 $1.442695020e+00, v9  }
0x102: {  	vm15 =	vgt.f32 v13, $0.0e+00;
	(erf) = vpow2.f32 v8  }
0x103: {  	v18 =	vnsel vm15, $0x0, v9  }
0x104: {  	(erf) = vpow2.f32 v18;
	_ =	sdelay $0x5  }
0x105: {  	v8 =	vpop (erf)  }
0x106: {  	v9 =	vpop (erf)  }
0x107: {  	v11 =	vadd.f32 v9, v11  }
0x108: {  	v12 =	vpop (erf)  }
0x109: {  	v11 =	vadd.f32 v12, v11  }
0x10a: {  	v19 =	vmul.f32 v10, v40  }
0x10b: {  	v40 =	vmul.f32 v10, v39;
	(erf) = vrcp.f32 v11  }
0x10c: {  	v41 =	vmul.f32 v10, v41;
	v13 =	vmul.f32 v10, v38  }
0x10d: {  	v15 =	vmul.f32 v10, v43;
	v38 =	vmul.f32 v14, v54;
	v11 =	vadd.f32 v19, v35  }
0x10e: {  	v21 =	vmul.f32 v10, v45;
	v20 =	vmul.f32 v14, v53;
	v13 =	vadd.f32 v13, v34  }
0x10f: {  	v54 =	vmul.f32 v10, v44;
	v43 =	vmul.f32 v9, v63;
	v11 =	vadd.f32 v38, v11  }
0x110: {  	v10 =	vmul.f32 v10, v46;
	v13 =	vadd.f32 v20, v13;
	v20 =	vmul.f32 v9, v61  }
0x111: {  	v46 =	vmul.f32 v14, v47;
	v7 =	vmul.f32 v12, v7;
	v18 =	vadd.f32 v43, v11  }
0x112: {  	v41 =	vadd.f32 v41, v32;
	v39 =	vadd.f32 v20, v13;
	v6 =	vmul.f32 v12, v6  }
0x113: {  	v11 =	vmul.f32 v8, v11;
	v43 =	vmul.f32 v14, v48;
	v7 =	vadd.f32 v7, v18  }
0x114: {  	v16 =	vadd.f32 v40, v33;
	v63 =	vmul.f32 v14, v51;
	v6 =	vadd.f32 v6, v39;
	v20 =	vpop (erf)  }
0x115: {  	v45 =	vmul.f32 v9, v56;
	[tilespmem:$0x10280] =	vst v11;
	v11 =	vadd.f32 v43, v41;
	v7 =	vmul.f32 v20, v7  }
0x116: {  	v40 =	vmul.f32 v9, v59;
	v16 =	vadd.f32 v63, v16;
	v6 =	vmul.f32 v20, v6  }
0x117: {  	v0 =	vmul.f32 v12, v0;
	v47 =	vadd.f32 v45, v11;
	[tilespmem:$0x10300] =	vst v7;
	v7 =	vmul.f32 v8, v13  }
0x118: {  	v51 =	vmul.f32 v14, v42;
	[tilespmem:$0x10310] =	vst v6;
	v6 =	vmul.f32 v8, v16  }
0x119: {  	v5 =	vmul.f32 v12, v5;
	v44 =	vadd.f32 v40, v16;
	v0 =	vadd.f32 v0, v47;
	[tilespmem:$0x10290] =	vst v7  }
0x11a: {  	v56 =	vmul.f32 v14, v37;
	v7 =	vadd.f32 v15, v31;
	[tilespmem:$0x102A0] =	vst v6;
	v6 =	vadd.f32 v54, v30  }
0x11b: {  	v5 =	vadd.f32 v5, v44;
	v48 =	vmul.f32 v9, v55;
	v55 =	vmul.f32 v9, v52  }
0x11c: {  	v0 =	vmul.f32 v20, v0;
	v7 =	vadd.f32 v46, v7;
	v6 =	vadd.f32 v51, v6  }
0x11d: {  	v59 =	vmul.f32 v12, v60;
	v5 =	vmul.f32 v20, v5  }
0x11e: {  	[tilespmem:$0x10330] =	vst v0;
	v53 =	vadd.f32 v48, v7;
	v0 =	vmul.f32 v8, v7;
	v7 =	vadd.f32 v55, v6  }
0x11f: {  	v60 =	vmul.f32 v9, v50;
	v14 =	vmul.f32 v14, v36;
	[tilespmem:$0x10320] =	vst v5  }
0x120: {  	v5 =	vmul.f32 v8, v11;
	v7 =	vadd.f32 v59, v7;
	[tilespmem:$0x102C0] =	vst v0;
	v0 =	vadd.f32 v10, v28  }
0x121: {  	[tilespmem:$0x10200] =	vst v35;
	v9 =	vmul.f32 v9, v49;
	v6 =	vmul.f32 v8, v6  }
0x122: {  	[tilespmem:$0x102B0] =	vst v5;
	v5 =	vadd.f32 v21, v29;
	v0 =	vadd.f32 v14, v0;
	v7 =	vmul.f32 v20, v7  }
0x123: {  	[tilespmem:$0x102D0] =	vst v6  }
0x124: {  	v5 =	vadd.f32 v56, v5;
	v6 =	vmul.f32 v12, v57;
	[tilespmem:$0x10350] =	vst v7;
	v7 =	vadd.f32 v9, v0  }
0x125: {  	[tilespmem:$0x10210] =	vst v34  }
0x126: {  	[tilespmem:$0x10220] =	vst v33;
	v61 =	vadd.f32 v60, v5;
	v5 =	vmul.f32 v8, v5;
	v6 =	vadd.f32 v6, v7  }
0x127: {  	[tilespmem:$0x10230] =	vst v32  }
0x128: {  	v54 =	vmul.f32 v12, v62;
	[tilespmem:$0x102E0] =	vst v5;
	v5 =	vmul.f32 v20, v6  }
0x129: {  	[tilespmem:$0x10240] =	vst v31;
	v62 =	vmul.f32 v12, v58  }
0x12a: {  	v11 =	vadd.f32 v54, v53;
	[tilespmem:$0x10370] =	vst v5;
	v5 =	vld [tilespmem:$0x1FEE0]  }
0x12b: {  	[tilespmem:$0x10250] =	vst v30;
	v10 =	vadd.f32 v62, v61  }
0x12c: {  	[tilespmem:$0x10260] =	vst v29;
	v11 =	vmul.f32 v20, v11;
	v6 =	vld [tilespmem:$0x1FEF0]  }
0x12d: {  	[tilespmem:$0x10270] =	vst v28;
	v63 =	vmul.f32 v20, v10  }
0x12e: {  	[tilespmem:$0x10340] =	vst v11;
	v0 =	vmul.f32 v8, v0  }
0x12f: {  	[tilespmem:$0x10360] =	vst v63  }
0x130: {  	[tilespmem:$0x102F0] =	vst v0  }
0x131: {  	v0 =	vld.idx.msk [tilespmem:v22+s20+$0x0], $0xffff  }
0x132: {  	v5 =	vld.idx.msk [tilespmem:v5+s20+$0x0], $0xffff;
	_ =	sdelay $0x1  }
0x133: {  	v6 =	vld.idx.msk [tilespmem:v6+s20+$0x0], $0xffff;
	_ =	sdelay $0x2  }
0x134: {  	v0 =	vadd.f32 v5, v0  }
0x135: {  	s29 =	sshrl.u32 s28, $0x3  }
0x136: {  	s29 =	smul.u32 $0x3000, s29;
	v0 =	vadd.f32 v6, v0;
	_ =	sdelay $0x1  }
0x137: {  	s30 =	sand.u32 $0x380, s25;
	s29 =	sshra.s32 s29, $0x2;
	v0 =	vmul.f32 $3.333333430e-01, v0  }
0x138: {  	s29 =	sor.u32 s30, s29;
	v5 =	vld [tilespmem:$0x1FF10]  }
0x139: {  	[tilespmem:s29+$0xA200] =	vst v0;
	v0 =	vld [tilespmem:$0x1FF00];
	_ =	sdelay $0x1  }
0x13a: {  	v6 =	vld [tilespmem:$0x1FF20];
	_ =	sdelay $0x4  }
0x13b: {  	v5 =	vld.idx.msk [tilespmem:v5+s20+$0x0], $0xffff  }
0x13c: {  	v0 =	vld.idx.msk [tilespmem:v0+s20+$0x0], $0xffff;
	_ =	sdelay $0x1  }
0x13d: {  	v6 =	vld.idx.msk [tilespmem:v6+s20+$0x0], $0xffff;
	_ =	sdelay $0x2  }
0x13e: {  	v0 =	vadd.f32 v5, v0;
	_ =	sdelay $0x1  }
0x13f: {  	v0 =	vadd.f32 v6, v0;
	_ =	sdelay $0x1  }
0x140: {  	v0 =	vmul.f32 $3.333333430e-01, v0  }
0x141: {  	v5 =	vld [tilespmem:$0x1FF40]  }
0x142: {  	[tilespmem:s29+$0xA210] =	vst v0;
	v0 =	vld [tilespmem:$0x1FF30];
	_ =	sdelay $0x1  }
0x143: {  	v6 =	vld [tilespmem:$0x1FF50];
	_ =	sdelay $0x4  }
0x144: {  	v5 =	vld.idx.msk [tilespmem:v5+s20+$0x0], $0xffff  }
0x145: {  	v0 =	vld.idx.msk [tilespmem:v0+s20+$0x0], $0xffff;
	_ =	sdelay $0x1  }
0x146: {  	v6 =	vld.idx.msk [tilespmem:v6+s20+$0x0], $0xffff;
	_ =	sdelay $0x2  }
0x147: {  	v0 =	vadd.f32 v5, v0;
	_ =	sdelay $0x1  }
0x148: {  	v0 =	vadd.f32 v6, v0;
	_ =	sdelay $0x1  }
0x149: {  	v0 =	vmul.f32 $3.333333430e-01, v0  }
0x14a: {  	v5 =	vld [tilespmem:$0x1FF70]  }
0x14b: {  	[tilespmem:s29+$0xA220] =	vst v0;
	v0 =	vld [tilespmem:$0x1FF60];
	_ =	sdelay $0x1  }
0x14c: {  	v6 =	vld [tilespmem:$0x1FF80];
	_ =	sdelay $0x4  }
0x14d: {  	v5 =	vld.idx.msk [tilespmem:v5+s20+$0x0], $0xffff  }
0x14e: {  	v0 =	vld.idx.msk [tilespmem:v0+s20+$0x0], $0xffff;
	_ =	sdelay $0x1  }
0x14f: {  	v6 =	vld.idx.msk [tilespmem:v6+s20+$0x0], $0xffff;
	_ =	sdelay $0x2  }
0x150: {  	v0 =	vadd.f32 v5, v0;
	_ =	sdelay $0x1  }
0x151: {  	v0 =	vadd.f32 v6, v0;
	_ =	sdelay $0x1  }
0x152: {  	v0 =	vmul.f32 $3.333333430e-01, v0  }
0x153: {  	v5 =	vld [tilespmem:$0x1FFA0]  }
0x154: {  	[tilespmem:s29+$0xA230] =	vst v0;
	v0 =	vld [tilespmem:$0x1FF90];
	_ =	sdelay $0x1  }
0x155: {  	v6 =	vld [tilespmem:$0x1FFB0];
	_ =	sdelay $0x4  }
0x156: {  	v5 =	vld.idx.msk [tilespmem:v5+s20+$0x0], $0xffff  }
0x157: {  	v0 =	vld.idx.msk [tilespmem:v0+s20+$0x0], $0xffff;
	_ =	sdelay $0x1  }
0x158: {  	v6 =	vld.idx.msk [tilespmem:v6+s20+$0x0], $0xffff;
	_ =	sdelay $0x2  }
0x159: {  	v0 =	vadd.f32 v5, v0;
	_ =	sdelay $0x1  }
0x15a: {  	v0 =	vadd.f32 v6, v0;
	_ =	sdelay $0x1  }
0x15b: {  	v0 =	vmul.f32 $3.333333430e-01, v0  }
0x15c: {  	v5 =	vld [tilespmem:$0x1FFD0]  }
0x15d: {  	[tilespmem:s29+$0xA240] =	vst v0;
	v0 =	vld [tilespmem:$0x1FFC0];
	_ =	sdelay $0x1  }
0x15e: {  	v6 =	vld [tilespmem:$0x1FFE0];
	_ =	sdelay $0x4  }
0x15f: {  	v5 =	vld.idx.msk [tilespmem:v5+s20+$0x0], $0xffff  }
0x160: {  	v0 =	vld.idx.msk [tilespmem:v0+s20+$0x0], $0xffff;
	_ =	sdelay $0x1  }
0x161: {  	v6 =	vld.idx.msk [tilespmem:v6+s20+$0x0], $0xffff;
	_ =	sdelay $0x2  }
0x162: {  	v0 =	vadd.f32 v5, v0;
	_ =	sdelay $0x1  }
0x163: {  	v0 =	vadd.f32 v6, v0;
	_ =	sdelay $0x1  }
0x164: {  	v0 =	vmul.f32 $3.333333430e-01, v0;
	_ =	sdelay $0x1  }
0x165: {  	[tilespmem:s29+$0xA250] =	vst v0;
	v0 =	vld [tilespmem:$0x1FFF0];
	_ =	sdelay $0x6  }
0x166: {  	v5 =	vld.idx.msk [tilespmem:v23+s20+$0x0], $0xffff  }
0x167: {  	v0 =	vld.idx.msk [tilespmem:v0+s20+$0x0], $0xffff;
	_ =	sdelay $0x1  }
0x168: {  	v6 =	vld.idx.msk [tilespmem:v24+s20+$0x0], $0xffff;
	_ =	sdelay $0x2  }
0x169: {  	v0 =	vadd.f32 v5, v0;
	_ =	sdelay $0x1  }
0x16a: {  	v0 =	vadd.f32 v6, v0;
	_ =	sdelay $0x1  }
0x16b: {  	v0 =	vmul.f32 $3.333333430e-01, v0;
	_ =	sdelay $0x1  }
0x16c: {  	[tilespmem:s29+$0xA260] =	vst v0  }
0x16d: {  	v0 =	vld.idx.msk [tilespmem:v25+s20+$0x0], $0xffff  }
0x16e: {  	v5 =	vld.idx.msk [tilespmem:v26+s20+$0x0], $0xffff;
	_ =	sdelay $0x1  }
0x16f: {  	v6 =	vld.idx.msk [tilespmem:v27+s20+$0x0], $0xffff;
	_ =	sdelay $0x2  }
.Ltmp7:
0x170: {  	v0 =	vadd.f32 v5, v0;
	(pc) =	sbr.rel .LBB2_6-.Ltmp7, $3  }
0x171: {  	_ = 	snop  }
0x172: {  	v0 =	vadd.f32 v6, v0;
	_ =	sdelay $0x1  }
0x173: {  	s29 =	sadd.s32 $0xA200, s29;
	v0 =	vmul.f32 $3.333333430e-01, v0  }
.LBB2_7:
0x174: {  	s25 =	simm.s32 $0x0  }
0x175: {  	[tilespmem:s14], [sflag:$0x1] =	stream.indirect.gather [hbm4b:s4+s13], $0x80, s25, s13, $0xb8;
	[tilespmem:$0x10380] =	vst v63  }
0x176: {  	_ = 	snop  }
0x177: {  	[tilespmem:s15], [sflag:$0x1] =	stream.indirect.gather [hbm4b:s4+s13], $0x80, s13, s13, $0xb8;
	[tilespmem:$0x10380] =	vst v63  }
0x178: {  	_ = 	snop  }
0x179: {  	[tilespmem:s18], [sflag:$0x1] =	stream.indirect.gather [hbm4b:s4+s16], $0x80, s17, s16, $0xb8;
	[tilespmem:$0x10380] =	vst v63  }
0x17a: {  	_ =	swait.ge [sflag:s19], $0x4000  }
0x17b: {  	[sflag:s19] =	ssyncset.done $0x0  }
0x17c: {  	[sflag:s19] =	ssyncadd.s32 $0xFFFFC000  }
0x17d: {  	_ =	swait.ge [sflag:s19], $0x4000  }
.Ltmp8:
0x17e: {  	[sflag:s19] =	ssyncset.done $0x0;
	(pc) =	sbr.rel .LBB2_8-.Ltmp8, $4  }
0x17f: {  	[sflag:s19] =	ssyncadd.s32 $0xFFFFC000  }
0x180: {  	_ =	swait.ge [sflag:s19], $0x2000  }
0x181: {  	[sflag:s19] =	ssyncset.done $0x0  }
0x182: {  	s26 =	simm.s32 $0x340;
	s28 =	simm.s32 $0x0;
	[sflag:s19] =	ssyncadd.s32 $0xFFFFE000  }
.LBB2_10:
0x183: {  	s29 =	sshrl.u32 s28, $0x3  }
0x184: {  	s29 =	smul.u32 $0x3000, s29;
	_ =	sdelay $0x1  }
0x185: {  	s30 =	sand.u32 $0x380, s25;
	s29 =	sshra.s32 s29, $0x2  }
0x186: {  	s29 =	sor.u32 s30, s29  }
0x187: {  	[tilespmem:s29+$0xA600] =	vst v35  }
0x188: {  	v0 =	vld [tilespmem:s26+$0xFFFFFED0];
	_ =	sdelay $0x4  }
0x189: {  	[tilespmem:s29+$0xA610] =	vst v0  }
0x18a: {  	v0 =	vld [tilespmem:s26+$0xFFFFFEE0];
	_ =	sdelay $0x4  }
0x18b: {  	[tilespmem:s29+$0xA620] =	vst v0  }
0x18c: {  	v0 =	vld [tilespmem:s26+$0xFFFFFEF0];
	_ =	sdelay $0x4  }
0x18d: {  	[tilespmem:s29+$0xA630] =	vst v0  }
0x18e: {  	v0 =	vld [tilespmem:s26+$0xFFFFFF00];
	_ =	sdelay $0x4  }
0x18f: {  	[tilespmem:s29+$0xA640] =	vst v0  }
0x190: {  	v0 =	vld [tilespmem:s26+$0xFFFFFF10];
	_ =	sdelay $0x4  }
0x191: {  	[tilespmem:s29+$0xA650] =	vst v0  }
0x192: {  	v0 =	vld [tilespmem:s26+$0xFFFFFF20];
	_ =	sdelay $0x4  }
0x193: {  	[tilespmem:s29+$0xA660] =	vst v0  }
0x194: {  	s29 =	sadd.s32 $0xA600, s29;
	v0 =	vld [tilespmem:s26+$0xFFFFFF30]  }
.LBB2_11:
0x195: {  	s28 =	sadd.s32 $0x1, s28  }
0x196: {  	p0 =	sne.s32 s28, $0x40  }
.Ltmp9:
0x197: {  	_ = 	snop;
	(pc) =	sbr.rel @!p0 .LBB2_12-.Ltmp9, $2  }
0x198: {  	_ =	sdelay $0x2  }
0x199: {  	s25 =	sadd.s32 $0x80, s25;
	s26 =	sadd.s32 $0x280, s26;
	[tilespmem:s29+$0x70] =	vst v0  }
.LBB2_8:
0x19a: {  	v0 =	vmov s28;
	_ =	sdelay $0x4  }
0x19b: {  	v0 =	vld.idx.msk [tilespmem:v0+s12+$0x0], $0xffff;
	_ =	sdelay $0x4  }
0x19c: {  	(v2sf) =	vpush v0, $0x0;
	_ =	sdelay $0xe  }
0x19d: {  	s29 =	spop (v2sf)  }
0x19e: {  	p0 =	slt.f32 s29, $9.999999770e-03  }
.Ltmp10:
0x19f: {  	_ = 	snop;
	(pc) =	sbr.rel @!p0 .LBB2_10-.Ltmp10, $2  }
0x1a0: {  	_ =	sdelay $0x2  }
0x1a1: {  	v35 =	vld [tilespmem:s26+$0xFFFFFEC0]  }
0x1a2: {  	v34 =	vld [tilespmem:s26+$0xFFFFFED0]  }
0x1a3: {  	v40 =	vld [tilespmem:s26+$0xFFFFFF40]  }
0x1a4: {  	v38 =	vld [tilespmem:s26+$0xFFFFFF50]  }
0x1a5: {  	v33 =	vld [tilespmem:s26+$0xFFFFFEE0]  }
0x1a6: {  	v39 =	vld [tilespmem:s26+$0xFFFFFF60]  }
0x1a7: {  	v32 =	vld [tilespmem:s26+$0xFFFFFEF0]  }
0x1a8: {  	v41 =	vld [tilespmem:s26+$0xFFFFFF70]  }
0x1a9: {  	v31 =	vld [tilespmem:s26+$0xFFFFFF00];
	v0 =	vsub.f32 v40, v35;
	v5 =	vsub.f32 v38, v34  }
0x1aa: {  	v43 =	vld [tilespmem:s26+$0xFFFFFF80]  }
0x1ab: {  	v30 =	vld [tilespmem:s26+$0xFFFFFF10];
	v6 =	vsub.f32 v39, v33;
	v0 =	vmul.f32 v0, v0;
	v5 =	vmul.f32 v5, v5  }
0x1ac: {  	v44 =	vld [tilespmem:s26+$0xFFFFFF90]  }
0x1ad: {  	v29 =	vld [tilespmem:s26+$0xFFFFFF20];
	v0 =	vadd.f32 v5, v0;
	v5 =	vmul.f32 v6, v6;
	v6 =	vsub.f32 v41, v32  }
0x1ae: {  	v45 =	vld [tilespmem:s26+$0xFFFFFFA0]  }
0x1af: {  	v28 =	vld [tilespmem:s26+$0xFFFFFF30];
	v0 =	vadd.f32 v5, v0;
	v5 =	vmul.f32 v6, v6;
	v6 =	vsub.f32 v43, v31  }
0x1b0: {  	v46 =	vld [tilespmem:s26+$0xFFFFFFB0]  }
0x1b1: {  	v0 =	vadd.f32 v5, v0;
	v5 =	vmul.f32 v6, v6;
	v6 =	vsub.f32 v44, v30;
	_ =	sdelay $0x1  }
0x1b2: {  	v0 =	vadd.f32 v5, v0;
	v5 =	vmul.f32 v6, v6;
	v6 =	vsub.f32 v45, v29;
	_ =	sdelay $0x1  }
0x1b3: {  	v0 =	vadd.f32 v5, v0;
	v5 =	vmul.f32 v6, v6;
	v6 =	vsub.f32 v46, v28;
	_ =	sdelay $0x1  }
0x1b4: {  	v0 =	vadd.f32 v5, v0;
	v5 =	vmul.f32 v6, v6;
	_ =	sdelay $0x1  }
0x1b5: {  	v0 =	vadd.f32 v5, v0;
	_ =	sdelay $0x1  }
0x1b6: {  	[tilespmem:$0x10200] =	vst v0  }
0x1b7: {  	v5 =	vld.idx.msk [tilespmem:v1+s20+$0x0], $0xffff;
	_ =	sdelay $0x4  }
0x1b8: {  	v0 =	vadd.f32 v0, v5;
	_ =	sdelay $0x1  }
0x1b9: {  	[tilespmem:$0x10200] =	vst v0  }
0x1ba: {  	v5 =	vld.idx.msk [tilespmem:v2+s20+$0x0], $0xffff;
	_ =	sdelay $0x4  }
0x1bb: {  	v0 =	vadd.f32 v5, v0;
	_ =	sdelay $0x1  }
0x1bc: {  	[tilespmem:$0x10200] =	vst v0  }
0x1bd: {  	v5 =	vld.idx.msk [tilespmem:v3+s20+$0x0], $0xffff;
	_ =	sdelay $0x4  }
0x1be: {  	v8 =	vadd.f32 v5, v0;
	_ =	sdelay $0x1  }
0x1bf: {  	[tilespmem:$0x10200] =	vst v8  }
0x1c0: {  	v54 =	vld [tilespmem:s26+$0xFFFFFFC0]  }
0x1c1: {  	v53 =	vld [tilespmem:s26+$0xFFFFFFD0];
	_ =	sdelay $0x1  }
0x1c2: {  	v51 =	vld [tilespmem:s26+$0xFFFFFFE0];
	_ =	sdelay $0x1  }
0x1c3: {  	v48 =	vld [tilespmem:s26+$0xFFFFFFF0]  }
0x1c4: {  	v0 =	vsub.f32 v54, v35;
	v5 =	vsub.f32 v53, v34  }
0x1c5: {  	v47 =	vld [tilespmem:s26+$0x0]  }
0x1c6: {  	v6 =	vsub.f32 v51, v33;
	v0 =	vmul.f32 v0, v0;
	v5 =	vmul.f32 v5, v5  }
0x1c7: {  	v42 =	vld [tilespmem:s26+$0x10]  }
0x1c8: {  	v0 =	vadd.f32 v5, v0;
	v5 =	vmul.f32 v6, v6;
	v6 =	vsub.f32 v48, v32  }
0x1c9: {  	v37 =	vld [tilespmem:s26+$0x20]  }
0x1ca: {  	v0 =	vadd.f32 v5, v0;
	v5 =	vmul.f32 v6, v6;
	v6 =	vsub.f32 v47, v31  }
0x1cb: {  	v36 =	vld [tilespmem:s26+$0x30]  }
0x1cc: {  	v0 =	vadd.f32 v5, v0;
	v5 =	vmul.f32 v6, v6;
	v6 =	vsub.f32 v42, v30;
	_ =	sdelay $0x1  }
0x1cd: {  	v0 =	vadd.f32 v5, v0;
	v5 =	vmul.f32 v6, v6;
	v6 =	vsub.f32 v37, v29;
	_ =	sdelay $0x1  }
0x1ce: {  	v0 =	vadd.f32 v5, v0;
	v5 =	vmul.f32 v6, v6;
	v6 =	vsub.f32 v36, v28;
	_ =	sdelay $0x1  }
0x1cf: {  	v0 =	vadd.f32 v5, v0;
	v5 =	vmul.f32 v6, v6;
	_ =	sdelay $0x1  }
0x1d0: {  	v0 =	vadd.f32 v5, v0;
	_ =	sdelay $0x1  }
0x1d1: {  	v9 =	vld.idx.msk [tilespmem:v4+s20+$0x0], $0xffff;
	[tilespmem:$0x10200] =	vst v0  }
0x1d2: {  	v5 =	vld.idx.msk [tilespmem:v1+s20+$0x0], $0xffff;
	_ =	sdelay $0x4  }
0x1d3: {  	v0 =	vadd.f32 v0, v5;
	_ =	sdelay $0x1  }
0x1d4: {  	[tilespmem:$0x10200] =	vst v0  }
0x1d5: {  	v5 =	vld.idx.msk [tilespmem:v2+s20+$0x0], $0xffff;
	_ =	sdelay $0x4  }
0x1d6: {  	v0 =	vadd.f32 v5, v0;
	_ =	sdelay $0x1  }
0x1d7: {  	[tilespmem:$0x10200] =	vst v0  }
0x1d8: {  	v5 =	vld.idx.msk [tilespmem:v3+s20+$0x0], $0xffff;
	_ =	sdelay $0x4  }
0x1d9: {  	v10 =	vadd.f32 v5, v0;
	_ =	sdelay $0x1  }
0x1da: {  	[tilespmem:$0x10200] =	vst v10  }
0x1db: {  	v63 =	vld [tilespmem:s26+$0x40]  }
0x1dc: {  	v61 =	vld [tilespmem:s26+$0x50];
	_ =	sdelay $0x1  }
0x1dd: {  	v59 =	vld [tilespmem:s26+$0x60];
	_ =	sdelay $0x1  }
0x1de: {  	v56 =	vld [tilespmem:s26+$0x70]  }
0x1df: {  	v0 =	vsub.f32 v63, v35;
	v5 =	vsub.f32 v61, v34  }
0x1e0: {  	v55 =	vld [tilespmem:s26+$0x80]  }
0x1e1: {  	v6 =	vsub.f32 v59, v33;
	v0 =	vmul.f32 v0, v0;
	v5 =	vmul.f32 v5, v5  }
0x1e2: {  	v52 =	vld [tilespmem:s26+$0x90]  }
0x1e3: {  	v0 =	vadd.f32 v5, v0;
	v5 =	vmul.f32 v6, v6;
	v6 =	vsub.f32 v56, v32  }
0x1e4: {  	v50 =	vld [tilespmem:s26+$0xA0]  }
0x1e5: {  	v0 =	vadd.f32 v5, v0;
	v5 =	vmul.f32 v6, v6;
	v6 =	vsub.f32 v55, v31  }
0x1e6: {  	v49 =	vld [tilespmem:s26+$0xB0]  }
0x1e7: {  	v0 =	vadd.f32 v5, v0;
	v5 =	vmul.f32 v6, v6;
	v6 =	vsub.f32 v52, v30;
	_ =	sdelay $0x1  }
0x1e8: {  	v0 =	vadd.f32 v5, v0;
	v5 =	vmul.f32 v6, v6;
	v6 =	vsub.f32 v50, v29;
	_ =	sdelay $0x1  }
0x1e9: {  	v0 =	vadd.f32 v5, v0;
	v5 =	vmul.f32 v6, v6;
	v6 =	vsub.f32 v49, v28;
	_ =	sdelay $0x1  }
0x1ea: {  	v0 =	vadd.f32 v5, v0;
	v5 =	vmul.f32 v6, v6;
	_ =	sdelay $0x1  }
0x1eb: {  	v0 =	vadd.f32 v5, v0;
	_ =	sdelay $0x1  }
0x1ec: {  	v11 =	vld.idx.msk [tilespmem:v4+s20+$0x0], $0xffff;
	[tilespmem:$0x10200] =	vst v0  }
0x1ed: {  	v5 =	vld.idx.msk [tilespmem:v1+s20+$0x0], $0xffff;
	_ =	sdelay $0x4  }
0x1ee: {  	v0 =	vadd.f32 v0, v5;
	_ =	sdelay $0x1  }
0x1ef: {  	[tilespmem:$0x10200] =	vst v0  }
0x1f0: {  	v5 =	vld.idx.msk [tilespmem:v2+s20+$0x0], $0xffff;
	_ =	sdelay $0x4  }
0x1f1: {  	v0 =	vadd.f32 v5, v0;
	_ =	sdelay $0x1  }
0x1f2: {  	[tilespmem:$0x10200] =	vst v0  }
0x1f3: {  	v5 =	vld.idx.msk [tilespmem:v3+s20+$0x0], $0xffff;
	_ =	sdelay $0x4  }
0x1f4: {  	v12 =	vadd.f32 v5, v0;
	_ =	sdelay $0x1  }
0x1f5: {  	[tilespmem:$0x10200] =	vst v12  }
0x1f6: {  	v7 =	vld [tilespmem:s26+$0xC0]  }
0x1f7: {  	v6 =	vld [tilespmem:s26+$0xD0];
	_ =	sdelay $0x1  }
0x1f8: {  	v5 =	vld [tilespmem:s26+$0xE0];
	_ =	sdelay $0x1  }
0x1f9: {  	v0 =	vld [tilespmem:s26+$0xF0]  }
0x1fa: {  	v13 =	vsub.f32 v7, v35;
	v14 =	vsub.f32 v6, v34  }
0x1fb: {  	v62 =	vld [tilespmem:s26+$0x100]  }
0x1fc: {  	v15 =	vsub.f32 v5, v33;
	v13 =	vmul.f32 v13, v13;
	v14 =	vmul.f32 v14, v14  }
0x1fd: {  	v60 =	vld [tilespmem:s26+$0x110]  }
0x1fe: {  	v19 =	vsub.f32 v0, v32;
	v18 =	vmul.f32 v15, v15;
	v13 =	vadd.f32 v14, v13  }
0x1ff: {  	v58 =	vld [tilespmem:s26+$0x120]  }
0x200: {  	v13 =	vadd.f32 v18, v13;
	v18 =	vmul.f32 v19, v19;
	v19 =	vsub.f32 v62, v31  }
0x201: {  	v57 =	vld [tilespmem:s26+$0x130]  }
0x202: {  	v13 =	vadd.f32 v18, v13;
	v18 =	vmul.f32 v19, v19;
	v19 =	vsub.f32 v60, v30;
	_ =	sdelay $0x1  }
0x203: {  	v13 =	vadd.f32 v18, v13;
	v18 =	vmul.f32 v19, v19;
	v19 =	vsub.f32 v58, v29;
	_ =	sdelay $0x1  }
0x204: {  	v13 =	vadd.f32 v18, v13;
	v18 =	vmul.f32 v19, v19;
	v19 =	vsub.f32 v57, v28;
	_ =	sdelay $0x1  }
0x205: {  	v13 =	vadd.f32 v18, v13;
	v17 =	vmul.f32 v19, v19;
	_ =	sdelay $0x1  }
0x206: {  	v13 =	vadd.f32 v17, v13;
	_ =	sdelay $0x1  }
0x207: {  	v14 =	vld.idx.msk [tilespmem:v4+s20+$0x0], $0xffff;
	[tilespmem:$0x10200] =	vst v13  }
0x208: {  	v18 =	vld.idx.msk [tilespmem:v1+s20+$0x0], $0xffff;
	_ =	sdelay $0x4  }
0x209: {  	v13 =	vadd.f32 v13, v18;
	_ =	sdelay $0x1  }
0x20a: {  	[tilespmem:$0x10200] =	vst v13  }
0x20b: {  	v19 =	vld.idx.msk [tilespmem:v2+s20+$0x0], $0xffff  }
0x20c: {  	v8 =	vadd.f32 v9, v8;
	_ =	sdelay $0x1  }
0x20d: {  	v9 =	vadd.f32 v11, v10;
	v11 =	vmul.f32 $5.000000000e-01, v8;
	v17 =	vshra.s32 v8, $0x1  }
0x20e: {  	v10 =	vsub.s32 $0x5F3759DF, v17  }
0x20f: {  	v17 =	vmul.f32 v10, v11;
	v13 =	vadd.f32 v19, v13  }
0x210: {  	v16 =	vmul.f32 $5.000000000e-01, v9;
	v15 =	vshra.s32 v9, $0x1  }
0x211: {  	v15 =	vsub.s32 $0x5F3759DF, v15;
	v17 =	vmul.f32 v10, v17;
	[tilespmem:$0x10200] =	vst v13  }
0x212: {  	v18 =	vmul.f32 v15, v16;
	v19 =	vld.idx.msk [tilespmem:v3+s20+$0x0], $0xffff  }
0x213: {  	v17 =	vsub.f32 $1.500000000e+00, v17  }
0x214: {  	v18 =	vmul.f32 v15, v18  }
0x215: {  	v10 =	vmul.f32 v10, v17  }
0x216: {  	v18 =	vsub.f32 $1.500000000e+00, v18  }
0x217: {  	v17 =	vmul.f32 v10, v11;
	v13 =	vadd.f32 v19, v13  }
0x218: {  	v15 =	vmul.f32 v15, v18  }
0x219: {  	v17 =	vmul.f32 v17, v10;
	[tilespmem:$0x10200] =	vst v13  }
0x21a: {  	v18 =	vmul.f32 v15, v16;
	v19 =	vld.idx.msk [tilespmem:v4+s20+$0x0], $0xffff  }
0x21b: {  	v12 =	vadd.f32 v14, v12;
	v14 =	vsub.f32 $1.500000000e+00, v17  }
0x21c: {  	v18 =	vmul.f32 v18, v15  }
0x21d: {  	v10 =	vmul.f32 v14, v10  }
0x21e: {  	v20 =	vmul.f32 $5.000000000e-01, v12;
	v17 =	vsub.f32 $1.500000000e+00, v18;
	v18 =	vshra.s32 v12, $0x1  }
0x21f: {  	v11 =	vmul.f32 v10, v11;
	v14 =	vsub.s32 $0x5F3759DF, v18;
	v13 =	vadd.f32 v19, v13  }
0x220: {  	v15 =	vmul.f32 v17, v15;
	v17 =	vmul.f32 v14, v20  }
0x221: {  	v11 =	vmul.f32 v11, v10;
	v18 =	vshra.s32 v13, $0x1;
	v19 =	vmul.f32 $5.000000000e-01, v13  }
0x222: {  	v16 =	vmul.f32 v15, v16;
	v17 =	vmul.f32 v14, v17;
	v18 =	vsub.s32 $0x5F3759DF, v18  }
0x223: {  	v11 =	vsub.f32 $1.500000000e+00, v11;
	v21 =	vmul.f32 v18, v19  }
0x224: {  	v16 =	vmul.f32 v16, v15;
	v17 =	vsub.f32 $1.500000000e+00, v17  }
0x225: {  	v10 =	vmul.f32 v11, v10;
	v21 =	vmul.f32 v18, v21  }
0x226: {  	v14 =	vmul.f32 v14, v17;
	v16 =	vsub.f32 $1.500000000e+00, v16  }
0x227: {  	v10 =	vmul.f32 v10, v8;
	v11 =	vsub.f32 $1.500000000e+00, v21  }
0x228: {  	v15 =	vmul.f32 v16, v15;
	v16 =	vmul.f32 v14, v20  }
0x229: {  	v11 =	vmul.f32 v18, v11  }
0x22a: {  	v10 =	vsub.f32 $0.0e+00, v10;
	v16 =	vmul.f32 v16, v14  }
0x22b: {  	v15 =	vmul.f32 v15, v9;
	v17 =	vmul.f32 v11, v19  }
0x22c: {  	vm0 =	vgt.f32 v8, $0.0e+00;
	v10 =	vmul.f32 $1.442695020e+00, v10  }
0x22d: {  	v16 =	vsub.f32 $1.500000000e+00, v16;
	v15 =	vsub.f32 $0.0e+00, v15;
	v17 =	vmul.f32 v17, v11  }
0x22e: {  	v10 =	vnsel vm0, $0x0, v10  }
0x22f: {  	v8 =	vmul.f32 v16, v14;
	v14 =	vmul.f32 $1.442695020e+00, v15;
	v18 =	vsub.f32 $1.500000000e+00, v17  }
0x230: {  	vm13 =	vgt.f32 v9, $0.0e+00;
	(erf) = vpow2.f32 v10  }
0x231: {  	v17 =	vnsel vm13, $0x0, v14;
	v9 =	vmul.f32 v18, v11;
	v18 =	vmul.f32 v8, v20  }
0x232: {  	(erf) = vpow2.f32 v17  }
0x233: {  	v14 =	vmul.f32 v18, v8;
	v15 =	vmul.f32 v9, v19;
	_ =	sdelay $0x1  }
0x234: {  	v10 =	vsub.f32 $1.500000000e+00, v14;
	v11 =	vmul.f32 v15, v9;
	_ =	sdelay $0x1  }
0x235: {  	v8 =	vmul.f32 v10, v8;
	v16 =	vsub.f32 $1.500000000e+00, v11;
	_ =	sdelay $0x1  }
0x236: {  	v8 =	vmul.f32 v8, v12;
	v9 =	vmul.f32 v16, v9  }
0x237: {  	v10 =	vpop (erf)  }
0x238: {  	v17 =	vadd.f32 $1.000000000e+00, v10;
	v8 =	vsub.f32 $0.0e+00, v8;
	v9 =	vmul.f32 v9, v13  }
0x239: {  	v14 =	vpop (erf)  }
0x23a: {  	v11 =	vadd.f32 v14, v17;
	v8 =	vmul.f32 $1.442695020e+00, v8;
	v9 =	vsub.f32 $0.0e+00, v9  }
0x23b: {  	vm14 =	vgt.f32 v12, $0.0e+00  }
0x23c: {  	(erf) = vrcp.f32 v11;
	v8 =	vnsel vm14, $0x0, v8;
	v9 =	vmul.f32 $1.442695020e+00, v9  }
0x23d: {  	vm15 =	vgt.f32 v13, $0.0e+00;
	(erf) = vpow2.f32 v8  }
0x23e: {  	v18 =	vnsel vm15, $0x0, v9  }
0x23f: {  	(erf) = vpow2.f32 v18;
	_ =	sdelay $0x5  }
0x240: {  	v8 =	vpop (erf)  }
0x241: {  	v9 =	vpop (erf)  }
0x242: {  	v11 =	vadd.f32 v9, v11  }
0x243: {  	v12 =	vpop (erf)  }
0x244: {  	v11 =	vadd.f32 v12, v11  }
0x245: {  	v19 =	vmul.f32 v10, v40  }
0x246: {  	v40 =	vmul.f32 v10, v39;
	(erf) = vrcp.f32 v11  }
0x247: {  	v41 =	vmul.f32 v10, v41;
	v13 =	vmul.f32 v10, v38  }
0x248: {  	v15 =	vmul.f32 v10, v43;
	v38 =	vmul.f32 v14, v54;
	v11 =	vadd.f32 v19, v35  }
0x249: {  	v21 =	vmul.f32 v10, v45;
	v20 =	vmul.f32 v14, v53;
	v13 =	vadd.f32 v13, v34  }
0x24a: {  	v54 =	vmul.f32 v10, v44;
	v43 =	vmul.f32 v9, v63;
	v11 =	vadd.f32 v38, v11  }
0x24b: {  	v10 =	vmul.f32 v10, v46;
	v13 =	vadd.f32 v20, v13;
	v20 =	vmul.f32 v9, v61  }
0x24c: {  	v46 =	vmul.f32 v14, v47;
	v7 =	vmul.f32 v12, v7;
	v18 =	vadd.f32 v43, v11  }
0x24d: {  	v41 =	vadd.f32 v41, v32;
	v39 =	vadd.f32 v20, v13;
	v6 =	vmul.f32 v12, v6  }
0x24e: {  	v11 =	vmul.f32 v8, v11;
	v43 =	vmul.f32 v14, v48;
	v7 =	vadd.f32 v7, v18  }
0x24f: {  	v16 =	vadd.f32 v40, v33;
	v63 =	vmul.f32 v14, v51;
	v6 =	vadd.f32 v6, v39;
	v20 =	vpop (erf)  }
0x250: {  	v45 =	vmul.f32 v9, v56;
	[tilespmem:$0x10280] =	vst v11;
	v11 =	vadd.f32 v43, v41;
	v7 =	vmul.f32 v20, v7  }
0x251: {  	v40 =	vmul.f32 v9, v59;
	v16 =	vadd.f32 v63, v16;
	v6 =	vmul.f32 v20, v6  }
0x252: {  	v0 =	vmul.f32 v12, v0;
	v47 =	vadd.f32 v45, v11;
	[tilespmem:$0x10300] =	vst v7;
	v7 =	vmul.f32 v8, v13  }
0x253: {  	v51 =	vmul.f32 v14, v42;
	[tilespmem:$0x10310] =	vst v6;
	v6 =	vmul.f32 v8, v16  }
0x254: {  	v5 =	vmul.f32 v12, v5;
	v44 =	vadd.f32 v40, v16;
	v0 =	vadd.f32 v0, v47;
	[tilespmem:$0x10290] =	vst v7  }
0x255: {  	v56 =	vmul.f32 v14, v37;
	v7 =	vadd.f32 v15, v31;
	[tilespmem:$0x102A0] =	vst v6;
	v6 =	vadd.f32 v54, v30  }
0x256: {  	v5 =	vadd.f32 v5, v44;
	v48 =	vmul.f32 v9, v55;
	v55 =	vmul.f32 v9, v52  }
0x257: {  	v0 =	vmul.f32 v20, v0;
	v7 =	vadd.f32 v46, v7;
	v6 =	vadd.f32 v51, v6  }
0x258: {  	v59 =	vmul.f32 v12, v60;
	v5 =	vmul.f32 v20, v5  }
0x259: {  	[tilespmem:$0x10330] =	vst v0;
	v53 =	vadd.f32 v48, v7;
	v0 =	vmul.f32 v8, v7;
	v7 =	vadd.f32 v55, v6  }
0x25a: {  	v60 =	vmul.f32 v9, v50;
	v14 =	vmul.f32 v14, v36;
	[tilespmem:$0x10320] =	vst v5  }
0x25b: {  	v5 =	vmul.f32 v8, v11;
	v7 =	vadd.f32 v59, v7;
	[tilespmem:$0x102C0] =	vst v0;
	v0 =	vadd.f32 v10, v28  }
0x25c: {  	[tilespmem:$0x10200] =	vst v35;
	v9 =	vmul.f32 v9, v49;
	v6 =	vmul.f32 v8, v6  }
0x25d: {  	[tilespmem:$0x102B0] =	vst v5;
	v5 =	vadd.f32 v21, v29;
	v0 =	vadd.f32 v14, v0;
	v7 =	vmul.f32 v20, v7  }
0x25e: {  	[tilespmem:$0x102D0] =	vst v6  }
0x25f: {  	v5 =	vadd.f32 v56, v5;
	v6 =	vmul.f32 v12, v57;
	[tilespmem:$0x10350] =	vst v7;
	v7 =	vadd.f32 v9, v0  }
0x260: {  	[tilespmem:$0x10210] =	vst v34  }
0x261: {  	[tilespmem:$0x10220] =	vst v33;
	v61 =	vadd.f32 v60, v5;
	v5 =	vmul.f32 v8, v5;
	v6 =	vadd.f32 v6, v7  }
0x262: {  	[tilespmem:$0x10230] =	vst v32  }
0x263: {  	v54 =	vmul.f32 v12, v62;
	[tilespmem:$0x102E0] =	vst v5;
	v5 =	vmul.f32 v20, v6  }
0x264: {  	[tilespmem:$0x10240] =	vst v31;
	v62 =	vmul.f32 v12, v58  }
0x265: {  	v11 =	vadd.f32 v54, v53;
	[tilespmem:$0x10370] =	vst v5;
	v5 =	vld [tilespmem:$0x1FEE0]  }
0x266: {  	[tilespmem:$0x10250] =	vst v30;
	v10 =	vadd.f32 v62, v61  }
0x267: {  	[tilespmem:$0x10260] =	vst v29;
	v11 =	vmul.f32 v20, v11;
	v6 =	vld [tilespmem:$0x1FEF0]  }
0x268: {  	[tilespmem:$0x10270] =	vst v28;
	v63 =	vmul.f32 v20, v10  }
0x269: {  	[tilespmem:$0x10340] =	vst v11;
	v0 =	vmul.f32 v8, v0  }
0x26a: {  	[tilespmem:$0x10360] =	vst v63  }
0x26b: {  	[tilespmem:$0x102F0] =	vst v0  }
0x26c: {  	v0 =	vld.idx.msk [tilespmem:v22+s20+$0x0], $0xffff  }
0x26d: {  	v5 =	vld.idx.msk [tilespmem:v5+s20+$0x0], $0xffff;
	_ =	sdelay $0x1  }
0x26e: {  	v6 =	vld.idx.msk [tilespmem:v6+s20+$0x0], $0xffff;
	_ =	sdelay $0x2  }
0x26f: {  	v0 =	vadd.f32 v5, v0  }
0x270: {  	s29 =	sshrl.u32 s28, $0x3  }
0x271: {  	s29 =	smul.u32 $0x3000, s29;
	v0 =	vadd.f32 v6, v0;
	_ =	sdelay $0x1  }
0x272: {  	s30 =	sand.u32 $0x380, s25;
	s29 =	sshra.s32 s29, $0x2;
	v0 =	vmul.f32 $3.333333430e-01, v0  }
0x273: {  	s29 =	sor.u32 s30, s29;
	v5 =	vld [tilespmem:$0x1FF10]  }
0x274: {  	[tilespmem:s29+$0xA600] =	vst v0;
	v0 =	vld [tilespmem:$0x1FF00];
	_ =	sdelay $0x1  }
0x275: {  	v6 =	vld [tilespmem:$0x1FF20];
	_ =	sdelay $0x4  }
0x276: {  	v5 =	vld.idx.msk [tilespmem:v5+s20+$0x0], $0xffff  }
0x277: {  	v0 =	vld.idx.msk [tilespmem:v0+s20+$0x0], $0xffff;
	_ =	sdelay $0x1  }
0x278: {  	v6 =	vld.idx.msk [tilespmem:v6+s20+$0x0], $0xffff;
	_ =	sdelay $0x2  }
0x279: {  	v0 =	vadd.f32 v5, v0;
	_ =	sdelay $0x1  }
0x27a: {  	v0 =	vadd.f32 v6, v0;
	_ =	sdelay $0x1  }
0x27b: {  	v0 =	vmul.f32 $3.333333430e-01, v0  }
0x27c: {  	v5 =	vld [tilespmem:$0x1FF40]  }
0x27d: {  	[tilespmem:s29+$0xA610] =	vst v0;
	v0 =	vld [tilespmem:$0x1FF30];
	_ =	sdelay $0x1  }
0x27e: {  	v6 =	vld [tilespmem:$0x1FF50];
	_ =	sdelay $0x4  }
0x27f: {  	v5 =	vld.idx.msk [tilespmem:v5+s20+$0x0], $0xffff  }
0x280: {  	v0 =	vld.idx.msk [tilespmem:v0+s20+$0x0], $0xffff;
	_ =	sdelay $0x1  }
0x281: {  	v6 =	vld.idx.msk [tilespmem:v6+s20+$0x0], $0xffff;
	_ =	sdelay $0x2  }
0x282: {  	v0 =	vadd.f32 v5, v0;
	_ =	sdelay $0x1  }
0x283: {  	v0 =	vadd.f32 v6, v0;
	_ =	sdelay $0x1  }
0x284: {  	v0 =	vmul.f32 $3.333333430e-01, v0  }
0x285: {  	v5 =	vld [tilespmem:$0x1FF70]  }
0x286: {  	[tilespmem:s29+$0xA620] =	vst v0;
	v0 =	vld [tilespmem:$0x1FF60];
	_ =	sdelay $0x1  }
0x287: {  	v6 =	vld [tilespmem:$0x1FF80];
	_ =	sdelay $0x4  }
0x288: {  	v5 =	vld.idx.msk [tilespmem:v5+s20+$0x0], $0xffff  }
0x289: {  	v0 =	vld.idx.msk [tilespmem:v0+s20+$0x0], $0xffff;
	_ =	sdelay $0x1  }
0x28a: {  	v6 =	vld.idx.msk [tilespmem:v6+s20+$0x0], $0xffff;
	_ =	sdelay $0x2  }
0x28b: {  	v0 =	vadd.f32 v5, v0;
	_ =	sdelay $0x1  }
0x28c: {  	v0 =	vadd.f32 v6, v0;
	_ =	sdelay $0x1  }
0x28d: {  	v0 =	vmul.f32 $3.333333430e-01, v0  }
0x28e: {  	v5 =	vld [tilespmem:$0x1FFA0]  }
0x28f: {  	[tilespmem:s29+$0xA630] =	vst v0;
	v0 =	vld [tilespmem:$0x1FF90];
	_ =	sdelay $0x1  }
0x290: {  	v6 =	vld [tilespmem:$0x1FFB0];
	_ =	sdelay $0x4  }
0x291: {  	v5 =	vld.idx.msk [tilespmem:v5+s20+$0x0], $0xffff  }
0x292: {  	v0 =	vld.idx.msk [tilespmem:v0+s20+$0x0], $0xffff;
	_ =	sdelay $0x1  }
0x293: {  	v6 =	vld.idx.msk [tilespmem:v6+s20+$0x0], $0xffff;
	_ =	sdelay $0x2  }
0x294: {  	v0 =	vadd.f32 v5, v0;
	_ =	sdelay $0x1  }
0x295: {  	v0 =	vadd.f32 v6, v0;
	_ =	sdelay $0x1  }
0x296: {  	v0 =	vmul.f32 $3.333333430e-01, v0  }
0x297: {  	v5 =	vld [tilespmem:$0x1FFD0]  }
0x298: {  	[tilespmem:s29+$0xA640] =	vst v0;
	v0 =	vld [tilespmem:$0x1FFC0];
	_ =	sdelay $0x1  }
0x299: {  	v6 =	vld [tilespmem:$0x1FFE0];
	_ =	sdelay $0x4  }
0x29a: {  	v5 =	vld.idx.msk [tilespmem:v5+s20+$0x0], $0xffff  }
0x29b: {  	v0 =	vld.idx.msk [tilespmem:v0+s20+$0x0], $0xffff;
	_ =	sdelay $0x1  }
0x29c: {  	v6 =	vld.idx.msk [tilespmem:v6+s20+$0x0], $0xffff;
	_ =	sdelay $0x2  }
0x29d: {  	v0 =	vadd.f32 v5, v0;
	_ =	sdelay $0x1  }
0x29e: {  	v0 =	vadd.f32 v6, v0;
	_ =	sdelay $0x1  }
0x29f: {  	v0 =	vmul.f32 $3.333333430e-01, v0;
	_ =	sdelay $0x1  }
0x2a0: {  	[tilespmem:s29+$0xA650] =	vst v0;
	v0 =	vld [tilespmem:$0x1FFF0];
	_ =	sdelay $0x6  }
0x2a1: {  	v5 =	vld.idx.msk [tilespmem:v23+s20+$0x0], $0xffff  }
0x2a2: {  	v0 =	vld.idx.msk [tilespmem:v0+s20+$0x0], $0xffff;
	_ =	sdelay $0x1  }
0x2a3: {  	v6 =	vld.idx.msk [tilespmem:v24+s20+$0x0], $0xffff;
	_ =	sdelay $0x2  }
0x2a4: {  	v0 =	vadd.f32 v5, v0;
	_ =	sdelay $0x1  }
0x2a5: {  	v0 =	vadd.f32 v6, v0;
	_ =	sdelay $0x1  }
0x2a6: {  	v0 =	vmul.f32 $3.333333430e-01, v0;
	_ =	sdelay $0x1  }
0x2a7: {  	[tilespmem:s29+$0xA660] =	vst v0  }
0x2a8: {  	v0 =	vld.idx.msk [tilespmem:v25+s20+$0x0], $0xffff  }
0x2a9: {  	v5 =	vld.idx.msk [tilespmem:v26+s20+$0x0], $0xffff;
	_ =	sdelay $0x1  }
0x2aa: {  	v6 =	vld.idx.msk [tilespmem:v27+s20+$0x0], $0xffff;
	_ =	sdelay $0x2  }
.Ltmp11:
0x2ab: {  	v0 =	vadd.f32 v5, v0;
	(pc) =	sbr.rel .LBB2_11-.Ltmp11, $3  }
0x2ac: {  	_ = 	snop  }
0x2ad: {  	v0 =	vadd.f32 v6, v0;
	_ =	sdelay $0x1  }
0x2ae: {  	s29 =	sadd.s32 $0xA600, s29;
	v0 =	vmul.f32 $3.333333430e-01, v0  }
.LBB2_12:
0x2af: {  	s25 =	simm.s32 $0x0  }
0x2b0: {  	[tilespmem:s14], [sflag:$0x1] =	stream.indirect.gather [hbm4b:s5+s13], $0x80, s25, s13, $0xb8;
	[tilespmem:$0x10380] =	vst v63  }
0x2b1: {  	_ = 	snop  }
0x2b2: {  	[tilespmem:s15], [sflag:$0x1] =	stream.indirect.gather [hbm4b:s5+s13], $0x80, s13, s13, $0xb8;
	[tilespmem:$0x10380] =	vst v63  }
0x2b3: {  	_ = 	snop  }
0x2b4: {  	[tilespmem:s18], [sflag:$0x1] =	stream.indirect.gather [hbm4b:s5+s16], $0x80, s17, s16, $0xb8;
	[tilespmem:$0x10380] =	vst v63  }
0x2b5: {  	_ =	swait.ge [sflag:s19], $0x4000  }
0x2b6: {  	[sflag:s19] =	ssyncset.done $0x0  }
0x2b7: {  	[sflag:s19] =	ssyncadd.s32 $0xFFFFC000  }
0x2b8: {  	_ =	swait.ge [sflag:s19], $0x4000  }
.Ltmp12:
0x2b9: {  	[sflag:s19] =	ssyncset.done $0x0;
	(pc) =	sbr.rel .LBB2_13-.Ltmp12, $4  }
0x2ba: {  	[sflag:s19] =	ssyncadd.s32 $0xFFFFC000  }
0x2bb: {  	_ =	swait.ge [sflag:s19], $0x2000  }
0x2bc: {  	[sflag:s19] =	ssyncset.done $0x0  }
0x2bd: {  	s26 =	simm.s32 $0x340;
	s28 =	simm.s32 $0x0;
	[sflag:s19] =	ssyncadd.s32 $0xFFFFE000  }
.LBB2_15:
0x2be: {  	s29 =	sshrl.u32 s28, $0x3  }
0x2bf: {  	s29 =	smul.u32 $0x3000, s29;
	_ =	sdelay $0x1  }
0x2c0: {  	s30 =	sand.u32 $0x380, s25;
	s29 =	sshra.s32 s29, $0x2  }
0x2c1: {  	s29 =	sor.u32 s30, s29  }
0x2c2: {  	[tilespmem:s29+$0xAA00] =	vst v35  }
0x2c3: {  	v0 =	vld [tilespmem:s26+$0xFFFFFED0];
	_ =	sdelay $0x4  }
0x2c4: {  	[tilespmem:s29+$0xAA10] =	vst v0  }
0x2c5: {  	v0 =	vld [tilespmem:s26+$0xFFFFFEE0];
	_ =	sdelay $0x4  }
0x2c6: {  	[tilespmem:s29+$0xAA20] =	vst v0  }
0x2c7: {  	v0 =	vld [tilespmem:s26+$0xFFFFFEF0];
	_ =	sdelay $0x4  }
0x2c8: {  	[tilespmem:s29+$0xAA30] =	vst v0  }
0x2c9: {  	v0 =	vld [tilespmem:s26+$0xFFFFFF00];
	_ =	sdelay $0x4  }
0x2ca: {  	[tilespmem:s29+$0xAA40] =	vst v0  }
0x2cb: {  	v0 =	vld [tilespmem:s26+$0xFFFFFF10];
	_ =	sdelay $0x4  }
0x2cc: {  	[tilespmem:s29+$0xAA50] =	vst v0  }
0x2cd: {  	v0 =	vld [tilespmem:s26+$0xFFFFFF20];
	_ =	sdelay $0x4  }
0x2ce: {  	[tilespmem:s29+$0xAA60] =	vst v0  }
0x2cf: {  	s29 =	sadd.s32 $0xAA00, s29;
	v0 =	vld [tilespmem:s26+$0xFFFFFF30]  }
.LBB2_16:
0x2d0: {  	s28 =	sadd.s32 $0x1, s28  }
0x2d1: {  	p0 =	sne.s32 s28, $0x40  }
.Ltmp13:
0x2d2: {  	_ = 	snop;
	(pc) =	sbr.rel @!p0 .LBB2_17-.Ltmp13, $2  }
0x2d3: {  	_ =	sdelay $0x2  }
0x2d4: {  	s25 =	sadd.s32 $0x80, s25;
	s26 =	sadd.s32 $0x280, s26;
	[tilespmem:s29+$0x70] =	vst v0  }
.LBB2_13:
0x2d5: {  	v0 =	vmov s28;
	_ =	sdelay $0x4  }
0x2d6: {  	v0 =	vld.idx.msk [tilespmem:v0+s12+$0x0], $0xffff;
	_ =	sdelay $0x4  }
0x2d7: {  	(v2sf) =	vpush v0, $0x0;
	_ =	sdelay $0xe  }
0x2d8: {  	s29 =	spop (v2sf)  }
0x2d9: {  	p0 =	slt.f32 s29, $9.999999770e-03  }
.Ltmp14:
0x2da: {  	_ = 	snop;
	(pc) =	sbr.rel @!p0 .LBB2_15-.Ltmp14, $2  }
0x2db: {  	_ =	sdelay $0x2  }
0x2dc: {  	v35 =	vld [tilespmem:s26+$0xFFFFFEC0]  }
0x2dd: {  	v34 =	vld [tilespmem:s26+$0xFFFFFED0]  }
0x2de: {  	v40 =	vld [tilespmem:s26+$0xFFFFFF40]  }
0x2df: {  	v38 =	vld [tilespmem:s26+$0xFFFFFF50]  }
0x2e0: {  	v33 =	vld [tilespmem:s26+$0xFFFFFEE0]  }
0x2e1: {  	v39 =	vld [tilespmem:s26+$0xFFFFFF60]  }
0x2e2: {  	v32 =	vld [tilespmem:s26+$0xFFFFFEF0]  }
0x2e3: {  	v41 =	vld [tilespmem:s26+$0xFFFFFF70]  }
0x2e4: {  	v31 =	vld [tilespmem:s26+$0xFFFFFF00];
	v0 =	vsub.f32 v40, v35;
	v5 =	vsub.f32 v38, v34  }
0x2e5: {  	v43 =	vld [tilespmem:s26+$0xFFFFFF80]  }
0x2e6: {  	v30 =	vld [tilespmem:s26+$0xFFFFFF10];
	v6 =	vsub.f32 v39, v33;
	v0 =	vmul.f32 v0, v0;
	v5 =	vmul.f32 v5, v5  }
0x2e7: {  	v44 =	vld [tilespmem:s26+$0xFFFFFF90]  }
0x2e8: {  	v29 =	vld [tilespmem:s26+$0xFFFFFF20];
	v0 =	vadd.f32 v5, v0;
	v5 =	vmul.f32 v6, v6;
	v6 =	vsub.f32 v41, v32  }
0x2e9: {  	v45 =	vld [tilespmem:s26+$0xFFFFFFA0]  }
0x2ea: {  	v28 =	vld [tilespmem:s26+$0xFFFFFF30];
	v0 =	vadd.f32 v5, v0;
	v5 =	vmul.f32 v6, v6;
	v6 =	vsub.f32 v43, v31  }
0x2eb: {  	v46 =	vld [tilespmem:s26+$0xFFFFFFB0]  }
0x2ec: {  	v0 =	vadd.f32 v5, v0;
	v5 =	vmul.f32 v6, v6;
	v6 =	vsub.f32 v44, v30;
	_ =	sdelay $0x1  }
0x2ed: {  	v0 =	vadd.f32 v5, v0;
	v5 =	vmul.f32 v6, v6;
	v6 =	vsub.f32 v45, v29;
	_ =	sdelay $0x1  }
0x2ee: {  	v0 =	vadd.f32 v5, v0;
	v5 =	vmul.f32 v6, v6;
	v6 =	vsub.f32 v46, v28;
	_ =	sdelay $0x1  }
0x2ef: {  	v0 =	vadd.f32 v5, v0;
	v5 =	vmul.f32 v6, v6;
	_ =	sdelay $0x1  }
0x2f0: {  	v0 =	vadd.f32 v5, v0;
	_ =	sdelay $0x1  }
0x2f1: {  	[tilespmem:$0x10200] =	vst v0  }
0x2f2: {  	v5 =	vld.idx.msk [tilespmem:v1+s20+$0x0], $0xffff;
	_ =	sdelay $0x4  }
0x2f3: {  	v0 =	vadd.f32 v0, v5;
	_ =	sdelay $0x1  }
0x2f4: {  	[tilespmem:$0x10200] =	vst v0  }
0x2f5: {  	v5 =	vld.idx.msk [tilespmem:v2+s20+$0x0], $0xffff;
	_ =	sdelay $0x4  }
0x2f6: {  	v0 =	vadd.f32 v5, v0;
	_ =	sdelay $0x1  }
0x2f7: {  	[tilespmem:$0x10200] =	vst v0  }
0x2f8: {  	v5 =	vld.idx.msk [tilespmem:v3+s20+$0x0], $0xffff;
	_ =	sdelay $0x4  }
0x2f9: {  	v8 =	vadd.f32 v5, v0;
	_ =	sdelay $0x1  }
0x2fa: {  	[tilespmem:$0x10200] =	vst v8  }
0x2fb: {  	v54 =	vld [tilespmem:s26+$0xFFFFFFC0]  }
0x2fc: {  	v53 =	vld [tilespmem:s26+$0xFFFFFFD0];
	_ =	sdelay $0x1  }
0x2fd: {  	v51 =	vld [tilespmem:s26+$0xFFFFFFE0];
	_ =	sdelay $0x1  }
0x2fe: {  	v48 =	vld [tilespmem:s26+$0xFFFFFFF0]  }
0x2ff: {  	v0 =	vsub.f32 v54, v35;
	v5 =	vsub.f32 v53, v34  }
0x300: {  	v47 =	vld [tilespmem:s26+$0x0]  }
0x301: {  	v6 =	vsub.f32 v51, v33;
	v0 =	vmul.f32 v0, v0;
	v5 =	vmul.f32 v5, v5  }
0x302: {  	v42 =	vld [tilespmem:s26+$0x10]  }
0x303: {  	v0 =	vadd.f32 v5, v0;
	v5 =	vmul.f32 v6, v6;
	v6 =	vsub.f32 v48, v32  }
0x304: {  	v37 =	vld [tilespmem:s26+$0x20]  }
0x305: {  	v0 =	vadd.f32 v5, v0;
	v5 =	vmul.f32 v6, v6;
	v6 =	vsub.f32 v47, v31  }
0x306: {  	v36 =	vld [tilespmem:s26+$0x30]  }
0x307: {  	v0 =	vadd.f32 v5, v0;
	v5 =	vmul.f32 v6, v6;
	v6 =	vsub.f32 v42, v30;
	_ =	sdelay $0x1  }
0x308: {  	v0 =	vadd.f32 v5, v0;
	v5 =	vmul.f32 v6, v6;
	v6 =	vsub.f32 v37, v29;
	_ =	sdelay $0x1  }
0x309: {  	v0 =	vadd.f32 v5, v0;
	v5 =	vmul.f32 v6, v6;
	v6 =	vsub.f32 v36, v28;
	_ =	sdelay $0x1  }
0x30a: {  	v0 =	vadd.f32 v5, v0;
	v5 =	vmul.f32 v6, v6;
	_ =	sdelay $0x1  }
0x30b: {  	v0 =	vadd.f32 v5, v0;
	_ =	sdelay $0x1  }
0x30c: {  	v9 =	vld.idx.msk [tilespmem:v4+s20+$0x0], $0xffff;
	[tilespmem:$0x10200] =	vst v0  }
0x30d: {  	v5 =	vld.idx.msk [tilespmem:v1+s20+$0x0], $0xffff;
	_ =	sdelay $0x4  }
0x30e: {  	v0 =	vadd.f32 v0, v5;
	_ =	sdelay $0x1  }
0x30f: {  	[tilespmem:$0x10200] =	vst v0  }
0x310: {  	v5 =	vld.idx.msk [tilespmem:v2+s20+$0x0], $0xffff;
	_ =	sdelay $0x4  }
0x311: {  	v0 =	vadd.f32 v5, v0;
	_ =	sdelay $0x1  }
0x312: {  	[tilespmem:$0x10200] =	vst v0  }
0x313: {  	v5 =	vld.idx.msk [tilespmem:v3+s20+$0x0], $0xffff;
	_ =	sdelay $0x4  }
0x314: {  	v10 =	vadd.f32 v5, v0;
	_ =	sdelay $0x1  }
0x315: {  	[tilespmem:$0x10200] =	vst v10  }
0x316: {  	v63 =	vld [tilespmem:s26+$0x40]  }
0x317: {  	v61 =	vld [tilespmem:s26+$0x50];
	_ =	sdelay $0x1  }
0x318: {  	v59 =	vld [tilespmem:s26+$0x60];
	_ =	sdelay $0x1  }
0x319: {  	v56 =	vld [tilespmem:s26+$0x70]  }
0x31a: {  	v0 =	vsub.f32 v63, v35;
	v5 =	vsub.f32 v61, v34  }
0x31b: {  	v55 =	vld [tilespmem:s26+$0x80]  }
0x31c: {  	v6 =	vsub.f32 v59, v33;
	v0 =	vmul.f32 v0, v0;
	v5 =	vmul.f32 v5, v5  }
0x31d: {  	v52 =	vld [tilespmem:s26+$0x90]  }
0x31e: {  	v0 =	vadd.f32 v5, v0;
	v5 =	vmul.f32 v6, v6;
	v6 =	vsub.f32 v56, v32  }
0x31f: {  	v50 =	vld [tilespmem:s26+$0xA0]  }
0x320: {  	v0 =	vadd.f32 v5, v0;
	v5 =	vmul.f32 v6, v6;
	v6 =	vsub.f32 v55, v31  }
0x321: {  	v49 =	vld [tilespmem:s26+$0xB0]  }
0x322: {  	v0 =	vadd.f32 v5, v0;
	v5 =	vmul.f32 v6, v6;
	v6 =	vsub.f32 v52, v30;
	_ =	sdelay $0x1  }
0x323: {  	v0 =	vadd.f32 v5, v0;
	v5 =	vmul.f32 v6, v6;
	v6 =	vsub.f32 v50, v29;
	_ =	sdelay $0x1  }
0x324: {  	v0 =	vadd.f32 v5, v0;
	v5 =	vmul.f32 v6, v6;
	v6 =	vsub.f32 v49, v28;
	_ =	sdelay $0x1  }
0x325: {  	v0 =	vadd.f32 v5, v0;
	v5 =	vmul.f32 v6, v6;
	_ =	sdelay $0x1  }
0x326: {  	v0 =	vadd.f32 v5, v0;
	_ =	sdelay $0x1  }
0x327: {  	v11 =	vld.idx.msk [tilespmem:v4+s20+$0x0], $0xffff;
	[tilespmem:$0x10200] =	vst v0  }
0x328: {  	v5 =	vld.idx.msk [tilespmem:v1+s20+$0x0], $0xffff;
	_ =	sdelay $0x4  }
0x329: {  	v0 =	vadd.f32 v0, v5;
	_ =	sdelay $0x1  }
0x32a: {  	[tilespmem:$0x10200] =	vst v0  }
0x32b: {  	v5 =	vld.idx.msk [tilespmem:v2+s20+$0x0], $0xffff;
	_ =	sdelay $0x4  }
0x32c: {  	v0 =	vadd.f32 v5, v0;
	_ =	sdelay $0x1  }
0x32d: {  	[tilespmem:$0x10200] =	vst v0  }
0x32e: {  	v5 =	vld.idx.msk [tilespmem:v3+s20+$0x0], $0xffff;
	_ =	sdelay $0x4  }
0x32f: {  	v12 =	vadd.f32 v5, v0;
	_ =	sdelay $0x1  }
0x330: {  	[tilespmem:$0x10200] =	vst v12  }
0x331: {  	v7 =	vld [tilespmem:s26+$0xC0]  }
0x332: {  	v6 =	vld [tilespmem:s26+$0xD0];
	_ =	sdelay $0x1  }
0x333: {  	v5 =	vld [tilespmem:s26+$0xE0];
	_ =	sdelay $0x1  }
0x334: {  	v0 =	vld [tilespmem:s26+$0xF0]  }
0x335: {  	v13 =	vsub.f32 v7, v35;
	v14 =	vsub.f32 v6, v34  }
0x336: {  	v62 =	vld [tilespmem:s26+$0x100]  }
0x337: {  	v15 =	vsub.f32 v5, v33;
	v13 =	vmul.f32 v13, v13;
	v14 =	vmul.f32 v14, v14  }
0x338: {  	v60 =	vld [tilespmem:s26+$0x110]  }
0x339: {  	v19 =	vsub.f32 v0, v32;
	v18 =	vmul.f32 v15, v15;
	v13 =	vadd.f32 v14, v13  }
0x33a: {  	v58 =	vld [tilespmem:s26+$0x120]  }
0x33b: {  	v13 =	vadd.f32 v18, v13;
	v18 =	vmul.f32 v19, v19;
	v19 =	vsub.f32 v62, v31  }
0x33c: {  	v57 =	vld [tilespmem:s26+$0x130]  }
0x33d: {  	v13 =	vadd.f32 v18, v13;
	v18 =	vmul.f32 v19, v19;
	v19 =	vsub.f32 v60, v30;
	_ =	sdelay $0x1  }
0x33e: {  	v13 =	vadd.f32 v18, v13;
	v18 =	vmul.f32 v19, v19;
	v19 =	vsub.f32 v58, v29;
	_ =	sdelay $0x1  }
0x33f: {  	v13 =	vadd.f32 v18, v13;
	v18 =	vmul.f32 v19, v19;
	v19 =	vsub.f32 v57, v28;
	_ =	sdelay $0x1  }
0x340: {  	v13 =	vadd.f32 v18, v13;
	v17 =	vmul.f32 v19, v19;
	_ =	sdelay $0x1  }
0x341: {  	v13 =	vadd.f32 v17, v13;
	_ =	sdelay $0x1  }
0x342: {  	v14 =	vld.idx.msk [tilespmem:v4+s20+$0x0], $0xffff;
	[tilespmem:$0x10200] =	vst v13  }
0x343: {  	v18 =	vld.idx.msk [tilespmem:v1+s20+$0x0], $0xffff;
	_ =	sdelay $0x4  }
0x344: {  	v13 =	vadd.f32 v13, v18;
	_ =	sdelay $0x1  }
0x345: {  	[tilespmem:$0x10200] =	vst v13  }
0x346: {  	v19 =	vld.idx.msk [tilespmem:v2+s20+$0x0], $0xffff  }
0x347: {  	v8 =	vadd.f32 v9, v8;
	_ =	sdelay $0x1  }
0x348: {  	v9 =	vadd.f32 v11, v10;
	v11 =	vmul.f32 $5.000000000e-01, v8;
	v17 =	vshra.s32 v8, $0x1  }
0x349: {  	v10 =	vsub.s32 $0x5F3759DF, v17  }
0x34a: {  	v17 =	vmul.f32 v10, v11;
	v13 =	vadd.f32 v19, v13  }
0x34b: {  	v16 =	vmul.f32 $5.000000000e-01, v9;
	v15 =	vshra.s32 v9, $0x1  }
0x34c: {  	v15 =	vsub.s32 $0x5F3759DF, v15;
	v17 =	vmul.f32 v10, v17;
	[tilespmem:$0x10200] =	vst v13  }
0x34d: {  	v18 =	vmul.f32 v15, v16;
	v19 =	vld.idx.msk [tilespmem:v3+s20+$0x0], $0xffff  }
0x34e: {  	v17 =	vsub.f32 $1.500000000e+00, v17  }
0x34f: {  	v18 =	vmul.f32 v15, v18  }
0x350: {  	v10 =	vmul.f32 v10, v17  }
0x351: {  	v18 =	vsub.f32 $1.500000000e+00, v18  }
0x352: {  	v17 =	vmul.f32 v10, v11;
	v13 =	vadd.f32 v19, v13  }
0x353: {  	v15 =	vmul.f32 v15, v18  }
0x354: {  	v17 =	vmul.f32 v17, v10;
	[tilespmem:$0x10200] =	vst v13  }
0x355: {  	v18 =	vmul.f32 v15, v16;
	v19 =	vld.idx.msk [tilespmem:v4+s20+$0x0], $0xffff  }
0x356: {  	v12 =	vadd.f32 v14, v12;
	v14 =	vsub.f32 $1.500000000e+00, v17  }
0x357: {  	v18 =	vmul.f32 v18, v15  }
0x358: {  	v10 =	vmul.f32 v14, v10  }
0x359: {  	v20 =	vmul.f32 $5.000000000e-01, v12;
	v17 =	vsub.f32 $1.500000000e+00, v18;
	v18 =	vshra.s32 v12, $0x1  }
0x35a: {  	v11 =	vmul.f32 v10, v11;
	v14 =	vsub.s32 $0x5F3759DF, v18;
	v13 =	vadd.f32 v19, v13  }
0x35b: {  	v15 =	vmul.f32 v17, v15;
	v17 =	vmul.f32 v14, v20  }
0x35c: {  	v11 =	vmul.f32 v11, v10;
	v18 =	vshra.s32 v13, $0x1;
	v19 =	vmul.f32 $5.000000000e-01, v13  }
0x35d: {  	v16 =	vmul.f32 v15, v16;
	v17 =	vmul.f32 v14, v17;
	v18 =	vsub.s32 $0x5F3759DF, v18  }
0x35e: {  	v11 =	vsub.f32 $1.500000000e+00, v11;
	v21 =	vmul.f32 v18, v19  }
0x35f: {  	v16 =	vmul.f32 v16, v15;
	v17 =	vsub.f32 $1.500000000e+00, v17  }
0x360: {  	v10 =	vmul.f32 v11, v10;
	v21 =	vmul.f32 v18, v21  }
0x361: {  	v14 =	vmul.f32 v14, v17;
	v16 =	vsub.f32 $1.500000000e+00, v16  }
0x362: {  	v10 =	vmul.f32 v10, v8;
	v11 =	vsub.f32 $1.500000000e+00, v21  }
0x363: {  	v15 =	vmul.f32 v16, v15;
	v16 =	vmul.f32 v14, v20  }
0x364: {  	v11 =	vmul.f32 v18, v11  }
0x365: {  	v10 =	vsub.f32 $0.0e+00, v10;
	v16 =	vmul.f32 v16, v14  }
0x366: {  	v15 =	vmul.f32 v15, v9;
	v17 =	vmul.f32 v11, v19  }
0x367: {  	vm0 =	vgt.f32 v8, $0.0e+00;
	v10 =	vmul.f32 $1.442695020e+00, v10  }
0x368: {  	v16 =	vsub.f32 $1.500000000e+00, v16;
	v15 =	vsub.f32 $0.0e+00, v15;
	v17 =	vmul.f32 v17, v11  }
0x369: {  	v10 =	vnsel vm0, $0x0, v10  }
0x36a: {  	v8 =	vmul.f32 v16, v14;
	v14 =	vmul.f32 $1.442695020e+00, v15;
	v18 =	vsub.f32 $1.500000000e+00, v17  }
0x36b: {  	vm13 =	vgt.f32 v9, $0.0e+00;
	(erf) = vpow2.f32 v10  }
0x36c: {  	v17 =	vnsel vm13, $0x0, v14;
	v9 =	vmul.f32 v18, v11;
	v18 =	vmul.f32 v8, v20  }
0x36d: {  	(erf) = vpow2.f32 v17  }
0x36e: {  	v14 =	vmul.f32 v18, v8;
	v15 =	vmul.f32 v9, v19;
	_ =	sdelay $0x1  }
0x36f: {  	v10 =	vsub.f32 $1.500000000e+00, v14;
	v11 =	vmul.f32 v15, v9;
	_ =	sdelay $0x1  }
0x370: {  	v8 =	vmul.f32 v10, v8;
	v16 =	vsub.f32 $1.500000000e+00, v11;
	_ =	sdelay $0x1  }
0x371: {  	v8 =	vmul.f32 v8, v12;
	v9 =	vmul.f32 v16, v9  }
0x372: {  	v10 =	vpop (erf)  }
0x373: {  	v17 =	vadd.f32 $1.000000000e+00, v10;
	v8 =	vsub.f32 $0.0e+00, v8;
	v9 =	vmul.f32 v9, v13  }
0x374: {  	v14 =	vpop (erf)  }
0x375: {  	v11 =	vadd.f32 v14, v17;
	v8 =	vmul.f32 $1.442695020e+00, v8;
	v9 =	vsub.f32 $0.0e+00, v9  }
0x376: {  	vm14 =	vgt.f32 v12, $0.0e+00  }
0x377: {  	(erf) = vrcp.f32 v11;
	v8 =	vnsel vm14, $0x0, v8;
	v9 =	vmul.f32 $1.442695020e+00, v9  }
0x378: {  	vm15 =	vgt.f32 v13, $0.0e+00;
	(erf) = vpow2.f32 v8  }
0x379: {  	v18 =	vnsel vm15, $0x0, v9  }
0x37a: {  	(erf) = vpow2.f32 v18;
	_ =	sdelay $0x5  }
0x37b: {  	v8 =	vpop (erf)  }
0x37c: {  	v9 =	vpop (erf)  }
0x37d: {  	v11 =	vadd.f32 v9, v11  }
0x37e: {  	v12 =	vpop (erf)  }
0x37f: {  	v11 =	vadd.f32 v12, v11  }
0x380: {  	v19 =	vmul.f32 v10, v40  }
0x381: {  	v40 =	vmul.f32 v10, v39;
	(erf) = vrcp.f32 v11  }
0x382: {  	v41 =	vmul.f32 v10, v41;
	v13 =	vmul.f32 v10, v38  }
0x383: {  	v15 =	vmul.f32 v10, v43;
	v38 =	vmul.f32 v14, v54;
	v11 =	vadd.f32 v19, v35  }
0x384: {  	v21 =	vmul.f32 v10, v45;
	v20 =	vmul.f32 v14, v53;
	v13 =	vadd.f32 v13, v34  }
0x385: {  	v54 =	vmul.f32 v10, v44;
	v43 =	vmul.f32 v9, v63;
	v11 =	vadd.f32 v38, v11  }
0x386: {  	v10 =	vmul.f32 v10, v46;
	v13 =	vadd.f32 v20, v13;
	v20 =	vmul.f32 v9, v61  }
0x387: {  	v46 =	vmul.f32 v14, v47;
	v7 =	vmul.f32 v12, v7;
	v18 =	vadd.f32 v43, v11  }
0x388: {  	v41 =	vadd.f32 v41, v32;
	v39 =	vadd.f32 v20, v13;
	v6 =	vmul.f32 v12, v6  }
0x389: {  	v11 =	vmul.f32 v8, v11;
	v43 =	vmul.f32 v14, v48;
	v7 =	vadd.f32 v7, v18  }
0x38a: {  	v16 =	vadd.f32 v40, v33;
	v63 =	vmul.f32 v14, v51;
	v6 =	vadd.f32 v6, v39;
	v20 =	vpop (erf)  }
0x38b: {  	v45 =	vmul.f32 v9, v56;
	[tilespmem:$0x10280] =	vst v11;
	v11 =	vadd.f32 v43, v41;
	v7 =	vmul.f32 v20, v7  }
0x38c: {  	v40 =	vmul.f32 v9, v59;
	v16 =	vadd.f32 v63, v16;
	v6 =	vmul.f32 v20, v6  }
0x38d: {  	v0 =	vmul.f32 v12, v0;
	v47 =	vadd.f32 v45, v11;
	[tilespmem:$0x10300] =	vst v7;
	v7 =	vmul.f32 v8, v13  }
0x38e: {  	v51 =	vmul.f32 v14, v42;
	[tilespmem:$0x10310] =	vst v6;
	v6 =	vmul.f32 v8, v16  }
0x38f: {  	v5 =	vmul.f32 v12, v5;
	v44 =	vadd.f32 v40, v16;
	v0 =	vadd.f32 v0, v47;
	[tilespmem:$0x10290] =	vst v7  }
0x390: {  	v56 =	vmul.f32 v14, v37;
	v7 =	vadd.f32 v15, v31;
	[tilespmem:$0x102A0] =	vst v6;
	v6 =	vadd.f32 v54, v30  }
0x391: {  	v5 =	vadd.f32 v5, v44;
	v48 =	vmul.f32 v9, v55;
	v55 =	vmul.f32 v9, v52  }
0x392: {  	v0 =	vmul.f32 v20, v0;
	v7 =	vadd.f32 v46, v7;
	v6 =	vadd.f32 v51, v6  }
0x393: {  	v59 =	vmul.f32 v12, v60;
	v5 =	vmul.f32 v20, v5  }
0x394: {  	[tilespmem:$0x10330] =	vst v0;
	v53 =	vadd.f32 v48, v7;
	v0 =	vmul.f32 v8, v7;
	v7 =	vadd.f32 v55, v6  }
0x395: {  	v60 =	vmul.f32 v9, v50;
	v14 =	vmul.f32 v14, v36;
	[tilespmem:$0x10320] =	vst v5  }
0x396: {  	v5 =	vmul.f32 v8, v11;
	v7 =	vadd.f32 v59, v7;
	[tilespmem:$0x102C0] =	vst v0;
	v0 =	vadd.f32 v10, v28  }
0x397: {  	[tilespmem:$0x10200] =	vst v35;
	v9 =	vmul.f32 v9, v49;
	v6 =	vmul.f32 v8, v6  }
0x398: {  	[tilespmem:$0x102B0] =	vst v5;
	v5 =	vadd.f32 v21, v29;
	v0 =	vadd.f32 v14, v0;
	v7 =	vmul.f32 v20, v7  }
0x399: {  	[tilespmem:$0x102D0] =	vst v6  }
0x39a: {  	v5 =	vadd.f32 v56, v5;
	v6 =	vmul.f32 v12, v57;
	[tilespmem:$0x10350] =	vst v7;
	v7 =	vadd.f32 v9, v0  }
0x39b: {  	[tilespmem:$0x10210] =	vst v34  }
0x39c: {  	[tilespmem:$0x10220] =	vst v33;
	v61 =	vadd.f32 v60, v5;
	v5 =	vmul.f32 v8, v5;
	v6 =	vadd.f32 v6, v7  }
0x39d: {  	[tilespmem:$0x10230] =	vst v32  }
0x39e: {  	v54 =	vmul.f32 v12, v62;
	[tilespmem:$0x102E0] =	vst v5;
	v5 =	vmul.f32 v20, v6  }
0x39f: {  	[tilespmem:$0x10240] =	vst v31;
	v62 =	vmul.f32 v12, v58  }
0x3a0: {  	v11 =	vadd.f32 v54, v53;
	[tilespmem:$0x10370] =	vst v5;
	v5 =	vld [tilespmem:$0x1FEE0]  }
0x3a1: {  	[tilespmem:$0x10250] =	vst v30;
	v10 =	vadd.f32 v62, v61  }
0x3a2: {  	[tilespmem:$0x10260] =	vst v29;
	v11 =	vmul.f32 v20, v11;
	v6 =	vld [tilespmem:$0x1FEF0]  }
0x3a3: {  	[tilespmem:$0x10270] =	vst v28;
	v63 =	vmul.f32 v20, v10  }
0x3a4: {  	[tilespmem:$0x10340] =	vst v11;
	v0 =	vmul.f32 v8, v0  }
0x3a5: {  	[tilespmem:$0x10360] =	vst v63  }
0x3a6: {  	[tilespmem:$0x102F0] =	vst v0  }
0x3a7: {  	v0 =	vld.idx.msk [tilespmem:v22+s20+$0x0], $0xffff  }
0x3a8: {  	v5 =	vld.idx.msk [tilespmem:v5+s20+$0x0], $0xffff;
	_ =	sdelay $0x1  }
0x3a9: {  	v6 =	vld.idx.msk [tilespmem:v6+s20+$0x0], $0xffff;
	_ =	sdelay $0x2  }
0x3aa: {  	v0 =	vadd.f32 v5, v0  }
0x3ab: {  	s29 =	sshrl.u32 s28, $0x3  }
0x3ac: {  	s29 =	smul.u32 $0x3000, s29;
	v0 =	vadd.f32 v6, v0;
	_ =	sdelay $0x1  }
0x3ad: {  	s30 =	sand.u32 $0x380, s25;
	s29 =	sshra.s32 s29, $0x2;
	v0 =	vmul.f32 $3.333333430e-01, v0  }
0x3ae: {  	s29 =	sor.u32 s30, s29;
	v5 =	vld [tilespmem:$0x1FF10]  }
0x3af: {  	[tilespmem:s29+$0xAA00] =	vst v0;
	v0 =	vld [tilespmem:$0x1FF00];
	_ =	sdelay $0x1  }
0x3b0: {  	v6 =	vld [tilespmem:$0x1FF20];
	_ =	sdelay $0x4  }
0x3b1: {  	v5 =	vld.idx.msk [tilespmem:v5+s20+$0x0], $0xffff  }
0x3b2: {  	v0 =	vld.idx.msk [tilespmem:v0+s20+$0x0], $0xffff;
	_ =	sdelay $0x1  }
0x3b3: {  	v6 =	vld.idx.msk [tilespmem:v6+s20+$0x0], $0xffff;
	_ =	sdelay $0x2  }
0x3b4: {  	v0 =	vadd.f32 v5, v0;
	_ =	sdelay $0x1  }
0x3b5: {  	v0 =	vadd.f32 v6, v0;
	_ =	sdelay $0x1  }
0x3b6: {  	v0 =	vmul.f32 $3.333333430e-01, v0  }
0x3b7: {  	v5 =	vld [tilespmem:$0x1FF40]  }
0x3b8: {  	[tilespmem:s29+$0xAA10] =	vst v0;
	v0 =	vld [tilespmem:$0x1FF30];
	_ =	sdelay $0x1  }
0x3b9: {  	v6 =	vld [tilespmem:$0x1FF50];
	_ =	sdelay $0x4  }
0x3ba: {  	v5 =	vld.idx.msk [tilespmem:v5+s20+$0x0], $0xffff  }
0x3bb: {  	v0 =	vld.idx.msk [tilespmem:v0+s20+$0x0], $0xffff;
	_ =	sdelay $0x1  }
0x3bc: {  	v6 =	vld.idx.msk [tilespmem:v6+s20+$0x0], $0xffff;
	_ =	sdelay $0x2  }
0x3bd: {  	v0 =	vadd.f32 v5, v0;
	_ =	sdelay $0x1  }
0x3be: {  	v0 =	vadd.f32 v6, v0;
	_ =	sdelay $0x1  }
0x3bf: {  	v0 =	vmul.f32 $3.333333430e-01, v0  }
0x3c0: {  	v5 =	vld [tilespmem:$0x1FF70]  }
0x3c1: {  	[tilespmem:s29+$0xAA20] =	vst v0;
	v0 =	vld [tilespmem:$0x1FF60];
	_ =	sdelay $0x1  }
0x3c2: {  	v6 =	vld [tilespmem:$0x1FF80];
	_ =	sdelay $0x4  }
0x3c3: {  	v5 =	vld.idx.msk [tilespmem:v5+s20+$0x0], $0xffff  }
0x3c4: {  	v0 =	vld.idx.msk [tilespmem:v0+s20+$0x0], $0xffff;
	_ =	sdelay $0x1  }
0x3c5: {  	v6 =	vld.idx.msk [tilespmem:v6+s20+$0x0], $0xffff;
	_ =	sdelay $0x2  }
0x3c6: {  	v0 =	vadd.f32 v5, v0;
	_ =	sdelay $0x1  }
0x3c7: {  	v0 =	vadd.f32 v6, v0;
	_ =	sdelay $0x1  }
0x3c8: {  	v0 =	vmul.f32 $3.333333430e-01, v0  }
0x3c9: {  	v5 =	vld [tilespmem:$0x1FFA0]  }
0x3ca: {  	[tilespmem:s29+$0xAA30] =	vst v0;
	v0 =	vld [tilespmem:$0x1FF90];
	_ =	sdelay $0x1  }
0x3cb: {  	v6 =	vld [tilespmem:$0x1FFB0];
	_ =	sdelay $0x4  }
0x3cc: {  	v5 =	vld.idx.msk [tilespmem:v5+s20+$0x0], $0xffff  }
0x3cd: {  	v0 =	vld.idx.msk [tilespmem:v0+s20+$0x0], $0xffff;
	_ =	sdelay $0x1  }
0x3ce: {  	v6 =	vld.idx.msk [tilespmem:v6+s20+$0x0], $0xffff;
	_ =	sdelay $0x2  }
0x3cf: {  	v0 =	vadd.f32 v5, v0;
	_ =	sdelay $0x1  }
0x3d0: {  	v0 =	vadd.f32 v6, v0;
	_ =	sdelay $0x1  }
0x3d1: {  	v0 =	vmul.f32 $3.333333430e-01, v0  }
0x3d2: {  	v5 =	vld [tilespmem:$0x1FFD0]  }
0x3d3: {  	[tilespmem:s29+$0xAA40] =	vst v0;
	v0 =	vld [tilespmem:$0x1FFC0];
	_ =	sdelay $0x1  }
0x3d4: {  	v6 =	vld [tilespmem:$0x1FFE0];
	_ =	sdelay $0x4  }
0x3d5: {  	v5 =	vld.idx.msk [tilespmem:v5+s20+$0x0], $0xffff  }
0x3d6: {  	v0 =	vld.idx.msk [tilespmem:v0+s20+$0x0], $0xffff;
	_ =	sdelay $0x1  }
0x3d7: {  	v6 =	vld.idx.msk [tilespmem:v6+s20+$0x0], $0xffff;
	_ =	sdelay $0x2  }
0x3d8: {  	v0 =	vadd.f32 v5, v0;
	_ =	sdelay $0x1  }
0x3d9: {  	v0 =	vadd.f32 v6, v0;
	_ =	sdelay $0x1  }
0x3da: {  	v0 =	vmul.f32 $3.333333430e-01, v0;
	_ =	sdelay $0x1  }
0x3db: {  	[tilespmem:s29+$0xAA50] =	vst v0;
	v0 =	vld [tilespmem:$0x1FFF0];
	_ =	sdelay $0x6  }
0x3dc: {  	v5 =	vld.idx.msk [tilespmem:v23+s20+$0x0], $0xffff  }
0x3dd: {  	v0 =	vld.idx.msk [tilespmem:v0+s20+$0x0], $0xffff;
	_ =	sdelay $0x1  }
0x3de: {  	v6 =	vld.idx.msk [tilespmem:v24+s20+$0x0], $0xffff;
	_ =	sdelay $0x2  }
0x3df: {  	v0 =	vadd.f32 v5, v0;
	_ =	sdelay $0x1  }
0x3e0: {  	v0 =	vadd.f32 v6, v0;
	_ =	sdelay $0x1  }
0x3e1: {  	v0 =	vmul.f32 $3.333333430e-01, v0;
	_ =	sdelay $0x1  }
0x3e2: {  	[tilespmem:s29+$0xAA60] =	vst v0  }
0x3e3: {  	v0 =	vld.idx.msk [tilespmem:v25+s20+$0x0], $0xffff  }
0x3e4: {  	v5 =	vld.idx.msk [tilespmem:v26+s20+$0x0], $0xffff;
	_ =	sdelay $0x1  }
0x3e5: {  	v6 =	vld.idx.msk [tilespmem:v27+s20+$0x0], $0xffff;
	_ =	sdelay $0x2  }
.Ltmp15:
0x3e6: {  	v0 =	vadd.f32 v5, v0;
	(pc) =	sbr.rel .LBB2_16-.Ltmp15, $3  }
0x3e7: {  	_ = 	snop  }
0x3e8: {  	v0 =	vadd.f32 v6, v0;
	_ =	sdelay $0x1  }
0x3e9: {  	s29 =	sadd.s32 $0xAA00, s29;
	v0 =	vmul.f32 $3.333333430e-01, v0  }
.LBB2_19:
0x3ea: {  	_ =	sfence.sel $0x180000  }
0x3eb: {  	[bflag:$0x0] =	sbarrier.arrive $0xFFFF  }
0x3ec: {  	p0 =	sne.s32 s6, $0x0;
	_ =	strace $0x90000047  }
0x3ed: {  	s0 =	sadd.s32 @!p0 $0x100000, s1;
	[bflag:$0x2] =	sbarrier.arrive $0xFFFF  }
0x3ee: {  	[sflag:s0] =	ssyncadd.tile.s32 @!p0 $0x1;
	_ =	shalt  }
.Lfunc_end2:
_tile_overlayer_lowered:
.L_overlay_start_2:
0x3ef: {  	(tag) =	ssettag $0x2  }
0x3f0: {  	s0 =	rddreg [dreg:$0x0];
	s2 =	stileid.u32  }
0x3f1: {  	s1 =	rddreg [dreg:$0x1];
	p0 =	sne.s32 s2, $0x0  }
0x3f2: {  	s3 =	rddreg [dreg:$0x2];
	[bflag:$0x3] =	sbarrier.arrive $0xFFFF;
	s2 =	simm.s32 @!p0 $0x1C02  }
0x3f3: {  	[timem:s3], [sflag:s2] =	dma.local @!p0 [hbm:s0], s1  }
0x3f4: {  	s0 =	simm.s32 @!p0 $0x2  }
0x3f5: {  	_ =	swait.ge @!p0 [sflag:s0], s1  }
0x3f6: {  	s1 =	ssub.s32 @!p0 $0x0, s1;
	[sflag:s0] =	ssyncset.done @!p0 $0x0  }
0x3f7: {  	[sflag:s0] =	ssyncadd.s32 @!p0 s1  }
0x3f8: {  	[bflag:$0x3] =	sbarrier.arrive $0xFFFF  }
0x3f9: {  	_ =	shalt  }

</sc_bundles>
